<compile_context>
chip_gen: v7x
topology: tpu7x:2x2x1
jax: 0.10.2.dev20260603
libtpu: 0.0.44.dev20260713+nightly
codegen_flags: <defaults>
</compile_context>

<pallas_src>
import functools

import jax
import jax.numpy as jnp
from jax import lax
from jax.experimental import pallas as pl
from jax.experimental.pallas import tpu as pltpu
from jax.experimental.pallas import tpu_sc as plsc

NG = 1112
NPG = 9
NV = NG * NPG
NE = NV * 16
D = 256
H = 128
NC = 2
NS = 16
NP = 10240
TRASH = NV
CHUNK = 128
NCH = 40
EPAD = NC * NS * NCH * CHUNK - NE
STRIPE = NP // NS


def _mesh():
    return plsc.VectorSubcoreMesh(
        core_axis_name="c", subcore_axis_name="s", num_cores=NC, num_subcores=NS
    )


GE = NCH * CHUNK


def _deg_body(ei_hbm, cnt_hbm, idx_v, hist_v, red_v, out_v, red_sh):
    c = lax.axis_index("c")
    s = lax.axis_index("s")

    def zero(i, carry):
        hist_v[pl.ds(i * 16, 16)] = jnp.zeros((16,), jnp.float32)
        return carry

    lax.fori_loop(0, NP // 16, zero, 0)
    ones = jnp.ones((16,), jnp.float32)
    for gi in range(2):
        g = s + NS * gi
        pltpu.sync_copy(ei_hbm.at[c, g], idx_v)

        def chunk(j, carry):
            idx = idx_v[pl.ds(j * 16, 16)]
            plsc.addupdate_scatter(hist_v, [idx], ones)
            return carry

        lax.fori_loop(0, GE // 16, chunk, 0)
    pltpu.sync_copy(hist_v, red_sh.at[s])
    plsc.subcore_barrier()
    pltpu.sync_copy(red_sh.at[:, pl.ds(s * STRIPE, STRIPE)], red_v)

    def red(k, carry):
        acc = jnp.zeros((16,), jnp.float32)
        for r in range(NS):
            acc = acc + red_v[r, pl.ds(k * 16, 16)]
        out_v[pl.ds(k * 16, 16)] = acc
        return carry

    lax.fori_loop(0, STRIPE // 16, red, 0)
    pltpu.sync_copy(out_v, cnt_hbm.at[c, pl.ds(s * STRIPE, STRIPE)])


def _degrees(ei_flat):
    return pl.kernel(
        _deg_body,
        out_type=jax.ShapeDtypeStruct((NC, NP), jnp.float32),
        mesh=_mesh(),
        scratch_types=[
            pltpu.VMEM((GE,), jnp.int32),
            pltpu.VMEM((NP,), jnp.float32),
            pltpu.VMEM((NS, STRIPE), jnp.float32),
            pltpu.VMEM((STRIPE,), jnp.float32),
            pltpu.VMEM_SHARED((NS, NP), jnp.float32),
        ],
        compiler_params=pltpu.CompilerParams(needs_layout_passes=False),
    )(ei_flat)


NT = 2 * NCH


SCH = 64
NB = 4
NCHS = GE // SCH


def _spmm_body4(h_hbm, ei_hbm, z_hbm, agg_hbm, sidx, didx,
                rows_0, rows_1, rows_2, rows_3, agg_sh,
                gs0, gs1, gs2, gs3, ss0, ss1, ss2, ss3):
    c = lax.axis_index("c")
    s = lax.axis_index("s")
    rows = (rows_0, rows_1, rows_2, rows_3)
    gsems = (gs0, gs1, gs2, gs3)
    ssems = (ss0, ss1, ss2, ss3)
    pltpu.sync_copy(z_hbm, agg_sh.at[pl.ds(s * STRIPE, STRIPE)])
    plsc.subcore_barrier()

    def gather(j, k):
        pltpu.async_copy(h_hbm.at[c].at[sidx.at[pl.ds(j * SCH, SCH)]],
                         rows[k], gsems[k])

    def gwait(j, k):
        pltpu.make_async_copy(h_hbm.at[c].at[sidx.at[pl.ds(j * SCH, SCH)]],
                              rows[k], gsems[k]).wait()

    def sstart(j, k):
        pltpu.async_copy(rows[k], agg_sh.at[didx.at[pl.ds(j * SCH, SCH)]],
                         ssems[k], add=True)

    def swait(j, k):
        pltpu.make_async_copy(rows[k], agg_sh.at[didx.at[pl.ds(j * SCH, SCH)]],
                              ssems[k]).wait()

    for gi in range(2):
        g = s + NS * gi
        pltpu.sync_copy(ei_hbm.at[0, g], sidx)
        pltpu.sync_copy(ei_hbm.at[1, g], didx)
        gather(0, 0)
        gather(1, 1)
        gather(2, 2)

        def body(t, carry):
            for k in range(NB):
                j = NB * t + k
                gwait(j, k)
                sstart(j, k)
                k3 = (k + 3) % NB

                @pl.when(j + 3 < NCHS)
                def _():
                    @pl.when(j >= 1)
                    def _():
                        swait(j - 1, k3)

                    gather(j + 3, k3)

            return carry

        lax.fori_loop(0, NCHS // NB, body, 0)
        for k in range(NB):
            swait(NCHS - NB + k, k)
    plsc.subcore_barrier()
    pltpu.sync_copy(
        agg_sh.at[pl.ds(s * STRIPE, STRIPE)],
        agg_hbm.at[c, pl.ds(s * STRIPE, STRIPE)],
    )


def _spmm(h, ei):
    return pl.kernel(
        _spmm_body4,
        out_type=jax.ShapeDtypeStruct((NC, NP, H), jnp.float32),
        mesh=_mesh(),
        scratch_types=[
            pltpu.VMEM((GE,), jnp.int32),
            pltpu.VMEM((GE,), jnp.int32),
            pltpu.VMEM((SCH, H), jnp.float32),
            pltpu.VMEM((SCH, H), jnp.float32),
            pltpu.VMEM((SCH, H), jnp.float32),
            pltpu.VMEM((SCH, H), jnp.float32),
            pltpu.VMEM_SHARED((NP, H), jnp.float32),
            pltpu.SemaphoreType.DMA,
            pltpu.SemaphoreType.DMA,
            pltpu.SemaphoreType.DMA,
            pltpu.SemaphoreType.DMA,
            pltpu.SemaphoreType.DMA,
            pltpu.SemaphoreType.DMA,
            pltpu.SemaphoreType.DMA,
            pltpu.SemaphoreType.DMA,
        ],
    )(h, ei, jnp.zeros((STRIPE, H), jnp.float32))


NGP = 1280
CTRASH = NGP - 1
GSTRIPE = NGP // NS


def _spmm_first_body(h_hbm, ei_hbm, tab_hbm, z_hbm, agg_hbm, sidx_f, didx_f,
                     csrc, cdst, tab_v, rows_a, rows_b, agg_sh,
                     gsem_a, gsem_b, ssem_a, ssem_b):
    c = lax.axis_index("c")
    s = lax.axis_index("s")
    pltpu.sync_copy(z_hbm.at[pl.ds(0, GSTRIPE)],
                    agg_sh.at[pl.ds(s * GSTRIPE, GSTRIPE)])
    pltpu.sync_copy(tab_hbm, tab_v)

    def fill(i, carry):
        csrc[pl.ds(i * 16, 16)] = jnp.zeros((16,), jnp.int32)
        cdst[pl.ds(i * 16, 16)] = jnp.full((16,), CTRASH, jnp.int32)
        return carry

    lax.fori_loop(0, (2 * GE) // 16, fill, 0)

    def compact(i, o):
        s16 = sidx_f[pl.ds(i * 16, 16)]
        d16 = didx_f[pl.ds(i * 16, 16)]
        dv = plsc.load_gather(tab_v, [d16])
        mask = dv != CTRASH
        plsc.store_compressed(csrc.at[pl.ds(o, 16)], s16, mask=mask)
        plsc.store_compressed(cdst.at[pl.ds(o, 16)], dv, mask=mask)
        return o + jnp.max(plsc.all_reduce_population_count(mask))

    o = jnp.int32(0)
    for gi in range(2):
        g = s + NS * gi
        pltpu.sync_copy(ei_hbm.at[0, g], sidx_f)
        pltpu.sync_copy(ei_hbm.at[1, g], didx_f)
        o = lax.fori_loop(0, GE // 16, compact, o)
    nch = (o + CHUNK - 1) // CHUNK
    plsc.subcore_barrier()

    def chunk(j, carry):
        pltpu.sync_copy(h_hbm.at[c].at[csrc.at[pl.ds(j * CHUNK, CHUNK)]],
                        rows_a)
        pltpu.sync_copy(rows_a, agg_sh.at[cdst.at[pl.ds(j * CHUNK, CHUNK)]],
                        add=True)
        return carry

    lax.fori_loop(0, nch, chunk, 0)
    plsc.subcore_barrier()
    pltpu.sync_copy(
        agg_sh.at[pl.ds(s * GSTRIPE, GSTRIPE)],
        agg_hbm.at[c, pl.ds(s * GSTRIPE, GSTRIPE)],
    )


def _spmm_first(h, ei_flat, tab):
    return pl.kernel(
        _spmm_first_body,
        out_type=jax.ShapeDtypeStruct((NC, NGP, H), jnp.float32),
        mesh=_mesh(),
        scratch_types=[
            pltpu.VMEM((GE,), jnp.int32),
            pltpu.VMEM((GE,), jnp.int32),
            pltpu.VMEM((2 * GE,), jnp.int32),
            pltpu.VMEM((2 * GE,), jnp.int32),
            pltpu.VMEM((NP,), jnp.int32),
            pltpu.VMEM((CHUNK, H), jnp.float32),
            pltpu.VMEM((CHUNK, H), jnp.float32),
            pltpu.VMEM_SHARED((NGP, H), jnp.float32),
            pltpu.SemaphoreType.DMA,
            pltpu.SemaphoreType.DMA,
            pltpu.SemaphoreType.DMA,
            pltpu.SemaphoreType.DMA,
        ],
        compiler_params=pltpu.CompilerParams(needs_layout_passes=False),
    )(h, ei_flat, tab, jnp.zeros((GSTRIPE, H), jnp.float32))


RB = 512


def _prep_body(x_ref, co_ref, ci_ref, h_ref, sin_ref, sout_ref):
    so = lax.rsqrt(jnp.maximum(co_ref[...], 1.0))
    si = lax.rsqrt(jnp.maximum(ci_ref[...], 1.0))
    sin_ref[...] = si
    sout_ref[...] = so
    xs = x_ref[...] * so
    h_ref[0] = xs[:, :H]
    h_ref[1] = xs[:, H:]


def _prep(x, cnt_out, cnt_in):
    return pl.pallas_call(
        _prep_body,
        grid=(NP // RB,),
        in_specs=[
            pl.BlockSpec((RB, D), lambda i: (i, 0)),
            pl.BlockSpec((RB, 1), lambda i: (i, 0)),
            pl.BlockSpec((RB, 1), lambda i: (i, 0)),
        ],
        out_specs=[
            pl.BlockSpec((NC, RB, H), lambda i: (0, i, 0)),
            pl.BlockSpec((RB, 1), lambda i: (i, 0)),
            pl.BlockSpec((RB, 1), lambda i: (i, 0)),
        ],
        out_shape=[
            jax.ShapeDtypeStruct((NC, NP, H), jnp.float32),
            jax.ShapeDtypeStruct((NP, 1), jnp.float32),
            jax.ShapeDtypeStruct((NP, 1), jnp.float32),
        ],
    )(x, cnt_out, cnt_in)


def _layer_body(a_ref, sin_ref, sout_ref, w_ref, b_ref, g_ref, be_ref, h_ref):
    a = jnp.concatenate([a_ref[0], a_ref[1]], axis=1) * sin_ref[...]
    z = jnp.dot(a, w_ref[...], preferred_element_type=jnp.float32) + b_ref[...]
    mu = jnp.mean(z, axis=-1, keepdims=True)
    var = jnp.mean((z - mu) ** 2, axis=-1, keepdims=True)
    f = (z - mu) / jnp.sqrt(var + 1e-5) * g_ref[...] + be_ref[...]
    f = jnp.maximum(f, 0.0) * sout_ref[...]
    h_ref[0] = f[:, :H]
    h_ref[1] = f[:, H:]


def _layer(agg, sin, sout, w, b, g, be):
    return pl.pallas_call(
        _layer_body,
        grid=(NP // RB,),
        in_specs=[
            pl.BlockSpec((NC, RB, H), lambda i: (0, i, 0)),
            pl.BlockSpec((RB, 1), lambda i: (i, 0)),
            pl.BlockSpec((RB, 1), lambda i: (i, 0)),
            pl.BlockSpec((D, D), lambda i: (0, 0)),
            pl.BlockSpec((1, D), lambda i: (0, 0)),
            pl.BlockSpec((1, D), lambda i: (0, 0)),
            pl.BlockSpec((1, D), lambda i: (0, 0)),
        ],
        out_specs=pl.BlockSpec((NC, RB, H), lambda i: (0, i, 0)),
        out_shape=jax.ShapeDtypeStruct((NC, NP, H), jnp.float32),
    )(agg, sin, sout, w, b.reshape(1, D), g.reshape(1, D), be.reshape(1, D))


FB = 256


def _final_body(a_ref, sin_ref, w_ref, b_ref, g_ref, be_ref, wp_ref, bp_ref, y_ref):
    a = jnp.concatenate([a_ref[0], a_ref[1]], axis=1) * sin_ref[...]
    z = jnp.dot(a, w_ref[...], preferred_element_type=jnp.float32) + b_ref[...]
    mu = jnp.mean(z, axis=-1, keepdims=True)
    var = jnp.mean((z - mu) ** 2, axis=-1, keepdims=True)
    f = (z - mu) / jnp.sqrt(var + 1e-5) * g_ref[...] + be_ref[...]
    f = jnp.maximum(f, 0.0)
    y_ref[...] = (
        jnp.dot(f, wp_ref[...], preferred_element_type=jnp.float32) + bp_ref[...]
    )


def _final(sel, sin_sel, w, b, g, be, wp_pad, bp):
    return pl.pallas_call(
        _final_body,
        grid=(NGP // FB,),
        in_specs=[
            pl.BlockSpec((NC, FB, H), lambda i: (0, i, 0)),
            pl.BlockSpec((FB, 1), lambda i: (i, 0)),
            pl.BlockSpec((D, D), lambda i: (0, 0)),
            pl.BlockSpec((1, D), lambda i: (0, 0)),
            pl.BlockSpec((1, D), lambda i: (0, 0)),
            pl.BlockSpec((1, D), lambda i: (0, 0)),
            pl.BlockSpec((D, H), lambda i: (0, 0)),
            pl.BlockSpec((1, 1), lambda i: (0, 0)),
        ],
        out_specs=pl.BlockSpec((FB, H), lambda i: (i, 0)),
        out_shape=jax.ShapeDtypeStruct((NGP, H), jnp.float32),
    )(sel, sin_sel, w, b.reshape(1, D), g.reshape(1, D), be.reshape(1, D),
      wp_pad, bp.reshape(1, 1))


def kernel(features, edge_index, W0, b0, g0, be0, W1, b1, g1, be1,
           W2, b2, g2, be2, Wp, bp):
    src = edge_index[0]
    dst = edge_index[1]
    fill = jnp.full((EPAD,), TRASH, jnp.int32)
    srcp = jnp.concatenate([src, fill]).reshape(NC * NS, NCH, CHUNK)
    dstp = jnp.concatenate([dst, fill]).reshape(NC * NS, NCH, CHUNK)
    ei = jnp.stack([srcp, dstp])

    x = features.reshape(NV, D)
    x = jnp.pad(x, ((0, NP - NV), (0, 0)))

    ei_f = ei.reshape(2, NC * NS, GE)
    counts = _degrees(ei_f)
    cnt_out = counts[0][:, None]
    cnt_in = counts[1][:, None]

    h, sin, sout = _prep(x, cnt_out, cnt_in)

    Ws = [W0, W1, W2]
    bs = [b0, b1, b2]
    gs = [g0, g1, g2]
    bes = [be0, be1, be2]
    for i in range(2):
        agg = _spmm(h, ei_f)
        h = _layer(agg, sin, sout, Ws[i], bs[i], gs[i], bes[i])

    vi = jnp.arange(NP, dtype=jnp.int32)
    tab = jnp.where((vi % NPG == 0) & (vi < NV), vi // NPG, CTRASH)
    tab = tab.astype(jnp.int32)
    sel = _spmm_first(h, ei_f, tab)
    sin_sel = sin[:NV].reshape(NG, NPG)[:, 0:1]
    sin_sel = jnp.pad(sin_sel, ((0, NGP - NG), (0, 0)))

    wp_pad = jnp.pad(Wp, ((0, 0), (0, H - 1)))
    y = _final(sel, sin_sel, W2, b2, g2, be2, wp_pad, bp)
    return y[:NG, 0:1]

# --- scband reference (transcript-rebuilt; emitter-appended) ---
"""Pipeline reference for scband-gat-8615704395861 (READ-ONLY COPY).

The authoritative reference and input builder live on the scoring server;
editing this copy changes nothing except your own understanding.
"""

import jax, jax.numpy as jnp
import numpy as np

N_GRAPHS = 1112
NODES_PER_GRAPH = 9
N_NODES = N_GRAPHS * NODES_PER_GRAPH  # 10008
N_EDGES = N_NODES * 16  # 160128
D_IN = 256
D_MODEL = 256
ORDER = 3


def setup_inputs(seed: int = 0):
    key = jax.random.key(seed)
    ks = jax.random.split(key, 2 + 4 * ORDER + 2)
    inp = {}
    inp['features'] = jax.random.normal(ks[0], (N_GRAPHS, NODES_PER_GRAPH * D_IN), dtype=jnp.float32)
    inp['edge_index'] = jax.random.randint(ks[1], (2, N_EDGES), 0, N_NODES, dtype=jnp.int32)
    kidx = 2
    for i in range(ORDER):
        in_dim = D_IN if i == 0 else D_MODEL
        scale = (2.0 / (in_dim + D_MODEL)) ** 0.5
        inp['W%d' % i] = jax.random.normal(ks[kidx], (in_dim, D_MODEL), dtype=jnp.float32) * scale
        inp['b%d' % i] = jnp.zeros((D_MODEL,), dtype=jnp.float32)
        inp['g%d' % i] = jnp.ones((D_MODEL,), dtype=jnp.float32)
        inp['be%d' % i] = jnp.zeros((D_MODEL,), dtype=jnp.float32)
        kidx += 1
    inp['Wp'] = jax.random.normal(ks[kidx], (D_MODEL, 1), dtype=jnp.float32) * (2.0 / (D_MODEL + 1)) ** 0.5
    inp['bp'] = jnp.zeros((1,), dtype=jnp.float32)
    return inp


def _graph_conv(x, src, dst, W, b):
    # DGL GraphConv with norm='both': D_out^{-1/2} A D_in^{-1/2} X W + b
    ones = jnp.ones((src.shape[0],), dtype=x.dtype)
    deg_out = jnp.clip(jax.ops.segment_sum(ones, src, num_segments=N_NODES), 1.0)
    deg_in = jnp.clip(jax.ops.segment_sum(ones, dst, num_segments=N_NODES), 1.0)
    h = x * (deg_out ** -0.5)[:, None]
    agg = jax.ops.segment_sum(h[src], dst, num_segments=N_NODES)
    rst = agg * (deg_in ** -0.5)[:, None]
    return rst @ W + b


def _layer_norm(x, g, b, eps=1e-5):
    mu = jnp.mean(x, axis=-1, keepdims=True)
    var = jnp.var(x, axis=-1, keepdims=True)
    return (x - mu) / jnp.sqrt(var + eps) * g + b


def reference(features, edge_index, W0, b0, g0, be0, W1, b1, g1, be1, W2, b2, g2, be2, Wp, bp):
    src = edge_index[0]
    dst = edge_index[1]
    feats = features.reshape(features.shape[0] * NODES_PER_GRAPH, -1)
    Ws = [W0, W1, W2]
    bs = [b0, b1, b2]
    gs = [g0, g1, g2]
    bes = [be0, be1, be2]
    for i in range(ORDER):
        feats = _graph_conv(feats, src, dst, Ws[i], bs[i])
        feats = _layer_norm(feats, gs[i], bes[i])
        feats = jax.nn.relu(feats)
        # dropout is identity in eval mode
    first_nodes_idx = jnp.arange(N_GRAPHS, dtype=jnp.int32) * NODES_PER_GRAPH
    first_node_features = feats[first_nodes_idx]
    y = first_node_features @ Wp + bp
    return y

if __name__ == "__main__":
    import jax
    _d = setup_inputs()
    print(jax.jit(kernel)(*tuple(_d.values())))

</pallas_src>

<mosaic_0001>
#map = affine_map<(d0, d1) -> (0, 0, 0)>
#map1 = affine_map<(d0, d1) -> (0, 0)>
module attributes {stable_mosaic.version = 14 : i64} {
  func.func @_spmm_body4(%arg0: i32, %arg1: i32, %arg2: memref<2x10240x128xf32, #tpu.memory_space<hbm>>, %arg3: memref<2x32x5120xi32, #tpu.memory_space<hbm>>, %arg4: memref<640x128xf32, #tpu.memory_space<hbm>>, %arg5: memref<2x10240x128xf32, #tpu.memory_space<hbm>>, %arg6: memref<5120xi32, #tpu.memory_space<vmem>>, %arg7: memref<5120xi32, #tpu.memory_space<vmem>>, %arg8: memref<64x128xf32, #tpu.memory_space<vmem>>, %arg9: memref<64x128xf32, #tpu.memory_space<vmem>>, %arg10: memref<64x128xf32, #tpu.memory_space<vmem>>, %arg11: memref<64x128xf32, #tpu.memory_space<vmem>>, %arg12: memref<10240x128xf32, #tpu.memory_space<vmem_shared>>, %arg13: memref<!tpu.dma_semaphore, #tpu.memory_space<semaphore_mem>>, %arg14: memref<!tpu.dma_semaphore, #tpu.memory_space<semaphore_mem>>, %arg15: memref<!tpu.dma_semaphore, #tpu.memory_space<semaphore_mem>>, %arg16: memref<!tpu.dma_semaphore, #tpu.memory_space<semaphore_mem>>, %arg17: memref<!tpu.dma_semaphore, #tpu.memory_space<semaphore_mem>>, %arg18: memref<!tpu.dma_semaphore, #tpu.memory_space<semaphore_mem>>, %arg19: memref<!tpu.dma_semaphore, #tpu.memory_space<semaphore_mem>>, %arg20: memref<!tpu.dma_semaphore, #tpu.memory_space<semaphore_mem>>) attributes {dimension_semantics = [#tpu.dimension_semantics<core_parallel>, #tpu.dimension_semantics<subcore_parallel>], iteration_bounds = array<i64: 2, 16>, scalar_prefetch = 0 : i64, scratch_operands = 15 : i64, tpu.core_type = #tpu.core_type<sc_vector_subcore>, window_params = [{transform_indices = #map}, {transform_indices = #map}, {transform_indices = #map1}, {transform_indices = #map}]} {
    %mul3A = arith.constant 640 : i32
    %mul3A_0 = arith.muli %arg1, %mul3A : i32
    "tpu.region"() ({
      %run_scoped3A_115 = tpu.sem_alloc : memref<!tpu.dma_semaphore, #tpu.memory_space<semaphore_mem>>
      %dma_start3A_116 = arith.constant 0 : i32
      %dma_start3A_117 = tpu.memref_slice %arg12[%mul3A_0, %dma_start3A_116] : memref<10240x128xf32, #tpu.memory_space<vmem_shared>> -> memref<640x128xf32, #tpu.memory_space<vmem_shared>>
      tpu.enqueue_dma source(%arg4 : memref<640x128xf32, #tpu.memory_space<hbm>>) target(%dma_start3A_117 : memref<640x128xf32, #tpu.memory_space<vmem_shared>>) target_semaphore(%run_scoped3A_115 : memref<!tpu.dma_semaphore, #tpu.memory_space<semaphore_mem>>)
      %dma_wait3A_118 = arith.constant 0 : i32
      %dma_wait3A_119 = tpu.memref_slice %arg12[%mul3A_0, %dma_wait3A_118] : memref<10240x128xf32, #tpu.memory_space<vmem_shared>> -> memref<640x128xf32, #tpu.memory_space<vmem_shared>>
      tpu.wait_dma2 semaphore(%run_scoped3A_115 : memref<!tpu.dma_semaphore, #tpu.memory_space<semaphore_mem>>) src(%arg4 : memref<640x128xf32, #tpu.memory_space<hbm>>) dst(%dma_wait3A_119 : memref<640x128xf32, #tpu.memory_space<vmem_shared>>)
      tpu.yield
    }) : () -> ()
    %barrier3A = arith.constant 0 : index
    tpu.barrier barrier_id(%barrier3A)
    %add3A = arith.constant 0 : i32
    %add3A_1 = arith.addi %arg1, %add3A : i32
    %run_scoped3A = arith.constant 0 : i32
    "tpu.region"() ({
      %run_scoped3A_115 = tpu.sem_alloc : memref<!tpu.dma_semaphore, #tpu.memory_space<semaphore_mem>>
      %dma_start3A_116 = arith.constant 0 : i32
      %dma_start3A_117 = tpu.memref_slice %arg3[%run_scoped3A, %add3A_1, %dma_start3A_116] : memref<2x32x5120xi32, #tpu.memory_space<hbm>> -> memref<1x1x5120xi32, #tpu.memory_space<hbm>>
      %dma_start3A_118 = tpu.memref_squeeze %dma_start3A_117 : memref<1x1x5120xi32, #tpu.memory_space<hbm>> -> memref<5120xi32, #tpu.memory_space<hbm>>
      %dma_start3A_119 = arith.constant 0 : i32
      %dma_start3A_120 = tpu.memref_slice %arg3[%run_scoped3A, %add3A_1, %dma_start3A_119] : memref<2x32x5120xi32, #tpu.memory_space<hbm>> -> memref<1x1x5120xi32, #tpu.memory_space<hbm>>
      %dma_start3A_121 = tpu.memref_squeeze %dma_start3A_120 : memref<1x1x5120xi32, #tpu.memory_space<hbm>> -> memref<5120xi32, #tpu.memory_space<hbm>>
      tpu.enqueue_dma source(%dma_start3A_121 : memref<5120xi32, #tpu.memory_space<hbm>>) target(%arg6 : memref<5120xi32, #tpu.memory_space<vmem>>) target_semaphore(%run_scoped3A_115 : memref<!tpu.dma_semaphore, #tpu.memory_space<semaphore_mem>>)
      %dma_wait3A_122 = arith.constant 0 : i32
      %dma_wait3A_123 = tpu.memref_slice %arg3[%run_scoped3A, %add3A_1, %dma_wait3A_122] : memref<2x32x5120xi32, #tpu.memory_space<hbm>> -> memref<1x1x5120xi32, #tpu.memory_space<hbm>>
      %dma_wait3A_124 = tpu.memref_squeeze %dma_wait3A_123 : memref<1x1x5120xi32, #tpu.memory_space<hbm>> -> memref<5120xi32, #tpu.memory_space<hbm>>
      %dma_wait3A_125 = arith.constant 0 : i32
      %dma_wait3A_126 = tpu.memref_slice %arg3[%run_scoped3A, %add3A_1, %dma_wait3A_125] : memref<2x32x5120xi32, #tpu.memory_space<hbm>> -> memref<1x1x5120xi32, #tpu.memory_space<hbm>>
      %dma_wait3A_127 = tpu.memref_squeeze %dma_wait3A_126 : memref<1x1x5120xi32, #tpu.memory_space<hbm>> -> memref<5120xi32, #tpu.memory_space<hbm>>
      tpu.wait_dma2 semaphore(%run_scoped3A_115 : memref<!tpu.dma_semaphore, #tpu.memory_space<semaphore_mem>>) src(%dma_wait3A_127 : memref<5120xi32, #tpu.memory_space<hbm>>) dst(%arg6 : memref<5120xi32, #tpu.memory_space<vmem>>)
      tpu.yield
    }) : () -> ()
    %run_scoped3A_2 = arith.constant 1 : i32
    "tpu.region"() ({
      %run_scoped3A_115 = tpu.sem_alloc : memref<!tpu.dma_semaphore, #tpu.memory_space<semaphore_mem>>
      %dma_start3A_116 = arith.constant 0 : i32
      %dma_start3A_117 = tpu.memref_slice %arg3[%run_scoped3A_2, %add3A_1, %dma_start3A_116] : memref<2x32x5120xi32, #tpu.memory_space<hbm>> -> memref<1x1x5120xi32, #tpu.memory_space<hbm>>
      %dma_start3A_118 = tpu.memref_squeeze %dma_start3A_117 : memref<1x1x5120xi32, #tpu.memory_space<hbm>> -> memref<5120xi32, #tpu.memory_space<hbm>>
      %dma_start3A_119 = arith.constant 0 : i32
      %dma_start3A_120 = tpu.memref_slice %arg3[%run_scoped3A_2, %add3A_1, %dma_start3A_119] : memref<2x32x5120xi32, #tpu.memory_space<hbm>> -> memref<1x1x5120xi32, #tpu.memory_space<hbm>>
      %dma_start3A_121 = tpu.memref_squeeze %dma_start3A_120 : memref<1x1x5120xi32, #tpu.memory_space<hbm>> -> memref<5120xi32, #tpu.memory_space<hbm>>
      tpu.enqueue_dma source(%dma_start3A_121 : memref<5120xi32, #tpu.memory_space<hbm>>) target(%arg7 : memref<5120xi32, #tpu.memory_space<vmem>>) target_semaphore(%run_scoped3A_115 : memref<!tpu.dma_semaphore, #tpu.memory_space<semaphore_mem>>)
      %dma_wait3A_122 = arith.constant 0 : i32
      %dma_wait3A_123 = tpu.memref_slice %arg3[%run_scoped3A_2, %add3A_1, %dma_wait3A_122] : memref<2x32x5120xi32, #tpu.memory_space<hbm>> -> memref<1x1x5120xi32, #tpu.memory_space<hbm>>
      %dma_wait3A_124 = tpu.memref_squeeze %dma_wait3A_123 : memref<1x1x5120xi32, #tpu.memory_space<hbm>> -> memref<5120xi32, #tpu.memory_space<hbm>>
      %dma_wait3A_125 = arith.constant 0 : i32
      %dma_wait3A_126 = tpu.memref_slice %arg3[%run_scoped3A_2, %add3A_1, %dma_wait3A_125] : memref<2x32x5120xi32, #tpu.memory_space<hbm>> -> memref<1x1x5120xi32, #tpu.memory_space<hbm>>
      %dma_wait3A_127 = tpu.memref_squeeze %dma_wait3A_126 : memref<1x1x5120xi32, #tpu.memory_space<hbm>> -> memref<5120xi32, #tpu.memory_space<hbm>>
      tpu.wait_dma2 semaphore(%run_scoped3A_115 : memref<!tpu.dma_semaphore, #tpu.memory_space<semaphore_mem>>) src(%dma_wait3A_127 : memref<5120xi32, #tpu.memory_space<hbm>>) dst(%arg7 : memref<5120xi32, #tpu.memory_space<vmem>>)
      tpu.yield
    }) : () -> ()
    %dma_start3A = arith.constant 0 : i32
    %dma_start3A_3 = tpu.memref_slice %arg6[%dma_start3A] : memref<5120xi32, #tpu.memory_space<vmem>> -> memref<64xi32, #tpu.memory_space<vmem>>
    %dma_start3A_4 = arith.constant 0 : i32
    %dma_start3A_5 = arith.constant 0 : i32
    %dma_start3A_6 = tpu.memref_slice %arg2[%arg0, %dma_start3A_4, %dma_start3A_5] : memref<2x10240x128xf32, #tpu.memory_space<hbm>> -> memref<1x10240x128xf32, #tpu.memory_space<hbm>>
    %dma_start3A_7 = tpu.memref_squeeze %dma_start3A_6 : memref<1x10240x128xf32, #tpu.memory_space<hbm>> -> memref<10240x128xf32, #tpu.memory_space<hbm>>
    %dma_start3A_8 = arith.constant 0 : i32
    %dma_start3A_9 = arith.constant 0 : i32
    %dma_start3A_10 = tpu.memref_slice %dma_start3A_7[%dma_start3A_8, %dma_start3A_9] : memref<10240x128xf32, #tpu.memory_space<hbm>> -> memref<10240x128xf32, #tpu.memory_space<hbm>>
    tpu.enqueue_indirect_dma source(%dma_start3A_10 : memref<10240x128xf32, #tpu.memory_space<hbm>>) target(%arg8 : memref<64x128xf32, #tpu.memory_space<vmem>>) offsets(%dma_start3A_3 : memref<64xi32, #tpu.memory_space<vmem>>) semaphore(%arg13 : memref<!tpu.dma_semaphore, #tpu.memory_space<semaphore_mem>>)
    %dma_start3A_11 = arith.constant 64 : i32
    %dma_start3A_12 = tpu.memref_slice %arg6[%dma_start3A_11] : memref<5120xi32, #tpu.memory_space<vmem>> -> memref<64xi32, #tpu.memory_space<vmem>>
    %dma_start3A_13 = arith.constant 0 : i32
    %dma_start3A_14 = arith.constant 0 : i32
    %dma_start3A_15 = tpu.memref_slice %arg2[%arg0, %dma_start3A_13, %dma_start3A_14] : memref<2x10240x128xf32, #tpu.memory_space<hbm>> -> memref<1x10240x128xf32, #tpu.memory_space<hbm>>
    %dma_start3A_16 = tpu.memref_squeeze %dma_start3A_15 : memref<1x10240x128xf32, #tpu.memory_space<hbm>> -> memref<10240x128xf32, #tpu.memory_space<hbm>>
    %dma_start3A_17 = arith.constant 0 : i32
    %dma_start3A_18 = arith.constant 0 : i32
    %dma_start3A_19 = tpu.memref_slice %dma_start3A_16[%dma_start3A_17, %dma_start3A_18] : memref<10240x128xf32, #tpu.memory_space<hbm>> -> memref<10240x128xf32, #tpu.memory_space<hbm>>
    tpu.enqueue_indirect_dma source(%dma_start3A_19 : memref<10240x128xf32, #tpu.memory_space<hbm>>) target(%arg9 : memref<64x128xf32, #tpu.memory_space<vmem>>) offsets(%dma_start3A_12 : memref<64xi32, #tpu.memory_space<vmem>>) semaphore(%arg14 : memref<!tpu.dma_semaphore, #tpu.memory_space<semaphore_mem>>)
    %dma_start3A_20 = arith.constant 128 : i32
    %dma_start3A_21 = tpu.memref_slice %arg6[%dma_start3A_20] : memref<5120xi32, #tpu.memory_space<vmem>> -> memref<64xi32, #tpu.memory_space<vmem>>
    %dma_start3A_22 = arith.constant 0 : i32
    %dma_start3A_23 = arith.constant 0 : i32
    %dma_start3A_24 = tpu.memref_slice %arg2[%arg0, %dma_start3A_22, %dma_start3A_23] : memref<2x10240x128xf32, #tpu.memory_space<hbm>> -> memref<1x10240x128xf32, #tpu.memory_space<hbm>>
    %dma_start3A_25 = tpu.memref_squeeze %dma_start3A_24 : memref<1x10240x128xf32, #tpu.memory_space<hbm>> -> memref<10240x128xf32, #tpu.memory_space<hbm>>
    %dma_start3A_26 = arith.constant 0 : i32
    %dma_start3A_27 = arith.constant 0 : i32
    %dma_start3A_28 = tpu.memref_slice %dma_start3A_25[%dma_start3A_26, %dma_start3A_27] : memref<10240x128xf32, #tpu.memory_space<hbm>> -> memref<10240x128xf32, #tpu.memory_space<hbm>>
    tpu.enqueue_indirect_dma source(%dma_start3A_28 : memref<10240x128xf32, #tpu.memory_space<hbm>>) target(%arg10 : memref<64x128xf32, #tpu.memory_space<vmem>>) offsets(%dma_start3A_21 : memref<64xi32, #tpu.memory_space<vmem>>) semaphore(%arg15 : memref<!tpu.dma_semaphore, #tpu.memory_space<semaphore_mem>>)
    %scan3A = arith.constant 0 : i32
    %scan3A_29 = arith.constant 0 : i32
    %scan3A_30 = arith.constant 20 : i32
    %scan3A_31 = arith.addi %scan3A_29, %scan3A_30 : i32
    %scan3A_32 = arith.constant 1 : i32
    scf.for %scan3A_115 = %scan3A_29 to %scan3A_31 step %scan3A_32  : i32 {
      %mul3A_116 = arith.constant 4 : i32
      %mul3A_117 = arith.muli %mul3A_116, %scan3A_115 : i32
      %add3A_118 = arith.constant 0 : i32
      %add3A_119 = arith.addi %mul3A_117, %add3A_118 : i32
      %mul3A_120 = arith.constant 64 : i32
      %mul3A_121 = arith.muli %add3A_119, %mul3A_120 : i32
      %dma_wait3A_122 = tpu.memref_slice %arg6[%mul3A_121] : memref<5120xi32, #tpu.memory_space<vmem>> -> memref<64xi32, #tpu.memory_space<vmem>>
      %dma_wait3A_123 = arith.constant 0 : i32
      %dma_wait3A_124 = arith.constant 0 : i32
      %dma_wait3A_125 = tpu.memref_slice %arg2[%arg0, %dma_wait3A_123, %dma_wait3A_124] : memref<2x10240x128xf32, #tpu.memory_space<hbm>> -> memref<1x10240x128xf32, #tpu.memory_space<hbm>>
      %dma_wait3A_126 = tpu.memref_squeeze %dma_wait3A_125 : memref<1x10240x128xf32, #tpu.memory_space<hbm>> -> memref<10240x128xf32, #tpu.memory_space<hbm>>
      %dma_wait3A_127 = arith.constant 0 : i32
      %dma_wait3A_128 = arith.constant 0 : i32
      %dma_wait3A_129 = tpu.memref_slice %dma_wait3A_126[%dma_wait3A_127, %dma_wait3A_128] : memref<10240x128xf32, #tpu.memory_space<hbm>> -> memref<10240x128xf32, #tpu.memory_space<hbm>>
      tpu.wait_indirect_dma semaphore(%arg13 : memref<!tpu.dma_semaphore, #tpu.memory_space<semaphore_mem>>) src(%dma_wait3A_129 : memref<10240x128xf32, #tpu.memory_space<hbm>>) dst(%arg8 : memref<64x128xf32, #tpu.memory_space<vmem>>)
      %mul3A_130 = arith.constant 64 : i32
      %mul3A_131 = arith.muli %add3A_119, %mul3A_130 : i32
      %dma_start3A_132 = tpu.memref_slice %arg7[%mul3A_131] : memref<5120xi32, #tpu.memory_space<vmem>> -> memref<64xi32, #tpu.memory_space<vmem>>
      %dma_start3A_133 = arith.constant 0 : i32
      %dma_start3A_134 = arith.constant 0 : i32
      %dma_start3A_135 = tpu.memref_slice %arg12[%dma_start3A_133, %dma_start3A_134] : memref<10240x128xf32, #tpu.memory_space<vmem_shared>> -> memref<10240x128xf32, #tpu.memory_space<vmem_shared>>
      tpu.enqueue_indirect_dma source(%arg8 : memref<64x128xf32, #tpu.memory_space<vmem>>) target(%dma_start3A_135 : memref<10240x128xf32, #tpu.memory_space<vmem_shared>>) offsets(%dma_start3A_132 : memref<64xi32, #tpu.memory_space<vmem>>) semaphore(%arg17 : memref<!tpu.dma_semaphore, #tpu.memory_space<semaphore_mem>>) {add = true}
      %add3A_136 = arith.constant 3 : i32
      %add3A_137 = arith.addi %add3A_119, %add3A_136 : i32
      %lt3A = arith.constant 80 : i32
      %lt3A_138 = arith.cmpi slt, %add3A_137, %lt3A : i32
      %convert_element_type3A = arith.extui %lt3A_138 : i1 to i32
      %cond3A = arith.constant 0 : i32
      %cond3A_139 = arith.cmpi ne, %convert_element_type3A, %cond3A : i32
      scf.if %cond3A_139 {
        %ge3A = arith.constant 1 : i32
        %ge3A_221 = arith.cmpi sge, %add3A_119, %ge3A : i32
        %convert_element_type3A_222 = arith.extui %ge3A_221 : i1 to i32
        %cond3A_223 = arith.constant 0 : i32
        %cond3A_224 = arith.cmpi ne, %convert_element_type3A_222, %cond3A_223 : i32
        scf.if %cond3A_224 {
          %sub3A = arith.constant 1 : i32
          %sub3A_237 = arith.subi %add3A_119, %sub3A : i32
          %mul3A_238 = arith.constant 64 : i32
          %mul3A_239 = arith.muli %sub3A_237, %mul3A_238 : i32
          %dma_wait3A_240 = tpu.memref_slice %arg7[%mul3A_239] : memref<5120xi32, #tpu.memory_space<vmem>> -> memref<64xi32, #tpu.memory_space<vmem>>
          %dma_wait3A_241 = arith.constant 0 : i32
          %dma_wait3A_242 = arith.constant 0 : i32
          %dma_wait3A_243 = tpu.memref_slice %arg12[%dma_wait3A_241, %dma_wait3A_242] : memref<10240x128xf32, #tpu.memory_space<vmem_shared>> -> memref<10240x128xf32, #tpu.memory_space<vmem_shared>>
          tpu.wait_indirect_dma semaphore(%arg20 : memref<!tpu.dma_semaphore, #tpu.memory_space<semaphore_mem>>) src(%arg11 : memref<64x128xf32, #tpu.memory_space<vmem>>) dst(%dma_wait3A_243 : memref<10240x128xf32, #tpu.memory_space<vmem_shared>>)
        } else {
        }
        %add3A_225 = arith.constant 3 : i32
        %add3A_226 = arith.addi %add3A_119, %add3A_225 : i32
        %mul3A_227 = arith.constant 64 : i32
        %mul3A_228 = arith.muli %add3A_226, %mul3A_227 : i32
        %dma_start3A_229 = tpu.memref_slice %arg6[%mul3A_228] : memref<5120xi32, #tpu.memory_space<vmem>> -> memref<64xi32, #tpu.memory_space<vmem>>
        %dma_start3A_230 = arith.constant 0 : i32
        %dma_start3A_231 = arith.constant 0 : i32
        %dma_start3A_232 = tpu.memref_slice %arg2[%arg0, %dma_start3A_230, %dma_start3A_231] : memref<2x10240x128xf32, #tpu.memory_space<hbm>> -> memref<1x10240x128xf32, #tpu.memory_space<hbm>>
        %dma_start3A_233 = tpu.memref_squeeze %dma_start3A_232 : memref<1x10240x128xf32, #tpu.memory_space<hbm>> -> memref<10240x128xf32, #tpu.memory_space<hbm>>
        %dma_start3A_234 = arith.constant 0 : i32
        %dma_start3A_235 = arith.constant 0 : i32
        %dma_start3A_236 = tpu.memref_slice %dma_start3A_233[%dma_start3A_234, %dma_start3A_235] : memref<10240x128xf32, #tpu.memory_space<hbm>> -> memref<10240x128xf32, #tpu.memory_space<hbm>>
        tpu.enqueue_indirect_dma source(%dma_start3A_236 : memref<10240x128xf32, #tpu.memory_space<hbm>>) target(%arg11 : memref<64x128xf32, #tpu.memory_space<vmem>>) offsets(%dma_start3A_229 : memref<64xi32, #tpu.memory_space<vmem>>) semaphore(%arg16 : memref<!tpu.dma_semaphore, #tpu.memory_space<semaphore_mem>>)
      } else {
      }
      %mul3A_140 = arith.constant 4 : i32
      %mul3A_141 = arith.muli %mul3A_140, %scan3A_115 : i32
      %add3A_142 = arith.constant 1 : i32
      %add3A_143 = arith.addi %mul3A_141, %add3A_142 : i32
      %mul3A_144 = arith.constant 64 : i32
      %mul3A_145 = arith.muli %add3A_143, %mul3A_144 : i32
      %dma_wait3A_146 = tpu.memref_slice %arg6[%mul3A_145] : memref<5120xi32, #tpu.memory_space<vmem>> -> memref<64xi32, #tpu.memory_space<vmem>>
      %dma_wait3A_147 = arith.constant 0 : i32
      %dma_wait3A_148 = arith.constant 0 : i32
      %dma_wait3A_149 = tpu.memref_slice %arg2[%arg0, %dma_wait3A_147, %dma_wait3A_148] : memref<2x10240x128xf32, #tpu.memory_space<hbm>> -> memref<1x10240x128xf32, #tpu.memory_space<hbm>>
      %dma_wait3A_150 = tpu.memref_squeeze %dma_wait3A_149 : memref<1x10240x128xf32, #tpu.memory_space<hbm>> -> memref<10240x128xf32, #tpu.memory_space<hbm>>
      %dma_wait3A_151 = arith.constant 0 : i32
      %dma_wait3A_152 = arith.constant 0 : i32
      %dma_wait3A_153 = tpu.memref_slice %dma_wait3A_150[%dma_wait3A_151, %dma_wait3A_152] : memref<10240x128xf32, #tpu.memory_space<hbm>> -> memref<10240x128xf32, #tpu.memory_space<hbm>>
      tpu.wait_indirect_dma semaphore(%arg14 : memref<!tpu.dma_semaphore, #tpu.memory_space<semaphore_mem>>) src(%dma_wait3A_153 : memref<10240x128xf32, #tpu.memory_space<hbm>>) dst(%arg9 : memref<64x128xf32, #tpu.memory_space<vmem>>)
      %mul3A_154 = arith.constant 64 : i32
      %mul3A_155 = arith.muli %add3A_143, %mul3A_154 : i32
      %dma_start3A_156 = tpu.memref_slice %arg7[%mul3A_155] : memref<5120xi32, #tpu.memory_space<vmem>> -> memref<64xi32, #tpu.memory_space<vmem>>
      %dma_start3A_157 = arith.constant 0 : i32
      %dma_start3A_158 = arith.constant 0 : i32
      %dma_start3A_159 = tpu.memref_slice %arg12[%dma_start3A_157, %dma_start3A_158] : memref<10240x128xf32, #tpu.memory_space<vmem_shared>> -> memref<10240x128xf32, #tpu.memory_space<vmem_shared>>
      tpu.enqueue_indirect_dma source(%arg9 : memref<64x128xf32, #tpu.memory_space<vmem>>) target(%dma_start3A_159 : memref<10240x128xf32, #tpu.memory_space<vmem_shared>>) offsets(%dma_start3A_156 : memref<64xi32, #tpu.memory_space<vmem>>) semaphore(%arg18 : memref<!tpu.dma_semaphore, #tpu.memory_space<semaphore_mem>>) {add = true}
      %add3A_160 = arith.constant 3 : i32
      %add3A_161 = arith.addi %add3A_143, %add3A_160 : i32
      %lt3A_162 = arith.constant 80 : i32
      %lt3A_163 = arith.cmpi slt, %add3A_161, %lt3A_162 : i32
      %convert_element_type3A_164 = arith.extui %lt3A_163 : i1 to i32
      %cond3A_165 = arith.constant 0 : i32
      %cond3A_166 = arith.cmpi ne, %convert_element_type3A_164, %cond3A_165 : i32
      scf.if %cond3A_166 {
        %ge3A = arith.constant 1 : i32
        %ge3A_221 = arith.cmpi sge, %add3A_143, %ge3A : i32
        %convert_element_type3A_222 = arith.extui %ge3A_221 : i1 to i32
        %cond3A_223 = arith.constant 0 : i32
        %cond3A_224 = arith.cmpi ne, %convert_element_type3A_222, %cond3A_223 : i32
        scf.if %cond3A_224 {
          %sub3A = arith.constant 1 : i32
          %sub3A_237 = arith.subi %add3A_143, %sub3A : i32
          %mul3A_238 = arith.constant 64 : i32
          %mul3A_239 = arith.muli %sub3A_237, %mul3A_238 : i32
          %dma_wait3A_240 = tpu.memref_slice %arg7[%mul3A_239] : memref<5120xi32, #tpu.memory_space<vmem>> -> memref<64xi32, #tpu.memory_space<vmem>>
          %dma_wait3A_241 = arith.constant 0 : i32
          %dma_wait3A_242 = arith.constant 0 : i32
          %dma_wait3A_243 = tpu.memref_slice %arg12[%dma_wait3A_241, %dma_wait3A_242] : memref<10240x128xf32, #tpu.memory_space<vmem_shared>> -> memref<10240x128xf32, #tpu.memory_space<vmem_shared>>
          tpu.wait_indirect_dma semaphore(%arg17 : memref<!tpu.dma_semaphore, #tpu.memory_space<semaphore_mem>>) src(%arg8 : memref<64x128xf32, #tpu.memory_space<vmem>>) dst(%dma_wait3A_243 : memref<10240x128xf32, #tpu.memory_space<vmem_shared>>)
        } else {
        }
        %add3A_225 = arith.constant 3 : i32
        %add3A_226 = arith.addi %add3A_143, %add3A_225 : i32
        %mul3A_227 = arith.constant 64 : i32
        %mul3A_228 = arith.muli %add3A_226, %mul3A_227 : i32
        %dma_start3A_229 = tpu.memref_slice %arg6[%mul3A_228] : memref<5120xi32, #tpu.memory_space<vmem>> -> memref<64xi32, #tpu.memory_space<vmem>>
        %dma_start3A_230 = arith.constant 0 : i32
        %dma_start3A_231 = arith.constant 0 : i32
        %dma_start3A_232 = tpu.memref_slice %arg2[%arg0, %dma_start3A_230, %dma_start3A_231] : memref<2x10240x128xf32, #tpu.memory_space<hbm>> -> memref<1x10240x128xf32, #tpu.memory_space<hbm>>
        %dma_start3A_233 = tpu.memref_squeeze %dma_start3A_232 : memref<1x10240x128xf32, #tpu.memory_space<hbm>> -> memref<10240x128xf32, #tpu.memory_space<hbm>>
        %dma_start3A_234 = arith.constant 0 : i32
        %dma_start3A_235 = arith.constant 0 : i32
        %dma_start3A_236 = tpu.memref_slice %dma_start3A_233[%dma_start3A_234, %dma_start3A_235] : memref<10240x128xf32, #tpu.memory_space<hbm>> -> memref<10240x128xf32, #tpu.memory_space<hbm>>
        tpu.enqueue_indirect_dma source(%dma_start3A_236 : memref<10240x128xf32, #tpu.memory_space<hbm>>) target(%arg8 : memref<64x128xf32, #tpu.memory_space<vmem>>) offsets(%dma_start3A_229 : memref<64xi32, #tpu.memory_space<vmem>>) semaphore(%arg13 : memref<!tpu.dma_semaphore, #tpu.memory_space<semaphore_mem>>)
      } else {
      }
      %mul3A_167 = arith.constant 4 : i32
      %mul3A_168 = arith.muli %mul3A_167, %scan3A_115 : i32
      %add3A_169 = arith.constant 2 : i32
      %add3A_170 = arith.addi %mul3A_168, %add3A_169 : i32
      %mul3A_171 = arith.constant 64 : i32
      %mul3A_172 = arith.muli %add3A_170, %mul3A_171 : i32
      %dma_wait3A_173 = tpu.memref_slice %arg6[%mul3A_172] : memref<5120xi32, #tpu.memory_space<vmem>> -> memref<64xi32, #tpu.memory_space<vmem>>
      %dma_wait3A_174 = arith.constant 0 : i32
      %dma_wait3A_175 = arith.constant 0 : i32
      %dma_wait3A_176 = tpu.memref_slice %arg2[%arg0, %dma_wait3A_174, %dma_wait3A_175] : memref<2x10240x128xf32, #tpu.memory_space<hbm>> -> memref<1x10240x128xf32, #tpu.memory_space<hbm>>
      %dma_wait3A_177 = tpu.memref_squeeze %dma_wait3A_176 : memref<1x10240x128xf32, #tpu.memory_space<hbm>> -> memref<10240x128xf32, #tpu.memory_space<hbm>>
      %dma_wait3A_178 = arith.constant 0 : i32
      %dma_wait3A_179 = arith.constant 0 : i32
      %dma_wait3A_180 = tpu.memref_slice %dma_wait3A_177[%dma_wait3A_178, %dma_wait3A_179] : memref<10240x128xf32, #tpu.memory_space<hbm>> -> memref<10240x128xf32, #tpu.memory_space<hbm>>
      tpu.wait_indirect_dma semaphore(%arg15 : memref<!tpu.dma_semaphore, #tpu.memory_space<semaphore_mem>>) src(%dma_wait3A_180 : memref<10240x128xf32, #tpu.memory_space<hbm>>) dst(%arg10 : memref<64x128xf32, #tpu.memory_space<vmem>>)
      %mul3A_181 = arith.constant 64 : i32
      %mul3A_182 = arith.muli %add3A_170, %mul3A_181 : i32
      %dma_start3A_183 = tpu.memref_slice %arg7[%mul3A_182] : memref<5120xi32, #tpu.memory_space<vmem>> -> memref<64xi32, #tpu.memory_space<vmem>>
      %dma_start3A_184 = arith.constant 0 : i32
      %dma_start3A_185 = arith.constant 0 : i32
      %dma_start3A_186 = tpu.memref_slice %arg12[%dma_start3A_184, %dma_start3A_185] : memref<10240x128xf32, #tpu.memory_space<vmem_shared>> -> memref<10240x128xf32, #tpu.memory_space<vmem_shared>>
      tpu.enqueue_indirect_dma source(%arg10 : memref<64x128xf32, #tpu.memory_space<vmem>>) target(%dma_start3A_186 : memref<10240x128xf32, #tpu.memory_space<vmem_shared>>) offsets(%dma_start3A_183 : memref<64xi32, #tpu.memory_space<vmem>>) semaphore(%arg19 : memref<!tpu.dma_semaphore, #tpu.memory_space<semaphore_mem>>) {add = true}
      %add3A_187 = arith.constant 3 : i32
      %add3A_188 = arith.addi %add3A_170, %add3A_187 : i32
      %lt3A_189 = arith.constant 80 : i32
      %lt3A_190 = arith.cmpi slt, %add3A_188, %lt3A_189 : i32
      %convert_element_type3A_191 = arith.extui %lt3A_190 : i1 to i32
      %cond3A_192 = arith.constant 0 : i32
      %cond3A_193 = arith.cmpi ne, %convert_element_type3A_191, %cond3A_192 : i32
      scf.if %cond3A_193 {
        %ge3A = arith.constant 1 : i32
        %ge3A_221 = arith.cmpi sge, %add3A_170, %ge3A : i32
        %convert_element_type3A_222 = arith.extui %ge3A_221 : i1 to i32
        %cond3A_223 = arith.constant 0 : i32
        %cond3A_224 = arith.cmpi ne, %convert_element_type3A_222, %cond3A_223 : i32
        scf.if %cond3A_224 {
          %sub3A = arith.constant 1 : i32
          %sub3A_237 = arith.subi %add3A_170, %sub3A : i32
          %mul3A_238 = arith.constant 64 : i32
          %mul3A_239 = arith.muli %sub3A_237, %mul3A_238 : i32
          %dma_wait3A_240 = tpu.memref_slice %arg7[%mul3A_239] : memref<5120xi32, #tpu.memory_space<vmem>> -> memref<64xi32, #tpu.memory_space<vmem>>
          %dma_wait3A_241 = arith.constant 0 : i32
          %dma_wait3A_242 = arith.constant 0 : i32
          %dma_wait3A_243 = tpu.memref_slice %arg12[%dma_wait3A_241, %dma_wait3A_242] : memref<10240x128xf32, #tpu.memory_space<vmem_shared>> -> memref<10240x128xf32, #tpu.memory_space<vmem_shared>>
          tpu.wait_indirect_dma semaphore(%arg18 : memref<!tpu.dma_semaphore, #tpu.memory_space<semaphore_mem>>) src(%arg9 : memref<64x128xf32, #tpu.memory_space<vmem>>) dst(%dma_wait3A_243 : memref<10240x128xf32, #tpu.memory_space<vmem_shared>>)
        } else {
        }
        %add3A_225 = arith.constant 3 : i32
        %add3A_226 = arith.addi %add3A_170, %add3A_225 : i32
        %mul3A_227 = arith.constant 64 : i32
        %mul3A_228 = arith.muli %add3A_226, %mul3A_227 : i32
        %dma_start3A_229 = tpu.memref_slice %arg6[%mul3A_228] : memref<5120xi32, #tpu.memory_space<vmem>> -> memref<64xi32, #tpu.memory_space<vmem>>
        %dma_start3A_230 = arith.constant 0 : i32
        %dma_start3A_231 = arith.constant 0 : i32
        %dma_start3A_232 = tpu.memref_slice %arg2[%arg0, %dma_start3A_230, %dma_start3A_231] : memref<2x10240x128xf32, #tpu.memory_space<hbm>> -> memref<1x10240x128xf32, #tpu.memory_space<hbm>>
        %dma_start3A_233 = tpu.memref_squeeze %dma_start3A_232 : memref<1x10240x128xf32, #tpu.memory_space<hbm>> -> memref<10240x128xf32, #tpu.memory_space<hbm>>
        %dma_start3A_234 = arith.constant 0 : i32
        %dma_start3A_235 = arith.constant 0 : i32
        %dma_start3A_236 = tpu.memref_slice %dma_start3A_233[%dma_start3A_234, %dma_start3A_235] : memref<10240x128xf32, #tpu.memory_space<hbm>> -> memref<10240x128xf32, #tpu.memory_space<hbm>>
        tpu.enqueue_indirect_dma source(%dma_start3A_236 : memref<10240x128xf32, #tpu.memory_space<hbm>>) target(%arg9 : memref<64x128xf32, #tpu.memory_space<vmem>>) offsets(%dma_start3A_229 : memref<64xi32, #tpu.memory_space<vmem>>) semaphore(%arg14 : memref<!tpu.dma_semaphore, #tpu.memory_space<semaphore_mem>>)
      } else {
      }
      %mul3A_194 = arith.constant 4 : i32
      %mul3A_195 = arith.muli %mul3A_194, %scan3A_115 : i32
      %add3A_196 = arith.constant 3 : i32
      %add3A_197 = arith.addi %mul3A_195, %add3A_196 : i32
      %mul3A_198 = arith.constant 64 : i32
      %mul3A_199 = arith.muli %add3A_197, %mul3A_198 : i32
      %dma_wait3A_200 = tpu.memref_slice %arg6[%mul3A_199] : memref<5120xi32, #tpu.memory_space<vmem>> -> memref<64xi32, #tpu.memory_space<vmem>>
      %dma_wait3A_201 = arith.constant 0 : i32
      %dma_wait3A_202 = arith.constant 0 : i32
      %dma_wait3A_203 = tpu.memref_slice %arg2[%arg0, %dma_wait3A_201, %dma_wait3A_202] : memref<2x10240x128xf32, #tpu.memory_space<hbm>> -> memref<1x10240x128xf32, #tpu.memory_space<hbm>>
      %dma_wait3A_204 = tpu.memref_squeeze %dma_wait3A_203 : memref<1x10240x128xf32, #tpu.memory_space<hbm>> -> memref<10240x128xf32, #tpu.memory_space<hbm>>
      %dma_wait3A_205 = arith.constant 0 : i32
      %dma_wait3A_206 = arith.constant 0 : i32
      %dma_wait3A_207 = tpu.memref_slice %dma_wait3A_204[%dma_wait3A_205, %dma_wait3A_206] : memref<10240x128xf32, #tpu.memory_space<hbm>> -> memref<10240x128xf32, #tpu.memory_space<hbm>>
      tpu.wait_indirect_dma semaphore(%arg16 : memref<!tpu.dma_semaphore, #tpu.memory_space<semaphore_mem>>) src(%dma_wait3A_207 : memref<10240x128xf32, #tpu.memory_space<hbm>>) dst(%arg11 : memref<64x128xf32, #tpu.memory_space<vmem>>)
      %mul3A_208 = arith.constant 64 : i32
      %mul3A_209 = arith.muli %add3A_197, %mul3A_208 : i32
      %dma_start3A_210 = tpu.memref_slice %arg7[%mul3A_209] : memref<5120xi32, #tpu.memory_space<vmem>> -> memref<64xi32, #tpu.memory_space<vmem>>
      %dma_start3A_211 = arith.constant 0 : i32
      %dma_start3A_212 = arith.constant 0 : i32
      %dma_start3A_213 = tpu.memref_slice %arg12[%dma_start3A_211, %dma_start3A_212] : memref<10240x128xf32, #tpu.memory_space<vmem_shared>> -> memref<10240x128xf32, #tpu.memory_space<vmem_shared>>
      tpu.enqueue_indirect_dma source(%arg11 : memref<64x128xf32, #tpu.memory_space<vmem>>) target(%dma_start3A_213 : memref<10240x128xf32, #tpu.memory_space<vmem_shared>>) offsets(%dma_start3A_210 : memref<64xi32, #tpu.memory_space<vmem>>) semaphore(%arg20 : memref<!tpu.dma_semaphore, #tpu.memory_space<semaphore_mem>>) {add = true}
      %add3A_214 = arith.constant 3 : i32
      %add3A_215 = arith.addi %add3A_197, %add3A_214 : i32
      %lt3A_216 = arith.constant 80 : i32
      %lt3A_217 = arith.cmpi slt, %add3A_215, %lt3A_216 : i32
      %convert_element_type3A_218 = arith.extui %lt3A_217 : i1 to i32
      %cond3A_219 = arith.constant 0 : i32
      %cond3A_220 = arith.cmpi ne, %convert_element_type3A_218, %cond3A_219 : i32
      scf.if %cond3A_220 {
        %ge3A = arith.constant 1 : i32
        %ge3A_221 = arith.cmpi sge, %add3A_197, %ge3A : i32
        %convert_element_type3A_222 = arith.extui %ge3A_221 : i1 to i32
        %cond3A_223 = arith.constant 0 : i32
        %cond3A_224 = arith.cmpi ne, %convert_element_type3A_222, %cond3A_223 : i32
        scf.if %cond3A_224 {
          %sub3A = arith.constant 1 : i32
          %sub3A_237 = arith.subi %add3A_197, %sub3A : i32
          %mul3A_238 = arith.constant 64 : i32
          %mul3A_239 = arith.muli %sub3A_237, %mul3A_238 : i32
          %dma_wait3A_240 = tpu.memref_slice %arg7[%mul3A_239] : memref<5120xi32, #tpu.memory_space<vmem>> -> memref<64xi32, #tpu.memory_space<vmem>>
          %dma_wait3A_241 = arith.constant 0 : i32
          %dma_wait3A_242 = arith.constant 0 : i32
          %dma_wait3A_243 = tpu.memref_slice %arg12[%dma_wait3A_241, %dma_wait3A_242] : memref<10240x128xf32, #tpu.memory_space<vmem_shared>> -> memref<10240x128xf32, #tpu.memory_space<vmem_shared>>
          tpu.wait_indirect_dma semaphore(%arg19 : memref<!tpu.dma_semaphore, #tpu.memory_space<semaphore_mem>>) src(%arg10 : memref<64x128xf32, #tpu.memory_space<vmem>>) dst(%dma_wait3A_243 : memref<10240x128xf32, #tpu.memory_space<vmem_shared>>)
        } else {
        }
        %add3A_225 = arith.constant 3 : i32
        %add3A_226 = arith.addi %add3A_197, %add3A_225 : i32
        %mul3A_227 = arith.constant 64 : i32
        %mul3A_228 = arith.muli %add3A_226, %mul3A_227 : i32
        %dma_start3A_229 = tpu.memref_slice %arg6[%mul3A_228] : memref<5120xi32, #tpu.memory_space<vmem>> -> memref<64xi32, #tpu.memory_space<vmem>>
        %dma_start3A_230 = arith.constant 0 : i32
        %dma_start3A_231 = arith.constant 0 : i32
        %dma_start3A_232 = tpu.memref_slice %arg2[%arg0, %dma_start3A_230, %dma_start3A_231] : memref<2x10240x128xf32, #tpu.memory_space<hbm>> -> memref<1x10240x128xf32, #tpu.memory_space<hbm>>
        %dma_start3A_233 = tpu.memref_squeeze %dma_start3A_232 : memref<1x10240x128xf32, #tpu.memory_space<hbm>> -> memref<10240x128xf32, #tpu.memory_space<hbm>>
        %dma_start3A_234 = arith.constant 0 : i32
        %dma_start3A_235 = arith.constant 0 : i32
        %dma_start3A_236 = tpu.memref_slice %dma_start3A_233[%dma_start3A_234, %dma_start3A_235] : memref<10240x128xf32, #tpu.memory_space<hbm>> -> memref<10240x128xf32, #tpu.memory_space<hbm>>
        tpu.enqueue_indirect_dma source(%dma_start3A_236 : memref<10240x128xf32, #tpu.memory_space<hbm>>) target(%arg10 : memref<64x128xf32, #tpu.memory_space<vmem>>) offsets(%dma_start3A_229 : memref<64xi32, #tpu.memory_space<vmem>>) semaphore(%arg15 : memref<!tpu.dma_semaphore, #tpu.memory_space<semaphore_mem>>)
      } else {
      }
    }
    %scan3A_33 = arith.constant 20 : i32
    %dma_wait3A = arith.constant 4864 : i32
    %dma_wait3A_34 = tpu.memref_slice %arg7[%dma_wait3A] : memref<5120xi32, #tpu.memory_space<vmem>> -> memref<64xi32, #tpu.memory_space<vmem>>
    %dma_wait3A_35 = arith.constant 0 : i32
    %dma_wait3A_36 = arith.constant 0 : i32
    %dma_wait3A_37 = tpu.memref_slice %arg12[%dma_wait3A_35, %dma_wait3A_36] : memref<10240x128xf32, #tpu.memory_space<vmem_shared>> -> memref<10240x128xf32, #tpu.memory_space<vmem_shared>>
    tpu.wait_indirect_dma semaphore(%arg17 : memref<!tpu.dma_semaphore, #tpu.memory_space<semaphore_mem>>) src(%arg8 : memref<64x128xf32, #tpu.memory_space<vmem>>) dst(%dma_wait3A_37 : memref<10240x128xf32, #tpu.memory_space<vmem_shared>>)
    %dma_wait3A_38 = arith.constant 4928 : i32
    %dma_wait3A_39 = tpu.memref_slice %arg7[%dma_wait3A_38] : memref<5120xi32, #tpu.memory_space<vmem>> -> memref<64xi32, #tpu.memory_space<vmem>>
    %dma_wait3A_40 = arith.constant 0 : i32
    %dma_wait3A_41 = arith.constant 0 : i32
    %dma_wait3A_42 = tpu.memref_slice %arg12[%dma_wait3A_40, %dma_wait3A_41] : memref<10240x128xf32, #tpu.memory_space<vmem_shared>> -> memref<10240x128xf32, #tpu.memory_space<vmem_shared>>
    tpu.wait_indirect_dma semaphore(%arg18 : memref<!tpu.dma_semaphore, #tpu.memory_space<semaphore_mem>>) src(%arg9 : memref<64x128xf32, #tpu.memory_space<vmem>>) dst(%dma_wait3A_42 : memref<10240x128xf32, #tpu.memory_space<vmem_shared>>)
    %dma_wait3A_43 = arith.constant 4992 : i32
    %dma_wait3A_44 = tpu.memref_slice %arg7[%dma_wait3A_43] : memref<5120xi32, #tpu.memory_space<vmem>> -> memref<64xi32, #tpu.memory_space<vmem>>
    %dma_wait3A_45 = arith.constant 0 : i32
    %dma_wait3A_46 = arith.constant 0 : i32
    %dma_wait3A_47 = tpu.memref_slice %arg12[%dma_wait3A_45, %dma_wait3A_46] : memref<10240x128xf32, #tpu.memory_space<vmem_shared>> -> memref<10240x128xf32, #tpu.memory_space<vmem_shared>>
    tpu.wait_indirect_dma semaphore(%arg19 : memref<!tpu.dma_semaphore, #tpu.memory_space<semaphore_mem>>) src(%arg10 : memref<64x128xf32, #tpu.memory_space<vmem>>) dst(%dma_wait3A_47 : memref<10240x128xf32, #tpu.memory_space<vmem_shared>>)
    %dma_wait3A_48 = arith.constant 5056 : i32
    %dma_wait3A_49 = tpu.memref_slice %arg7[%dma_wait3A_48] : memref<5120xi32, #tpu.memory_space<vmem>> -> memref<64xi32, #tpu.memory_space<vmem>>
    %dma_wait3A_50 = arith.constant 0 : i32
    %dma_wait3A_51 = arith.constant 0 : i32
    %dma_wait3A_52 = tpu.memref_slice %arg12[%dma_wait3A_50, %dma_wait3A_51] : memref<10240x128xf32, #tpu.memory_space<vmem_shared>> -> memref<10240x128xf32, #tpu.memory_space<vmem_shared>>
    tpu.wait_indirect_dma semaphore(%arg20 : memref<!tpu.dma_semaphore, #tpu.memory_space<semaphore_mem>>) src(%arg11 : memref<64x128xf32, #tpu.memory_space<vmem>>) dst(%dma_wait3A_52 : memref<10240x128xf32, #tpu.memory_space<vmem_shared>>)
    %add3A_53 = arith.constant 16 : i32
    %add3A_54 = arith.addi %arg1, %add3A_53 : i32
    %run_scoped3A_55 = arith.constant 0 : i32
    "tpu.region"() ({
      %run_scoped3A_115 = tpu.sem_alloc : memref<!tpu.dma_semaphore, #tpu.memory_space<semaphore_mem>>
      %dma_start3A_116 = arith.constant 0 : i32
      %dma_start3A_117 = tpu.memref_slice %arg3[%run_scoped3A_55, %add3A_54, %dma_start3A_116] : memref<2x32x5120xi32, #tpu.memory_space<hbm>> -> memref<1x1x5120xi32, #tpu.memory_space<hbm>>
      %dma_start3A_118 = tpu.memref_squeeze %dma_start3A_117 : memref<1x1x5120xi32, #tpu.memory_space<hbm>> -> memref<5120xi32, #tpu.memory_space<hbm>>
      %dma_start3A_119 = arith.constant 0 : i32
      %dma_start3A_120 = tpu.memref_slice %arg3[%run_scoped3A_55, %add3A_54, %dma_start3A_119] : memref<2x32x5120xi32, #tpu.memory_space<hbm>> -> memref<1x1x5120xi32, #tpu.memory_space<hbm>>
      %dma_start3A_121 = tpu.memref_squeeze %dma_start3A_120 : memref<1x1x5120xi32, #tpu.memory_space<hbm>> -> memref<5120xi32, #tpu.memory_space<hbm>>
      tpu.enqueue_dma source(%dma_start3A_121 : memref<5120xi32, #tpu.memory_space<hbm>>) target(%arg6 : memref<5120xi32, #tpu.memory_space<vmem>>) target_semaphore(%run_scoped3A_115 : memref<!tpu.dma_semaphore, #tpu.memory_space<semaphore_mem>>)
      %dma_wait3A_122 = arith.constant 0 : i32
      %dma_wait3A_123 = tpu.memref_slice %arg3[%run_scoped3A_55, %add3A_54, %dma_wait3A_122] : memref<2x32x5120xi32, #tpu.memory_space<hbm>> -> memref<1x1x5120xi32, #tpu.memory_space<hbm>>
      %dma_wait3A_124 = tpu.memref_squeeze %dma_wait3A_123 : memref<1x1x5120xi32, #tpu.memory_space<hbm>> -> memref<5120xi32, #tpu.memory_space<hbm>>
      %dma_wait3A_125 = arith.constant 0 : i32
      %dma_wait3A_126 = tpu.memref_slice %arg3[%run_scoped3A_55, %add3A_54, %dma_wait3A_125] : memref<2x32x5120xi32, #tpu.memory_space<hbm>> -> memref<1x1x5120xi32, #tpu.memory_space<hbm>>
      %dma_wait3A_127 = tpu.memref_squeeze %dma_wait3A_126 : memref<1x1x5120xi32, #tpu.memory_space<hbm>> -> memref<5120xi32, #tpu.memory_space<hbm>>
      tpu.wait_dma2 semaphore(%run_scoped3A_115 : memref<!tpu.dma_semaphore, #tpu.memory_space<semaphore_mem>>) src(%dma_wait3A_127 : memref<5120xi32, #tpu.memory_space<hbm>>) dst(%arg6 : memref<5120xi32, #tpu.memory_space<vmem>>)
      tpu.yield
    }) : () -> ()
    %run_scoped3A_56 = arith.constant 1 : i32
    "tpu.region"() ({
      %run_scoped3A_115 = tpu.sem_alloc : memref<!tpu.dma_semaphore, #tpu.memory_space<semaphore_mem>>
      %dma_start3A_116 = arith.constant 0 : i32
      %dma_start3A_117 = tpu.memref_slice %arg3[%run_scoped3A_56, %add3A_54, %dma_start3A_116] : memref<2x32x5120xi32, #tpu.memory_space<hbm>> -> memref<1x1x5120xi32, #tpu.memory_space<hbm>>
      %dma_start3A_118 = tpu.memref_squeeze %dma_start3A_117 : memref<1x1x5120xi32, #tpu.memory_space<hbm>> -> memref<5120xi32, #tpu.memory_space<hbm>>
      %dma_start3A_119 = arith.constant 0 : i32
      %dma_start3A_120 = tpu.memref_slice %arg3[%run_scoped3A_56, %add3A_54, %dma_start3A_119] : memref<2x32x5120xi32, #tpu.memory_space<hbm>> -> memref<1x1x5120xi32, #tpu.memory_space<hbm>>
      %dma_start3A_121 = tpu.memref_squeeze %dma_start3A_120 : memref<1x1x5120xi32, #tpu.memory_space<hbm>> -> memref<5120xi32, #tpu.memory_space<hbm>>
      tpu.enqueue_dma source(%dma_start3A_121 : memref<5120xi32, #tpu.memory_space<hbm>>) target(%arg7 : memref<5120xi32, #tpu.memory_space<vmem>>) target_semaphore(%run_scoped3A_115 : memref<!tpu.dma_semaphore, #tpu.memory_space<semaphore_mem>>)
      %dma_wait3A_122 = arith.constant 0 : i32
      %dma_wait3A_123 = tpu.memref_slice %arg3[%run_scoped3A_56, %add3A_54, %dma_wait3A_122] : memref<2x32x5120xi32, #tpu.memory_space<hbm>> -> memref<1x1x5120xi32, #tpu.memory_space<hbm>>
      %dma_wait3A_124 = tpu.memref_squeeze %dma_wait3A_123 : memref<1x1x5120xi32, #tpu.memory_space<hbm>> -> memref<5120xi32, #tpu.memory_space<hbm>>
      %dma_wait3A_125 = arith.constant 0 : i32
      %dma_wait3A_126 = tpu.memref_slice %arg3[%run_scoped3A_56, %add3A_54, %dma_wait3A_125] : memref<2x32x5120xi32, #tpu.memory_space<hbm>> -> memref<1x1x5120xi32, #tpu.memory_space<hbm>>
      %dma_wait3A_127 = tpu.memref_squeeze %dma_wait3A_126 : memref<1x1x5120xi32, #tpu.memory_space<hbm>> -> memref<5120xi32, #tpu.memory_space<hbm>>
      tpu.wait_dma2 semaphore(%run_scoped3A_115 : memref<!tpu.dma_semaphore, #tpu.memory_space<semaphore_mem>>) src(%dma_wait3A_127 : memref<5120xi32, #tpu.memory_space<hbm>>) dst(%arg7 : memref<5120xi32, #tpu.memory_space<vmem>>)
      tpu.yield
    }) : () -> ()
    %dma_start3A_57 = arith.constant 0 : i32
    %dma_start3A_58 = tpu.memref_slice %arg6[%dma_start3A_57] : memref<5120xi32, #tpu.memory_space<vmem>> -> memref<64xi32, #tpu.memory_space<vmem>>
    %dma_start3A_59 = arith.constant 0 : i32
    %dma_start3A_60 = arith.constant 0 : i32
    %dma_start3A_61 = tpu.memref_slice %arg2[%arg0, %dma_start3A_59, %dma_start3A_60] : memref<2x10240x128xf32, #tpu.memory_space<hbm>> -> memref<1x10240x128xf32, #tpu.memory_space<hbm>>
    %dma_start3A_62 = tpu.memref_squeeze %dma_start3A_61 : memref<1x10240x128xf32, #tpu.memory_space<hbm>> -> memref<10240x128xf32, #tpu.memory_space<hbm>>
    %dma_start3A_63 = arith.constant 0 : i32
    %dma_start3A_64 = arith.constant 0 : i32
    %dma_start3A_65 = tpu.memref_slice %dma_start3A_62[%dma_start3A_63, %dma_start3A_64] : memref<10240x128xf32, #tpu.memory_space<hbm>> -> memref<10240x128xf32, #tpu.memory_space<hbm>>
    tpu.enqueue_indirect_dma source(%dma_start3A_65 : memref<10240x128xf32, #tpu.memory_space<hbm>>) target(%arg8 : memref<64x128xf32, #tpu.memory_space<vmem>>) offsets(%dma_start3A_58 : memref<64xi32, #tpu.memory_space<vmem>>) semaphore(%arg13 : memref<!tpu.dma_semaphore, #tpu.memory_space<semaphore_mem>>)
    %dma_start3A_66 = arith.constant 64 : i32
    %dma_start3A_67 = tpu.memref_slice %arg6[%dma_start3A_66] : memref<5120xi32, #tpu.memory_space<vmem>> -> memref<64xi32, #tpu.memory_space<vmem>>
    %dma_start3A_68 = arith.constant 0 : i32
    %dma_start3A_69 = arith.constant 0 : i32
    %dma_start3A_70 = tpu.memref_slice %arg2[%arg0, %dma_start3A_68, %dma_start3A_69] : memref<2x10240x128xf32, #tpu.memory_space<hbm>> -> memref<1x10240x128xf32, #tpu.memory_space<hbm>>
    %dma_start3A_71 = tpu.memref_squeeze %dma_start3A_70 : memref<1x10240x128xf32, #tpu.memory_space<hbm>> -> memref<10240x128xf32, #tpu.memory_space<hbm>>
    %dma_start3A_72 = arith.constant 0 : i32
    %dma_start3A_73 = arith.constant 0 : i32
    %dma_start3A_74 = tpu.memref_slice %dma_start3A_71[%dma_start3A_72, %dma_start3A_73] : memref<10240x128xf32, #tpu.memory_space<hbm>> -> memref<10240x128xf32, #tpu.memory_space<hbm>>
    tpu.enqueue_indirect_dma source(%dma_start3A_74 : memref<10240x128xf32, #tpu.memory_space<hbm>>) target(%arg9 : memref<64x128xf32, #tpu.memory_space<vmem>>) offsets(%dma_start3A_67 : memref<64xi32, #tpu.memory_space<vmem>>) semaphore(%arg14 : memref<!tpu.dma_semaphore, #tpu.memory_space<semaphore_mem>>)
    %dma_start3A_75 = arith.constant 128 : i32
    %dma_start3A_76 = tpu.memref_slice %arg6[%dma_start3A_75] : memref<5120xi32, #tpu.memory_space<vmem>> -> memref<64xi32, #tpu.memory_space<vmem>>
    %dma_start3A_77 = arith.constant 0 : i32
    %dma_start3A_78 = arith.constant 0 : i32
    %dma_start3A_79 = tpu.memref_slice %arg2[%arg0, %dma_start3A_77, %dma_start3A_78] : memref<2x10240x128xf32, #tpu.memory_space<hbm>> -> memref<1x10240x128xf32, #tpu.memory_space<hbm>>
    %dma_start3A_80 = tpu.memref_squeeze %dma_start3A_79 : memref<1x10240x128xf32, #tpu.memory_space<hbm>> -> memref<10240x128xf32, #tpu.memory_space<hbm>>
    %dma_start3A_81 = arith.constant 0 : i32
    %dma_start3A_82 = arith.constant 0 : i32
    %dma_start3A_83 = tpu.memref_slice %dma_start3A_80[%dma_start3A_81, %dma_start3A_82] : memref<10240x128xf32, #tpu.memory_space<hbm>> -> memref<10240x128xf32, #tpu.memory_space<hbm>>
    tpu.enqueue_indirect_dma source(%dma_start3A_83 : memref<10240x128xf32, #tpu.memory_space<hbm>>) target(%arg10 : memref<64x128xf32, #tpu.memory_space<vmem>>) offsets(%dma_start3A_76 : memref<64xi32, #tpu.memory_space<vmem>>) semaphore(%arg15 : memref<!tpu.dma_semaphore, #tpu.memory_space<semaphore_mem>>)
    %scan3A_84 = arith.constant 0 : i32
    %scan3A_85 = arith.constant 0 : i32
    %scan3A_86 = arith.constant 20 : i32
    %scan3A_87 = arith.addi %scan3A_85, %scan3A_86 : i32
    %scan3A_88 = arith.constant 1 : i32
    scf.for %scan3A_115 = %scan3A_85 to %scan3A_87 step %scan3A_88  : i32 {
      %mul3A_116 = arith.constant 4 : i32
      %mul3A_117 = arith.muli %mul3A_116, %scan3A_115 : i32
      %add3A_118 = arith.constant 0 : i32
      %add3A_119 = arith.addi %mul3A_117, %add3A_118 : i32
      %mul3A_120 = arith.constant 64 : i32
      %mul3A_121 = arith.muli %add3A_119, %mul3A_120 : i32
      %dma_wait3A_122 = tpu.memref_slice %arg6[%mul3A_121] : memref<5120xi32, #tpu.memory_space<vmem>> -> memref<64xi32, #tpu.memory_space<vmem>>
      %dma_wait3A_123 = arith.constant 0 : i32
      %dma_wait3A_124 = arith.constant 0 : i32
      %dma_wait3A_125 = tpu.memref_slice %arg2[%arg0, %dma_wait3A_123, %dma_wait3A_124] : memref<2x10240x128xf32, #tpu.memory_space<hbm>> -> memref<1x10240x128xf32, #tpu.memory_space<hbm>>
      %dma_wait3A_126 = tpu.memref_squeeze %dma_wait3A_125 : memref<1x10240x128xf32, #tpu.memory_space<hbm>> -> memref<10240x128xf32, #tpu.memory_space<hbm>>
      %dma_wait3A_127 = arith.constant 0 : i32
      %dma_wait3A_128 = arith.constant 0 : i32
      %dma_wait3A_129 = tpu.memref_slice %dma_wait3A_126[%dma_wait3A_127, %dma_wait3A_128] : memref<10240x128xf32, #tpu.memory_space<hbm>> -> memref<10240x128xf32, #tpu.memory_space<hbm>>
      tpu.wait_indirect_dma semaphore(%arg13 : memref<!tpu.dma_semaphore, #tpu.memory_space<semaphore_mem>>) src(%dma_wait3A_129 : memref<10240x128xf32, #tpu.memory_space<hbm>>) dst(%arg8 : memref<64x128xf32, #tpu.memory_space<vmem>>)
      %mul3A_130 = arith.constant 64 : i32
      %mul3A_131 = arith.muli %add3A_119, %mul3A_130 : i32
      %dma_start3A_132 = tpu.memref_slice %arg7[%mul3A_131] : memref<5120xi32, #tpu.memory_space<vmem>> -> memref<64xi32, #tpu.memory_space<vmem>>
      %dma_start3A_133 = arith.constant 0 : i32
      %dma_start3A_134 = arith.constant 0 : i32
      %dma_start3A_135 = tpu.memref_slice %arg12[%dma_start3A_133, %dma_start3A_134] : memref<10240x128xf32, #tpu.memory_space<vmem_shared>> -> memref<10240x128xf32, #tpu.memory_space<vmem_shared>>
      tpu.enqueue_indirect_dma source(%arg8 : memref<64x128xf32, #tpu.memory_space<vmem>>) target(%dma_start3A_135 : memref<10240x128xf32, #tpu.memory_space<vmem_shared>>) offsets(%dma_start3A_132 : memref<64xi32, #tpu.memory_space<vmem>>) semaphore(%arg17 : memref<!tpu.dma_semaphore, #tpu.memory_space<semaphore_mem>>) {add = true}
      %add3A_136 = arith.constant 3 : i32
      %add3A_137 = arith.addi %add3A_119, %add3A_136 : i32
      %lt3A = arith.constant 80 : i32
      %lt3A_138 = arith.cmpi slt, %add3A_137, %lt3A : i32
      %convert_element_type3A = arith.extui %lt3A_138 : i1 to i32
      %cond3A = arith.constant 0 : i32
      %cond3A_139 = arith.cmpi ne, %convert_element_type3A, %cond3A : i32
      scf.if %cond3A_139 {
        %ge3A = arith.constant 1 : i32
        %ge3A_221 = arith.cmpi sge, %add3A_119, %ge3A : i32
        %convert_element_type3A_222 = arith.extui %ge3A_221 : i1 to i32
        %cond3A_223 = arith.constant 0 : i32
        %cond3A_224 = arith.cmpi ne, %convert_element_type3A_222, %cond3A_223 : i32
        scf.if %cond3A_224 {
          %sub3A = arith.constant 1 : i32
          %sub3A_237 = arith.subi %add3A_119, %sub3A : i32
          %mul3A_238 = arith.constant 64 : i32
          %mul3A_239 = arith.muli %sub3A_237, %mul3A_238 : i32
          %dma_wait3A_240 = tpu.memref_slice %arg7[%mul3A_239] : memref<5120xi32, #tpu.memory_space<vmem>> -> memref<64xi32, #tpu.memory_space<vmem>>
          %dma_wait3A_241 = arith.constant 0 : i32
          %dma_wait3A_242 = arith.constant 0 : i32
          %dma_wait3A_243 = tpu.memref_slice %arg12[%dma_wait3A_241, %dma_wait3A_242] : memref<10240x128xf32, #tpu.memory_space<vmem_shared>> -> memref<10240x128xf32, #tpu.memory_space<vmem_shared>>
          tpu.wait_indirect_dma semaphore(%arg20 : memref<!tpu.dma_semaphore, #tpu.memory_space<semaphore_mem>>) src(%arg11 : memref<64x128xf32, #tpu.memory_space<vmem>>) dst(%dma_wait3A_243 : memref<10240x128xf32, #tpu.memory_space<vmem_shared>>)
        } else {
        }
        %add3A_225 = arith.constant 3 : i32
        %add3A_226 = arith.addi %add3A_119, %add3A_225 : i32
        %mul3A_227 = arith.constant 64 : i32
        %mul3A_228 = arith.muli %add3A_226, %mul3A_227 : i32
        %dma_start3A_229 = tpu.memref_slice %arg6[%mul3A_228] : memref<5120xi32, #tpu.memory_space<vmem>> -> memref<64xi32, #tpu.memory_space<vmem>>
        %dma_start3A_230 = arith.constant 0 : i32
        %dma_start3A_231 = arith.constant 0 : i32
        %dma_start3A_232 = tpu.memref_slice %arg2[%arg0, %dma_start3A_230, %dma_start3A_231] : memref<2x10240x128xf32, #tpu.memory_space<hbm>> -> memref<1x10240x128xf32, #tpu.memory_space<hbm>>
        %dma_start3A_233 = tpu.memref_squeeze %dma_start3A_232 : memref<1x10240x128xf32, #tpu.memory_space<hbm>> -> memref<10240x128xf32, #tpu.memory_space<hbm>>
        %dma_start3A_234 = arith.constant 0 : i32
        %dma_start3A_235 = arith.constant 0 : i32
        %dma_start3A_236 = tpu.memref_slice %dma_start3A_233[%dma_start3A_234, %dma_start3A_235] : memref<10240x128xf32, #tpu.memory_space<hbm>> -> memref<10240x128xf32, #tpu.memory_space<hbm>>
        tpu.enqueue_indirect_dma source(%dma_start3A_236 : memref<10240x128xf32, #tpu.memory_space<hbm>>) target(%arg11 : memref<64x128xf32, #tpu.memory_space<vmem>>) offsets(%dma_start3A_229 : memref<64xi32, #tpu.memory_space<vmem>>) semaphore(%arg16 : memref<!tpu.dma_semaphore, #tpu.memory_space<semaphore_mem>>)
      } else {
      }
      %mul3A_140 = arith.constant 4 : i32
      %mul3A_141 = arith.muli %mul3A_140, %scan3A_115 : i32
      %add3A_142 = arith.constant 1 : i32
      %add3A_143 = arith.addi %mul3A_141, %add3A_142 : i32
      %mul3A_144 = arith.constant 64 : i32
      %mul3A_145 = arith.muli %add3A_143, %mul3A_144 : i32
      %dma_wait3A_146 = tpu.memref_slice %arg6[%mul3A_145] : memref<5120xi32, #tpu.memory_space<vmem>> -> memref<64xi32, #tpu.memory_space<vmem>>
      %dma_wait3A_147 = arith.constant 0 : i32
      %dma_wait3A_148 = arith.constant 0 : i32
      %dma_wait3A_149 = tpu.memref_slice %arg2[%arg0, %dma_wait3A_147, %dma_wait3A_148] : memref<2x10240x128xf32, #tpu.memory_space<hbm>> -> memref<1x10240x128xf32, #tpu.memory_space<hbm>>
      %dma_wait3A_150 = tpu.memref_squeeze %dma_wait3A_149 : memref<1x10240x128xf32, #tpu.memory_space<hbm>> -> memref<10240x128xf32, #tpu.memory_space<hbm>>
      %dma_wait3A_151 = arith.constant 0 : i32
      %dma_wait3A_152 = arith.constant 0 : i32
      %dma_wait3A_153 = tpu.memref_slice %dma_wait3A_150[%dma_wait3A_151, %dma_wait3A_152] : memref<10240x128xf32, #tpu.memory_space<hbm>> -> memref<10240x128xf32, #tpu.memory_space<hbm>>
      tpu.wait_indirect_dma semaphore(%arg14 : memref<!tpu.dma_semaphore, #tpu.memory_space<semaphore_mem>>) src(%dma_wait3A_153 : memref<10240x128xf32, #tpu.memory_space<hbm>>) dst(%arg9 : memref<64x128xf32, #tpu.memory_space<vmem>>)
      %mul3A_154 = arith.constant 64 : i32
      %mul3A_155 = arith.muli %add3A_143, %mul3A_154 : i32
      %dma_start3A_156 = tpu.memref_slice %arg7[%mul3A_155] : memref<5120xi32, #tpu.memory_space<vmem>> -> memref<64xi32, #tpu.memory_space<vmem>>
      %dma_start3A_157 = arith.constant 0 : i32
      %dma_start3A_158 = arith.constant 0 : i32
      %dma_start3A_159 = tpu.memref_slice %arg12[%dma_start3A_157, %dma_start3A_158] : memref<10240x128xf32, #tpu.memory_space<vmem_shared>> -> memref<10240x128xf32, #tpu.memory_space<vmem_shared>>
      tpu.enqueue_indirect_dma source(%arg9 : memref<64x128xf32, #tpu.memory_space<vmem>>) target(%dma_start3A_159 : memref<10240x128xf32, #tpu.memory_space<vmem_shared>>) offsets(%dma_start3A_156 : memref<64xi32, #tpu.memory_space<vmem>>) semaphore(%arg18 : memref<!tpu.dma_semaphore, #tpu.memory_space<semaphore_mem>>) {add = true}
      %add3A_160 = arith.constant 3 : i32
      %add3A_161 = arith.addi %add3A_143, %add3A_160 : i32
      %lt3A_162 = arith.constant 80 : i32
      %lt3A_163 = arith.cmpi slt, %add3A_161, %lt3A_162 : i32
      %convert_element_type3A_164 = arith.extui %lt3A_163 : i1 to i32
      %cond3A_165 = arith.constant 0 : i32
      %cond3A_166 = arith.cmpi ne, %convert_element_type3A_164, %cond3A_165 : i32
      scf.if %cond3A_166 {
        %ge3A = arith.constant 1 : i32
        %ge3A_221 = arith.cmpi sge, %add3A_143, %ge3A : i32
        %convert_element_type3A_222 = arith.extui %ge3A_221 : i1 to i32
        %cond3A_223 = arith.constant 0 : i32
        %cond3A_224 = arith.cmpi ne, %convert_element_type3A_222, %cond3A_223 : i32
        scf.if %cond3A_224 {
          %sub3A = arith.constant 1 : i32
          %sub3A_237 = arith.subi %add3A_143, %sub3A : i32
          %mul3A_238 = arith.constant 64 : i32
          %mul3A_239 = arith.muli %sub3A_237, %mul3A_238 : i32
          %dma_wait3A_240 = tpu.memref_slice %arg7[%mul3A_239] : memref<5120xi32, #tpu.memory_space<vmem>> -> memref<64xi32, #tpu.memory_space<vmem>>
          %dma_wait3A_241 = arith.constant 0 : i32
          %dma_wait3A_242 = arith.constant 0 : i32
          %dma_wait3A_243 = tpu.memref_slice %arg12[%dma_wait3A_241, %dma_wait3A_242] : memref<10240x128xf32, #tpu.memory_space<vmem_shared>> -> memref<10240x128xf32, #tpu.memory_space<vmem_shared>>
          tpu.wait_indirect_dma semaphore(%arg17 : memref<!tpu.dma_semaphore, #tpu.memory_space<semaphore_mem>>) src(%arg8 : memref<64x128xf32, #tpu.memory_space<vmem>>) dst(%dma_wait3A_243 : memref<10240x128xf32, #tpu.memory_space<vmem_shared>>)
        } else {
        }
        %add3A_225 = arith.constant 3 : i32
        %add3A_226 = arith.addi %add3A_143, %add3A_225 : i32
        %mul3A_227 = arith.constant 64 : i32
        %mul3A_228 = arith.muli %add3A_226, %mul3A_227 : i32
        %dma_start3A_229 = tpu.memref_slice %arg6[%mul3A_228] : memref<5120xi32, #tpu.memory_space<vmem>> -> memref<64xi32, #tpu.memory_space<vmem>>
        %dma_start3A_230 = arith.constant 0 : i32
        %dma_start3A_231 = arith.constant 0 : i32
        %dma_start3A_232 = tpu.memref_slice %arg2[%arg0, %dma_start3A_230, %dma_start3A_231] : memref<2x10240x128xf32, #tpu.memory_space<hbm>> -> memref<1x10240x128xf32, #tpu.memory_space<hbm>>
        %dma_start3A_233 = tpu.memref_squeeze %dma_start3A_232 : memref<1x10240x128xf32, #tpu.memory_space<hbm>> -> memref<10240x128xf32, #tpu.memory_space<hbm>>
        %dma_start3A_234 = arith.constant 0 : i32
        %dma_start3A_235 = arith.constant 0 : i32
        %dma_start3A_236 = tpu.memref_slice %dma_start3A_233[%dma_start3A_234, %dma_start3A_235] : memref<10240x128xf32, #tpu.memory_space<hbm>> -> memref<10240x128xf32, #tpu.memory_space<hbm>>
        tpu.enqueue_indirect_dma source(%dma_start3A_236 : memref<10240x128xf32, #tpu.memory_space<hbm>>) target(%arg8 : memref<64x128xf32, #tpu.memory_space<vmem>>) offsets(%dma_start3A_229 : memref<64xi32, #tpu.memory_space<vmem>>) semaphore(%arg13 : memref<!tpu.dma_semaphore, #tpu.memory_space<semaphore_mem>>)
      } else {
      }
      %mul3A_167 = arith.constant 4 : i32
      %mul3A_168 = arith.muli %mul3A_167, %scan3A_115 : i32
      %add3A_169 = arith.constant 2 : i32
      %add3A_170 = arith.addi %mul3A_168, %add3A_169 : i32
      %mul3A_171 = arith.constant 64 : i32
      %mul3A_172 = arith.muli %add3A_170, %mul3A_171 : i32
      %dma_wait3A_173 = tpu.memref_slice %arg6[%mul3A_172] : memref<5120xi32, #tpu.memory_space<vmem>> -> memref<64xi32, #tpu.memory_space<vmem>>
      %dma_wait3A_174 = arith.constant 0 : i32
      %dma_wait3A_175 = arith.constant 0 : i32
      %dma_wait3A_176 = tpu.memref_slice %arg2[%arg0, %dma_wait3A_174, %dma_wait3A_175] : memref<2x10240x128xf32, #tpu.memory_space<hbm>> -> memref<1x10240x128xf32, #tpu.memory_space<hbm>>
      %dma_wait3A_177 = tpu.memref_squeeze %dma_wait3A_176 : memref<1x10240x128xf32, #tpu.memory_space<hbm>> -> memref<10240x128xf32, #tpu.memory_space<hbm>>
      %dma_wait3A_178 = arith.constant 0 : i32
      %dma_wait3A_179 = arith.constant 0 : i32
      %dma_wait3A_180 = tpu.memref_slice %dma_wait3A_177[%dma_wait3A_178, %dma_wait3A_179] : memref<10240x128xf32, #tpu.memory_space<hbm>> -> memref<10240x128xf32, #tpu.memory_space<hbm>>
      tpu.wait_indirect_dma semaphore(%arg15 : memref<!tpu.dma_semaphore, #tpu.memory_space<semaphore_mem>>) src(%dma_wait3A_180 : memref<10240x128xf32, #tpu.memory_space<hbm>>) dst(%arg10 : memref<64x128xf32, #tpu.memory_space<vmem>>)
      %mul3A_181 = arith.constant 64 : i32
      %mul3A_182 = arith.muli %add3A_170, %mul3A_181 : i32
      %dma_start3A_183 = tpu.memref_slice %arg7[%mul3A_182] : memref<5120xi32, #tpu.memory_space<vmem>> -> memref<64xi32, #tpu.memory_space<vmem>>
      %dma_start3A_184 = arith.constant 0 : i32
      %dma_start3A_185 = arith.constant 0 : i32
      %dma_start3A_186 = tpu.memref_slice %arg12[%dma_start3A_184, %dma_start3A_185] : memref<10240x128xf32, #tpu.memory_space<vmem_shared>> -> memref<10240x128xf32, #tpu.memory_space<vmem_shared>>
      tpu.enqueue_indirect_dma source(%arg10 : memref<64x128xf32, #tpu.memory_space<vmem>>) target(%dma_start3A_186 : memref<10240x128xf32, #tpu.memory_space<vmem_shared>>) offsets(%dma_start3A_183 : memref<64xi32, #tpu.memory_space<vmem>>) semaphore(%arg19 : memref<!tpu.dma_semaphore, #tpu.memory_space<semaphore_mem>>) {add = true}
      %add3A_187 = arith.constant 3 : i32
      %add3A_188 = arith.addi %add3A_170, %add3A_187 : i32
      %lt3A_189 = arith.constant 80 : i32
      %lt3A_190 = arith.cmpi slt, %add3A_188, %lt3A_189 : i32
      %convert_element_type3A_191 = arith.extui %lt3A_190 : i1 to i32
      %cond3A_192 = arith.constant 0 : i32
      %cond3A_193 = arith.cmpi ne, %convert_element_type3A_191, %cond3A_192 : i32
      scf.if %cond3A_193 {
        %ge3A = arith.constant 1 : i32
        %ge3A_221 = arith.cmpi sge, %add3A_170, %ge3A : i32
        %convert_element_type3A_222 = arith.extui %ge3A_221 : i1 to i32
        %cond3A_223 = arith.constant 0 : i32
        %cond3A_224 = arith.cmpi ne, %convert_element_type3A_222, %cond3A_223 : i32
        scf.if %cond3A_224 {
          %sub3A = arith.constant 1 : i32
          %sub3A_237 = arith.subi %add3A_170, %sub3A : i32
          %mul3A_238 = arith.constant 64 : i32
          %mul3A_239 = arith.muli %sub3A_237, %mul3A_238 : i32
          %dma_wait3A_240 = tpu.memref_slice %arg7[%mul3A_239] : memref<5120xi32, #tpu.memory_space<vmem>> -> memref<64xi32, #tpu.memory_space<vmem>>
          %dma_wait3A_241 = arith.constant 0 : i32
          %dma_wait3A_242 = arith.constant 0 : i32
          %dma_wait3A_243 = tpu.memref_slice %arg12[%dma_wait3A_241, %dma_wait3A_242] : memref<10240x128xf32, #tpu.memory_space<vmem_shared>> -> memref<10240x128xf32, #tpu.memory_space<vmem_shared>>
          tpu.wait_indirect_dma semaphore(%arg18 : memref<!tpu.dma_semaphore, #tpu.memory_space<semaphore_mem>>) src(%arg9 : memref<64x128xf32, #tpu.memory_space<vmem>>) dst(%dma_wait3A_243 : memref<10240x128xf32, #tpu.memory_space<vmem_shared>>)
        } else {
        }
        %add3A_225 = arith.constant 3 : i32
        %add3A_226 = arith.addi %add3A_170, %add3A_225 : i32
        %mul3A_227 = arith.constant 64 : i32
        %mul3A_228 = arith.muli %add3A_226, %mul3A_227 : i32
        %dma_start3A_229 = tpu.memref_slice %arg6[%mul3A_228] : memref<5120xi32, #tpu.memory_space<vmem>> -> memref<64xi32, #tpu.memory_space<vmem>>
        %dma_start3A_230 = arith.constant 0 : i32
        %dma_start3A_231 = arith.constant 0 : i32
        %dma_start3A_232 = tpu.memref_slice %arg2[%arg0, %dma_start3A_230, %dma_start3A_231] : memref<2x10240x128xf32, #tpu.memory_space<hbm>> -> memref<1x10240x128xf32, #tpu.memory_space<hbm>>
        %dma_start3A_233 = tpu.memref_squeeze %dma_start3A_232 : memref<1x10240x128xf32, #tpu.memory_space<hbm>> -> memref<10240x128xf32, #tpu.memory_space<hbm>>
        %dma_start3A_234 = arith.constant 0 : i32
        %dma_start3A_235 = arith.constant 0 : i32
        %dma_start3A_236 = tpu.memref_slice %dma_start3A_233[%dma_start3A_234, %dma_start3A_235] : memref<10240x128xf32, #tpu.memory_space<hbm>> -> memref<10240x128xf32, #tpu.memory_space<hbm>>
        tpu.enqueue_indirect_dma source(%dma_start3A_236 : memref<10240x128xf32, #tpu.memory_space<hbm>>) target(%arg9 : memref<64x128xf32, #tpu.memory_space<vmem>>) offsets(%dma_start3A_229 : memref<64xi32, #tpu.memory_space<vmem>>) semaphore(%arg14 : memref<!tpu.dma_semaphore, #tpu.memory_space<semaphore_mem>>)
      } else {
      }
      %mul3A_194 = arith.constant 4 : i32
      %mul3A_195 = arith.muli %mul3A_194, %scan3A_115 : i32
      %add3A_196 = arith.constant 3 : i32
      %add3A_197 = arith.addi %mul3A_195, %add3A_196 : i32
      %mul3A_198 = arith.constant 64 : i32
      %mul3A_199 = arith.muli %add3A_197, %mul3A_198 : i32
      %dma_wait3A_200 = tpu.memref_slice %arg6[%mul3A_199] : memref<5120xi32, #tpu.memory_space<vmem>> -> memref<64xi32, #tpu.memory_space<vmem>>
      %dma_wait3A_201 = arith.constant 0 : i32
      %dma_wait3A_202 = arith.constant 0 : i32
      %dma_wait3A_203 = tpu.memref_slice %arg2[%arg0, %dma_wait3A_201, %dma_wait3A_202] : memref<2x10240x128xf32, #tpu.memory_space<hbm>> -> memref<1x10240x128xf32, #tpu.memory_space<hbm>>
      %dma_wait3A_204 = tpu.memref_squeeze %dma_wait3A_203 : memref<1x10240x128xf32, #tpu.memory_space<hbm>> -> memref<10240x128xf32, #tpu.memory_space<hbm>>
      %dma_wait3A_205 = arith.constant 0 : i32
      %dma_wait3A_206 = arith.constant 0 : i32
      %dma_wait3A_207 = tpu.memref_slice %dma_wait3A_204[%dma_wait3A_205, %dma_wait3A_206] : memref<10240x128xf32, #tpu.memory_space<hbm>> -> memref<10240x128xf32, #tpu.memory_space<hbm>>
      tpu.wait_indirect_dma semaphore(%arg16 : memref<!tpu.dma_semaphore, #tpu.memory_space<semaphore_mem>>) src(%dma_wait3A_207 : memref<10240x128xf32, #tpu.memory_space<hbm>>) dst(%arg11 : memref<64x128xf32, #tpu.memory_space<vmem>>)
      %mul3A_208 = arith.constant 64 : i32
      %mul3A_209 = arith.muli %add3A_197, %mul3A_208 : i32
      %dma_start3A_210 = tpu.memref_slice %arg7[%mul3A_209] : memref<5120xi32, #tpu.memory_space<vmem>> -> memref<64xi32, #tpu.memory_space<vmem>>
      %dma_start3A_211 = arith.constant 0 : i32
      %dma_start3A_212 = arith.constant 0 : i32
      %dma_start3A_213 = tpu.memref_slice %arg12[%dma_start3A_211, %dma_start3A_212] : memref<10240x128xf32, #tpu.memory_space<vmem_shared>> -> memref<10240x128xf32, #tpu.memory_space<vmem_shared>>
      tpu.enqueue_indirect_dma source(%arg11 : memref<64x128xf32, #tpu.memory_space<vmem>>) target(%dma_start3A_213 : memref<10240x128xf32, #tpu.memory_space<vmem_shared>>) offsets(%dma_start3A_210 : memref<64xi32, #tpu.memory_space<vmem>>) semaphore(%arg20 : memref<!tpu.dma_semaphore, #tpu.memory_space<semaphore_mem>>) {add = true}
      %add3A_214 = arith.constant 3 : i32
      %add3A_215 = arith.addi %add3A_197, %add3A_214 : i32
      %lt3A_216 = arith.constant 80 : i32
      %lt3A_217 = arith.cmpi slt, %add3A_215, %lt3A_216 : i32
      %convert_element_type3A_218 = arith.extui %lt3A_217 : i1 to i32
      %cond3A_219 = arith.constant 0 : i32
      %cond3A_220 = arith.cmpi ne, %convert_element_type3A_218, %cond3A_219 : i32
      scf.if %cond3A_220 {
        %ge3A = arith.constant 1 : i32
        %ge3A_221 = arith.cmpi sge, %add3A_197, %ge3A : i32
        %convert_element_type3A_222 = arith.extui %ge3A_221 : i1 to i32
        %cond3A_223 = arith.constant 0 : i32
        %cond3A_224 = arith.cmpi ne, %convert_element_type3A_222, %cond3A_223 : i32
        scf.if %cond3A_224 {
          %sub3A = arith.constant 1 : i32
          %sub3A_237 = arith.subi %add3A_197, %sub3A : i32
          %mul3A_238 = arith.constant 64 : i32
          %mul3A_239 = arith.muli %sub3A_237, %mul3A_238 : i32
          %dma_wait3A_240 = tpu.memref_slice %arg7[%mul3A_239] : memref<5120xi32, #tpu.memory_space<vmem>> -> memref<64xi32, #tpu.memory_space<vmem>>
          %dma_wait3A_241 = arith.constant 0 : i32
          %dma_wait3A_242 = arith.constant 0 : i32
          %dma_wait3A_243 = tpu.memref_slice %arg12[%dma_wait3A_241, %dma_wait3A_242] : memref<10240x128xf32, #tpu.memory_space<vmem_shared>> -> memref<10240x128xf32, #tpu.memory_space<vmem_shared>>
          tpu.wait_indirect_dma semaphore(%arg19 : memref<!tpu.dma_semaphore, #tpu.memory_space<semaphore_mem>>) src(%arg10 : memref<64x128xf32, #tpu.memory_space<vmem>>) dst(%dma_wait3A_243 : memref<10240x128xf32, #tpu.memory_space<vmem_shared>>)
        } else {
        }
        %add3A_225 = arith.constant 3 : i32
        %add3A_226 = arith.addi %add3A_197, %add3A_225 : i32
        %mul3A_227 = arith.constant 64 : i32
        %mul3A_228 = arith.muli %add3A_226, %mul3A_227 : i32
        %dma_start3A_229 = tpu.memref_slice %arg6[%mul3A_228] : memref<5120xi32, #tpu.memory_space<vmem>> -> memref<64xi32, #tpu.memory_space<vmem>>
        %dma_start3A_230 = arith.constant 0 : i32
        %dma_start3A_231 = arith.constant 0 : i32
        %dma_start3A_232 = tpu.memref_slice %arg2[%arg0, %dma_start3A_230, %dma_start3A_231] : memref<2x10240x128xf32, #tpu.memory_space<hbm>> -> memref<1x10240x128xf32, #tpu.memory_space<hbm>>
        %dma_start3A_233 = tpu.memref_squeeze %dma_start3A_232 : memref<1x10240x128xf32, #tpu.memory_space<hbm>> -> memref<10240x128xf32, #tpu.memory_space<hbm>>
        %dma_start3A_234 = arith.constant 0 : i32
        %dma_start3A_235 = arith.constant 0 : i32
        %dma_start3A_236 = tpu.memref_slice %dma_start3A_233[%dma_start3A_234, %dma_start3A_235] : memref<10240x128xf32, #tpu.memory_space<hbm>> -> memref<10240x128xf32, #tpu.memory_space<hbm>>
        tpu.enqueue_indirect_dma source(%dma_start3A_236 : memref<10240x128xf32, #tpu.memory_space<hbm>>) target(%arg10 : memref<64x128xf32, #tpu.memory_space<vmem>>) offsets(%dma_start3A_229 : memref<64xi32, #tpu.memory_space<vmem>>) semaphore(%arg15 : memref<!tpu.dma_semaphore, #tpu.memory_space<semaphore_mem>>)
      } else {
      }
    }
    %scan3A_89 = arith.constant 20 : i32
    %dma_wait3A_90 = arith.constant 4864 : i32
    %dma_wait3A_91 = tpu.memref_slice %arg7[%dma_wait3A_90] : memref<5120xi32, #tpu.memory_space<vmem>> -> memref<64xi32, #tpu.memory_space<vmem>>
    %dma_wait3A_92 = arith.constant 0 : i32
    %dma_wait3A_93 = arith.constant 0 : i32
    %dma_wait3A_94 = tpu.memref_slice %arg12[%dma_wait3A_92, %dma_wait3A_93] : memref<10240x128xf32, #tpu.memory_space<vmem_shared>> -> memref<10240x128xf32, #tpu.memory_space<vmem_shared>>
    tpu.wait_indirect_dma semaphore(%arg17 : memref<!tpu.dma_semaphore, #tpu.memory_space<semaphore_mem>>) src(%arg8 : memref<64x128xf32, #tpu.memory_space<vmem>>) dst(%dma_wait3A_94 : memref<10240x128xf32, #tpu.memory_space<vmem_shared>>)
    %dma_wait3A_95 = arith.constant 4928 : i32
    %dma_wait3A_96 = tpu.memref_slice %arg7[%dma_wait3A_95] : memref<5120xi32, #tpu.memory_space<vmem>> -> memref<64xi32, #tpu.memory_space<vmem>>
    %dma_wait3A_97 = arith.constant 0 : i32
    %dma_wait3A_98 = arith.constant 0 : i32
    %dma_wait3A_99 = tpu.memref_slice %arg12[%dma_wait3A_97, %dma_wait3A_98] : memref<10240x128xf32, #tpu.memory_space<vmem_shared>> -> memref<10240x128xf32, #tpu.memory_space<vmem_shared>>
    tpu.wait_indirect_dma semaphore(%arg18 : memref<!tpu.dma_semaphore, #tpu.memory_space<semaphore_mem>>) src(%arg9 : memref<64x128xf32, #tpu.memory_space<vmem>>) dst(%dma_wait3A_99 : memref<10240x128xf32, #tpu.memory_space<vmem_shared>>)
    %dma_wait3A_100 = arith.constant 4992 : i32
    %dma_wait3A_101 = tpu.memref_slice %arg7[%dma_wait3A_100] : memref<5120xi32, #tpu.memory_space<vmem>> -> memref<64xi32, #tpu.memory_space<vmem>>
    %dma_wait3A_102 = arith.constant 0 : i32
    %dma_wait3A_103 = arith.constant 0 : i32
    %dma_wait3A_104 = tpu.memref_slice %arg12[%dma_wait3A_102, %dma_wait3A_103] : memref<10240x128xf32, #tpu.memory_space<vmem_shared>> -> memref<10240x128xf32, #tpu.memory_space<vmem_shared>>
    tpu.wait_indirect_dma semaphore(%arg19 : memref<!tpu.dma_semaphore, #tpu.memory_space<semaphore_mem>>) src(%arg10 : memref<64x128xf32, #tpu.memory_space<vmem>>) dst(%dma_wait3A_104 : memref<10240x128xf32, #tpu.memory_space<vmem_shared>>)
    %dma_wait3A_105 = arith.constant 5056 : i32
    %dma_wait3A_106 = tpu.memref_slice %arg7[%dma_wait3A_105] : memref<5120xi32, #tpu.memory_space<vmem>> -> memref<64xi32, #tpu.memory_space<vmem>>
    %dma_wait3A_107 = arith.constant 0 : i32
    %dma_wait3A_108 = arith.constant 0 : i32
    %dma_wait3A_109 = tpu.memref_slice %arg12[%dma_wait3A_107, %dma_wait3A_108] : memref<10240x128xf32, #tpu.memory_space<vmem_shared>> -> memref<10240x128xf32, #tpu.memory_space<vmem_shared>>
    tpu.wait_indirect_dma semaphore(%arg20 : memref<!tpu.dma_semaphore, #tpu.memory_space<semaphore_mem>>) src(%arg11 : memref<64x128xf32, #tpu.memory_space<vmem>>) dst(%dma_wait3A_109 : memref<10240x128xf32, #tpu.memory_space<vmem_shared>>)
    %barrier3A_110 = arith.constant 0 : index
    tpu.barrier barrier_id(%barrier3A_110)
    %mul3A_111 = arith.constant 640 : i32
    %mul3A_112 = arith.muli %arg1, %mul3A_111 : i32
    %mul3A_113 = arith.constant 640 : i32
    %mul3A_114 = arith.muli %arg1, %mul3A_113 : i32
    "tpu.region"() ({
      %run_scoped3A_115 = tpu.sem_alloc : memref<!tpu.dma_semaphore, #tpu.memory_space<semaphore_mem>>
      %dma_start3A_116 = arith.constant 0 : i32
      %dma_start3A_117 = tpu.memref_slice %arg5[%arg0, %mul3A_114, %dma_start3A_116] : memref<2x10240x128xf32, #tpu.memory_space<hbm>> -> memref<1x640x128xf32, #tpu.memory_space<hbm>>
      %dma_start3A_118 = tpu.memref_squeeze %dma_start3A_117 : memref<1x640x128xf32, #tpu.memory_space<hbm>> -> memref<640x128xf32, #tpu.memory_space<hbm>>
      %dma_start3A_119 = arith.constant 0 : i32
      %dma_start3A_120 = tpu.memref_slice %arg12[%mul3A_112, %dma_start3A_119] : memref<10240x128xf32, #tpu.memory_space<vmem_shared>> -> memref<640x128xf32, #tpu.memory_space<vmem_shared>>
      tpu.enqueue_dma source(%dma_start3A_120 : memref<640x128xf32, #tpu.memory_space<vmem_shared>>) target(%dma_start3A_118 : memref<640x128xf32, #tpu.memory_space<hbm>>) target_semaphore(%run_scoped3A_115 : memref<!tpu.dma_semaphore, #tpu.memory_space<semaphore_mem>>)
      %dma_wait3A_121 = arith.constant 0 : i32
      %dma_wait3A_122 = tpu.memref_slice %arg5[%arg0, %mul3A_114, %dma_wait3A_121] : memref<2x10240x128xf32, #tpu.memory_space<hbm>> -> memref<1x640x128xf32, #tpu.memory_space<hbm>>
      %dma_wait3A_123 = tpu.memref_squeeze %dma_wait3A_122 : memref<1x640x128xf32, #tpu.memory_space<hbm>> -> memref<640x128xf32, #tpu.memory_space<hbm>>
      %dma_wait3A_124 = arith.constant 0 : i32
      %dma_wait3A_125 = tpu.memref_slice %arg12[%mul3A_112, %dma_wait3A_124] : memref<10240x128xf32, #tpu.memory_space<vmem_shared>> -> memref<640x128xf32, #tpu.memory_space<vmem_shared>>
      tpu.wait_dma2 semaphore(%run_scoped3A_115 : memref<!tpu.dma_semaphore, #tpu.memory_space<semaphore_mem>>) src(%dma_wait3A_125 : memref<640x128xf32, #tpu.memory_space<vmem_shared>>) dst(%dma_wait3A_123 : memref<640x128xf32, #tpu.memory_space<hbm>>)
      tpu.yield
    }) : () -> ()
    return
  }
}

#map = affine_map<(d0, d1) -> (0, 0, 0)>
#map1 = affine_map<(d0, d1) -> (0, 0)>
module attributes {stable_mosaic.version = 14 : i64} {
  func.func @_spmm_body4(%arg0: i32, %arg1: i32, %arg2: memref<2x10240x128xf32, #tpu.memory_space<hbm>>, %arg3: memref<2x32x5120xi32, #tpu.memory_space<hbm>>, %arg4: memref<640x128xf32, #tpu.memory_space<hbm>>, %arg5: memref<2x10240x128xf32, #tpu.memory_space<hbm>>, %arg6: memref<5120xi32, #tpu.memory_space<vmem>>, %arg7: memref<5120xi32, #tpu.memory_space<vmem>>, %arg8: memref<64x128xf32, #tpu.memory_space<vmem>>, %arg9: memref<64x128xf32, #tpu.memory_space<vmem>>, %arg10: memref<64x128xf32, #tpu.memory_space<vmem>>, %arg11: memref<64x128xf32, #tpu.memory_space<vmem>>, %arg12: memref<10240x128xf32, #tpu.memory_space<vmem_shared>>, %arg13: memref<!tpu.dma_semaphore, #tpu.memory_space<semaphore_mem>>, %arg14: memref<!tpu.dma_semaphore, #tpu.memory_space<semaphore_mem>>, %arg15: memref<!tpu.dma_semaphore, #tpu.memory_space<semaphore_mem>>, %arg16: memref<!tpu.dma_semaphore, #tpu.memory_space<semaphore_mem>>, %arg17: memref<!tpu.dma_semaphore, #tpu.memory_space<semaphore_mem>>, %arg18: memref<!tpu.dma_semaphore, #tpu.memory_space<semaphore_mem>>, %arg19: memref<!tpu.dma_semaphore, #tpu.memory_space<semaphore_mem>>, %arg20: memref<!tpu.dma_semaphore, #tpu.memory_space<semaphore_mem>>) attributes {dimension_semantics = [#tpu.dimension_semantics<core_parallel>, #tpu.dimension_semantics<subcore_parallel>], iteration_bounds = array<i64: 2, 16>, scalar_prefetch = 0 : i64, scratch_operands = 15 : i64, tpu.core_type = #tpu.core_type<sc_vector_subcore>, window_params = [{transform_indices = #map}, {transform_indices = #map}, {transform_indices = #map1}, {transform_indices = #map}]} {
    %mul3A = arith.constant 640 : i32
    %mul3A_0 = arith.muli %arg1, %mul3A : i32
    "tpu.region"() ({
      %run_scoped3A_115 = tpu.sem_alloc : memref<!tpu.dma_semaphore, #tpu.memory_space<semaphore_mem>>
      %dma_start3A_116 = arith.constant 0 : i32
      %dma_start3A_117 = tpu.memref_slice %arg12[%mul3A_0, %dma_start3A_116] : memref<10240x128xf32, #tpu.memory_space<vmem_shared>> -> memref<640x128xf32, #tpu.memory_space<vmem_shared>>
      tpu.enqueue_dma source(%arg4 : memref<640x128xf32, #tpu.memory_space<hbm>>) target(%dma_start3A_117 : memref<640x128xf32, #tpu.memory_space<vmem_shared>>) target_semaphore(%run_scoped3A_115 : memref<!tpu.dma_semaphore, #tpu.memory_space<semaphore_mem>>)
      %dma_wait3A_118 = arith.constant 0 : i32
      %dma_wait3A_119 = tpu.memref_slice %arg12[%mul3A_0, %dma_wait3A_118] : memref<10240x128xf32, #tpu.memory_space<vmem_shared>> -> memref<640x128xf32, #tpu.memory_space<vmem_shared>>
      tpu.wait_dma2 semaphore(%run_scoped3A_115 : memref<!tpu.dma_semaphore, #tpu.memory_space<semaphore_mem>>) src(%arg4 : memref<640x128xf32, #tpu.memory_space<hbm>>) dst(%dma_wait3A_119 : memref<640x128xf32, #tpu.memory_space<vmem_shared>>)
      tpu.yield
    }) : () -> ()
    %barrier3A = arith.constant 0 : index
    tpu.barrier barrier_id(%barrier3A)
    %add3A = arith.constant 0 : i32
    %add3A_1 = arith.addi %arg1, %add3A : i32
    %run_scoped3A = arith.constant 0 : i32
    "tpu.region"() ({
      %run_scoped3A_115 = tpu.sem_alloc : memref<!tpu.dma_semaphore, #tpu.memory_space<semaphore_mem>>
      %dma_start3A_116 = arith.constant 0 : i32
      %dma_start3A_117 = tpu.memref_slice %arg3[%run_scoped3A, %add3A_1, %dma_start3A_116] : memref<2x32x5120xi32, #tpu.memory_space<hbm>> -> memref<1x1x5120xi32, #tpu.memory_space<hbm>>
      %dma_start3A_118 = tpu.memref_squeeze %dma_start3A_117 : memref<1x1x5120xi32, #tpu.memory_space<hbm>> -> memref<5120xi32, #tpu.memory_space<hbm>>
      %dma_start3A_119 = arith.constant 0 : i32
      %dma_start3A_120 = tpu.memref_slice %arg3[%run_scoped3A, %add3A_1, %dma_start3A_119] : memref<2x32x5120xi32, #tpu.memory_space<hbm>> -> memref<1x1x5120xi32, #tpu.memory_space<hbm>>
      %dma_start3A_121 = tpu.memref_squeeze %dma_start3A_120 : memref<1x1x5120xi32, #tpu.memory_space<hbm>> -> memref<5120xi32, #tpu.memory_space<hbm>>
      tpu.enqueue_dma source(%dma_start3A_121 : memref<5120xi32, #tpu.memory_space<hbm>>) target(%arg6 : memref<5120xi32, #tpu.memory_space<vmem>>) target_semaphore(%run_scoped3A_115 : memref<!tpu.dma_semaphore, #tpu.memory_space<semaphore_mem>>)
      %dma_wait3A_122 = arith.constant 0 : i32
      %dma_wait3A_123 = tpu.memref_slice %arg3[%run_scoped3A, %add3A_1, %dma_wait3A_122] : memref<2x32x5120xi32, #tpu.memory_space<hbm>> -> memref<1x1x5120xi32, #tpu.memory_space<hbm>>
      %dma_wait3A_124 = tpu.memref_squeeze %dma_wait3A_123 : memref<1x1x5120xi32, #tpu.memory_space<hbm>> -> memref<5120xi32, #tpu.memory_space<hbm>>
      %dma_wait3A_125 = arith.constant 0 : i32
      %dma_wait3A_126 = tpu.memref_slice %arg3[%run_scoped3A, %add3A_1, %dma_wait3A_125] : memref<2x32x5120xi32, #tpu.memory_space<hbm>> -> memref<1x1x5120xi32, #tpu.memory_space<hbm>>
      %dma_wait3A_127 = tpu.memref_squeeze %dma_wait3A_126 : memref<1x1x5120xi32, #tpu.memory_space<hbm>> -> memref<5120xi32, #tpu.memory_space<hbm>>
      tpu.wait_dma2 semaphore(%run_scoped3A_115 : memref<!tpu.dma_semaphore, #tpu.memory_space<semaphore_mem>>) src(%dma_wait3A_127 : memref<5120xi32, #tpu.memory_space<hbm>>) dst(%arg6 : memref<5120xi32, #tpu.memory_space<vmem>>)
      tpu.yield
    }) : () -> ()
    %run_scoped3A_2 = arith.constant 1 : i32
    "tpu.region"() ({
      %run_scoped3A_115 = tpu.sem_alloc : memref<!tpu.dma_semaphore, #tpu.memory_space<semaphore_mem>>
      %dma_start3A_116 = arith.constant 0 : i32
      %dma_start3A_117 = tpu.memref_slice %arg3[%run_scoped3A_2, %add3A_1, %dma_start3A_116] : memref<2x32x5120xi32, #tpu.memory_space<hbm>> -> memref<1x1x5120xi32, #tpu.memory_space<hbm>>
      %dma_start3A_118 = tpu.memref_squeeze %dma_start3A_117 : memref<1x1x5120xi32, #tpu.memory_space<hbm>> -> memref<5120xi32, #tpu.memory_space<hbm>>
      %dma_start3A_119 = arith.constant 0 : i32
      %dma_start3A_120 = tpu.memref_slice %arg3[%run_scoped3A_2, %add3A_1, %dma_start3A_119] : memref<2x32x5120xi32, #tpu.memory_space<hbm>> -> memref<1x1x5120xi32, #tpu.memory_space<hbm>>
      %dma_start3A_121 = tpu.memref_squeeze %dma_start3A_120 : memref<1x1x5120xi32, #tpu.memory_space<hbm>> -> memref<5120xi32, #tpu.memory_space<hbm>>
      tpu.enqueue_dma source(%dma_start3A_121 : memref<5120xi32, #tpu.memory_space<hbm>>) target(%arg7 : memref<5120xi32, #tpu.memory_space<vmem>>) target_semaphore(%run_scoped3A_115 : memref<!tpu.dma_semaphore, #tpu.memory_space<semaphore_mem>>)
      %dma_wait3A_122 = arith.constant 0 : i32
      %dma_wait3A_123 = tpu.memref_slice %arg3[%run_scoped3A_2, %add3A_1, %dma_wait3A_122] : memref<2x32x5120xi32, #tpu.memory_space<hbm>> -> memref<1x1x5120xi32, #tpu.memory_space<hbm>>
      %dma_wait3A_124 = tpu.memref_squeeze %dma_wait3A_123 : memref<1x1x5120xi32, #tpu.memory_space<hbm>> -> memref<5120xi32, #tpu.memory_space<hbm>>
      %dma_wait3A_125 = arith.constant 0 : i32
      %dma_wait3A_126 = tpu.memref_slice %arg3[%run_scoped3A_2, %add3A_1, %dma_wait3A_125] : memref<2x32x5120xi32, #tpu.memory_space<hbm>> -> memref<1x1x5120xi32, #tpu.memory_space<hbm>>
      %dma_wait3A_127 = tpu.memref_squeeze %dma_wait3A_126 : memref<1x1x5120xi32, #tpu.memory_space<hbm>> -> memref<5120xi32, #tpu.memory_space<hbm>>
      tpu.wait_dma2 semaphore(%run_scoped3A_115 : memref<!tpu.dma_semaphore, #tpu.memory_space<semaphore_mem>>) src(%dma_wait3A_127 : memref<5120xi32, #tpu.memory_space<hbm>>) dst(%arg7 : memref<5120xi32, #tpu.memory_space<vmem>>)
      tpu.yield
    }) : () -> ()
    %dma_start3A = arith.constant 0 : i32
    %dma_start3A_3 = tpu.memref_slice %arg6[%dma_start3A] : memref<5120xi32, #tpu.memory_space<vmem>> -> memref<64xi32, #tpu.memory_space<vmem>>
    %dma_start3A_4 = arith.constant 0 : i32
    %dma_start3A_5 = arith.constant 0 : i32
    %dma_start3A_6 = tpu.memref_slice %arg2[%arg0, %dma_start3A_4, %dma_start3A_5] : memref<2x10240x128xf32, #tpu.memory_space<hbm>> -> memref<1x10240x128xf32, #tpu.memory_space<hbm>>
    %dma_start3A_7 = tpu.memref_squeeze %dma_start3A_6 : memref<1x10240x128xf32, #tpu.memory_space<hbm>> -> memref<10240x128xf32, #tpu.memory_space<hbm>>
    %dma_start3A_8 = arith.constant 0 : i32
    %dma_start3A_9 = arith.constant 0 : i32
    %dma_start3A_10 = tpu.memref_slice %dma_start3A_7[%dma_start3A_8, %dma_start3A_9] : memref<10240x128xf32, #tpu.memory_space<hbm>> -> memref<10240x128xf32, #tpu.memory_space<hbm>>
    tpu.enqueue_indirect_dma source(%dma_start3A_10 : memref<10240x128xf32, #tpu.memory_space<hbm>>) target(%arg8 : memref<64x128xf32, #tpu.memory_space<vmem>>) offsets(%dma_start3A_3 : memref<64xi32, #tpu.memory_space<vmem>>) semaphore(%arg13 : memref<!tpu.dma_semaphore, #tpu.memory_space<semaphore_mem>>)
    %dma_start3A_11 = arith.constant 64 : i32
    %dma_start3A_12 = tpu.memref_slice %arg6[%dma_start3A_11] : memref<5120xi32, #tpu.memory_space<vmem>> -> memref<64xi32, #tpu.memory_space<vmem>>
    %dma_start3A_13 = arith.constant 0 : i32
    %dma_start3A_14 = arith.constant 0 : i32
    %dma_start3A_15 = tpu.memref_slice %arg2[%arg0, %dma_start3A_13, %dma_start3A_14] : memref<2x10240x128xf32, #tpu.memory_space<hbm>> -> memref<1x10240x128xf32, #tpu.memory_space<hbm>>
    %dma_start3A_16 = tpu.memref_squeeze %dma_start3A_15 : memref<1x10240x128xf32, #tpu.memory_space<hbm>> -> memref<10240x128xf32, #tpu.memory_space<hbm>>
    %dma_start3A_17 = arith.constant 0 : i32
    %dma_start3A_18 = arith.constant 0 : i32
    %dma_start3A_19 = tpu.memref_slice %dma_start3A_16[%dma_start3A_17, %dma_start3A_18] : memref<10240x128xf32, #tpu.memory_space<hbm>> -> memref<10240x128xf32, #tpu.memory_space<hbm>>
    tpu.enqueue_indirect_dma source(%dma_start3A_19 : memref<10240x128xf32, #tpu.memory_space<hbm>>) target(%arg9 : memref<64x128xf32, #tpu.memory_space<vmem>>) offsets(%dma_start3A_12 : memref<64xi32, #tpu.memory_space<vmem>>) semaphore(%arg14 : memref<!tpu.dma_semaphore, #tpu.memory_space<semaphore_mem>>)
    %dma_start3A_20 = arith.constant 128 : i32
    %dma_start3A_21 = tpu.memref_slice %arg6[%dma_start3A_20] : memref<5120xi32, #tpu.memory_space<vmem>> -> memref<64xi32, #tpu.memory_space<vmem>>
    %dma_start3A_22 = arith.constant 0 : i32
    %dma_start3A_23 = arith.constant 0 : i32
    %dma_start3A_24 = tpu.memref_slice %arg2[%arg0, %dma_start3A_22, %dma_start3A_23] : memref<2x10240x128xf32, #tpu.memory_space<hbm>> -> memref<1x10240x128xf32, #tpu.memory_space<hbm>>
    %dma_start3A_25 = tpu.memref_squeeze %dma_start3A_24 : memref<1x10240x128xf32, #tpu.memory_space<hbm>> -> memref<10240x128xf32, #tpu.memory_space<hbm>>
    %dma_start3A_26 = arith.constant 0 : i32
    %dma_start3A_27 = arith.constant 0 : i32
    %dma_start3A_28 = tpu.memref_slice %dma_start3A_25[%dma_start3A_26, %dma_start3A_27] : memref<10240x128xf32, #tpu.memory_space<hbm>> -> memref<10240x128xf32, #tpu.memory_space<hbm>>
    tpu.enqueue_indirect_dma source(%dma_start3A_28 : memref<10240x128xf32, #tpu.memory_space<hbm>>) target(%arg10 : memref<64x128xf32, #tpu.memory_space<vmem>>) offsets(%dma_start3A_21 : memref<64xi32, #tpu.memory_space<vmem>>) semaphore(%arg15 : memref<!tpu.dma_semaphore, #tpu.memory_space<semaphore_mem>>)
    %scan3A = arith.constant 0 : i32
    %scan3A_29 = arith.constant 0 : i32
    %scan3A_30 = arith.constant 20 : i32
    %scan3A_31 = arith.addi %scan3A_29, %scan3A_30 : i32
    %scan3A_32 = arith.constant 1 : i32
    scf.for %scan3A_115 = %scan3A_29 to %scan3A_31 step %scan3A_32  : i32 {
      %mul3A_116 = arith.constant 4 : i32
      %mul3A_117 = arith.muli %mul3A_116, %scan3A_115 : i32
      %add3A_118 = arith.constant 0 : i32
      %add3A_119 = arith.addi %mul3A_117, %add3A_118 : i32
      %mul3A_120 = arith.constant 64 : i32
      %mul3A_121 = arith.muli %add3A_119, %mul3A_120 : i32
      %dma_wait3A_122 = tpu.memref_slice %arg6[%mul3A_121] : memref<5120xi32, #tpu.memory_space<vmem>> -> memref<64xi32, #tpu.memory_space<vmem>>
      %dma_wait3A_123 = arith.constant 0 : i32
      %dma_wait3A_124 = arith.constant 0 : i32
      %dma_wait3A_125 = tpu.memref_slice %arg2[%arg0, %dma_wait3A_123, %dma_wait3A_124] : memref<2x10240x128xf32, #tpu.memory_space<hbm>> -> memref<1x10240x128xf32, #tpu.memory_space<hbm>>
      %dma_wait3A_126 = tpu.memref_squeeze %dma_wait3A_125 : memref<1x10240x128xf32, #tpu.memory_space<hbm>> -> memref<10240x128xf32, #tpu.memory_space<hbm>>
      %dma_wait3A_127 = arith.constant 0 : i32
      %dma_wait3A_128 = arith.constant 0 : i32
      %dma_wait3A_129 = tpu.memref_slice %dma_wait3A_126[%dma_wait3A_127, %dma_wait3A_128] : memref<10240x128xf32, #tpu.memory_space<hbm>> -> memref<10240x128xf32, #tpu.memory_space<hbm>>
      tpu.wait_indirect_dma semaphore(%arg13 : memref<!tpu.dma_semaphore, #tpu.memory_space<semaphore_mem>>) src(%dma_wait3A_129 : memref<10240x128xf32, #tpu.memory_space<hbm>>) dst(%arg8 : memref<64x128xf32, #tpu.memory_space<vmem>>)
      %mul3A_130 = arith.constant 64 : i32
      %mul3A_131 = arith.muli %add3A_119, %mul3A_130 : i32
      %dma_start3A_132 = tpu.memref_slice %arg7[%mul3A_131] : memref<5120xi32, #tpu.memory_space<vmem>> -> memref<64xi32, #tpu.memory_space<vmem>>
      %dma_start3A_133 = arith.constant 0 : i32
      %dma_start3A_134 = arith.constant 0 : i32
      %dma_start3A_135 = tpu.memref_slice %arg12[%dma_start3A_133, %dma_start3A_134] : memref<10240x128xf32, #tpu.memory_space<vmem_shared>> -> memref<10240x128xf32, #tpu.memory_space<vmem_shared>>
      tpu.enqueue_indirect_dma source(%arg8 : memref<64x128xf32, #tpu.memory_space<vmem>>) target(%dma_start3A_135 : memref<10240x128xf32, #tpu.memory_space<vmem_shared>>) offsets(%dma_start3A_132 : memref<64xi32, #tpu.memory_space<vmem>>) semaphore(%arg17 : memref<!tpu.dma_semaphore, #tpu.memory_space<semaphore_mem>>) {add = true}
      %add3A_136 = arith.constant 3 : i32
      %add3A_137 = arith.addi %add3A_119, %add3A_136 : i32
      %lt3A = arith.constant 80 : i32
      %lt3A_138 = arith.cmpi slt, %add3A_137, %lt3A : i32
      %convert_element_type3A = arith.extui %lt3A_138 : i1 to i32
      %cond3A = arith.constant 0 : i32
      %cond3A_139 = arith.cmpi ne, %convert_element_type3A, %cond3A : i32
      scf.if %cond3A_139 {
        %ge3A = arith.constant 1 : i32
        %ge3A_221 = arith.cmpi sge, %add3A_119, %ge3A : i32
        %convert_element_type3A_222 = arith.extui %ge3A_221 : i1 to i32
        %cond3A_223 = arith.constant 0 : i32
        %cond3A_224 = arith.cmpi ne, %convert_element_type3A_222, %cond3A_223 : i32
        scf.if %cond3A_224 {
          %sub3A = arith.constant 1 : i32
          %sub3A_237 = arith.subi %add3A_119, %sub3A : i32
          %mul3A_238 = arith.constant 64 : i32
          %mul3A_239 = arith.muli %sub3A_237, %mul3A_238 : i32
          %dma_wait3A_240 = tpu.memref_slice %arg7[%mul3A_239] : memref<5120xi32, #tpu.memory_space<vmem>> -> memref<64xi32, #tpu.memory_space<vmem>>
          %dma_wait3A_241 = arith.constant 0 : i32
          %dma_wait3A_242 = arith.constant 0 : i32
          %dma_wait3A_243 = tpu.memref_slice %arg12[%dma_wait3A_241, %dma_wait3A_242] : memref<10240x128xf32, #tpu.memory_space<vmem_shared>> -> memref<10240x128xf32, #tpu.memory_space<vmem_shared>>
          tpu.wait_indirect_dma semaphore(%arg20 : memref<!tpu.dma_semaphore, #tpu.memory_space<semaphore_mem>>) src(%arg11 : memref<64x128xf32, #tpu.memory_space<vmem>>) dst(%dma_wait3A_243 : memref<10240x128xf32, #tpu.memory_space<vmem_shared>>)
        } else {
        }
        %add3A_225 = arith.constant 3 : i32
        %add3A_226 = arith.addi %add3A_119, %add3A_225 : i32
        %mul3A_227 = arith.constant 64 : i32
        %mul3A_228 = arith.muli %add3A_226, %mul3A_227 : i32
        %dma_start3A_229 = tpu.memref_slice %arg6[%mul3A_228] : memref<5120xi32, #tpu.memory_space<vmem>> -> memref<64xi32, #tpu.memory_space<vmem>>
        %dma_start3A_230 = arith.constant 0 : i32
        %dma_start3A_231 = arith.constant 0 : i32
        %dma_start3A_232 = tpu.memref_slice %arg2[%arg0, %dma_start3A_230, %dma_start3A_231] : memref<2x10240x128xf32, #tpu.memory_space<hbm>> -> memref<1x10240x128xf32, #tpu.memory_space<hbm>>
        %dma_start3A_233 = tpu.memref_squeeze %dma_start3A_232 : memref<1x10240x128xf32, #tpu.memory_space<hbm>> -> memref<10240x128xf32, #tpu.memory_space<hbm>>
        %dma_start3A_234 = arith.constant 0 : i32
        %dma_start3A_235 = arith.constant 0 : i32
        %dma_start3A_236 = tpu.memref_slice %dma_start3A_233[%dma_start3A_234, %dma_start3A_235] : memref<10240x128xf32, #tpu.memory_space<hbm>> -> memref<10240x128xf32, #tpu.memory_space<hbm>>
        tpu.enqueue_indirect_dma source(%dma_start3A_236 : memref<10240x128xf32, #tpu.memory_space<hbm>>) target(%arg11 : memref<64x128xf32, #tpu.memory_space<vmem>>) offsets(%dma_start3A_229 : memref<64xi32, #tpu.memory_space<vmem>>) semaphore(%arg16 : memref<!tpu.dma_semaphore, #tpu.memory_space<semaphore_mem>>)
      } else {
      }
      %mul3A_140 = arith.constant 4 : i32
      %mul3A_141 = arith.muli %mul3A_140, %scan3A_115 : i32
      %add3A_142 = arith.constant 1 : i32
      %add3A_143 = arith.addi %mul3A_141, %add3A_142 : i32
      %mul3A_144 = arith.constant 64 : i32
      %mul3A_145 = arith.muli %add3A_143, %mul3A_144 : i32
      %dma_wait3A_146 = tpu.memref_slice %arg6[%mul3A_145] : memref<5120xi32, #tpu.memory_space<vmem>> -> memref<64xi32, #tpu.memory_space<vmem>>
      %dma_wait3A_147 = arith.constant 0 : i32
      %dma_wait3A_148 = arith.constant 0 : i32
      %dma_wait3A_149 = tpu.memref_slice %arg2[%arg0, %dma_wait3A_147, %dma_wait3A_148] : memref<2x10240x128xf32, #tpu.memory_space<hbm>> -> memref<1x10240x128xf32, #tpu.memory_space<hbm>>
      %dma_wait3A_150 = tpu.memref_squeeze %dma_wait3A_149 : memref<1x10240x128xf32, #tpu.memory_space<hbm>> -> memref<10240x128xf32, #tpu.memory_space<hbm>>
      %dma_wait3A_151 = arith.constant 0 : i32
      %dma_wait3A_152 = arith.constant 0 : i32
      %dma_wait3A_153 = tpu.memref_slice %dma_wait3A_150[%dma_wait3A_151, %dma_wait3A_152] : memref<10240x128xf32, #tpu.memory_space<hbm>> -> memref<10240x128xf32, #tpu.memory_space<hbm>>
      tpu.wait_indirect_dma semaphore(%arg14 : memref<!tpu.dma_semaphore, #tpu.memory_space<semaphore_mem>>) src(%dma_wait3A_153 : memref<10240x128xf32, #tpu.memory_space<hbm>>) dst(%arg9 : memref<64x128xf32, #tpu.memory_space<vmem>>)
      %mul3A_154 = arith.constant 64 : i32
      %mul3A_155 = arith.muli %add3A_143, %mul3A_154 : i32
      %dma_start3A_156 = tpu.memref_slice %arg7[%mul3A_155] : memref<5120xi32, #tpu.memory_space<vmem>> -> memref<64xi32, #tpu.memory_space<vmem>>
      %dma_start3A_157 = arith.constant 0 : i32
      %dma_start3A_158 = arith.constant 0 : i32
      %dma_start3A_159 = tpu.memref_slice %arg12[%dma_start3A_157, %dma_start3A_158] : memref<10240x128xf32, #tpu.memory_space<vmem_shared>> -> memref<10240x128xf32, #tpu.memory_space<vmem_shared>>
      tpu.enqueue_indirect_dma source(%arg9 : memref<64x128xf32, #tpu.memory_space<vmem>>) target(%dma_start3A_159 : memref<10240x128xf32, #tpu.memory_space<vmem_shared>>) offsets(%dma_start3A_156 : memref<64xi32, #tpu.memory_space<vmem>>) semaphore(%arg18 : memref<!tpu.dma_semaphore, #tpu.memory_space<semaphore_mem>>) {add = true}
      %add3A_160 = arith.constant 3 : i32
      %add3A_161 = arith.addi %add3A_143, %add3A_160 : i32
      %lt3A_162 = arith.constant 80 : i32
      %lt3A_163 = arith.cmpi slt, %add3A_161, %lt3A_162 : i32
      %convert_element_type3A_164 = arith.extui %lt3A_163 : i1 to i32
      %cond3A_165 = arith.constant 0 : i32
      %cond3A_166 = arith.cmpi ne, %convert_element_type3A_164, %cond3A_165 : i32
      scf.if %cond3A_166 {
        %ge3A = arith.constant 1 : i32
        %ge3A_221 = arith.cmpi sge, %add3A_143, %ge3A : i32
        %convert_element_type3A_222 = arith.extui %ge3A_221 : i1 to i32
        %cond3A_223 = arith.constant 0 : i32
        %cond3A_224 = arith.cmpi ne, %convert_element_type3A_222, %cond3A_223 : i32
        scf.if %cond3A_224 {
          %sub3A = arith.constant 1 : i32
          %sub3A_237 = arith.subi %add3A_143, %sub3A : i32
          %mul3A_238 = arith.constant 64 : i32
          %mul3A_239 = arith.muli %sub3A_237, %mul3A_238 : i32
          %dma_wait3A_240 = tpu.memref_slice %arg7[%mul3A_239] : memref<5120xi32, #tpu.memory_space<vmem>> -> memref<64xi32, #tpu.memory_space<vmem>>
          %dma_wait3A_241 = arith.constant 0 : i32
          %dma_wait3A_242 = arith.constant 0 : i32
          %dma_wait3A_243 = tpu.memref_slice %arg12[%dma_wait3A_241, %dma_wait3A_242] : memref<10240x128xf32, #tpu.memory_space<vmem_shared>> -> memref<10240x128xf32, #tpu.memory_space<vmem_shared>>
          tpu.wait_indirect_dma semaphore(%arg17 : memref<!tpu.dma_semaphore, #tpu.memory_space<semaphore_mem>>) src(%arg8 : memref<64x128xf32, #tpu.memory_space<vmem>>) dst(%dma_wait3A_243 : memref<10240x128xf32, #tpu.memory_space<vmem_shared>>)
        } else {
        }
        %add3A_225 = arith.constant 3 : i32
        %add3A_226 = arith.addi %add3A_143, %add3A_225 : i32
        %mul3A_227 = arith.constant 64 : i32
        %mul3A_228 = arith.muli %add3A_226, %mul3A_227 : i32
        %dma_start3A_229 = tpu.memref_slice %arg6[%mul3A_228] : memref<5120xi32, #tpu.memory_space<vmem>> -> memref<64xi32, #tpu.memory_space<vmem>>
        %dma_start3A_230 = arith.constant 0 : i32
        %dma_start3A_231 = arith.constant 0 : i32
        %dma_start3A_232 = tpu.memref_slice %arg2[%arg0, %dma_start3A_230, %dma_start3A_231] : memref<2x10240x128xf32, #tpu.memory_space<hbm>> -> memref<1x10240x128xf32, #tpu.memory_space<hbm>>
        %dma_start3A_233 = tpu.memref_squeeze %dma_start3A_232 : memref<1x10240x128xf32, #tpu.memory_space<hbm>> -> memref<10240x128xf32, #tpu.memory_space<hbm>>
        %dma_start3A_234 = arith.constant 0 : i32
        %dma_start3A_235 = arith.constant 0 : i32
        %dma_start3A_236 = tpu.memref_slice %dma_start3A_233[%dma_start3A_234, %dma_start3A_235] : memref<10240x128xf32, #tpu.memory_space<hbm>> -> memref<10240x128xf32, #tpu.memory_space<hbm>>
        tpu.enqueue_indirect_dma source(%dma_start3A_236 : memref<10240x128xf32, #tpu.memory_space<hbm>>) target(%arg8 : memref<64x128xf32, #tpu.memory_space<vmem>>) offsets(%dma_start3A_229 : memref<64xi32, #tpu.memory_space<vmem>>) semaphore(%arg13 : memref<!tpu.dma_semaphore, #tpu.memory_space<semaphore_mem>>)
      } else {
      }
      %mul3A_167 = arith.constant 4 : i32
      %mul3A_168 = arith.muli %mul3A_167, %scan3A_115 : i32
      %add3A_169 = arith.constant 2 : i32
      %add3A_170 = arith.addi %mul3A_168, %add3A_169 : i32
      %mul3A_171 = arith.constant 64 : i32
      %mul3A_172 = arith.muli %add3A_170, %mul3A_171 : i32
      %dma_wait3A_173 = tpu.memref_slice %arg6[%mul3A_172] : memref<5120xi32, #tpu.memory_space<vmem>> -> memref<64xi32, #tpu.memory_space<vmem>>
      %dma_wait3A_174 = arith.constant 0 : i32
      %dma_wait3A_175 = arith.constant 0 : i32
      %dma_wait3A_176 = tpu.memref_slice %arg2[%arg0, %dma_wait3A_174, %dma_wait3A_175] : memref<2x10240x128xf32, #tpu.memory_space<hbm>> -> memref<1x10240x128xf32, #tpu.memory_space<hbm>>
      %dma_wait3A_177 = tpu.memref_squeeze %dma_wait3A_176 : memref<1x10240x128xf32, #tpu.memory_space<hbm>> -> memref<10240x128xf32, #tpu.memory_space<hbm>>
      %dma_wait3A_178 = arith.constant 0 : i32
      %dma_wait3A_179 = arith.constant 0 : i32
      %dma_wait3A_180 = tpu.memref_slice %dma_wait3A_177[%dma_wait3A_178, %dma_wait3A_179] : memref<10240x128xf32, #tpu.memory_space<hbm>> -> memref<10240x128xf32, #tpu.memory_space<hbm>>
      tpu.wait_indirect_dma semaphore(%arg15 : memref<!tpu.dma_semaphore, #tpu.memory_space<semaphore_mem>>) src(%dma_wait3A_180 : memref<10240x128xf32, #tpu.memory_space<hbm>>) dst(%arg10 : memref<64x128xf32, #tpu.memory_space<vmem>>)
      %mul3A_181 = arith.constant 64 : i32
      %mul3A_182 = arith.muli %add3A_170, %mul3A_181 : i32
      %dma_start3A_183 = tpu.memref_slice %arg7[%mul3A_182] : memref<5120xi32, #tpu.memory_space<vmem>> -> memref<64xi32, #tpu.memory_space<vmem>>
      %dma_start3A_184 = arith.constant 0 : i32
      %dma_start3A_185 = arith.constant 0 : i32
      %dma_start3A_186 = tpu.memref_slice %arg12[%dma_start3A_184, %dma_start3A_185] : memref<10240x128xf32, #tpu.memory_space<vmem_shared>> -> memref<10240x128xf32, #tpu.memory_space<vmem_shared>>
      tpu.enqueue_indirect_dma source(%arg10 : memref<64x128xf32, #tpu.memory_space<vmem>>) target(%dma_start3A_186 : memref<10240x128xf32, #tpu.memory_space<vmem_shared>>) offsets(%dma_start3A_183 : memref<64xi32, #tpu.memory_space<vmem>>) semaphore(%arg19 : memref<!tpu.dma_semaphore, #tpu.memory_space<semaphore_mem>>) {add = true}
      %add3A_187 = arith.constant 3 : i32
      %add3A_188 = arith.addi %add3A_170, %add3A_187 : i32
      %lt3A_189 = arith.constant 80 : i32
      %lt3A_190 = arith.cmpi slt, %add3A_188, %lt3A_189 : i32
      %convert_element_type3A_191 = arith.extui %lt3A_190 : i1 to i32
      %cond3A_192 = arith.constant 0 : i32
      %cond3A_193 = arith.cmpi ne, %convert_element_type3A_191, %cond3A_192 : i32
      scf.if %cond3A_193 {
        %ge3A = arith.constant 1 : i32
        %ge3A_221 = arith.cmpi sge, %add3A_170, %ge3A : i32
        %convert_element_type3A_222 = arith.extui %ge3A_221 : i1 to i32
        %cond3A_223 = arith.constant 0 : i32
        %cond3A_224 = arith.cmpi ne, %convert_element_type3A_222, %cond3A_223 : i32
        scf.if %cond3A_224 {
          %sub3A = arith.constant 1 : i32
          %sub3A_237 = arith.subi %add3A_170, %sub3A : i32
          %mul3A_238 = arith.constant 64 : i32
          %mul3A_239 = arith.muli %sub3A_237, %mul3A_238 : i32
          %dma_wait3A_240 = tpu.memref_slice %arg7[%mul3A_239] : memref<5120xi32, #tpu.memory_space<vmem>> -> memref<64xi32, #tpu.memory_space<vmem>>
          %dma_wait3A_241 = arith.constant 0 : i32
          %dma_wait3A_242 = arith.constant 0 : i32
          %dma_wait3A_243 = tpu.memref_slice %arg12[%dma_wait3A_241, %dma_wait3A_242] : memref<10240x128xf32, #tpu.memory_space<vmem_shared>> -> memref<10240x128xf32, #tpu.memory_space<vmem_shared>>
          tpu.wait_indirect_dma semaphore(%arg18 : memref<!tpu.dma_semaphore, #tpu.memory_space<semaphore_mem>>) src(%arg9 : memref<64x128xf32, #tpu.memory_space<vmem>>) dst(%dma_wait3A_243 : memref<10240x128xf32, #tpu.memory_space<vmem_shared>>)
        } else {
        }
        %add3A_225 = arith.constant 3 : i32
        %add3A_226 = arith.addi %add3A_170, %add3A_225 : i32
        %mul3A_227 = arith.constant 64 : i32
        %mul3A_228 = arith.muli %add3A_226, %mul3A_227 : i32
        %dma_start3A_229 = tpu.memref_slice %arg6[%mul3A_228] : memref<5120xi32, #tpu.memory_space<vmem>> -> memref<64xi32, #tpu.memory_space<vmem>>
        %dma_start3A_230 = arith.constant 0 : i32
        %dma_start3A_231 = arith.constant 0 : i32
        %dma_start3A_232 = tpu.memref_slice %arg2[%arg0, %dma_start3A_230, %dma_start3A_231] : memref<2x10240x128xf32, #tpu.memory_space<hbm>> -> memref<1x10240x128xf32, #tpu.memory_space<hbm>>
        %dma_start3A_233 = tpu.memref_squeeze %dma_start3A_232 : memref<1x10240x128xf32, #tpu.memory_space<hbm>> -> memref<10240x128xf32, #tpu.memory_space<hbm>>
        %dma_start3A_234 = arith.constant 0 : i32
        %dma_start3A_235 = arith.constant 0 : i32
        %dma_start3A_236 = tpu.memref_slice %dma_start3A_233[%dma_start3A_234, %dma_start3A_235] : memref<10240x128xf32, #tpu.memory_space<hbm>> -> memref<10240x128xf32, #tpu.memory_space<hbm>>
        tpu.enqueue_indirect_dma source(%dma_start3A_236 : memref<10240x128xf32, #tpu.memory_space<hbm>>) target(%arg9 : memref<64x128xf32, #tpu.memory_space<vmem>>) offsets(%dma_start3A_229 : memref<64xi32, #tpu.memory_space<vmem>>) semaphore(%arg14 : memref<!tpu.dma_semaphore, #tpu.memory_space<semaphore_mem>>)
      } else {
      }
      %mul3A_194 = arith.constant 4 : i32
      %mul3A_195 = arith.muli %mul3A_194, %scan3A_115 : i32
      %add3A_196 = arith.constant 3 : i32
      %add3A_197 = arith.addi %mul3A_195, %add3A_196 : i32
      %mul3A_198 = arith.constant 64 : i32
      %mul3A_199 = arith.muli %add3A_197, %mul3A_198 : i32
      %dma_wait3A_200 = tpu.memref_slice %arg6[%mul3A_199] : memref<5120xi32, #tpu.memory_space<vmem>> -> memref<64xi32, #tpu.memory_space<vmem>>
      %dma_wait3A_201 = arith.constant 0 : i32
      %dma_wait3A_202 = arith.constant 0 : i32
      %dma_wait3A_203 = tpu.memref_slice %arg2[%arg0, %dma_wait3A_201, %dma_wait3A_202] : memref<2x10240x128xf32, #tpu.memory_space<hbm>> -> memref<1x10240x128xf32, #tpu.memory_space<hbm>>
      %dma_wait3A_204 = tpu.memref_squeeze %dma_wait3A_203 : memref<1x10240x128xf32, #tpu.memory_space<hbm>> -> memref<10240x128xf32, #tpu.memory_space<hbm>>
      %dma_wait3A_205 = arith.constant 0 : i32
      %dma_wait3A_206 = arith.constant 0 : i32
      %dma_wait3A_207 = tpu.memref_slice %dma_wait3A_204[%dma_wait3A_205, %dma_wait3A_206] : memref<10240x128xf32, #tpu.memory_space<hbm>> -> memref<10240x128xf32, #tpu.memory_space<hbm>>
      tpu.wait_indirect_dma semaphore(%arg16 : memref<!tpu.dma_semaphore, #tpu.memory_space<semaphore_mem>>) src(%dma_wait3A_207 : memref<10240x128xf32, #tpu.memory_space<hbm>>) dst(%arg11 : memref<64x128xf32, #tpu.memory_space<vmem>>)
      %mul3A_208 = arith.constant 64 : i32
      %mul3A_209 = arith.muli %add3A_197, %mul3A_208 : i32
      %dma_start3A_210 = tpu.memref_slice %arg7[%mul3A_209] : memref<5120xi32, #tpu.memory_space<vmem>> -> memref<64xi32, #tpu.memory_space<vmem>>
      %dma_start3A_211 = arith.constant 0 : i32
      %dma_start3A_212 = arith.constant 0 : i32
      %dma_start3A_213 = tpu.memref_slice %arg12[%dma_start3A_211, %dma_start3A_212] : memref<10240x128xf32, #tpu.memory_space<vmem_shared>> -> memref<10240x128xf32, #tpu.memory_space<vmem_shared>>
      tpu.enqueue_indirect_dma source(%arg11 : memref<64x128xf32, #tpu.memory_space<vmem>>) target(%dma_start3A_213 : memref<10240x128xf32, #tpu.memory_space<vmem_shared>>) offsets(%dma_start3A_210 : memref<64xi32, #tpu.memory_space<vmem>>) semaphore(%arg20 : memref<!tpu.dma_semaphore, #tpu.memory_space<semaphore_mem>>) {add = true}
      %add3A_214 = arith.constant 3 : i32
      %add3A_215 = arith.addi %add3A_197, %add3A_214 : i32
      %lt3A_216 = arith.constant 80 : i32
      %lt3A_217 = arith.cmpi slt, %add3A_215, %lt3A_216 : i32
      %convert_element_type3A_218 = arith.extui %lt3A_217 : i1 to i32
      %cond3A_219 = arith.constant 0 : i32
      %cond3A_220 = arith.cmpi ne, %convert_element_type3A_218, %cond3A_219 : i32
      scf.if %cond3A_220 {
        %ge3A = arith.constant 1 : i32
        %ge3A_221 = arith.cmpi sge, %add3A_197, %ge3A : i32
        %convert_element_type3A_222 = arith.extui %ge3A_221 : i1 to i32
        %cond3A_223 = arith.constant 0 : i32
        %cond3A_224 = arith.cmpi ne, %convert_element_type3A_222, %cond3A_223 : i32
        scf.if %cond3A_224 {
          %sub3A = arith.constant 1 : i32
          %sub3A_237 = arith.subi %add3A_197, %sub3A : i32
          %mul3A_238 = arith.constant 64 : i32
          %mul3A_239 = arith.muli %sub3A_237, %mul3A_238 : i32
          %dma_wait3A_240 = tpu.memref_slice %arg7[%mul3A_239] : memref<5120xi32, #tpu.memory_space<vmem>> -> memref<64xi32, #tpu.memory_space<vmem>>
          %dma_wait3A_241 = arith.constant 0 : i32
          %dma_wait3A_242 = arith.constant 0 : i32
          %dma_wait3A_243 = tpu.memref_slice %arg12[%dma_wait3A_241, %dma_wait3A_242] : memref<10240x128xf32, #tpu.memory_space<vmem_shared>> -> memref<10240x128xf32, #tpu.memory_space<vmem_shared>>
          tpu.wait_indirect_dma semaphore(%arg19 : memref<!tpu.dma_semaphore, #tpu.memory_space<semaphore_mem>>) src(%arg10 : memref<64x128xf32, #tpu.memory_space<vmem>>) dst(%dma_wait3A_243 : memref<10240x128xf32, #tpu.memory_space<vmem_shared>>)
        } else {
        }
        %add3A_225 = arith.constant 3 : i32
        %add3A_226 = arith.addi %add3A_197, %add3A_225 : i32
        %mul3A_227 = arith.constant 64 : i32
        %mul3A_228 = arith.muli %add3A_226, %mul3A_227 : i32
        %dma_start3A_229 = tpu.memref_slice %arg6[%mul3A_228] : memref<5120xi32, #tpu.memory_space<vmem>> -> memref<64xi32, #tpu.memory_space<vmem>>
        %dma_start3A_230 = arith.constant 0 : i32
        %dma_start3A_231 = arith.constant 0 : i32
        %dma_start3A_232 = tpu.memref_slice %arg2[%arg0, %dma_start3A_230, %dma_start3A_231] : memref<2x10240x128xf32, #tpu.memory_space<hbm>> -> memref<1x10240x128xf32, #tpu.memory_space<hbm>>
        %dma_start3A_233 = tpu.memref_squeeze %dma_start3A_232 : memref<1x10240x128xf32, #tpu.memory_space<hbm>> -> memref<10240x128xf32, #tpu.memory_space<hbm>>
        %dma_start3A_234 = arith.constant 0 : i32
        %dma_start3A_235 = arith.constant 0 : i32
        %dma_start3A_236 = tpu.memref_slice %dma_start3A_233[%dma_start3A_234, %dma_start3A_235] : memref<10240x128xf32, #tpu.memory_space<hbm>> -> memref<10240x128xf32, #tpu.memory_space<hbm>>
        tpu.enqueue_indirect_dma source(%dma_start3A_236 : memref<10240x128xf32, #tpu.memory_space<hbm>>) target(%arg10 : memref<64x128xf32, #tpu.memory_space<vmem>>) offsets(%dma_start3A_229 : memref<64xi32, #tpu.memory_space<vmem>>) semaphore(%arg15 : memref<!tpu.dma_semaphore, #tpu.memory_space<semaphore_mem>>)
      } else {
      }
    }
    %scan3A_33 = arith.constant 20 : i32
    %dma_wait3A = arith.constant 4864 : i32
    %dma_wait3A_34 = tpu.memref_slice %arg7[%dma_wait3A] : memref<5120xi32, #tpu.memory_space<vmem>> -> memref<64xi32, #tpu.memory_space<vmem>>
    %dma_wait3A_35 = arith.constant 0 : i32
    %dma_wait3A_36 = arith.constant 0 : i32
    %dma_wait3A_37 = tpu.memref_slice %arg12[%dma_wait3A_35, %dma_wait3A_36] : memref<10240x128xf32, #tpu.memory_space<vmem_shared>> -> memref<10240x128xf32, #tpu.memory_space<vmem_shared>>
    tpu.wait_indirect_dma semaphore(%arg17 : memref<!tpu.dma_semaphore, #tpu.memory_space<semaphore_mem>>) src(%arg8 : memref<64x128xf32, #tpu.memory_space<vmem>>) dst(%dma_wait3A_37 : memref<10240x128xf32, #tpu.memory_space<vmem_shared>>)
    %dma_wait3A_38 = arith.constant 4928 : i32
    %dma_wait3A_39 = tpu.memref_slice %arg7[%dma_wait3A_38] : memref<5120xi32, #tpu.memory_space<vmem>> -> memref<64xi32, #tpu.memory_space<vmem>>
    %dma_wait3A_40 = arith.constant 0 : i32
    %dma_wait3A_41 = arith.constant 0 : i32
    %dma_wait3A_42 = tpu.memref_slice %arg12[%dma_wait3A_40, %dma_wait3A_41] : memref<10240x128xf32, #tpu.memory_space<vmem_shared>> -> memref<10240x128xf32, #tpu.memory_space<vmem_shared>>
    tpu.wait_indirect_dma semaphore(%arg18 : memref<!tpu.dma_semaphore, #tpu.memory_space<semaphore_mem>>) src(%arg9 : memref<64x128xf32, #tpu.memory_space<vmem>>) dst(%dma_wait3A_42 : memref<10240x128xf32, #tpu.memory_space<vmem_shared>>)
    %dma_wait3A_43 = arith.constant 4992 : i32
    %dma_wait3A_44 = tpu.memref_slice %arg7[%dma_wait3A_43] : memref<5120xi32, #tpu.memory_space<vmem>> -> memref<64xi32, #tpu.memory_space<vmem>>
    %dma_wait3A_45 = arith.constant 0 : i32
    %dma_wait3A_46 = arith.constant 0 : i32
    %dma_wait3A_47 = tpu.memref_slice %arg12[%dma_wait3A_45, %dma_wait3A_46] : memref<10240x128xf32, #tpu.memory_space<vmem_shared>> -> memref<10240x128xf32, #tpu.memory_space<vmem_shared>>
    tpu.wait_indirect_dma semaphore(%arg19 : memref<!tpu.dma_semaphore, #tpu.memory_space<semaphore_mem>>) src(%arg10 : memref<64x128xf32, #tpu.memory_space<vmem>>) dst(%dma_wait3A_47 : memref<10240x128xf32, #tpu.memory_space<vmem_shared>>)
    %dma_wait3A_48 = arith.constant 5056 : i32
    %dma_wait3A_49 = tpu.memref_slice %arg7[%dma_wait3A_48] : memref<5120xi32, #tpu.memory_space<vmem>> -> memref<64xi32, #tpu.memory_space<vmem>>
    %dma_wait3A_50 = arith.constant 0 : i32
    %dma_wait3A_51 = arith.constant 0 : i32
    %dma_wait3A_52 = tpu.memref_slice %arg12[%dma_wait3A_50, %dma_wait3A_51] : memref<10240x128xf32, #tpu.memory_space<vmem_shared>> -> memref<10240x128xf32, #tpu.memory_space<vmem_shared>>
    tpu.wait_indirect_dma semaphore(%arg20 : memref<!tpu.dma_semaphore, #tpu.memory_space<semaphore_mem>>) src(%arg11 : memref<64x128xf32, #tpu.memory_space<vmem>>) dst(%dma_wait3A_52 : memref<10240x128xf32, #tpu.memory_space<vmem_shared>>)
    %add3A_53 = arith.constant 16 : i32
    %add3A_54 = arith.addi %arg1, %add3A_53 : i32
    %run_scoped3A_55 = arith.constant 0 : i32
    "tpu.region"() ({
      %run_scoped3A_115 = tpu.sem_alloc : memref<!tpu.dma_semaphore, #tpu.memory_space<semaphore_mem>>
      %dma_start3A_116 = arith.constant 0 : i32
      %dma_start3A_117 = tpu.memref_slice %arg3[%run_scoped3A_55, %add3A_54, %dma_start3A_116] : memref<2x32x5120xi32, #tpu.memory_space<hbm>> -> memref<1x1x5120xi32, #tpu.memory_space<hbm>>
      %dma_start3A_118 = tpu.memref_squeeze %dma_start3A_117 : memref<1x1x5120xi32, #tpu.memory_space<hbm>> -> memref<5120xi32, #tpu.memory_space<hbm>>
      %dma_start3A_119 = arith.constant 0 : i32
      %dma_start3A_120 = tpu.memref_slice %arg3[%run_scoped3A_55, %add3A_54, %dma_start3A_119] : memref<2x32x5120xi32, #tpu.memory_space<hbm>> -> memref<1x1x5120xi32, #tpu.memory_space<hbm>>
      %dma_start3A_121 = tpu.memref_squeeze %dma_start3A_120 : memref<1x1x5120xi32, #tpu.memory_space<hbm>> -> memref<5120xi32, #tpu.memory_space<hbm>>
      tpu.enqueue_dma source(%dma_start3A_121 : memref<5120xi32, #tpu.memory_space<hbm>>) target(%arg6 : memref<5120xi32, #tpu.memory_space<vmem>>) target_semaphore(%run_scoped3A_115 : memref<!tpu.dma_semaphore, #tpu.memory_space<semaphore_mem>>)
      %dma_wait3A_122 = arith.constant 0 : i32
      %dma_wait3A_123 = tpu.memref_slice %arg3[%run_scoped3A_55, %add3A_54, %dma_wait3A_122] : memref<2x32x5120xi32, #tpu.memory_space<hbm>> -> memref<1x1x5120xi32, #tpu.memory_space<hbm>>
      %dma_wait3A_124 = tpu.memref_squeeze %dma_wait3A_123 : memref<1x1x5120xi32, #tpu.memory_space<hbm>> -> memref<5120xi32, #tpu.memory_space<hbm>>
      %dma_wait3A_125 = arith.constant 0 : i32
      %dma_wait3A_126 = tpu.memref_slice %arg3[%run_scoped3A_55, %add3A_54, %dma_wait3A_125] : memref<2x32x5120xi32, #tpu.memory_space<hbm>> -> memref<1x1x5120xi32, #tpu.memory_space<hbm>>
      %dma_wait3A_127 = tpu.memref_squeeze %dma_wait3A_126 : memref<1x1x5120xi32, #tpu.memory_space<hbm>> -> memref<5120xi32, #tpu.memory_space<hbm>>
      tpu.wait_dma2 semaphore(%run_scoped3A_115 : memref<!tpu.dma_semaphore, #tpu.memory_space<semaphore_mem>>) src(%dma_wait3A_127 : memref<5120xi32, #tpu.memory_space<hbm>>) dst(%arg6 : memref<5120xi32, #tpu.memory_space<vmem>>)
      tpu.yield
    }) : () -> ()
    %run_scoped3A_56 = arith.constant 1 : i32
    "tpu.region"() ({
      %run_scoped3A_115 = tpu.sem_alloc : memref<!tpu.dma_semaphore, #tpu.memory_space<semaphore_mem>>
      %dma_start3A_116 = arith.constant 0 : i32
      %dma_start3A_117 = tpu.memref_slice %arg3[%run_scoped3A_56, %add3A_54, %dma_start3A_116] : memref<2x32x5120xi32, #tpu.memory_space<hbm>> -> memref<1x1x5120xi32, #tpu.memory_space<hbm>>
      %dma_start3A_118 = tpu.memref_squeeze %dma_start3A_117 : memref<1x1x5120xi32, #tpu.memory_space<hbm>> -> memref<5120xi32, #tpu.memory_space<hbm>>
      %dma_start3A_119 = arith.constant 0 : i32
      %dma_start3A_120 = tpu.memref_slice %arg3[%run_scoped3A_56, %add3A_54, %dma_start3A_119] : memref<2x32x5120xi32, #tpu.memory_space<hbm>> -> memref<1x1x5120xi32, #tpu.memory_space<hbm>>
      %dma_start3A_121 = tpu.memref_squeeze %dma_start3A_120 : memref<1x1x5120xi32, #tpu.memory_space<hbm>> -> memref<5120xi32, #tpu.memory_space<hbm>>
      tpu.enqueue_dma source(%dma_start3A_121 : memref<5120xi32, #tpu.memory_space<hbm>>) target(%arg7 : memref<5120xi32, #tpu.memory_space<vmem>>) target_semaphore(%run_scoped3A_115 : memref<!tpu.dma_semaphore, #tpu.memory_space<semaphore_mem>>)
      %dma_wait3A_122 = arith.constant 0 : i32
      %dma_wait3A_123 = tpu.memref_slice %arg3[%run_scoped3A_56, %add3A_54, %dma_wait3A_122] : memref<2x32x5120xi32, #tpu.memory_space<hbm>> -> memref<1x1x5120xi32, #tpu.memory_space<hbm>>
      %dma_wait3A_124 = tpu.memref_squeeze %dma_wait3A_123 : memref<1x1x5120xi32, #tpu.memory_space<hbm>> -> memref<5120xi32, #tpu.memory_space<hbm>>
      %dma_wait3A_125 = arith.constant 0 : i32
      %dma_wait3A_126 = tpu.memref_slice %arg3[%run_scoped3A_56, %add3A_54, %dma_wait3A_125] : memref<2x32x5120xi32, #tpu.memory_space<hbm>> -> memref<1x1x5120xi32, #tpu.memory_space<hbm>>
      %dma_wait3A_127 = tpu.memref_squeeze %dma_wait3A_126 : memref<1x1x5120xi32, #tpu.memory_space<hbm>> -> memref<5120xi32, #tpu.memory_space<hbm>>
      tpu.wait_dma2 semaphore(%run_scoped3A_115 : memref<!tpu.dma_semaphore, #tpu.memory_space<semaphore_mem>>) src(%dma_wait3A_127 : memref<5120xi32, #tpu.memory_space<hbm>>) dst(%arg7 : memref<5120xi32, #tpu.memory_space<vmem>>)
      tpu.yield
    }) : () -> ()
    %dma_start3A_57 = arith.constant 0 : i32
    %dma_start3A_58 = tpu.memref_slice %arg6[%dma_start3A_57] : memref<5120xi32, #tpu.memory_space<vmem>> -> memref<64xi32, #tpu.memory_space<vmem>>
    %dma_start3A_59 = arith.constant 0 : i32
    %dma_start3A_60 = arith.constant 0 : i32
    %dma_start3A_61 = tpu.memref_slice %arg2[%arg0, %dma_start3A_59, %dma_start3A_60] : memref<2x10240x128xf32, #tpu.memory_space<hbm>> -> memref<1x10240x128xf32, #tpu.memory_space<hbm>>
    %dma_start3A_62 = tpu.memref_squeeze %dma_start3A_61 : memref<1x10240x128xf32, #tpu.memory_space<hbm>> -> memref<10240x128xf32, #tpu.memory_space<hbm>>
    %dma_start3A_63 = arith.constant 0 : i32
    %dma_start3A_64 = arith.constant 0 : i32
    %dma_start3A_65 = tpu.memref_slice %dma_start3A_62[%dma_start3A_63, %dma_start3A_64] : memref<10240x128xf32, #tpu.memory_space<hbm>> -> memref<10240x128xf32, #tpu.memory_space<hbm>>
    tpu.enqueue_indirect_dma source(%dma_start3A_65 : memref<10240x128xf32, #tpu.memory_space<hbm>>) target(%arg8 : memref<64x128xf32, #tpu.memory_space<vmem>>) offsets(%dma_start3A_58 : memref<64xi32, #tpu.memory_space<vmem>>) semaphore(%arg13 : memref<!tpu.dma_semaphore, #tpu.memory_space<semaphore_mem>>)
    %dma_start3A_66 = arith.constant 64 : i32
    %dma_start3A_67 = tpu.memref_slice %arg6[%dma_start3A_66] : memref<5120xi32, #tpu.memory_space<vmem>> -> memref<64xi32, #tpu.memory_space<vmem>>
    %dma_start3A_68 = arith.constant 0 : i32
    %dma_start3A_69 = arith.constant 0 : i32
    %dma_start3A_70 = tpu.memref_slice %arg2[%arg0, %dma_start3A_68, %dma_start3A_69] : memref<2x10240x128xf32, #tpu.memory_space<hbm>> -> memref<1x10240x128xf32, #tpu.memory_space<hbm>>
    %dma_start3A_71 = tpu.memref_squeeze %dma_start3A_70 : memref<1x10240x128xf32, #tpu.memory_space<hbm>> -> memref<10240x128xf32, #tpu.memory_space<hbm>>
    %dma_start3A_72 = arith.constant 0 : i32
    %dma_start3A_73 = arith.constant 0 : i32
    %dma_start3A_74 = tpu.memref_slice %dma_start3A_71[%dma_start3A_72, %dma_start3A_73] : memref<10240x128xf32, #tpu.memory_space<hbm>> -> memref<10240x128xf32, #tpu.memory_space<hbm>>
    tpu.enqueue_indirect_dma source(%dma_start3A_74 : memref<10240x128xf32, #tpu.memory_space<hbm>>) target(%arg9 : memref<64x128xf32, #tpu.memory_space<vmem>>) offsets(%dma_start3A_67 : memref<64xi32, #tpu.memory_space<vmem>>) semaphore(%arg14 : memref<!tpu.dma_semaphore, #tpu.memory_space<semaphore_mem>>)
    %dma_start3A_75 = arith.constant 128 : i32
    %dma_start3A_76 = tpu.memref_slice %arg6[%dma_start3A_75] : memref<5120xi32, #tpu.memory_space<vmem>> -> memref<64xi32, #tpu.memory_space<vmem>>
    %dma_start3A_77 = arith.constant 0 : i32
    %dma_start3A_78 = arith.constant 0 : i32
    %dma_start3A_79 = tpu.memref_slice %arg2[%arg0, %dma_start3A_77, %dma_start3A_78] : memref<2x10240x128xf32, #tpu.memory_space<hbm>> -> memref<1x10240x128xf32, #tpu.memory_space<hbm>>
    %dma_start3A_80 = tpu.memref_squeeze %dma_start3A_79 : memref<1x10240x128xf32, #tpu.memory_space<hbm>> -> memref<10240x128xf32, #tpu.memory_space<hbm>>
    %dma_start3A_81 = arith.constant 0 : i32
    %dma_start3A_82 = arith.constant 0 : i32
    %dma_start3A_83 = tpu.memref_slice %dma_start3A_80[%dma_start3A_81, %dma_start3A_82] : memref<10240x128xf32, #tpu.memory_space<hbm>> -> memref<10240x128xf32, #tpu.memory_space<hbm>>
    tpu.enqueue_indirect_dma source(%dma_start3A_83 : memref<10240x128xf32, #tpu.memory_space<hbm>>) target(%arg10 : memref<64x128xf32, #tpu.memory_space<vmem>>) offsets(%dma_start3A_76 : memref<64xi32, #tpu.memory_space<vmem>>) semaphore(%arg15 : memref<!tpu.dma_semaphore, #tpu.memory_space<semaphore_mem>>)
    %scan3A_84 = arith.constant 0 : i32
    %scan3A_85 = arith.constant 0 : i32
    %scan3A_86 = arith.constant 20 : i32
    %scan3A_87 = arith.addi %scan3A_85, %scan3A_86 : i32
    %scan3A_88 = arith.constant 1 : i32
    scf.for %scan3A_115 = %scan3A_85 to %scan3A_87 step %scan3A_88  : i32 {
      %mul3A_116 = arith.constant 4 : i32
      %mul3A_117 = arith.muli %mul3A_116, %scan3A_115 : i32
      %add3A_118 = arith.constant 0 : i32
      %add3A_119 = arith.addi %mul3A_117, %add3A_118 : i32
      %mul3A_120 = arith.constant 64 : i32
      %mul3A_121 = arith.muli %add3A_119, %mul3A_120 : i32
      %dma_wait3A_122 = tpu.memref_slice %arg6[%mul3A_121] : memref<5120xi32, #tpu.memory_space<vmem>> -> memref<64xi32, #tpu.memory_space<vmem>>
      %dma_wait3A_123 = arith.constant 0 : i32
      %dma_wait3A_124 = arith.constant 0 : i32
      %dma_wait3A_125 = tpu.memref_slice %arg2[%arg0, %dma_wait3A_123, %dma_wait3A_124] : memref<2x10240x128xf32, #tpu.memory_space<hbm>> -> memref<1x10240x128xf32, #tpu.memory_space<hbm>>
      %dma_wait3A_126 = tpu.memref_squeeze %dma_wait3A_125 : memref<1x10240x128xf32, #tpu.memory_space<hbm>> -> memref<10240x128xf32, #tpu.memory_space<hbm>>
      %dma_wait3A_127 = arith.constant 0 : i32
      %dma_wait3A_128 = arith.constant 0 : i32
      %dma_wait3A_129 = tpu.memref_slice %dma_wait3A_126[%dma_wait3A_127, %dma_wait3A_128] : memref<10240x128xf32, #tpu.memory_space<hbm>> -> memref<10240x128xf32, #tpu.memory_space<hbm>>
      tpu.wait_indirect_dma semaphore(%arg13 : memref<!tpu.dma_semaphore, #tpu.memory_space<semaphore_mem>>) src(%dma_wait3A_129 : memref<10240x128xf32, #tpu.memory_space<hbm>>) dst(%arg8 : memref<64x128xf32, #tpu.memory_space<vmem>>)
      %mul3A_130 = arith.constant 64 : i32
      %mul3A_131 = arith.muli %add3A_119, %mul3A_130 : i32
      %dma_start3A_132 = tpu.memref_slice %arg7[%mul3A_131] : memref<5120xi32, #tpu.memory_space<vmem>> -> memref<64xi32, #tpu.memory_space<vmem>>
      %dma_start3A_133 = arith.constant 0 : i32
      %dma_start3A_134 = arith.constant 0 : i32
      %dma_start3A_135 = tpu.memref_slice %arg12[%dma_start3A_133, %dma_start3A_134] : memref<10240x128xf32, #tpu.memory_space<vmem_shared>> -> memref<10240x128xf32, #tpu.memory_space<vmem_shared>>
      tpu.enqueue_indirect_dma source(%arg8 : memref<64x128xf32, #tpu.memory_space<vmem>>) target(%dma_start3A_135 : memref<10240x128xf32, #tpu.memory_space<vmem_shared>>) offsets(%dma_start3A_132 : memref<64xi32, #tpu.memory_space<vmem>>) semaphore(%arg17 : memref<!tpu.dma_semaphore, #tpu.memory_space<semaphore_mem>>) {add = true}
      %add3A_136 = arith.constant 3 : i32
      %add3A_137 = arith.addi %add3A_119, %add3A_136 : i32
      %lt3A = arith.constant 80 : i32
      %lt3A_138 = arith.cmpi slt, %add3A_137, %lt3A : i32
      %convert_element_type3A = arith.extui %lt3A_138 : i1 to i32
      %cond3A = arith.constant 0 : i32
      %cond3A_139 = arith.cmpi ne, %convert_element_type3A, %cond3A : i32
      scf.if %cond3A_139 {
        %ge3A = arith.constant 1 : i32
        %ge3A_221 = arith.cmpi sge, %add3A_119, %ge3A : i32
        %convert_element_type3A_222 = arith.extui %ge3A_221 : i1 to i32
        %cond3A_223 = arith.constant 0 : i32
        %cond3A_224 = arith.cmpi ne, %convert_element_type3A_222, %cond3A_223 : i32
        scf.if %cond3A_224 {
          %sub3A = arith.constant 1 : i32
          %sub3A_237 = arith.subi %add3A_119, %sub3A : i32
          %mul3A_238 = arith.constant 64 : i32
          %mul3A_239 = arith.muli %sub3A_237, %mul3A_238 : i32
          %dma_wait3A_240 = tpu.memref_slice %arg7[%mul3A_239] : memref<5120xi32, #tpu.memory_space<vmem>> -> memref<64xi32, #tpu.memory_space<vmem>>
          %dma_wait3A_241 = arith.constant 0 : i32
          %dma_wait3A_242 = arith.constant 0 : i32
          %dma_wait3A_243 = tpu.memref_slice %arg12[%dma_wait3A_241, %dma_wait3A_242] : memref<10240x128xf32, #tpu.memory_space<vmem_shared>> -> memref<10240x128xf32, #tpu.memory_space<vmem_shared>>
          tpu.wait_indirect_dma semaphore(%arg20 : memref<!tpu.dma_semaphore, #tpu.memory_space<semaphore_mem>>) src(%arg11 : memref<64x128xf32, #tpu.memory_space<vmem>>) dst(%dma_wait3A_243 : memref<10240x128xf32, #tpu.memory_space<vmem_shared>>)
        } else {
        }
        %add3A_225 = arith.constant 3 : i32
        %add3A_226 = arith.addi %add3A_119, %add3A_225 : i32
        %mul3A_227 = arith.constant 64 : i32
        %mul3A_228 = arith.muli %add3A_226, %mul3A_227 : i32
        %dma_start3A_229 = tpu.memref_slice %arg6[%mul3A_228] : memref<5120xi32, #tpu.memory_space<vmem>> -> memref<64xi32, #tpu.memory_space<vmem>>
        %dma_start3A_230 = arith.constant 0 : i32
        %dma_start3A_231 = arith.constant 0 : i32
        %dma_start3A_232 = tpu.memref_slice %arg2[%arg0, %dma_start3A_230, %dma_start3A_231] : memref<2x10240x128xf32, #tpu.memory_space<hbm>> -> memref<1x10240x128xf32, #tpu.memory_space<hbm>>
        %dma_start3A_233 = tpu.memref_squeeze %dma_start3A_232 : memref<1x10240x128xf32, #tpu.memory_space<hbm>> -> memref<10240x128xf32, #tpu.memory_space<hbm>>
        %dma_start3A_234 = arith.constant 0 : i32
        %dma_start3A_235 = arith.constant 0 : i32
        %dma_start3A_236 = tpu.memref_slice %dma_start3A_233[%dma_start3A_234, %dma_start3A_235] : memref<10240x128xf32, #tpu.memory_space<hbm>> -> memref<10240x128xf32, #tpu.memory_space<hbm>>
        tpu.enqueue_indirect_dma source(%dma_start3A_236 : memref<10240x128xf32, #tpu.memory_space<hbm>>) target(%arg11 : memref<64x128xf32, #tpu.memory_space<vmem>>) offsets(%dma_start3A_229 : memref<64xi32, #tpu.memory_space<vmem>>) semaphore(%arg16 : memref<!tpu.dma_semaphore, #tpu.memory_space<semaphore_mem>>)
      } else {
      }
      %mul3A_140 = arith.constant 4 : i32
      %mul3A_141 = arith.muli %mul3A_140, %scan3A_115 : i32
      %add3A_142 = arith.constant 1 : i32
      %add3A_143 = arith.addi %mul3A_141, %add3A_142 : i32
      %mul3A_144 = arith.constant 64 : i32
      %mul3A_145 = arith.muli %add3A_143, %mul3A_144 : i32
      %dma_wait3A_146 = tpu.memref_slice %arg6[%mul3A_145] : memref<5120xi32, #tpu.memory_space<vmem>> -> memref<64xi32, #tpu.memory_space<vmem>>
      %dma_wait3A_147 = arith.constant 0 : i32
      %dma_wait3A_148 = arith.constant 0 : i32
      %dma_wait3A_149 = tpu.memref_slice %arg2[%arg0, %dma_wait3A_147, %dma_wait3A_148] : memref<2x10240x128xf32, #tpu.memory_space<hbm>> -> memref<1x10240x128xf32, #tpu.memory_space<hbm>>
      %dma_wait3A_150 = tpu.memref_squeeze %dma_wait3A_149 : memref<1x10240x128xf32, #tpu.memory_space<hbm>> -> memref<10240x128xf32, #tpu.memory_space<hbm>>
      %dma_wait3A_151 = arith.constant 0 : i32
      %dma_wait3A_152 = arith.constant 0 : i32
      %dma_wait3A_153 = tpu.memref_slice %dma_wait3A_150[%dma_wait3A_151, %dma_wait3A_152] : memref<10240x128xf32, #tpu.memory_space<hbm>> -> memref<10240x128xf32, #tpu.memory_space<hbm>>
      tpu.wait_indirect_dma semaphore(%arg14 : memref<!tpu.dma_semaphore, #tpu.memory_space<semaphore_mem>>) src(%dma_wait3A_153 : memref<10240x128xf32, #tpu.memory_space<hbm>>) dst(%arg9 : memref<64x128xf32, #tpu.memory_space<vmem>>)
      %mul3A_154 = arith.constant 64 : i32
      %mul3A_155 = arith.muli %add3A_143, %mul3A_154 : i32
      %dma_start3A_156 = tpu.memref_slice %arg7[%mul3A_155] : memref<5120xi32, #tpu.memory_space<vmem>> -> memref<64xi32, #tpu.memory_space<vmem>>
      %dma_start3A_157 = arith.constant 0 : i32
      %dma_start3A_158 = arith.constant 0 : i32
      %dma_start3A_159 = tpu.memref_slice %arg12[%dma_start3A_157, %dma_start3A_158] : memref<10240x128xf32, #tpu.memory_space<vmem_shared>> -> memref<10240x128xf32, #tpu.memory_space<vmem_shared>>
      tpu.enqueue_indirect_dma source(%arg9 : memref<64x128xf32, #tpu.memory_space<vmem>>) target(%dma_start3A_159 : memref<10240x128xf32, #tpu.memory_space<vmem_shared>>) offsets(%dma_start3A_156 : memref<64xi32, #tpu.memory_space<vmem>>) semaphore(%arg18 : memref<!tpu.dma_semaphore, #tpu.memory_space<semaphore_mem>>) {add = true}
      %add3A_160 = arith.constant 3 : i32
      %add3A_161 = arith.addi %add3A_143, %add3A_160 : i32
      %lt3A_162 = arith.constant 80 : i32
      %lt3A_163 = arith.cmpi slt, %add3A_161, %lt3A_162 : i32
      %convert_element_type3A_164 = arith.extui %lt3A_163 : i1 to i32
      %cond3A_165 = arith.constant 0 : i32
      %cond3A_166 = arith.cmpi ne, %convert_element_type3A_164, %cond3A_165 : i32
      scf.if %cond3A_166 {
        %ge3A = arith.constant 1 : i32
        %ge3A_221 = arith.cmpi sge, %add3A_143, %ge3A : i32
        %convert_element_type3A_222 = arith.extui %ge3A_221 : i1 to i32
        %cond3A_223 = arith.constant 0 : i32
        %cond3A_224 = arith.cmpi ne, %convert_element_type3A_222, %cond3A_223 : i32
        scf.if %cond3A_224 {
          %sub3A = arith.constant 1 : i32
          %sub3A_237 = arith.subi %add3A_143, %sub3A : i32
          %mul3A_238 = arith.constant 64 : i32
          %mul3A_239 = arith.muli %sub3A_237, %mul3A_238 : i32
          %dma_wait3A_240 = tpu.memref_slice %arg7[%mul3A_239] : memref<5120xi32, #tpu.memory_space<vmem>> -> memref<64xi32, #tpu.memory_space<vmem>>
          %dma_wait3A_241 = arith.constant 0 : i32
          %dma_wait3A_242 = arith.constant 0 : i32
          %dma_wait3A_243 = tpu.memref_slice %arg12[%dma_wait3A_241, %dma_wait3A_242] : memref<10240x128xf32, #tpu.memory_space<vmem_shared>> -> memref<10240x128xf32, #tpu.memory_space<vmem_shared>>
          tpu.wait_indirect_dma semaphore(%arg17 : memref<!tpu.dma_semaphore, #tpu.memory_space<semaphore_mem>>) src(%arg8 : memref<64x128xf32, #tpu.memory_space<vmem>>) dst(%dma_wait3A_243 : memref<10240x128xf32, #tpu.memory_space<vmem_shared>>)
        } else {
        }
        %add3A_225 = arith.constant 3 : i32
        %add3A_226 = arith.addi %add3A_143, %add3A_225 : i32
        %mul3A_227 = arith.constant 64 : i32
        %mul3A_228 = arith.muli %add3A_226, %mul3A_227 : i32
        %dma_start3A_229 = tpu.memref_slice %arg6[%mul3A_228] : memref<5120xi32, #tpu.memory_space<vmem>> -> memref<64xi32, #tpu.memory_space<vmem>>
        %dma_start3A_230 = arith.constant 0 : i32
        %dma_start3A_231 = arith.constant 0 : i32
        %dma_start3A_232 = tpu.memref_slice %arg2[%arg0, %dma_start3A_230, %dma_start3A_231] : memref<2x10240x128xf32, #tpu.memory_space<hbm>> -> memref<1x10240x128xf32, #tpu.memory_space<hbm>>
        %dma_start3A_233 = tpu.memref_squeeze %dma_start3A_232 : memref<1x10240x128xf32, #tpu.memory_space<hbm>> -> memref<10240x128xf32, #tpu.memory_space<hbm>>
        %dma_start3A_234 = arith.constant 0 : i32
        %dma_start3A_235 = arith.constant 0 : i32
        %dma_start3A_236 = tpu.memref_slice %dma_start3A_233[%dma_start3A_234, %dma_start3A_235] : memref<10240x128xf32, #tpu.memory_space<hbm>> -> memref<10240x128xf32, #tpu.memory_space<hbm>>
        tpu.enqueue_indirect_dma source(%dma_start3A_236 : memref<10240x128xf32, #tpu.memory_space<hbm>>) target(%arg8 : memref<64x128xf32, #tpu.memory_space<vmem>>) offsets(%dma_start3A_229 : memref<64xi32, #tpu.memory_space<vmem>>) semaphore(%arg13 : memref<!tpu.dma_semaphore, #tpu.memory_space<semaphore_mem>>)
      } else {
      }
      %mul3A_167 = arith.constant 4 : i32
      %mul3A_168 = arith.muli %mul3A_167, %scan3A_115 : i32
      %add3A_169 = arith.constant 2 : i32
      %add3A_170 = arith.addi %mul3A_168, %add3A_169 : i32
      %mul3A_171 = arith.constant 64 : i32
      %mul3A_172 = arith.muli %add3A_170, %mul3A_171 : i32
      %dma_wait3A_173 = tpu.memref_slice %arg6[%mul3A_172] : memref<5120xi32, #tpu.memory_space<vmem>> -> memref<64xi32, #tpu.memory_space<vmem>>
      %dma_wait3A_174 = arith.constant 0 : i32
      %dma_wait3A_175 = arith.constant 0 : i32
      %dma_wait3A_176 = tpu.memref_slice %arg2[%arg0, %dma_wait3A_174, %dma_wait3A_175] : memref<2x10240x128xf32, #tpu.memory_space<hbm>> -> memref<1x10240x128xf32, #tpu.memory_space<hbm>>
      %dma_wait3A_177 = tpu.memref_squeeze %dma_wait3A_176 : memref<1x10240x128xf32, #tpu.memory_space<hbm>> -> memref<10240x128xf32, #tpu.memory_space<hbm>>
      %dma_wait3A_178 = arith.constant 0 : i32
      %dma_wait3A_179 = arith.constant 0 : i32
      %dma_wait3A_180 = tpu.memref_slice %dma_wait3A_177[%dma_wait3A_178, %dma_wait3A_179] : memref<10240x128xf32, #tpu.memory_space<hbm>> -> memref<10240x128xf32, #tpu.memory_space<hbm>>
      tpu.wait_indirect_dma semaphore(%arg15 : memref<!tpu.dma_semaphore, #tpu.memory_space<semaphore_mem>>) src(%dma_wait3A_180 : memref<10240x128xf32, #tpu.memory_space<hbm>>) dst(%arg10 : memref<64x128xf32, #tpu.memory_space<vmem>>)
      %mul3A_181 = arith.constant 64 : i32
      %mul3A_182 = arith.muli %add3A_170, %mul3A_181 : i32
      %dma_start3A_183 = tpu.memref_slice %arg7[%mul3A_182] : memref<5120xi32, #tpu.memory_space<vmem>> -> memref<64xi32, #tpu.memory_space<vmem>>
      %dma_start3A_184 = arith.constant 0 : i32
      %dma_start3A_185 = arith.constant 0 : i32
      %dma_start3A_186 = tpu.memref_slice %arg12[%dma_start3A_184, %dma_start3A_185] : memref<10240x128xf32, #tpu.memory_space<vmem_shared>> -> memref<10240x128xf32, #tpu.memory_space<vmem_shared>>
      tpu.enqueue_indirect_dma source(%arg10 : memref<64x128xf32, #tpu.memory_space<vmem>>) target(%dma_start3A_186 : memref<10240x128xf32, #tpu.memory_space<vmem_shared>>) offsets(%dma_start3A_183 : memref<64xi32, #tpu.memory_space<vmem>>) semaphore(%arg19 : memref<!tpu.dma_semaphore, #tpu.memory_space<semaphore_mem>>) {add = true}
      %add3A_187 = arith.constant 3 : i32
      %add3A_188 = arith.addi %add3A_170, %add3A_187 : i32
      %lt3A_189 = arith.constant 80 : i32
      %lt3A_190 = arith.cmpi slt, %add3A_188, %lt3A_189 : i32
      %convert_element_type3A_191 = arith.extui %lt3A_190 : i1 to i32
      %cond3A_192 = arith.constant 0 : i32
      %cond3A_193 = arith.cmpi ne, %convert_element_type3A_191, %cond3A_192 : i32
      scf.if %cond3A_193 {
        %ge3A = arith.constant 1 : i32
        %ge3A_221 = arith.cmpi sge, %add3A_170, %ge3A : i32
        %convert_element_type3A_222 = arith.extui %ge3A_221 : i1 to i32
        %cond3A_223 = arith.constant 0 : i32
        %cond3A_224 = arith.cmpi ne, %convert_element_type3A_222, %cond3A_223 : i32
        scf.if %cond3A_224 {
          %sub3A = arith.constant 1 : i32
          %sub3A_237 = arith.subi %add3A_170, %sub3A : i32
          %mul3A_238 = arith.constant 64 : i32
          %mul3A_239 = arith.muli %sub3A_237, %mul3A_238 : i32
          %dma_wait3A_240 = tpu.memref_slice %arg7[%mul3A_239] : memref<5120xi32, #tpu.memory_space<vmem>> -> memref<64xi32, #tpu.memory_space<vmem>>
          %dma_wait3A_241 = arith.constant 0 : i32
          %dma_wait3A_242 = arith.constant 0 : i32
          %dma_wait3A_243 = tpu.memref_slice %arg12[%dma_wait3A_241, %dma_wait3A_242] : memref<10240x128xf32, #tpu.memory_space<vmem_shared>> -> memref<10240x128xf32, #tpu.memory_space<vmem_shared>>
          tpu.wait_indirect_dma semaphore(%arg18 : memref<!tpu.dma_semaphore, #tpu.memory_space<semaphore_mem>>) src(%arg9 : memref<64x128xf32, #tpu.memory_space<vmem>>) dst(%dma_wait3A_243 : memref<10240x128xf32, #tpu.memory_space<vmem_shared>>)
        } else {
        }
        %add3A_225 = arith.constant 3 : i32
        %add3A_226 = arith.addi %add3A_170, %add3A_225 : i32
        %mul3A_227 = arith.constant 64 : i32
        %mul3A_228 = arith.muli %add3A_226, %mul3A_227 : i32
        %dma_start3A_229 = tpu.memref_slice %arg6[%mul3A_228] : memref<5120xi32, #tpu.memory_space<vmem>> -> memref<64xi32, #tpu.memory_space<vmem>>
        %dma_start3A_230 = arith.constant 0 : i32
        %dma_start3A_231 = arith.constant 0 : i32
        %dma_start3A_232 = tpu.memref_slice %arg2[%arg0, %dma_start3A_230, %dma_start3A_231] : memref<2x10240x128xf32, #tpu.memory_space<hbm>> -> memref<1x10240x128xf32, #tpu.memory_space<hbm>>
        %dma_start3A_233 = tpu.memref_squeeze %dma_start3A_232 : memref<1x10240x128xf32, #tpu.memory_space<hbm>> -> memref<10240x128xf32, #tpu.memory_space<hbm>>
        %dma_start3A_234 = arith.constant 0 : i32
        %dma_start3A_235 = arith.constant 0 : i32
        %dma_start3A_236 = tpu.memref_slice %dma_start3A_233[%dma_start3A_234, %dma_start3A_235] : memref<10240x128xf32, #tpu.memory_space<hbm>> -> memref<10240x128xf32, #tpu.memory_space<hbm>>
        tpu.enqueue_indirect_dma source(%dma_start3A_236 : memref<10240x128xf32, #tpu.memory_space<hbm>>) target(%arg9 : memref<64x128xf32, #tpu.memory_space<vmem>>) offsets(%dma_start3A_229 : memref<64xi32, #tpu.memory_space<vmem>>) semaphore(%arg14 : memref<!tpu.dma_semaphore, #tpu.memory_space<semaphore_mem>>)
      } else {
      }
      %mul3A_194 = arith.constant 4 : i32
      %mul3A_195 = arith.muli %mul3A_194, %scan3A_115 : i32
      %add3A_196 = arith.constant 3 : i32
      %add3A_197 = arith.addi %mul3A_195, %add3A_196 : i32
      %mul3A_198 = arith.constant 64 : i32
      %mul3A_199 = arith.muli %add3A_197, %mul3A_198 : i32
      %dma_wait3A_200 = tpu.memref_slice %arg6[%mul3A_199] : memref<5120xi32, #tpu.memory_space<vmem>> -> memref<64xi32, #tpu.memory_space<vmem>>
      %dma_wait3A_201 = arith.constant 0 : i32
      %dma_wait3A_202 = arith.constant 0 : i32
      %dma_wait3A_203 = tpu.memref_slice %arg2[%arg0, %dma_wait3A_201, %dma_wait3A_202] : memref<2x10240x128xf32, #tpu.memory_space<hbm>> -> memref<1x10240x128xf32, #tpu.memory_space<hbm>>
      %dma_wait3A_204 = tpu.memref_squeeze %dma_wait3A_203 : memref<1x10240x128xf32, #tpu.memory_space<hbm>> -> memref<10240x128xf32, #tpu.memory_space<hbm>>
      %dma_wait3A_205 = arith.constant 0 : i32
      %dma_wait3A_206 = arith.constant 0 : i32
      %dma_wait3A_207 = tpu.memref_slice %dma_wait3A_204[%dma_wait3A_205, %dma_wait3A_206] : memref<10240x128xf32, #tpu.memory_space<hbm>> -> memref<10240x128xf32, #tpu.memory_space<hbm>>
      tpu.wait_indirect_dma semaphore(%arg16 : memref<!tpu.dma_semaphore, #tpu.memory_space<semaphore_mem>>) src(%dma_wait3A_207 : memref<10240x128xf32, #tpu.memory_space<hbm>>) dst(%arg11 : memref<64x128xf32, #tpu.memory_space<vmem>>)
      %mul3A_208 = arith.constant 64 : i32
      %mul3A_209 = arith.muli %add3A_197, %mul3A_208 : i32
      %dma_start3A_210 = tpu.memref_slice %arg7[%mul3A_209] : memref<5120xi32, #tpu.memory_space<vmem>> -> memref<64xi32, #tpu.memory_space<vmem>>
      %dma_start3A_211 = arith.constant 0 : i32
      %dma_start3A_212 = arith.constant 0 : i32
      %dma_start3A_213 = tpu.memref_slice %arg12[%dma_start3A_211, %dma_start3A_212] : memref<10240x128xf32, #tpu.memory_space<vmem_shared>> -> memref<10240x128xf32, #tpu.memory_space<vmem_shared>>
      tpu.enqueue_indirect_dma source(%arg11 : memref<64x128xf32, #tpu.memory_space<vmem>>) target(%dma_start3A_213 : memref<10240x128xf32, #tpu.memory_space<vmem_shared>>) offsets(%dma_start3A_210 : memref<64xi32, #tpu.memory_space<vmem>>) semaphore(%arg20 : memref<!tpu.dma_semaphore, #tpu.memory_space<semaphore_mem>>) {add = true}
      %add3A_214 = arith.constant 3 : i32
      %add3A_215 = arith.addi %add3A_197, %add3A_214 : i32
      %lt3A_216 = arith.constant 80 : i32
      %lt3A_217 = arith.cmpi slt, %add3A_215, %lt3A_216 : i32
      %convert_element_type3A_218 = arith.extui %lt3A_217 : i1 to i32
      %cond3A_219 = arith.constant 0 : i32
      %cond3A_220 = arith.cmpi ne, %convert_element_type3A_218, %cond3A_219 : i32
      scf.if %cond3A_220 {
        %ge3A = arith.constant 1 : i32
        %ge3A_221 = arith.cmpi sge, %add3A_197, %ge3A : i32
        %convert_element_type3A_222 = arith.extui %ge3A_221 : i1 to i32
        %cond3A_223 = arith.constant 0 : i32
        %cond3A_224 = arith.cmpi ne, %convert_element_type3A_222, %cond3A_223 : i32
        scf.if %cond3A_224 {
          %sub3A = arith.constant 1 : i32
          %sub3A_237 = arith.subi %add3A_197, %sub3A : i32
          %mul3A_238 = arith.constant 64 : i32
          %mul3A_239 = arith.muli %sub3A_237, %mul3A_238 : i32
          %dma_wait3A_240 = tpu.memref_slice %arg7[%mul3A_239] : memref<5120xi32, #tpu.memory_space<vmem>> -> memref<64xi32, #tpu.memory_space<vmem>>
          %dma_wait3A_241 = arith.constant 0 : i32
          %dma_wait3A_242 = arith.constant 0 : i32
          %dma_wait3A_243 = tpu.memref_slice %arg12[%dma_wait3A_241, %dma_wait3A_242] : memref<10240x128xf32, #tpu.memory_space<vmem_shared>> -> memref<10240x128xf32, #tpu.memory_space<vmem_shared>>
          tpu.wait_indirect_dma semaphore(%arg19 : memref<!tpu.dma_semaphore, #tpu.memory_space<semaphore_mem>>) src(%arg10 : memref<64x128xf32, #tpu.memory_space<vmem>>) dst(%dma_wait3A_243 : memref<10240x128xf32, #tpu.memory_space<vmem_shared>>)
        } else {
        }
        %add3A_225 = arith.constant 3 : i32
        %add3A_226 = arith.addi %add3A_197, %add3A_225 : i32
        %mul3A_227 = arith.constant 64 : i32
        %mul3A_228 = arith.muli %add3A_226, %mul3A_227 : i32
        %dma_start3A_229 = tpu.memref_slice %arg6[%mul3A_228] : memref<5120xi32, #tpu.memory_space<vmem>> -> memref<64xi32, #tpu.memory_space<vmem>>
        %dma_start3A_230 = arith.constant 0 : i32
        %dma_start3A_231 = arith.constant 0 : i32
        %dma_start3A_232 = tpu.memref_slice %arg2[%arg0, %dma_start3A_230, %dma_start3A_231] : memref<2x10240x128xf32, #tpu.memory_space<hbm>> -> memref<1x10240x128xf32, #tpu.memory_space<hbm>>
        %dma_start3A_233 = tpu.memref_squeeze %dma_start3A_232 : memref<1x10240x128xf32, #tpu.memory_space<hbm>> -> memref<10240x128xf32, #tpu.memory_space<hbm>>
        %dma_start3A_234 = arith.constant 0 : i32
        %dma_start3A_235 = arith.constant 0 : i32
        %dma_start3A_236 = tpu.memref_slice %dma_start3A_233[%dma_start3A_234, %dma_start3A_235] : memref<10240x128xf32, #tpu.memory_space<hbm>> -> memref<10240x128xf32, #tpu.memory_space<hbm>>
        tpu.enqueue_indirect_dma source(%dma_start3A_236 : memref<10240x128xf32, #tpu.memory_space<hbm>>) target(%arg10 : memref<64x128xf32, #tpu.memory_space<vmem>>) offsets(%dma_start3A_229 : memref<64xi32, #tpu.memory_space<vmem>>) semaphore(%arg15 : memref<!tpu.dma_semaphore, #tpu.memory_space<semaphore_mem>>)
      } else {
      }
    }
    %scan3A_89 = arith.constant 20 : i32
    %dma_wait3A_90 = arith.constant 4864 : i32
    %dma_wait3A_91 = tpu.memref_slice %arg7[%dma_wait3A_90] : memref<5120xi32, #tpu.memory_space<vmem>> -> memref<64xi32, #tpu.memory_space<vmem>>
    %dma_wait3A_92 = arith.constant 0 : i32
    %dma_wait3A_93 = arith.constant 0 : i32
    %dma_wait3A_94 = tpu.memref_slice %arg12[%dma_wait3A_92, %dma_wait3A_93] : memref<10240x128xf32, #tpu.memory_space<vmem_shared>> -> memref<10240x128xf32, #tpu.memory_space<vmem_shared>>
    tpu.wait_indirect_dma semaphore(%arg17 : memref<!tpu.dma_semaphore, #tpu.memory_space<semaphore_mem>>) src(%arg8 : memref<64x128xf32, #tpu.memory_space<vmem>>) dst(%dma_wait3A_94 : memref<10240x128xf32, #tpu.memory_space<vmem_shared>>)
    %dma_wait3A_95 = arith.constant 4928 : i32
    %dma_wait3A_96 = tpu.memref_slice %arg7[%dma_wait3A_95] : memref<5120xi32, #tpu.memory_space<vmem>> -> memref<64xi32, #tpu.memory_space<vmem>>
    %dma_wait3A_97 = arith.constant 0 : i32
    %dma_wait3A_98 = arith.constant 0 : i32
    %dma_wait3A_99 = tpu.memref_slice %arg12[%dma_wait3A_97, %dma_wait3A_98] : memref<10240x128xf32, #tpu.memory_space<vmem_shared>> -> memref<10240x128xf32, #tpu.memory_space<vmem_shared>>
    tpu.wait_indirect_dma semaphore(%arg18 : memref<!tpu.dma_semaphore, #tpu.memory_space<semaphore_mem>>) src(%arg9 : memref<64x128xf32, #tpu.memory_space<vmem>>) dst(%dma_wait3A_99 : memref<10240x128xf32, #tpu.memory_space<vmem_shared>>)
    %dma_wait3A_100 = arith.constant 4992 : i32
    %dma_wait3A_101 = tpu.memref_slice %arg7[%dma_wait3A_100] : memref<5120xi32, #tpu.memory_space<vmem>> -> memref<64xi32, #tpu.memory_space<vmem>>
    %dma_wait3A_102 = arith.constant 0 : i32
    %dma_wait3A_103 = arith.constant 0 : i32
    %dma_wait3A_104 = tpu.memref_slice %arg12[%dma_wait3A_102, %dma_wait3A_103] : memref<10240x128xf32, #tpu.memory_space<vmem_shared>> -> memref<10240x128xf32, #tpu.memory_space<vmem_shared>>
    tpu.wait_indirect_dma semaphore(%arg19 : memref<!tpu.dma_semaphore, #tpu.memory_space<semaphore_mem>>) src(%arg10 : memref<64x128xf32, #tpu.memory_space<vmem>>) dst(%dma_wait3A_104 : memref<10240x128xf32, #tpu.memory_space<vmem_shared>>)
    %dma_wait3A_105 = arith.constant 5056 : i32
    %dma_wait3A_106 = tpu.memref_slice %arg7[%dma_wait3A_105] : memref<5120xi32, #tpu.memory_space<vmem>> -> memref<64xi32, #tpu.memory_space<vmem>>
    %dma_wait3A_107 = arith.constant 0 : i32
    %dma_wait3A_108 = arith.constant 0 : i32
    %dma_wait3A_109 = tpu.memref_slice %arg12[%dma_wait3A_107, %dma_wait3A_108] : memref<10240x128xf32, #tpu.memory_space<vmem_shared>> -> memref<10240x128xf32, #tpu.memory_space<vmem_shared>>
    tpu.wait_indirect_dma semaphore(%arg20 : memref<!tpu.dma_semaphore, #tpu.memory_space<semaphore_mem>>) src(%arg11 : memref<64x128xf32, #tpu.memory_space<vmem>>) dst(%dma_wait3A_109 : memref<10240x128xf32, #tpu.memory_space<vmem_shared>>)
    %barrier3A_110 = arith.constant 0 : index
    tpu.barrier barrier_id(%barrier3A_110)
    %mul3A_111 = arith.constant 640 : i32
    %mul3A_112 = arith.muli %arg1, %mul3A_111 : i32
    %mul3A_113 = arith.constant 640 : i32
    %mul3A_114 = arith.muli %arg1, %mul3A_113 : i32
    "tpu.region"() ({
      %run_scoped3A_115 = tpu.sem_alloc : memref<!tpu.dma_semaphore, #tpu.memory_space<semaphore_mem>>
      %dma_start3A_116 = arith.constant 0 : i32
      %dma_start3A_117 = tpu.memref_slice %arg5[%arg0, %mul3A_114, %dma_start3A_116] : memref<2x10240x128xf32, #tpu.memory_space<hbm>> -> memref<1x640x128xf32, #tpu.memory_space<hbm>>
      %dma_start3A_118 = tpu.memref_squeeze %dma_start3A_117 : memref<1x640x128xf32, #tpu.memory_space<hbm>> -> memref<640x128xf32, #tpu.memory_space<hbm>>
      %dma_start3A_119 = arith.constant 0 : i32
      %dma_start3A_120 = tpu.memref_slice %arg12[%mul3A_112, %dma_start3A_119] : memref<10240x128xf32, #tpu.memory_space<vmem_shared>> -> memref<640x128xf32, #tpu.memory_space<vmem_shared>>
      tpu.enqueue_dma source(%dma_start3A_120 : memref<640x128xf32, #tpu.memory_space<vmem_shared>>) target(%dma_start3A_118 : memref<640x128xf32, #tpu.memory_space<hbm>>) target_semaphore(%run_scoped3A_115 : memref<!tpu.dma_semaphore, #tpu.memory_space<semaphore_mem>>)
      %dma_wait3A_121 = arith.constant 0 : i32
      %dma_wait3A_122 = tpu.memref_slice %arg5[%arg0, %mul3A_114, %dma_wait3A_121] : memref<2x10240x128xf32, #tpu.memory_space<hbm>> -> memref<1x640x128xf32, #tpu.memory_space<hbm>>
      %dma_wait3A_123 = tpu.memref_squeeze %dma_wait3A_122 : memref<1x640x128xf32, #tpu.memory_space<hbm>> -> memref<640x128xf32, #tpu.memory_space<hbm>>
      %dma_wait3A_124 = arith.constant 0 : i32
      %dma_wait3A_125 = tpu.memref_slice %arg12[%mul3A_112, %dma_wait3A_124] : memref<10240x128xf32, #tpu.memory_space<vmem_shared>> -> memref<640x128xf32, #tpu.memory_space<vmem_shared>>
      tpu.wait_dma2 semaphore(%run_scoped3A_115 : memref<!tpu.dma_semaphore, #tpu.memory_space<semaphore_mem>>) src(%dma_wait3A_125 : memref<640x128xf32, #tpu.memory_space<vmem_shared>>) dst(%dma_wait3A_123 : memref<640x128xf32, #tpu.memory_space<hbm>>)
      tpu.yield
    }) : () -> ()
    return
  }
}

#map = affine_map<(d0, d1) -> (0, 0, 0)>
#map1 = affine_map<(d0, d1) -> (0, 0)>
module attributes {stable_mosaic.version = 14 : i64} {
  func.func @_deg_body(%arg0: i32, %arg1: i32, %arg2: memref<2x32x5120xi32, #tpu.memory_space<hbm>>, %arg3: memref<2x10240xf32, #tpu.memory_space<hbm>>, %arg4: memref<5120xi32, #tpu.memory_space<vmem>>, %arg5: memref<10240xf32, #tpu.memory_space<vmem>>, %arg6: memref<16x640xf32, #tpu.memory_space<vmem>>, %arg7: memref<640xf32, #tpu.memory_space<vmem>>, %arg8: memref<16x10240xf32, #tpu.memory_space<vmem_shared>>) attributes {dimension_semantics = [#tpu.dimension_semantics<core_parallel>, #tpu.dimension_semantics<subcore_parallel>], iteration_bounds = array<i64: 2, 16>, scalar_prefetch = 0 : i64, scratch_operands = 5 : i64, tpu.core_type = #tpu.core_type<sc_vector_subcore>, window_params = [{transform_indices = #map}, {transform_indices = #map1}]} {
    %scan3A = arith.constant 0 : i32
    %scan3A_0 = arith.constant 0 : i32
    %scan3A_1 = arith.constant 640 : i32
    %scan3A_2 = arith.addi %scan3A_0, %scan3A_1 : i32
    %scan3A_3 = arith.constant 1 : i32
    scf.for %scan3A_30 = %scan3A_0 to %scan3A_2 step %scan3A_3  : i32 {
      %broadcast_in_dim3A_31 = arith.constant 0.000000e+00 : f32
      %broadcast_in_dim3A_32 = vector.broadcast %broadcast_in_dim3A_31 : f32 to vector<16xf32>
      %mul3A_33 = arith.constant 16 : i32
      %mul3A_34 = arith.muli %scan3A_30, %mul3A_33 : i32
      %swap3A = arith.index_cast %mul3A_34 : i32 to index
      %swap3A_35 = tpu.vector_load %arg5[%swap3A] {strides = array<i32>} : memref<10240xf32, #tpu.memory_space<vmem>>, vector<16xf32>,
      tpu.vector_store %arg5[%swap3A], %broadcast_in_dim3A_32 {strides = array<i32>} : memref<10240xf32, #tpu.memory_space<vmem>>, vector<16xf32>,
    }
    %scan3A_4 = arith.constant 640 : i32
    %broadcast_in_dim3A = arith.constant 1.000000e+00 : f32
    %broadcast_in_dim3A_5 = vector.broadcast %broadcast_in_dim3A : f32 to vector<16xf32>
    %add3A = arith.constant 0 : i32
    %add3A_6 = arith.addi %arg1, %add3A : i32
    "tpu.region"() ({
      %run_scoped3A = tpu.sem_alloc : memref<!tpu.dma_semaphore, #tpu.memory_space<semaphore_mem>>
      %dma_start3A = arith.constant 0 : i32
      %dma_start3A_30 = tpu.memref_slice %arg2[%arg0, %add3A_6, %dma_start3A] : memref<2x32x5120xi32, #tpu.memory_space<hbm>> -> memref<1x1x5120xi32, #tpu.memory_space<hbm>>
      %dma_start3A_31 = tpu.memref_squeeze %dma_start3A_30 : memref<1x1x5120xi32, #tpu.memory_space<hbm>> -> memref<5120xi32, #tpu.memory_space<hbm>>
      %dma_start3A_32 = arith.constant 0 : i32
      %dma_start3A_33 = tpu.memref_slice %arg2[%arg0, %add3A_6, %dma_start3A_32] : memref<2x32x5120xi32, #tpu.memory_space<hbm>> -> memref<1x1x5120xi32, #tpu.memory_space<hbm>>
      %dma_start3A_34 = tpu.memref_squeeze %dma_start3A_33 : memref<1x1x5120xi32, #tpu.memory_space<hbm>> -> memref<5120xi32, #tpu.memory_space<hbm>>
      tpu.enqueue_dma source(%dma_start3A_34 : memref<5120xi32, #tpu.memory_space<hbm>>) target(%arg4 : memref<5120xi32, #tpu.memory_space<vmem>>) target_semaphore(%run_scoped3A : memref<!tpu.dma_semaphore, #tpu.memory_space<semaphore_mem>>)
      %dma_wait3A = arith.constant 0 : i32
      %dma_wait3A_35 = tpu.memref_slice %arg2[%arg0, %add3A_6, %dma_wait3A] : memref<2x32x5120xi32, #tpu.memory_space<hbm>> -> memref<1x1x5120xi32, #tpu.memory_space<hbm>>
      %dma_wait3A_36 = tpu.memref_squeeze %dma_wait3A_35 : memref<1x1x5120xi32, #tpu.memory_space<hbm>> -> memref<5120xi32, #tpu.memory_space<hbm>>
      %dma_wait3A_37 = arith.constant 0 : i32
      %dma_wait3A_38 = tpu.memref_slice %arg2[%arg0, %add3A_6, %dma_wait3A_37] : memref<2x32x5120xi32, #tpu.memory_space<hbm>> -> memref<1x1x5120xi32, #tpu.memory_space<hbm>>
      %dma_wait3A_39 = tpu.memref_squeeze %dma_wait3A_38 : memref<1x1x5120xi32, #tpu.memory_space<hbm>> -> memref<5120xi32, #tpu.memory_space<hbm>>
      tpu.wait_dma2 semaphore(%run_scoped3A : memref<!tpu.dma_semaphore, #tpu.memory_space<semaphore_mem>>) src(%dma_wait3A_39 : memref<5120xi32, #tpu.memory_space<hbm>>) dst(%arg4 : memref<5120xi32, #tpu.memory_space<vmem>>)
      tpu.yield
    }) : () -> ()
    %scan3A_7 = arith.constant 0 : i32
    %scan3A_8 = arith.constant 0 : i32
    %scan3A_9 = arith.constant 320 : i32
    %scan3A_10 = arith.addi %scan3A_8, %scan3A_9 : i32
    %scan3A_11 = arith.constant 1 : i32
    scf.for %scan3A_30 = %scan3A_8 to %scan3A_10 step %scan3A_11  : i32 {
      %mul3A_31 = arith.constant 16 : i32
      %mul3A_32 = arith.muli %scan3A_30, %mul3A_31 : i32
      %get3A = arith.index_cast %mul3A_32 : i32 to index
      %get3A_33 = tpu.vector_load %arg4[%get3A] {strides = array<i32>} : memref<5120xi32, #tpu.memory_space<vmem>>, vector<16xi32>,
      tpu.vector_store_idx %arg5[%get3A_33], %broadcast_in_dim3A_5 {add = true} : memref<10240xf32, #tpu.memory_space<vmem>>[vector<16xi32>], vector<16xf32>,
    }
    %scan3A_12 = arith.constant 320 : i32
    %add3A_13 = arith.constant 16 : i32
    %add3A_14 = arith.addi %arg1, %add3A_13 : i32
    "tpu.region"() ({
      %run_scoped3A = tpu.sem_alloc : memref<!tpu.dma_semaphore, #tpu.memory_space<semaphore_mem>>
      %dma_start3A = arith.constant 0 : i32
      %dma_start3A_30 = tpu.memref_slice %arg2[%arg0, %add3A_14, %dma_start3A] : memref<2x32x5120xi32, #tpu.memory_space<hbm>> -> memref<1x1x5120xi32, #tpu.memory_space<hbm>>
      %dma_start3A_31 = tpu.memref_squeeze %dma_start3A_30 : memref<1x1x5120xi32, #tpu.memory_space<hbm>> -> memref<5120xi32, #tpu.memory_space<hbm>>
      %dma_start3A_32 = arith.constant 0 : i32
      %dma_start3A_33 = tpu.memref_slice %arg2[%arg0, %add3A_14, %dma_start3A_32] : memref<2x32x5120xi32, #tpu.memory_space<hbm>> -> memref<1x1x5120xi32, #tpu.memory_space<hbm>>
      %dma_start3A_34 = tpu.memref_squeeze %dma_start3A_33 : memref<1x1x5120xi32, #tpu.memory_space<hbm>> -> memref<5120xi32, #tpu.memory_space<hbm>>
      tpu.enqueue_dma source(%dma_start3A_34 : memref<5120xi32, #tpu.memory_space<hbm>>) target(%arg4 : memref<5120xi32, #tpu.memory_space<vmem>>) target_semaphore(%run_scoped3A : memref<!tpu.dma_semaphore, #tpu.memory_space<semaphore_mem>>)
      %dma_wait3A = arith.constant 0 : i32
      %dma_wait3A_35 = tpu.memref_slice %arg2[%arg0, %add3A_14, %dma_wait3A] : memref<2x32x5120xi32, #tpu.memory_space<hbm>> -> memref<1x1x5120xi32, #tpu.memory_space<hbm>>
      %dma_wait3A_36 = tpu.memref_squeeze %dma_wait3A_35 : memref<1x1x5120xi32, #tpu.memory_space<hbm>> -> memref<5120xi32, #tpu.memory_space<hbm>>
      %dma_wait3A_37 = arith.constant 0 : i32
      %dma_wait3A_38 = tpu.memref_slice %arg2[%arg0, %add3A_14, %dma_wait3A_37] : memref<2x32x5120xi32, #tpu.memory_space<hbm>> -> memref<1x1x5120xi32, #tpu.memory_space<hbm>>
      %dma_wait3A_39 = tpu.memref_squeeze %dma_wait3A_38 : memref<1x1x5120xi32, #tpu.memory_space<hbm>> -> memref<5120xi32, #tpu.memory_space<hbm>>
      tpu.wait_dma2 semaphore(%run_scoped3A : memref<!tpu.dma_semaphore, #tpu.memory_space<semaphore_mem>>) src(%dma_wait3A_39 : memref<5120xi32, #tpu.memory_space<hbm>>) dst(%arg4 : memref<5120xi32, #tpu.memory_space<vmem>>)
      tpu.yield
    }) : () -> ()
    %scan3A_15 = arith.constant 0 : i32
    %scan3A_16 = arith.constant 0 : i32
    %scan3A_17 = arith.constant 320 : i32
    %scan3A_18 = arith.addi %scan3A_16, %scan3A_17 : i32
    %scan3A_19 = arith.constant 1 : i32
    scf.for %scan3A_30 = %scan3A_16 to %scan3A_18 step %scan3A_19  : i32 {
      %mul3A_31 = arith.constant 16 : i32
      %mul3A_32 = arith.muli %scan3A_30, %mul3A_31 : i32
      %get3A = arith.index_cast %mul3A_32 : i32 to index
      %get3A_33 = tpu.vector_load %arg4[%get3A] {strides = array<i32>} : memref<5120xi32, #tpu.memory_space<vmem>>, vector<16xi32>,
      tpu.vector_store_idx %arg5[%get3A_33], %broadcast_in_dim3A_5 {add = true} : memref<10240xf32, #tpu.memory_space<vmem>>[vector<16xi32>], vector<16xf32>,
    }
    %scan3A_20 = arith.constant 320 : i32
    "tpu.region"() ({
      %run_scoped3A = tpu.sem_alloc : memref<!tpu.dma_semaphore, #tpu.memory_space<semaphore_mem>>
      %dma_start3A = arith.constant 0 : i32
      %dma_start3A_30 = tpu.memref_slice %arg8[%arg1, %dma_start3A] : memref<16x10240xf32, #tpu.memory_space<vmem_shared>> -> memref<1x10240xf32, #tpu.memory_space<vmem_shared>>
      %dma_start3A_31 = tpu.memref_squeeze %dma_start3A_30 : memref<1x10240xf32, #tpu.memory_space<vmem_shared>> -> memref<10240xf32, #tpu.memory_space<vmem_shared>>
      %dma_start3A_32 = arith.constant 0 : i32
      %dma_start3A_33 = tpu.memref_slice %arg8[%arg1, %dma_start3A_32] : memref<16x10240xf32, #tpu.memory_space<vmem_shared>> -> memref<1x10240xf32, #tpu.memory_space<vmem_shared>>
      %dma_start3A_34 = tpu.memref_squeeze %dma_start3A_33 : memref<1x10240xf32, #tpu.memory_space<vmem_shared>> -> memref<10240xf32, #tpu.memory_space<vmem_shared>>
      tpu.enqueue_dma source(%arg5 : memref<10240xf32, #tpu.memory_space<vmem>>) target(%dma_start3A_34 : memref<10240xf32, #tpu.memory_space<vmem_shared>>) target_semaphore(%run_scoped3A : memref<!tpu.dma_semaphore, #tpu.memory_space<semaphore_mem>>)
      %dma_wait3A = arith.constant 0 : i32
      %dma_wait3A_35 = tpu.memref_slice %arg8[%arg1, %dma_wait3A] : memref<16x10240xf32, #tpu.memory_space<vmem_shared>> -> memref<1x10240xf32, #tpu.memory_space<vmem_shared>>
      %dma_wait3A_36 = tpu.memref_squeeze %dma_wait3A_35 : memref<1x10240xf32, #tpu.memory_space<vmem_shared>> -> memref<10240xf32, #tpu.memory_space<vmem_shared>>
      %dma_wait3A_37 = arith.constant 0 : i32
      %dma_wait3A_38 = tpu.memref_slice %arg8[%arg1, %dma_wait3A_37] : memref<16x10240xf32, #tpu.memory_space<vmem_shared>> -> memref<1x10240xf32, #tpu.memory_space<vmem_shared>>
      %dma_wait3A_39 = tpu.memref_squeeze %dma_wait3A_38 : memref<1x10240xf32, #tpu.memory_space<vmem_shared>> -> memref<10240xf32, #tpu.memory_space<vmem_shared>>
      tpu.wait_dma2 semaphore(%run_scoped3A : memref<!tpu.dma_semaphore, #tpu.memory_space<semaphore_mem>>) src(%arg5 : memref<10240xf32, #tpu.memory_space<vmem>>) dst(%dma_wait3A_39 : memref<10240xf32, #tpu.memory_space<vmem_shared>>)
      tpu.yield
    }) : () -> ()
    %barrier3A = arith.constant 0 : index
    tpu.barrier barrier_id(%barrier3A)
    %mul3A = arith.constant 640 : i32
    %mul3A_21 = arith.muli %arg1, %mul3A : i32
    "tpu.region"() ({
      %run_scoped3A = tpu.sem_alloc : memref<!tpu.dma_semaphore, #tpu.memory_space<semaphore_mem>>
      %dma_start3A = arith.constant 0 : i32
      %dma_start3A_30 = tpu.memref_slice %arg8[%dma_start3A, %mul3A_21] : memref<16x10240xf32, #tpu.memory_space<vmem_shared>> -> memref<16x640xf32, #tpu.memory_space<vmem_shared>>
      %dma_start3A_31 = arith.constant 0 : i32
      %dma_start3A_32 = tpu.memref_slice %arg8[%dma_start3A_31, %mul3A_21] : memref<16x10240xf32, #tpu.memory_space<vmem_shared>> -> memref<16x640xf32, #tpu.memory_space<vmem_shared>>
      tpu.enqueue_dma source(%dma_start3A_32 : memref<16x640xf32, #tpu.memory_space<vmem_shared>>) target(%arg6 : memref<16x640xf32, #tpu.memory_space<vmem>>) target_semaphore(%run_scoped3A : memref<!tpu.dma_semaphore, #tpu.memory_space<semaphore_mem>>)
      %dma_wait3A = arith.constant 0 : i32
      %dma_wait3A_33 = tpu.memref_slice %arg8[%dma_wait3A, %mul3A_21] : memref<16x10240xf32, #tpu.memory_space<vmem_shared>> -> memref<16x640xf32, #tpu.memory_space<vmem_shared>>
      %dma_wait3A_34 = arith.constant 0 : i32
      %dma_wait3A_35 = tpu.memref_slice %arg8[%dma_wait3A_34, %mul3A_21] : memref<16x10240xf32, #tpu.memory_space<vmem_shared>> -> memref<16x640xf32, #tpu.memory_space<vmem_shared>>
      tpu.wait_dma2 semaphore(%run_scoped3A : memref<!tpu.dma_semaphore, #tpu.memory_space<semaphore_mem>>) src(%dma_wait3A_35 : memref<16x640xf32, #tpu.memory_space<vmem_shared>>) dst(%arg6 : memref<16x640xf32, #tpu.memory_space<vmem>>)
      tpu.yield
    }) : () -> ()
    %scan3A_22 = arith.constant 0 : i32
    %scan3A_23 = arith.constant 0 : i32
    %scan3A_24 = arith.constant 40 : i32
    %scan3A_25 = arith.addi %scan3A_23, %scan3A_24 : i32
    %scan3A_26 = arith.constant 1 : i32
    scf.for %scan3A_30 = %scan3A_23 to %scan3A_25 step %scan3A_26  : i32 {
      %broadcast_in_dim3A_31 = arith.constant 0.000000e+00 : f32
      %broadcast_in_dim3A_32 = vector.broadcast %broadcast_in_dim3A_31 : f32 to vector<16xf32>
      %mul3A_33 = arith.constant 16 : i32
      %mul3A_34 = arith.muli %scan3A_30, %mul3A_33 : i32
      %get3A = arith.constant 0 : i32
      %get3A_35 = arith.index_cast %get3A : i32 to index
      %get3A_36 = arith.index_cast %mul3A_34 : i32 to index
      %get3A_37 = tpu.vector_load %arg6[%get3A_35, %get3A_36] {strides = array<i32>} : memref<16x640xf32, #tpu.memory_space<vmem>>, vector<16xf32>,
      %add3A_38 = arith.addf %broadcast_in_dim3A_32, %get3A_37 : vector<16xf32>
      %mul3A_39 = arith.constant 16 : i32
      %mul3A_40 = arith.muli %scan3A_30, %mul3A_39 : i32
      %get3A_41 = arith.constant 1 : i32
      %get3A_42 = arith.index_cast %get3A_41 : i32 to index
      %get3A_43 = arith.index_cast %mul3A_40 : i32 to index
      %get3A_44 = tpu.vector_load %arg6[%get3A_42, %get3A_43] {strides = array<i32>} : memref<16x640xf32, #tpu.memory_space<vmem>>, vector<16xf32>,
      %add3A_45 = arith.addf %add3A_38, %get3A_44 : vector<16xf32>
      %mul3A_46 = arith.constant 16 : i32
      %mul3A_47 = arith.muli %scan3A_30, %mul3A_46 : i32
      %get3A_48 = arith.constant 2 : i32
      %get3A_49 = arith.index_cast %get3A_48 : i32 to index
      %get3A_50 = arith.index_cast %mul3A_47 : i32 to index
      %get3A_51 = tpu.vector_load %arg6[%get3A_49, %get3A_50] {strides = array<i32>} : memref<16x640xf32, #tpu.memory_space<vmem>>, vector<16xf32>,
      %add3A_52 = arith.addf %add3A_45, %get3A_51 : vector<16xf32>
      %mul3A_53 = arith.constant 16 : i32
      %mul3A_54 = arith.muli %scan3A_30, %mul3A_53 : i32
      %get3A_55 = arith.constant 3 : i32
      %get3A_56 = arith.index_cast %get3A_55 : i32 to index
      %get3A_57 = arith.index_cast %mul3A_54 : i32 to index
      %get3A_58 = tpu.vector_load %arg6[%get3A_56, %get3A_57] {strides = array<i32>} : memref<16x640xf32, #tpu.memory_space<vmem>>, vector<16xf32>,
      %add3A_59 = arith.addf %add3A_52, %get3A_58 : vector<16xf32>
      %mul3A_60 = arith.constant 16 : i32
      %mul3A_61 = arith.muli %scan3A_30, %mul3A_60 : i32
      %get3A_62 = arith.constant 4 : i32
      %get3A_63 = arith.index_cast %get3A_62 : i32 to index
      %get3A_64 = arith.index_cast %mul3A_61 : i32 to index
      %get3A_65 = tpu.vector_load %arg6[%get3A_63, %get3A_64] {strides = array<i32>} : memref<16x640xf32, #tpu.memory_space<vmem>>, vector<16xf32>,
      %add3A_66 = arith.addf %add3A_59, %get3A_65 : vector<16xf32>
      %mul3A_67 = arith.constant 16 : i32
      %mul3A_68 = arith.muli %scan3A_30, %mul3A_67 : i32
      %get3A_69 = arith.constant 5 : i32
      %get3A_70 = arith.index_cast %get3A_69 : i32 to index
      %get3A_71 = arith.index_cast %mul3A_68 : i32 to index
      %get3A_72 = tpu.vector_load %arg6[%get3A_70, %get3A_71] {strides = array<i32>} : memref<16x640xf32, #tpu.memory_space<vmem>>, vector<16xf32>,
      %add3A_73 = arith.addf %add3A_66, %get3A_72 : vector<16xf32>
      %mul3A_74 = arith.constant 16 : i32
      %mul3A_75 = arith.muli %scan3A_30, %mul3A_74 : i32
      %get3A_76 = arith.constant 6 : i32
      %get3A_77 = arith.index_cast %get3A_76 : i32 to index
      %get3A_78 = arith.index_cast %mul3A_75 : i32 to index
      %get3A_79 = tpu.vector_load %arg6[%get3A_77, %get3A_78] {strides = array<i32>} : memref<16x640xf32, #tpu.memory_space<vmem>>, vector<16xf32>,
      %add3A_80 = arith.addf %add3A_73, %get3A_79 : vector<16xf32>
      %mul3A_81 = arith.constant 16 : i32
      %mul3A_82 = arith.muli %scan3A_30, %mul3A_81 : i32
      %get3A_83 = arith.constant 7 : i32
      %get3A_84 = arith.index_cast %get3A_83 : i32 to index
      %get3A_85 = arith.index_cast %mul3A_82 : i32 to index
      %get3A_86 = tpu.vector_load %arg6[%get3A_84, %get3A_85] {strides = array<i32>} : memref<16x640xf32, #tpu.memory_space<vmem>>, vector<16xf32>,
      %add3A_87 = arith.addf %add3A_80, %get3A_86 : vector<16xf32>
      %mul3A_88 = arith.constant 16 : i32
      %mul3A_89 = arith.muli %scan3A_30, %mul3A_88 : i32
      %get3A_90 = arith.constant 8 : i32
      %get3A_91 = arith.index_cast %get3A_90 : i32 to index
      %get3A_92 = arith.index_cast %mul3A_89 : i32 to index
      %get3A_93 = tpu.vector_load %arg6[%get3A_91, %get3A_92] {strides = array<i32>} : memref<16x640xf32, #tpu.memory_space<vmem>>, vector<16xf32>,
      %add3A_94 = arith.addf %add3A_87, %get3A_93 : vector<16xf32>
      %mul3A_95 = arith.constant 16 : i32
      %mul3A_96 = arith.muli %scan3A_30, %mul3A_95 : i32
      %get3A_97 = arith.constant 9 : i32
      %get3A_98 = arith.index_cast %get3A_97 : i32 to index
      %get3A_99 = arith.index_cast %mul3A_96 : i32 to index
      %get3A_100 = tpu.vector_load %arg6[%get3A_98, %get3A_99] {strides = array<i32>} : memref<16x640xf32, #tpu.memory_space<vmem>>, vector<16xf32>,
      %add3A_101 = arith.addf %add3A_94, %get3A_100 : vector<16xf32>
      %mul3A_102 = arith.constant 16 : i32
      %mul3A_103 = arith.muli %scan3A_30, %mul3A_102 : i32
      %get3A_104 = arith.constant 10 : i32
      %get3A_105 = arith.index_cast %get3A_104 : i32 to index
      %get3A_106 = arith.index_cast %mul3A_103 : i32 to index
      %get3A_107 = tpu.vector_load %arg6[%get3A_105, %get3A_106] {strides = array<i32>} : memref<16x640xf32, #tpu.memory_space<vmem>>, vector<16xf32>,
      %add3A_108 = arith.addf %add3A_101, %get3A_107 : vector<16xf32>
      %mul3A_109 = arith.constant 16 : i32
      %mul3A_110 = arith.muli %scan3A_30, %mul3A_109 : i32
      %get3A_111 = arith.constant 11 : i32
      %get3A_112 = arith.index_cast %get3A_111 : i32 to index
      %get3A_113 = arith.index_cast %mul3A_110 : i32 to index
      %get3A_114 = tpu.vector_load %arg6[%get3A_112, %get3A_113] {strides = array<i32>} : memref<16x640xf32, #tpu.memory_space<vmem>>, vector<16xf32>,
      %add3A_115 = arith.addf %add3A_108, %get3A_114 : vector<16xf32>
      %mul3A_116 = arith.constant 16 : i32
      %mul3A_117 = arith.muli %scan3A_30, %mul3A_116 : i32
      %get3A_118 = arith.constant 12 : i32
      %get3A_119 = arith.index_cast %get3A_118 : i32 to index
      %get3A_120 = arith.index_cast %mul3A_117 : i32 to index
      %get3A_121 = tpu.vector_load %arg6[%get3A_119, %get3A_120] {strides = array<i32>} : memref<16x640xf32, #tpu.memory_space<vmem>>, vector<16xf32>,
      %add3A_122 = arith.addf %add3A_115, %get3A_121 : vector<16xf32>
      %mul3A_123 = arith.constant 16 : i32
      %mul3A_124 = arith.muli %scan3A_30, %mul3A_123 : i32
      %get3A_125 = arith.constant 13 : i32
      %get3A_126 = arith.index_cast %get3A_125 : i32 to index
      %get3A_127 = arith.index_cast %mul3A_124 : i32 to index
      %get3A_128 = tpu.vector_load %arg6[%get3A_126, %get3A_127] {strides = array<i32>} : memref<16x640xf32, #tpu.memory_space<vmem>>, vector<16xf32>,
      %add3A_129 = arith.addf %add3A_122, %get3A_128 : vector<16xf32>
      %mul3A_130 = arith.constant 16 : i32
      %mul3A_131 = arith.muli %scan3A_30, %mul3A_130 : i32
      %get3A_132 = arith.constant 14 : i32
      %get3A_133 = arith.index_cast %get3A_132 : i32 to index
      %get3A_134 = arith.index_cast %mul3A_131 : i32 to index
      %get3A_135 = tpu.vector_load %arg6[%get3A_133, %get3A_134] {strides = array<i32>} : memref<16x640xf32, #tpu.memory_space<vmem>>, vector<16xf32>,
      %add3A_136 = arith.addf %add3A_129, %get3A_135 : vector<16xf32>
      %mul3A_137 = arith.constant 16 : i32
      %mul3A_138 = arith.muli %scan3A_30, %mul3A_137 : i32
      %get3A_139 = arith.constant 15 : i32
      %get3A_140 = arith.index_cast %get3A_139 : i32 to index
      %get3A_141 = arith.index_cast %mul3A_138 : i32 to index
      %get3A_142 = tpu.vector_load %arg6[%get3A_140, %get3A_141] {strides = array<i32>} : memref<16x640xf32, #tpu.memory_space<vmem>>, vector<16xf32>,
      %add3A_143 = arith.addf %add3A_136, %get3A_142 : vector<16xf32>
      %mul3A_144 = arith.constant 16 : i32
      %mul3A_145 = arith.muli %scan3A_30, %mul3A_144 : i32
      %swap3A = arith.index_cast %mul3A_145 : i32 to index
      %swap3A_146 = tpu.vector_load %arg7[%swap3A] {strides = array<i32>} : memref<640xf32, #tpu.memory_space<vmem>>, vector<16xf32>,
      tpu.vector_store %arg7[%swap3A], %add3A_143 {strides = array<i32>} : memref<640xf32, #tpu.memory_space<vmem>>, vector<16xf32>,
    }
    %scan3A_27 = arith.constant 40 : i32
    %mul3A_28 = arith.constant 640 : i32
    %mul3A_29 = arith.muli %arg1, %mul3A_28 : i32
    "tpu.region"() ({
      %run_scoped3A = tpu.sem_alloc : memref<!tpu.dma_semaphore, #tpu.memory_space<semaphore_mem>>
      %dma_start3A = tpu.memref_slice %arg3[%arg0, %mul3A_29] : memref<2x10240xf32, #tpu.memory_space<hbm>> -> memref<1x640xf32, #tpu.memory_space<hbm>>
      %dma_start3A_30 = tpu.memref_squeeze %dma_start3A : memref<1x640xf32, #tpu.memory_space<hbm>> -> memref<640xf32, #tpu.memory_space<hbm>>
      %dma_start3A_31 = tpu.memref_slice %arg3[%arg0, %mul3A_29] : memref<2x10240xf32, #tpu.memory_space<hbm>> -> memref<1x640xf32, #tpu.memory_space<hbm>>
      %dma_start3A_32 = tpu.memref_squeeze %dma_start3A_31 : memref<1x640xf32, #tpu.memory_space<hbm>> -> memref<640xf32, #tpu.memory_space<hbm>>
      tpu.enqueue_dma source(%arg7 : memref<640xf32, #tpu.memory_space<vmem>>) target(%dma_start3A_32 : memref<640xf32, #tpu.memory_space<hbm>>) target_semaphore(%run_scoped3A : memref<!tpu.dma_semaphore, #tpu.memory_space<semaphore_mem>>)
      %dma_wait3A = tpu.memref_slice %arg3[%arg0, %mul3A_29] : memref<2x10240xf32, #tpu.memory_space<hbm>> -> memref<1x640xf32, #tpu.memory_space<hbm>>
      %dma_wait3A_33 = tpu.memref_squeeze %dma_wait3A : memref<1x640xf32, #tpu.memory_space<hbm>> -> memref<640xf32, #tpu.memory_space<hbm>>
      %dma_wait3A_34 = tpu.memref_slice %arg3[%arg0, %mul3A_29] : memref<2x10240xf32, #tpu.memory_space<hbm>> -> memref<1x640xf32, #tpu.memory_space<hbm>>
      %dma_wait3A_35 = tpu.memref_squeeze %dma_wait3A_34 : memref<1x640xf32, #tpu.memory_space<hbm>> -> memref<640xf32, #tpu.memory_space<hbm>>
      tpu.wait_dma2 semaphore(%run_scoped3A : memref<!tpu.dma_semaphore, #tpu.memory_space<semaphore_mem>>) src(%arg7 : memref<640xf32, #tpu.memory_space<vmem>>) dst(%dma_wait3A_35 : memref<640xf32, #tpu.memory_space<hbm>>)
      tpu.yield
    }) : () -> ()
    return
  }
}

#map = affine_map<(d0, d1) -> (0, 0, 0)>
#map1 = affine_map<(d0, d1) -> (0)>
#map2 = affine_map<(d0, d1) -> (0, 0)>
module attributes {stable_mosaic.version = 14 : i64} {
  func.func @_spmm_first_body(%arg0: i32, %arg1: i32, %arg2: memref<2x10240x128xf32, #tpu.memory_space<hbm>>, %arg3: memref<2x32x5120xi32, #tpu.memory_space<hbm>>, %arg4: memref<10240xi32, #tpu.memory_space<hbm>>, %arg5: memref<80x128xf32, #tpu.memory_space<hbm>>, %arg6: memref<2x1280x128xf32, #tpu.memory_space<hbm>>, %arg7: memref<5120xi32, #tpu.memory_space<vmem>>, %arg8: memref<5120xi32, #tpu.memory_space<vmem>>, %arg9: memref<10240xi32, #tpu.memory_space<vmem>>, %arg10: memref<10240xi32, #tpu.memory_space<vmem>>, %arg11: memref<10240xi32, #tpu.memory_space<vmem>>, %arg12: memref<128x128xf32, #tpu.memory_space<vmem>>, %arg13: memref<128x128xf32, #tpu.memory_space<vmem>>, %arg14: memref<1280x128xf32, #tpu.memory_space<vmem_shared>>, %arg15: memref<!tpu.dma_semaphore, #tpu.memory_space<semaphore_mem>>, %arg16: memref<!tpu.dma_semaphore, #tpu.memory_space<semaphore_mem>>, %arg17: memref<!tpu.dma_semaphore, #tpu.memory_space<semaphore_mem>>, %arg18: memref<!tpu.dma_semaphore, #tpu.memory_space<semaphore_mem>>) attributes {dimension_semantics = [#tpu.dimension_semantics<core_parallel>, #tpu.dimension_semantics<subcore_parallel>], iteration_bounds = array<i64: 2, 16>, scalar_prefetch = 0 : i64, scratch_operands = 12 : i64, tpu.core_type = #tpu.core_type<sc_vector_subcore>, window_params = [{transform_indices = #map}, {transform_indices = #map}, {transform_indices = #map1}, {transform_indices = #map2}, {transform_indices = #map}]} {
    %mul3A = arith.constant 80 : i32
    %mul3A_0 = arith.muli %arg1, %mul3A : i32
    "tpu.region"() ({
      %run_scoped3A_59 = tpu.sem_alloc : memref<!tpu.dma_semaphore, #tpu.memory_space<semaphore_mem>>
      %dma_start3A = arith.constant 0 : i32
      %dma_start3A_60 = tpu.memref_slice %arg14[%mul3A_0, %dma_start3A] : memref<1280x128xf32, #tpu.memory_space<vmem_shared>> -> memref<80x128xf32, #tpu.memory_space<vmem_shared>>
      %dma_start3A_61 = arith.constant 0 : i32
      %dma_start3A_62 = arith.constant 0 : i32
      %dma_start3A_63 = tpu.memref_slice %arg5[%dma_start3A_61, %dma_start3A_62] : memref<80x128xf32, #tpu.memory_space<hbm>> -> memref<80x128xf32, #tpu.memory_space<hbm>>
      tpu.enqueue_dma source(%dma_start3A_63 : memref<80x128xf32, #tpu.memory_space<hbm>>) target(%dma_start3A_60 : memref<80x128xf32, #tpu.memory_space<vmem_shared>>) target_semaphore(%run_scoped3A_59 : memref<!tpu.dma_semaphore, #tpu.memory_space<semaphore_mem>>)
      %dma_wait3A = arith.constant 0 : i32
      %dma_wait3A_64 = tpu.memref_slice %arg14[%mul3A_0, %dma_wait3A] : memref<1280x128xf32, #tpu.memory_space<vmem_shared>> -> memref<80x128xf32, #tpu.memory_space<vmem_shared>>
      %dma_wait3A_65 = arith.constant 0 : i32
      %dma_wait3A_66 = arith.constant 0 : i32
      %dma_wait3A_67 = tpu.memref_slice %arg5[%dma_wait3A_65, %dma_wait3A_66] : memref<80x128xf32, #tpu.memory_space<hbm>> -> memref<80x128xf32, #tpu.memory_space<hbm>>
      tpu.wait_dma2 semaphore(%run_scoped3A_59 : memref<!tpu.dma_semaphore, #tpu.memory_space<semaphore_mem>>) src(%dma_wait3A_67 : memref<80x128xf32, #tpu.memory_space<hbm>>) dst(%dma_wait3A_64 : memref<80x128xf32, #tpu.memory_space<vmem_shared>>)
      tpu.yield
    }) : () -> ()
    "tpu.region"() ({
      %run_scoped3A_59 = tpu.sem_alloc : memref<!tpu.dma_semaphore, #tpu.memory_space<semaphore_mem>>
      tpu.enqueue_dma source(%arg4 : memref<10240xi32, #tpu.memory_space<hbm>>) target(%arg11 : memref<10240xi32, #tpu.memory_space<vmem>>) target_semaphore(%run_scoped3A_59 : memref<!tpu.dma_semaphore, #tpu.memory_space<semaphore_mem>>)
      tpu.wait_dma2 semaphore(%run_scoped3A_59 : memref<!tpu.dma_semaphore, #tpu.memory_space<semaphore_mem>>) src(%arg4 : memref<10240xi32, #tpu.memory_space<hbm>>) dst(%arg11 : memref<10240xi32, #tpu.memory_space<vmem>>)
      tpu.yield
    }) : () -> ()
    %scan3A = arith.constant 0 : i32
    %scan3A_1 = arith.constant 0 : i32
    %scan3A_2 = arith.constant 640 : i32
    %scan3A_3 = arith.addi %scan3A_1, %scan3A_2 : i32
    %scan3A_4 = arith.constant 1 : i32
    scf.for %scan3A_59 = %scan3A_1 to %scan3A_3 step %scan3A_4  : i32 {
      %broadcast_in_dim3A = arith.constant 0 : i32
      %broadcast_in_dim3A_60 = vector.broadcast %broadcast_in_dim3A : i32 to vector<16xi32>
      %mul3A_61 = arith.constant 16 : i32
      %mul3A_62 = arith.muli %scan3A_59, %mul3A_61 : i32
      %swap3A = arith.index_cast %mul3A_62 : i32 to index
      %swap3A_63 = tpu.vector_load %arg9[%swap3A] {strides = array<i32>} : memref<10240xi32, #tpu.memory_space<vmem>>, vector<16xi32>,
      tpu.vector_store %arg9[%swap3A], %broadcast_in_dim3A_60 {strides = array<i32>} : memref<10240xi32, #tpu.memory_space<vmem>>, vector<16xi32>,
      %broadcast_in_dim3A_64 = arith.constant 1279 : i32
      %broadcast_in_dim3A_65 = vector.broadcast %broadcast_in_dim3A_64 : i32 to vector<16xi32>
      %mul3A_66 = arith.constant 16 : i32
      %mul3A_67 = arith.muli %scan3A_59, %mul3A_66 : i32
      %swap3A_68 = arith.index_cast %mul3A_67 : i32 to index
      %swap3A_69 = tpu.vector_load %arg10[%swap3A_68] {strides = array<i32>} : memref<10240xi32, #tpu.memory_space<vmem>>, vector<16xi32>,
      tpu.vector_store %arg10[%swap3A_68], %broadcast_in_dim3A_65 {strides = array<i32>} : memref<10240xi32, #tpu.memory_space<vmem>>, vector<16xi32>,
    }
    %scan3A_5 = arith.constant 640 : i32
    %add3A = arith.constant 0 : i32
    %add3A_6 = arith.addi %arg1, %add3A : i32
    %run_scoped3A = arith.constant 0 : i32
    "tpu.region"() ({
      %run_scoped3A_59 = tpu.sem_alloc : memref<!tpu.dma_semaphore, #tpu.memory_space<semaphore_mem>>
      %dma_start3A = arith.constant 0 : i32
      %dma_start3A_60 = tpu.memref_slice %arg3[%run_scoped3A, %add3A_6, %dma_start3A] : memref<2x32x5120xi32, #tpu.memory_space<hbm>> -> memref<1x1x5120xi32, #tpu.memory_space<hbm>>
      %dma_start3A_61 = tpu.memref_squeeze %dma_start3A_60 : memref<1x1x5120xi32, #tpu.memory_space<hbm>> -> memref<5120xi32, #tpu.memory_space<hbm>>
      %dma_start3A_62 = arith.constant 0 : i32
      %dma_start3A_63 = tpu.memref_slice %arg3[%run_scoped3A, %add3A_6, %dma_start3A_62] : memref<2x32x5120xi32, #tpu.memory_space<hbm>> -> memref<1x1x5120xi32, #tpu.memory_space<hbm>>
      %dma_start3A_64 = tpu.memref_squeeze %dma_start3A_63 : memref<1x1x5120xi32, #tpu.memory_space<hbm>> -> memref<5120xi32, #tpu.memory_space<hbm>>
      tpu.enqueue_dma source(%dma_start3A_64 : memref<5120xi32, #tpu.memory_space<hbm>>) target(%arg7 : memref<5120xi32, #tpu.memory_space<vmem>>) target_semaphore(%run_scoped3A_59 : memref<!tpu.dma_semaphore, #tpu.memory_space<semaphore_mem>>)
      %dma_wait3A = arith.constant 0 : i32
      %dma_wait3A_65 = tpu.memref_slice %arg3[%run_scoped3A, %add3A_6, %dma_wait3A] : memref<2x32x5120xi32, #tpu.memory_space<hbm>> -> memref<1x1x5120xi32, #tpu.memory_space<hbm>>
      %dma_wait3A_66 = tpu.memref_squeeze %dma_wait3A_65 : memref<1x1x5120xi32, #tpu.memory_space<hbm>> -> memref<5120xi32, #tpu.memory_space<hbm>>
      %dma_wait3A_67 = arith.constant 0 : i32
      %dma_wait3A_68 = tpu.memref_slice %arg3[%run_scoped3A, %add3A_6, %dma_wait3A_67] : memref<2x32x5120xi32, #tpu.memory_space<hbm>> -> memref<1x1x5120xi32, #tpu.memory_space<hbm>>
      %dma_wait3A_69 = tpu.memref_squeeze %dma_wait3A_68 : memref<1x1x5120xi32, #tpu.memory_space<hbm>> -> memref<5120xi32, #tpu.memory_space<hbm>>
      tpu.wait_dma2 semaphore(%run_scoped3A_59 : memref<!tpu.dma_semaphore, #tpu.memory_space<semaphore_mem>>) src(%dma_wait3A_69 : memref<5120xi32, #tpu.memory_space<hbm>>) dst(%arg7 : memref<5120xi32, #tpu.memory_space<vmem>>)
      tpu.yield
    }) : () -> ()
    %run_scoped3A_7 = arith.constant 1 : i32
    "tpu.region"() ({
      %run_scoped3A_59 = tpu.sem_alloc : memref<!tpu.dma_semaphore, #tpu.memory_space<semaphore_mem>>
      %dma_start3A = arith.constant 0 : i32
      %dma_start3A_60 = tpu.memref_slice %arg3[%run_scoped3A_7, %add3A_6, %dma_start3A] : memref<2x32x5120xi32, #tpu.memory_space<hbm>> -> memref<1x1x5120xi32, #tpu.memory_space<hbm>>
      %dma_start3A_61 = tpu.memref_squeeze %dma_start3A_60 : memref<1x1x5120xi32, #tpu.memory_space<hbm>> -> memref<5120xi32, #tpu.memory_space<hbm>>
      %dma_start3A_62 = arith.constant 0 : i32
      %dma_start3A_63 = tpu.memref_slice %arg3[%run_scoped3A_7, %add3A_6, %dma_start3A_62] : memref<2x32x5120xi32, #tpu.memory_space<hbm>> -> memref<1x1x5120xi32, #tpu.memory_space<hbm>>
      %dma_start3A_64 = tpu.memref_squeeze %dma_start3A_63 : memref<1x1x5120xi32, #tpu.memory_space<hbm>> -> memref<5120xi32, #tpu.memory_space<hbm>>
      tpu.enqueue_dma source(%dma_start3A_64 : memref<5120xi32, #tpu.memory_space<hbm>>) target(%arg8 : memref<5120xi32, #tpu.memory_space<vmem>>) target_semaphore(%run_scoped3A_59 : memref<!tpu.dma_semaphore, #tpu.memory_space<semaphore_mem>>)
      %dma_wait3A = arith.constant 0 : i32
      %dma_wait3A_65 = tpu.memref_slice %arg3[%run_scoped3A_7, %add3A_6, %dma_wait3A] : memref<2x32x5120xi32, #tpu.memory_space<hbm>> -> memref<1x1x5120xi32, #tpu.memory_space<hbm>>
      %dma_wait3A_66 = tpu.memref_squeeze %dma_wait3A_65 : memref<1x1x5120xi32, #tpu.memory_space<hbm>> -> memref<5120xi32, #tpu.memory_space<hbm>>
      %dma_wait3A_67 = arith.constant 0 : i32
      %dma_wait3A_68 = tpu.memref_slice %arg3[%run_scoped3A_7, %add3A_6, %dma_wait3A_67] : memref<2x32x5120xi32, #tpu.memory_space<hbm>> -> memref<1x1x5120xi32, #tpu.memory_space<hbm>>
      %dma_wait3A_69 = tpu.memref_squeeze %dma_wait3A_68 : memref<1x1x5120xi32, #tpu.memory_space<hbm>> -> memref<5120xi32, #tpu.memory_space<hbm>>
      tpu.wait_dma2 semaphore(%run_scoped3A_59 : memref<!tpu.dma_semaphore, #tpu.memory_space<semaphore_mem>>) src(%dma_wait3A_69 : memref<5120xi32, #tpu.memory_space<hbm>>) dst(%arg8 : memref<5120xi32, #tpu.memory_space<vmem>>)
      tpu.yield
    }) : () -> ()
    %scan3A_8 = arith.constant 0 : i32
    %scan3A_9 = arith.constant 0 : i32
    %scan3A_10 = arith.constant 320 : i32
    %scan3A_11 = arith.addi %scan3A_9, %scan3A_10 : i32
    %scan3A_12 = arith.constant 1 : i32
    %scan3A_13 = scf.for %scan3A_59 = %scan3A_9 to %scan3A_11 step %scan3A_12 iter_args(%scan3A_60 = %scan3A_8) -> (i32)  : i32 {
      %mul3A_61 = arith.constant 16 : i32
      %mul3A_62 = arith.muli %scan3A_59, %mul3A_61 : i32
      %get3A = arith.index_cast %mul3A_62 : i32 to index
      %get3A_63 = tpu.vector_load %arg7[%get3A] {strides = array<i32>} : memref<5120xi32, #tpu.memory_space<vmem>>, vector<16xi32>,
      %mul3A_64 = arith.constant 16 : i32
      %mul3A_65 = arith.muli %scan3A_59, %mul3A_64 : i32
      %get3A_66 = arith.index_cast %mul3A_65 : i32 to index
      %get3A_67 = tpu.vector_load %arg8[%get3A_66] {strides = array<i32>} : memref<5120xi32, #tpu.memory_space<vmem>>, vector<16xi32>,
      %gather3A = tpu.vector_load_idx %arg11[%get3A_67] : memref<10240xi32, #tpu.memory_space<vmem>>[vector<16xi32>], vector<16xi32>,
      %ne3A_68 = arith.constant 1279 : i32
      %ne3A_69 = vector.broadcast %ne3A_68 : i32 to vector<16xi32>
      %ne3A_70 = arith.cmpi ne, %gather3A, %ne3A_69 : vector<16xi32>
      %swap3A = arith.index_cast %scan3A_60 : i32 to index
      %swap3A_71 = tpu.vector_load %arg9[%swap3A] masked %ne3A_70 {strides = array<i32>} : memref<10240xi32, #tpu.memory_space<vmem>>, vector<16xi32>, vector<16xi1>
      tpu.vector_store %arg9[%swap3A], %get3A_63 masked %ne3A_70 {strides = array<i32>} : memref<10240xi32, #tpu.memory_space<vmem>>, vector<16xi32>, vector<16xi1>
      %swap3A_72 = arith.index_cast %scan3A_60 : i32 to index
      %swap3A_73 = tpu.vector_load %arg10[%swap3A_72] masked %ne3A_70 {strides = array<i32>} : memref<10240xi32, #tpu.memory_space<vmem>>, vector<16xi32>, vector<16xi1>
      tpu.vector_store %arg10[%swap3A_72], %gather3A masked %ne3A_70 {strides = array<i32>} : memref<10240xi32, #tpu.memory_space<vmem>>, vector<16xi32>, vector<16xi1>
      %all_reduce_population_count3A = tpu.all_reduce %ne3A_70 {dim = 0 : i64, kind = #tpu.reduction_kind<sum>} : vector<16xi1> -> vector<16xi32>
      %reduce_max3A = arith.constant true
      %reduce_max3A_74 = vector.broadcast %reduce_max3A : i1 to vector<16xi1>
      %reduce_max3A_75 = arith.constant -2147483648 : i32
      %reduce_max3A_76 = vector.broadcast %reduce_max3A_75 : i32 to vector<16xi32>
      %reduce_max3A_77 = arith.xori %all_reduce_population_count3A, %reduce_max3A_76 : vector<16xi32>
      %reduce_max3A_78 = tpu.scan <max>, %reduce_max3A_77 masked %reduce_max3A_74 : vector<16xi32>, vector<16xi1> -> vector<16xi32>
      %reduce_max3A_79 = arith.xori %reduce_max3A_78, %reduce_max3A_76 : vector<16xi32>
      %reduce_max3A_80 = vector.extract %reduce_max3A_79[15] : i32 from vector<16xi32>
      %add3A_81 = arith.addi %scan3A_60, %reduce_max3A_80 : i32
      scf.yield %add3A_81 : i32
    }
    %scan3A_14 = arith.constant 320 : i32
    %add3A_15 = arith.constant 16 : i32
    %add3A_16 = arith.addi %arg1, %add3A_15 : i32
    %run_scoped3A_17 = arith.constant 0 : i32
    "tpu.region"() ({
      %run_scoped3A_59 = tpu.sem_alloc : memref<!tpu.dma_semaphore, #tpu.memory_space<semaphore_mem>>
      %dma_start3A = arith.constant 0 : i32
      %dma_start3A_60 = tpu.memref_slice %arg3[%run_scoped3A_17, %add3A_16, %dma_start3A] : memref<2x32x5120xi32, #tpu.memory_space<hbm>> -> memref<1x1x5120xi32, #tpu.memory_space<hbm>>
      %dma_start3A_61 = tpu.memref_squeeze %dma_start3A_60 : memref<1x1x5120xi32, #tpu.memory_space<hbm>> -> memref<5120xi32, #tpu.memory_space<hbm>>
      %dma_start3A_62 = arith.constant 0 : i32
      %dma_start3A_63 = tpu.memref_slice %arg3[%run_scoped3A_17, %add3A_16, %dma_start3A_62] : memref<2x32x5120xi32, #tpu.memory_space<hbm>> -> memref<1x1x5120xi32, #tpu.memory_space<hbm>>
      %dma_start3A_64 = tpu.memref_squeeze %dma_start3A_63 : memref<1x1x5120xi32, #tpu.memory_space<hbm>> -> memref<5120xi32, #tpu.memory_space<hbm>>
      tpu.enqueue_dma source(%dma_start3A_64 : memref<5120xi32, #tpu.memory_space<hbm>>) target(%arg7 : memref<5120xi32, #tpu.memory_space<vmem>>) target_semaphore(%run_scoped3A_59 : memref<!tpu.dma_semaphore, #tpu.memory_space<semaphore_mem>>)
      %dma_wait3A = arith.constant 0 : i32
      %dma_wait3A_65 = tpu.memref_slice %arg3[%run_scoped3A_17, %add3A_16, %dma_wait3A] : memref<2x32x5120xi32, #tpu.memory_space<hbm>> -> memref<1x1x5120xi32, #tpu.memory_space<hbm>>
      %dma_wait3A_66 = tpu.memref_squeeze %dma_wait3A_65 : memref<1x1x5120xi32, #tpu.memory_space<hbm>> -> memref<5120xi32, #tpu.memory_space<hbm>>
      %dma_wait3A_67 = arith.constant 0 : i32
      %dma_wait3A_68 = tpu.memref_slice %arg3[%run_scoped3A_17, %add3A_16, %dma_wait3A_67] : memref<2x32x5120xi32, #tpu.memory_space<hbm>> -> memref<1x1x5120xi32, #tpu.memory_space<hbm>>
      %dma_wait3A_69 = tpu.memref_squeeze %dma_wait3A_68 : memref<1x1x5120xi32, #tpu.memory_space<hbm>> -> memref<5120xi32, #tpu.memory_space<hbm>>
      tpu.wait_dma2 semaphore(%run_scoped3A_59 : memref<!tpu.dma_semaphore, #tpu.memory_space<semaphore_mem>>) src(%dma_wait3A_69 : memref<5120xi32, #tpu.memory_space<hbm>>) dst(%arg7 : memref<5120xi32, #tpu.memory_space<vmem>>)
      tpu.yield
    }) : () -> ()
    %run_scoped3A_18 = arith.constant 1 : i32
    "tpu.region"() ({
      %run_scoped3A_59 = tpu.sem_alloc : memref<!tpu.dma_semaphore, #tpu.memory_space<semaphore_mem>>
      %dma_start3A = arith.constant 0 : i32
      %dma_start3A_60 = tpu.memref_slice %arg3[%run_scoped3A_18, %add3A_16, %dma_start3A] : memref<2x32x5120xi32, #tpu.memory_space<hbm>> -> memref<1x1x5120xi32, #tpu.memory_space<hbm>>
      %dma_start3A_61 = tpu.memref_squeeze %dma_start3A_60 : memref<1x1x5120xi32, #tpu.memory_space<hbm>> -> memref<5120xi32, #tpu.memory_space<hbm>>
      %dma_start3A_62 = arith.constant 0 : i32
      %dma_start3A_63 = tpu.memref_slice %arg3[%run_scoped3A_18, %add3A_16, %dma_start3A_62] : memref<2x32x5120xi32, #tpu.memory_space<hbm>> -> memref<1x1x5120xi32, #tpu.memory_space<hbm>>
      %dma_start3A_64 = tpu.memref_squeeze %dma_start3A_63 : memref<1x1x5120xi32, #tpu.memory_space<hbm>> -> memref<5120xi32, #tpu.memory_space<hbm>>
      tpu.enqueue_dma source(%dma_start3A_64 : memref<5120xi32, #tpu.memory_space<hbm>>) target(%arg8 : memref<5120xi32, #tpu.memory_space<vmem>>) target_semaphore(%run_scoped3A_59 : memref<!tpu.dma_semaphore, #tpu.memory_space<semaphore_mem>>)
      %dma_wait3A = arith.constant 0 : i32
      %dma_wait3A_65 = tpu.memref_slice %arg3[%run_scoped3A_18, %add3A_16, %dma_wait3A] : memref<2x32x5120xi32, #tpu.memory_space<hbm>> -> memref<1x1x5120xi32, #tpu.memory_space<hbm>>
      %dma_wait3A_66 = tpu.memref_squeeze %dma_wait3A_65 : memref<1x1x5120xi32, #tpu.memory_space<hbm>> -> memref<5120xi32, #tpu.memory_space<hbm>>
      %dma_wait3A_67 = arith.constant 0 : i32
      %dma_wait3A_68 = tpu.memref_slice %arg3[%run_scoped3A_18, %add3A_16, %dma_wait3A_67] : memref<2x32x5120xi32, #tpu.memory_space<hbm>> -> memref<1x1x5120xi32, #tpu.memory_space<hbm>>
      %dma_wait3A_69 = tpu.memref_squeeze %dma_wait3A_68 : memref<1x1x5120xi32, #tpu.memory_space<hbm>> -> memref<5120xi32, #tpu.memory_space<hbm>>
      tpu.wait_dma2 semaphore(%run_scoped3A_59 : memref<!tpu.dma_semaphore, #tpu.memory_space<semaphore_mem>>) src(%dma_wait3A_69 : memref<5120xi32, #tpu.memory_space<hbm>>) dst(%arg8 : memref<5120xi32, #tpu.memory_space<vmem>>)
      tpu.yield
    }) : () -> ()
    %scan3A_19 = arith.constant 0 : i32
    %scan3A_20 = arith.constant 320 : i32
    %scan3A_21 = arith.addi %scan3A_19, %scan3A_20 : i32
    %scan3A_22 = arith.constant 1 : i32
    %scan3A_23 = scf.for %scan3A_59 = %scan3A_19 to %scan3A_21 step %scan3A_22 iter_args(%scan3A_60 = %scan3A_13) -> (i32)  : i32 {
      %mul3A_61 = arith.constant 16 : i32
      %mul3A_62 = arith.muli %scan3A_59, %mul3A_61 : i32
      %get3A = arith.index_cast %mul3A_62 : i32 to index
      %get3A_63 = tpu.vector_load %arg7[%get3A] {strides = array<i32>} : memref<5120xi32, #tpu.memory_space<vmem>>, vector<16xi32>,
      %mul3A_64 = arith.constant 16 : i32
      %mul3A_65 = arith.muli %scan3A_59, %mul3A_64 : i32
      %get3A_66 = arith.index_cast %mul3A_65 : i32 to index
      %get3A_67 = tpu.vector_load %arg8[%get3A_66] {strides = array<i32>} : memref<5120xi32, #tpu.memory_space<vmem>>, vector<16xi32>,
      %gather3A = tpu.vector_load_idx %arg11[%get3A_67] : memref<10240xi32, #tpu.memory_space<vmem>>[vector<16xi32>], vector<16xi32>,
      %ne3A_68 = arith.constant 1279 : i32
      %ne3A_69 = vector.broadcast %ne3A_68 : i32 to vector<16xi32>
      %ne3A_70 = arith.cmpi ne, %gather3A, %ne3A_69 : vector<16xi32>
      %swap3A = arith.index_cast %scan3A_60 : i32 to index
      %swap3A_71 = tpu.vector_load %arg9[%swap3A] masked %ne3A_70 {strides = array<i32>} : memref<10240xi32, #tpu.memory_space<vmem>>, vector<16xi32>, vector<16xi1>
      tpu.vector_store %arg9[%swap3A], %get3A_63 masked %ne3A_70 {strides = array<i32>} : memref<10240xi32, #tpu.memory_space<vmem>>, vector<16xi32>, vector<16xi1>
      %swap3A_72 = arith.index_cast %scan3A_60 : i32 to index
      %swap3A_73 = tpu.vector_load %arg10[%swap3A_72] masked %ne3A_70 {strides = array<i32>} : memref<10240xi32, #tpu.memory_space<vmem>>, vector<16xi32>, vector<16xi1>
      tpu.vector_store %arg10[%swap3A_72], %gather3A masked %ne3A_70 {strides = array<i32>} : memref<10240xi32, #tpu.memory_space<vmem>>, vector<16xi32>, vector<16xi1>
      %all_reduce_population_count3A = tpu.all_reduce %ne3A_70 {dim = 0 : i64, kind = #tpu.reduction_kind<sum>} : vector<16xi1> -> vector<16xi32>
      %reduce_max3A = arith.constant true
      %reduce_max3A_74 = vector.broadcast %reduce_max3A : i1 to vector<16xi1>
      %reduce_max3A_75 = arith.constant -2147483648 : i32
      %reduce_max3A_76 = vector.broadcast %reduce_max3A_75 : i32 to vector<16xi32>
      %reduce_max3A_77 = arith.xori %all_reduce_population_count3A, %reduce_max3A_76 : vector<16xi32>
      %reduce_max3A_78 = tpu.scan <max>, %reduce_max3A_77 masked %reduce_max3A_74 : vector<16xi32>, vector<16xi1> -> vector<16xi32>
      %reduce_max3A_79 = arith.xori %reduce_max3A_78, %reduce_max3A_76 : vector<16xi32>
      %reduce_max3A_80 = vector.extract %reduce_max3A_79[15] : i32 from vector<16xi32>
      %add3A_81 = arith.addi %scan3A_60, %reduce_max3A_80 : i32
      scf.yield %add3A_81 : i32
    }
    %scan3A_24 = arith.constant 320 : i32
    %add3A_25 = arith.constant 128 : i32
    %add3A_26 = arith.addi %scan3A_23, %add3A_25 : i32
    %sub3A = arith.constant 1 : i32
    %sub3A_27 = arith.subi %add3A_26, %sub3A : i32
    %jit3A = arith.constant 128 : i32
    %div3A = arith.divsi %sub3A_27, %jit3A : i32
    %sign3A = arith.constant 0 : i32
    %sign3A_28 = arith.cmpi sgt, %sub3A_27, %sign3A : i32
    %sign3A_29 = arith.extui %sign3A_28 : i1 to i32
    %sign3A_30 = arith.constant 0 : i32
    %sign3A_31 = arith.cmpi slt, %sub3A_27, %sign3A_30 : i32
    %sign3A_32 = arith.extui %sign3A_31 : i1 to i32
    %sign3A_33 = arith.subi %sign3A_29, %sign3A_32 : i32
    %sign3A_34 = arith.constant 0 : i32
    %sign3A_35 = arith.cmpi sgt, %jit3A, %sign3A_34 : i32
    %sign3A_36 = arith.extui %sign3A_35 : i1 to i32
    %sign3A_37 = arith.constant 0 : i32
    %sign3A_38 = arith.cmpi slt, %jit3A, %sign3A_37 : i32
    %sign3A_39 = arith.extui %sign3A_38 : i1 to i32
    %sign3A_40 = arith.subi %sign3A_36, %sign3A_39 : i32
    %ne3A = arith.cmpi ne, %sign3A_33, %sign3A_40 : i32
    %rem3A = arith.remsi %sub3A_27, %jit3A : i32
    %ne3A_41 = arith.constant 0 : i32
    %ne3A_42 = arith.cmpi ne, %rem3A, %ne3A_41 : i32
    %and3A = arith.andi %ne3A, %ne3A_42 : i1
    %sub3A_43 = arith.constant 1 : i32
    %sub3A_44 = arith.subi %div3A, %sub3A_43 : i32
    %select_n3A = arith.select %and3A, %sub3A_44, %div3A : i32
    %barrier3A = arith.constant 0 : index
    tpu.barrier barrier_id(%barrier3A)
    %while3A = arith.constant 0 : i32
    %while3A_45 = arith.constant 0 : i32
    %while3A_46 = arith.subi %select_n3A, %while3A_45 : i32
    %while3A_47 = arith.addi %while3A_45, %while3A_46 : i32
    %while3A_48 = arith.constant 1 : i32
    %while3A_49 = arith.divsi %while3A_46, %while3A_48 : i32
    %while3A_50 = arith.muli %while3A_49, %while3A_48 : i32
    %while3A_51 = arith.addi %while3A_45, %while3A_50 : i32
    %while3A_52 = arith.constant 1 : i32
    scf.for %while3A_59 = %while3A_45 to %while3A_51 step %while3A_52  : i32 {
      %mul3A_60 = arith.constant 128 : i32
      %mul3A_61 = arith.muli %while3A_59, %mul3A_60 : i32
      "tpu.region"() ({
        %run_scoped3A_64 = tpu.sem_alloc : memref<!tpu.dma_semaphore, #tpu.memory_space<semaphore_mem>>
        %dma_start3A = tpu.memref_slice %arg9[%mul3A_61] : memref<10240xi32, #tpu.memory_space<vmem>> -> memref<128xi32, #tpu.memory_space<vmem>>
        %dma_start3A_65 = arith.constant 0 : i32
        %dma_start3A_66 = arith.constant 0 : i32
        %dma_start3A_67 = tpu.memref_slice %arg2[%arg0, %dma_start3A_65, %dma_start3A_66] : memref<2x10240x128xf32, #tpu.memory_space<hbm>> -> memref<1x10240x128xf32, #tpu.memory_space<hbm>>
        %dma_start3A_68 = tpu.memref_squeeze %dma_start3A_67 : memref<1x10240x128xf32, #tpu.memory_space<hbm>> -> memref<10240x128xf32, #tpu.memory_space<hbm>>
        %dma_start3A_69 = arith.constant 0 : i32
        %dma_start3A_70 = arith.constant 0 : i32
        %dma_start3A_71 = tpu.memref_slice %dma_start3A_68[%dma_start3A_69, %dma_start3A_70] : memref<10240x128xf32, #tpu.memory_space<hbm>> -> memref<10240x128xf32, #tpu.memory_space<hbm>>
        tpu.enqueue_indirect_dma source(%dma_start3A_71 : memref<10240x128xf32, #tpu.memory_space<hbm>>) target(%arg12 : memref<128x128xf32, #tpu.memory_space<vmem>>) offsets(%dma_start3A : memref<128xi32, #tpu.memory_space<vmem>>) semaphore(%run_scoped3A_64 : memref<!tpu.dma_semaphore, #tpu.memory_space<semaphore_mem>>)
        %dma_wait3A = tpu.memref_slice %arg9[%mul3A_61] : memref<10240xi32, #tpu.memory_space<vmem>> -> memref<128xi32, #tpu.memory_space<vmem>>
        %dma_wait3A_72 = arith.constant 0 : i32
        %dma_wait3A_73 = arith.constant 0 : i32
        %dma_wait3A_74 = tpu.memref_slice %arg2[%arg0, %dma_wait3A_72, %dma_wait3A_73] : memref<2x10240x128xf32, #tpu.memory_space<hbm>> -> memref<1x10240x128xf32, #tpu.memory_space<hbm>>
        %dma_wait3A_75 = tpu.memref_squeeze %dma_wait3A_74 : memref<1x10240x128xf32, #tpu.memory_space<hbm>> -> memref<10240x128xf32, #tpu.memory_space<hbm>>
        %dma_wait3A_76 = arith.constant 0 : i32
        %dma_wait3A_77 = arith.constant 0 : i32
        %dma_wait3A_78 = tpu.memref_slice %dma_wait3A_75[%dma_wait3A_76, %dma_wait3A_77] : memref<10240x128xf32, #tpu.memory_space<hbm>> -> memref<10240x128xf32, #tpu.memory_space<hbm>>
        tpu.wait_indirect_dma semaphore(%run_scoped3A_64 : memref<!tpu.dma_semaphore, #tpu.memory_space<semaphore_mem>>) src(%dma_wait3A_78 : memref<10240x128xf32, #tpu.memory_space<hbm>>) dst(%arg12 : memref<128x128xf32, #tpu.memory_space<vmem>>)
        tpu.yield
      }) : () -> ()
      %mul3A_62 = arith.constant 128 : i32
      %mul3A_63 = arith.muli %while3A_59, %mul3A_62 : i32
      "tpu.region"() ({
        %run_scoped3A_64 = tpu.sem_alloc : memref<!tpu.dma_semaphore, #tpu.memory_space<semaphore_mem>>
        %dma_start3A = tpu.memref_slice %arg10[%mul3A_63] : memref<10240xi32, #tpu.memory_space<vmem>> -> memref<128xi32, #tpu.memory_space<vmem>>
        %dma_start3A_65 = arith.constant 0 : i32
        %dma_start3A_66 = arith.constant 0 : i32
        %dma_start3A_67 = tpu.memref_slice %arg14[%dma_start3A_65, %dma_start3A_66] : memref<1280x128xf32, #tpu.memory_space<vmem_shared>> -> memref<1280x128xf32, #tpu.memory_space<vmem_shared>>
        tpu.enqueue_indirect_dma source(%arg12 : memref<128x128xf32, #tpu.memory_space<vmem>>) target(%dma_start3A_67 : memref<1280x128xf32, #tpu.memory_space<vmem_shared>>) offsets(%dma_start3A : memref<128xi32, #tpu.memory_space<vmem>>) semaphore(%run_scoped3A_64 : memref<!tpu.dma_semaphore, #tpu.memory_space<semaphore_mem>>) {add = true}
        %dma_wait3A = tpu.memref_slice %arg10[%mul3A_63] : memref<10240xi32, #tpu.memory_space<vmem>> -> memref<128xi32, #tpu.memory_space<vmem>>
        %dma_wait3A_68 = arith.constant 0 : i32
        %dma_wait3A_69 = arith.constant 0 : i32
        %dma_wait3A_70 = tpu.memref_slice %arg14[%dma_wait3A_68, %dma_wait3A_69] : memref<1280x128xf32, #tpu.memory_space<vmem_shared>> -> memref<1280x128xf32, #tpu.memory_space<vmem_shared>>
        tpu.wait_indirect_dma semaphore(%run_scoped3A_64 : memref<!tpu.dma_semaphore, #tpu.memory_space<semaphore_mem>>) src(%arg12 : memref<128x128xf32, #tpu.memory_space<vmem>>) dst(%dma_wait3A_70 : memref<1280x128xf32, #tpu.memory_space<vmem_shared>>)
        tpu.yield
      }) : () -> ()
    }
    %while3A_53 = arith.constant 1 : i32
    scf.for %while3A_59 = %while3A_51 to %while3A_47 step %while3A_53  : i32 {
      %mul3A_60 = arith.constant 128 : i32
      %mul3A_61 = arith.muli %while3A_59, %mul3A_60 : i32
      "tpu.region"() ({
        %run_scoped3A_64 = tpu.sem_alloc : memref<!tpu.dma_semaphore, #tpu.memory_space<semaphore_mem>>
        %dma_start3A = tpu.memref_slice %arg9[%mul3A_61] : memref<10240xi32, #tpu.memory_space<vmem>> -> memref<128xi32, #tpu.memory_space<vmem>>
        %dma_start3A_65 = arith.constant 0 : i32
        %dma_start3A_66 = arith.constant 0 : i32
        %dma_start3A_67 = tpu.memref_slice %arg2[%arg0, %dma_start3A_65, %dma_start3A_66] : memref<2x10240x128xf32, #tpu.memory_space<hbm>> -> memref<1x10240x128xf32, #tpu.memory_space<hbm>>
        %dma_start3A_68 = tpu.memref_squeeze %dma_start3A_67 : memref<1x10240x128xf32, #tpu.memory_space<hbm>> -> memref<10240x128xf32, #tpu.memory_space<hbm>>
        %dma_start3A_69 = arith.constant 0 : i32
        %dma_start3A_70 = arith.constant 0 : i32
        %dma_start3A_71 = tpu.memref_slice %dma_start3A_68[%dma_start3A_69, %dma_start3A_70] : memref<10240x128xf32, #tpu.memory_space<hbm>> -> memref<10240x128xf32, #tpu.memory_space<hbm>>
        tpu.enqueue_indirect_dma source(%dma_start3A_71 : memref<10240x128xf32, #tpu.memory_space<hbm>>) target(%arg12 : memref<128x128xf32, #tpu.memory_space<vmem>>) offsets(%dma_start3A : memref<128xi32, #tpu.memory_space<vmem>>) semaphore(%run_scoped3A_64 : memref<!tpu.dma_semaphore, #tpu.memory_space<semaphore_mem>>)
        %dma_wait3A = tpu.memref_slice %arg9[%mul3A_61] : memref<10240xi32, #tpu.memory_space<vmem>> -> memref<128xi32, #tpu.memory_space<vmem>>
        %dma_wait3A_72 = arith.constant 0 : i32
        %dma_wait3A_73 = arith.constant 0 : i32
        %dma_wait3A_74 = tpu.memref_slice %arg2[%arg0, %dma_wait3A_72, %dma_wait3A_73] : memref<2x10240x128xf32, #tpu.memory_space<hbm>> -> memref<1x10240x128xf32, #tpu.memory_space<hbm>>
        %dma_wait3A_75 = tpu.memref_squeeze %dma_wait3A_74 : memref<1x10240x128xf32, #tpu.memory_space<hbm>> -> memref<10240x128xf32, #tpu.memory_space<hbm>>
        %dma_wait3A_76 = arith.constant 0 : i32
        %dma_wait3A_77 = arith.constant 0 : i32
        %dma_wait3A_78 = tpu.memref_slice %dma_wait3A_75[%dma_wait3A_76, %dma_wait3A_77] : memref<10240x128xf32, #tpu.memory_space<hbm>> -> memref<10240x128xf32, #tpu.memory_space<hbm>>
        tpu.wait_indirect_dma semaphore(%run_scoped3A_64 : memref<!tpu.dma_semaphore, #tpu.memory_space<semaphore_mem>>) src(%dma_wait3A_78 : memref<10240x128xf32, #tpu.memory_space<hbm>>) dst(%arg12 : memref<128x128xf32, #tpu.memory_space<vmem>>)
        tpu.yield
      }) : () -> ()
      %mul3A_62 = arith.constant 128 : i32
      %mul3A_63 = arith.muli %while3A_59, %mul3A_62 : i32
      "tpu.region"() ({
        %run_scoped3A_64 = tpu.sem_alloc : memref<!tpu.dma_semaphore, #tpu.memory_space<semaphore_mem>>
        %dma_start3A = tpu.memref_slice %arg10[%mul3A_63] : memref<10240xi32, #tpu.memory_space<vmem>> -> memref<128xi32, #tpu.memory_space<vmem>>
        %dma_start3A_65 = arith.constant 0 : i32
        %dma_start3A_66 = arith.constant 0 : i32
        %dma_start3A_67 = tpu.memref_slice %arg14[%dma_start3A_65, %dma_start3A_66] : memref<1280x128xf32, #tpu.memory_space<vmem_shared>> -> memref<1280x128xf32, #tpu.memory_space<vmem_shared>>
        tpu.enqueue_indirect_dma source(%arg12 : memref<128x128xf32, #tpu.memory_space<vmem>>) target(%dma_start3A_67 : memref<1280x128xf32, #tpu.memory_space<vmem_shared>>) offsets(%dma_start3A : memref<128xi32, #tpu.memory_space<vmem>>) semaphore(%run_scoped3A_64 : memref<!tpu.dma_semaphore, #tpu.memory_space<semaphore_mem>>) {add = true}
        %dma_wait3A = tpu.memref_slice %arg10[%mul3A_63] : memref<10240xi32, #tpu.memory_space<vmem>> -> memref<128xi32, #tpu.memory_space<vmem>>
        %dma_wait3A_68 = arith.constant 0 : i32
        %dma_wait3A_69 = arith.constant 0 : i32
        %dma_wait3A_70 = tpu.memref_slice %arg14[%dma_wait3A_68, %dma_wait3A_69] : memref<1280x128xf32, #tpu.memory_space<vmem_shared>> -> memref<1280x128xf32, #tpu.memory_space<vmem_shared>>
        tpu.wait_indirect_dma semaphore(%run_scoped3A_64 : memref<!tpu.dma_semaphore, #tpu.memory_space<semaphore_mem>>) src(%arg12 : memref<128x128xf32, #tpu.memory_space<vmem>>) dst(%dma_wait3A_70 : memref<1280x128xf32, #tpu.memory_space<vmem_shared>>)
        tpu.yield
      }) : () -> ()
    }
    %barrier3A_54 = arith.constant 0 : index
    tpu.barrier barrier_id(%barrier3A_54)
    %mul3A_55 = arith.constant 80 : i32
    %mul3A_56 = arith.muli %arg1, %mul3A_55 : i32
    %mul3A_57 = arith.constant 80 : i32
    %mul3A_58 = arith.muli %arg1, %mul3A_57 : i32
    "tpu.region"() ({
      %run_scoped3A_59 = tpu.sem_alloc : memref<!tpu.dma_semaphore, #tpu.memory_space<semaphore_mem>>
      %dma_start3A = arith.constant 0 : i32
      %dma_start3A_60 = tpu.memref_slice %arg6[%arg0, %mul3A_58, %dma_start3A] : memref<2x1280x128xf32, #tpu.memory_space<hbm>> -> memref<1x80x128xf32, #tpu.memory_space<hbm>>
      %dma_start3A_61 = tpu.memref_squeeze %dma_start3A_60 : memref<1x80x128xf32, #tpu.memory_space<hbm>> -> memref<80x128xf32, #tpu.memory_space<hbm>>
      %dma_start3A_62 = arith.constant 0 : i32
      %dma_start3A_63 = tpu.memref_slice %arg14[%mul3A_56, %dma_start3A_62] : memref<1280x128xf32, #tpu.memory_space<vmem_shared>> -> memref<80x128xf32, #tpu.memory_space<vmem_shared>>
      tpu.enqueue_dma source(%dma_start3A_63 : memref<80x128xf32, #tpu.memory_space<vmem_shared>>) target(%dma_start3A_61 : memref<80x128xf32, #tpu.memory_space<hbm>>) target_semaphore(%run_scoped3A_59 : memref<!tpu.dma_semaphore, #tpu.memory_space<semaphore_mem>>)
      %dma_wait3A = arith.constant 0 : i32
      %dma_wait3A_64 = tpu.memref_slice %arg6[%arg0, %mul3A_58, %dma_wait3A] : memref<2x1280x128xf32, #tpu.memory_space<hbm>> -> memref<1x80x128xf32, #tpu.memory_space<hbm>>
      %dma_wait3A_65 = tpu.memref_squeeze %dma_wait3A_64 : memref<1x80x128xf32, #tpu.memory_space<hbm>> -> memref<80x128xf32, #tpu.memory_space<hbm>>
      %dma_wait3A_66 = arith.constant 0 : i32
      %dma_wait3A_67 = tpu.memref_slice %arg14[%mul3A_56, %dma_wait3A_66] : memref<1280x128xf32, #tpu.memory_space<vmem_shared>> -> memref<80x128xf32, #tpu.memory_space<vmem_shared>>
      tpu.wait_dma2 semaphore(%run_scoped3A_59 : memref<!tpu.dma_semaphore, #tpu.memory_space<semaphore_mem>>) src(%dma_wait3A_67 : memref<80x128xf32, #tpu.memory_space<vmem_shared>>) dst(%dma_wait3A_65 : memref<80x128xf32, #tpu.memory_space<hbm>>)
      tpu.yield
    }) : () -> ()
    return
  }
}

module attributes {stable_mosaic.version = 14 : i64} {
  func.func @_prep_body(%arg0: i32, %arg1: memref<512x256xf32, #tpu.memory_space<vmem>>, %arg2: memref<512x1xf32, #tpu.memory_space<vmem>>, %arg3: memref<512x1xf32, #tpu.memory_space<vmem>>, %arg4: memref<2x512x128xf32, #tpu.memory_space<vmem>>, %arg5: memref<512x1xf32, #tpu.memory_space<vmem>>, %arg6: memref<512x1xf32, #tpu.memory_space<vmem>>) attributes {dimension_semantics = [#tpu.dimension_semantics<arbitrary>], iteration_bounds = array<i64: 20>, scalar_prefetch = 0 : i64, scratch_operands = 0 : i64, tpu.core_type = #tpu.core_type<tc>, window_params = [{transform_indices = @transform_0, window_bounds = array<i64: 512, 256>}, {transform_indices = @transform_1, window_bounds = array<i64: 512, 1>}, {transform_indices = @transform_2, window_bounds = array<i64: 512, 1>}, {transform_indices = @transform_3, window_bounds = array<i64: 2, 512, 128>}, {transform_indices = @transform_4, window_bounds = array<i64: 512, 1>}, {transform_indices = @transform_5, window_bounds = array<i64: 512, 1>}]} {
    %get3A = arith.constant 0 : index
    %get3A_0 = arith.constant 0 : index
    %get3A_1 = vector.load %arg2[%get3A, %get3A_0] : memref<512x1xf32, #tpu.memory_space<vmem>>, vector<512x1xf32>
    %max3A = arith.constant 1.000000e+00 : f32
    %max3A_2 = vector.broadcast %max3A : f32 to vector<512x1xf32>
    %max3A_3 = arith.maximumf %get3A_1, %max3A_2 : vector<512x1xf32>
    %rsqrt3A = math.rsqrt %max3A_3 : vector<512x1xf32>
    %get3A_4 = arith.constant 0 : index
    %get3A_5 = arith.constant 0 : index
    %get3A_6 = vector.load %arg3[%get3A_4, %get3A_5] : memref<512x1xf32, #tpu.memory_space<vmem>>, vector<512x1xf32>
    %max3A_7 = arith.constant 1.000000e+00 : f32
    %max3A_8 = vector.broadcast %max3A_7 : f32 to vector<512x1xf32>
    %max3A_9 = arith.maximumf %get3A_6, %max3A_8 : vector<512x1xf32>
    %rsqrt3A_10 = math.rsqrt %max3A_9 : vector<512x1xf32>
    %swap3A = arith.constant 0 : index
    %swap3A_11 = arith.constant 0 : index
    %swap3A_12 = vector.load %arg5[%swap3A, %swap3A_11] : memref<512x1xf32, #tpu.memory_space<vmem>>, vector<512x1xf32>
    tpu.vector_store %arg5[%swap3A, %swap3A_11], %rsqrt3A_10 {strides = array<i32>} : memref<512x1xf32, #tpu.memory_space<vmem>>, vector<512x1xf32>,
    %swap3A_13 = arith.constant 0 : index
    %swap3A_14 = arith.constant 0 : index
    %swap3A_15 = vector.load %arg6[%swap3A_13, %swap3A_14] : memref<512x1xf32, #tpu.memory_space<vmem>>, vector<512x1xf32>
    tpu.vector_store %arg6[%swap3A_13, %swap3A_14], %rsqrt3A {strides = array<i32>} : memref<512x1xf32, #tpu.memory_space<vmem>>, vector<512x1xf32>,
    %get3A_16 = arith.constant 0 : index
    %get3A_17 = arith.constant 0 : index
    %get3A_18 = vector.load %arg1[%get3A_16, %get3A_17] : memref<512x256xf32, #tpu.memory_space<vmem>>, vector<512x256xf32>
    %mul3A = vector.broadcast %rsqrt3A : vector<512x1xf32> to vector<512x256xf32>
    %mul3A_19 = arith.mulf %get3A_18, %mul3A : vector<512x256xf32>
    %slice3A = vector.extract_strided_slice %mul3A_19 {offsets = [0, 0], sizes = [512, 128], strides = [1, 1]} : vector<512x256xf32> to vector<512x128xf32>
    %swap3A_20 = arith.constant 0 : index
    %swap3A_21 = arith.constant 0 : index
    %swap3A_22 = arith.constant 0 : index
    %swap3A_23 = vector.load %arg4[%swap3A_20, %swap3A_21, %swap3A_22] : memref<2x512x128xf32, #tpu.memory_space<vmem>>, vector<1x512x128xf32>
    %swap3A_24 = vector.shape_cast %swap3A_23 : vector<1x512x128xf32> to vector<512x128xf32>
    %swap3A_25 = vector.shape_cast %slice3A : vector<512x128xf32> to vector<1x512x128xf32>
    tpu.vector_store %arg4[%swap3A_20, %swap3A_21, %swap3A_22], %swap3A_25 {strides = array<i32>} : memref<2x512x128xf32, #tpu.memory_space<vmem>>, vector<1x512x128xf32>,
    %slice3A_26 = vector.extract_strided_slice %mul3A_19 {offsets = [0, 128], sizes = [512, 128], strides = [1, 1]} : vector<512x256xf32> to vector<512x128xf32>
    %swap3A_27 = arith.constant 1 : index
    %swap3A_28 = arith.constant 0 : index
    %swap3A_29 = arith.constant 0 : index
    %swap3A_30 = vector.load %arg4[%swap3A_27, %swap3A_28, %swap3A_29] : memref<2x512x128xf32, #tpu.memory_space<vmem>>, vector<1x512x128xf32>
    %swap3A_31 = vector.shape_cast %swap3A_30 : vector<1x512x128xf32> to vector<512x128xf32>
    %swap3A_32 = vector.shape_cast %slice3A_26 : vector<512x128xf32> to vector<1x512x128xf32>
    tpu.vector_store %arg4[%swap3A_27, %swap3A_28, %swap3A_29], %swap3A_32 {strides = array<i32>} : memref<2x512x128xf32, #tpu.memory_space<vmem>>, vector<1x512x128xf32>,
    return
  }
  func.func @transform_0(%arg0: i32) -> (i32, i32) {
    %c0_i32 = arith.constant 0 : i32
    %c0_i32_0 = arith.constant 0 : i32
    return %arg0, %c0_i32 : i32, i32
  }
  func.func @transform_1(%arg0: i32) -> (i32, i32) {
    %c0_i32 = arith.constant 0 : i32
    %c0_i32_0 = arith.constant 0 : i32
    return %arg0, %c0_i32 : i32, i32
  }
  func.func @transform_2(%arg0: i32) -> (i32, i32) {
    %c0_i32 = arith.constant 0 : i32
    %c0_i32_0 = arith.constant 0 : i32
    return %arg0, %c0_i32 : i32, i32
  }
  func.func @transform_3(%arg0: i32) -> (i32, i32, i32) {
    %c0_i32 = arith.constant 0 : i32
    %c0_i32_0 = arith.constant 0 : i32
    %c0_i32_1 = arith.constant 0 : i32
    return %c0_i32, %arg0, %c0_i32_0 : i32, i32, i32
  }
  func.func @transform_4(%arg0: i32) -> (i32, i32) {
    %c0_i32 = arith.constant 0 : i32
    %c0_i32_0 = arith.constant 0 : i32
    return %arg0, %c0_i32 : i32, i32
  }
  func.func @transform_5(%arg0: i32) -> (i32, i32) {
    %c0_i32 = arith.constant 0 : i32
    %c0_i32_0 = arith.constant 0 : i32
    return %arg0, %c0_i32 : i32, i32
  }
}

module attributes {stable_mosaic.version = 14 : i64} {
  func.func @_layer_body(%arg0: i32, %arg1: memref<2x512x128xf32, #tpu.memory_space<vmem>>, %arg2: memref<512x1xf32, #tpu.memory_space<vmem>>, %arg3: memref<512x1xf32, #tpu.memory_space<vmem>>, %arg4: memref<256x256xf32, #tpu.memory_space<vmem>>, %arg5: memref<1x256xf32, #tpu.memory_space<vmem>>, %arg6: memref<1x256xf32, #tpu.memory_space<vmem>>, %arg7: memref<1x256xf32, #tpu.memory_space<vmem>>, %arg8: memref<2x512x128xf32, #tpu.memory_space<vmem>>) attributes {dimension_semantics = [#tpu.dimension_semantics<arbitrary>], iteration_bounds = array<i64: 20>, scalar_prefetch = 0 : i64, scratch_operands = 0 : i64, tpu.core_type = #tpu.core_type<tc>, window_params = [{transform_indices = @transform_0, window_bounds = array<i64: 2, 512, 128>}, {transform_indices = @transform_1, window_bounds = array<i64: 512, 1>}, {transform_indices = @transform_2, window_bounds = array<i64: 512, 1>}, {pipeline_mode = #tpu.pipeline_mode<synchronous>, transform_indices = @transform_3, window_bounds = array<i64: 256, 256>}, {pipeline_mode = #tpu.pipeline_mode<synchronous>, transform_indices = @transform_4, window_bounds = array<i64: 1, 256>}, {pipeline_mode = #tpu.pipeline_mode<synchronous>, transform_indices = @transform_5, window_bounds = array<i64: 1, 256>}, {pipeline_mode = #tpu.pipeline_mode<synchronous>, transform_indices = @transform_6, window_bounds = array<i64: 1, 256>}, {transform_indices = @transform_7, window_bounds = array<i64: 2, 512, 128>}]} {
    %get3A = arith.constant 0 : index
    %get3A_0 = arith.constant 0 : index
    %get3A_1 = arith.constant 0 : index
    %get3A_2 = vector.load %arg1[%get3A, %get3A_0, %get3A_1] : memref<2x512x128xf32, #tpu.memory_space<vmem>>, vector<1x512x128xf32>
    %get3A_3 = vector.shape_cast %get3A_2 : vector<1x512x128xf32> to vector<512x128xf32>
    %get3A_4 = arith.constant 1 : index
    %get3A_5 = arith.constant 0 : index
    %get3A_6 = arith.constant 0 : index
    %get3A_7 = vector.load %arg1[%get3A_4, %get3A_5, %get3A_6] : memref<2x512x128xf32, #tpu.memory_space<vmem>>, vector<1x512x128xf32>
    %get3A_8 = vector.shape_cast %get3A_7 : vector<1x512x128xf32> to vector<512x128xf32>
    %concatenate3A = tpu.concatenate %get3A_3, %get3A_8 in 1 : vector<512x128xf32>, vector<512x128xf32> -> vector<512x256xf32>
    %get3A_9 = arith.constant 0 : index
    %get3A_10 = arith.constant 0 : index
    %get3A_11 = vector.load %arg2[%get3A_9, %get3A_10] : memref<512x1xf32, #tpu.memory_space<vmem>>, vector<512x1xf32>
    %mul3A = vector.broadcast %get3A_11 : vector<512x1xf32> to vector<512x256xf32>
    %mul3A_12 = arith.mulf %concatenate3A, %mul3A : vector<512x256xf32>
    %get3A_13 = arith.constant 0 : index
    %get3A_14 = arith.constant 0 : index
    %get3A_15 = vector.load %arg4[%get3A_13, %get3A_14] : memref<256x256xf32, #tpu.memory_space<vmem>>, vector<256x256xf32>
    %dot_general3A = arith.constant dense<0.000000e+00> : vector<512x256xf32>
    %dot_general3A_16 = tpu.matmul %mul3A_12, %get3A_15, %dot_general3A {dimension_numbers = #tpu.dot_dimension_numbers<[1], [0], [0], [1], [0, 0, 1, 1], [], []>, transpose_lhs_hint = false} : vector<512x256xf32>, vector<256x256xf32>, vector<512x256xf32> -> vector<512x256xf32>
    %get3A_17 = arith.constant 0 : index
    %get3A_18 = arith.constant 0 : index
    %get3A_19 = vector.load %arg5[%get3A_17, %get3A_18] : memref<1x256xf32, #tpu.memory_space<vmem>>, vector<1x256xf32>
    %add3A = vector.broadcast %get3A_19 : vector<1x256xf32> to vector<512x256xf32>
    %add3A_20 = arith.addf %dot_general3A_16, %add3A : vector<512x256xf32>
    %reduce_sum3A = arith.constant dense<0.000000e+00> : vector<512xf32>
    %reduce_sum3A_21 = vector.multi_reduction <add>, %add3A_20, %reduce_sum3A [1] : vector<512x256xf32> to vector<512xf32>
    %broadcast_in_dim3A = vector.shape_cast %reduce_sum3A_21 : vector<512xf32> to vector<512x1xf32>
    %div3A = arith.constant 2.560000e+02 : f32
    %div3A_22 = vector.broadcast %div3A : f32 to vector<512x1xf32>
    %div3A_23 = arith.divf %broadcast_in_dim3A, %div3A_22 : vector<512x1xf32>
    %sub3A = vector.broadcast %div3A_23 : vector<512x1xf32> to vector<512x256xf32>
    %sub3A_24 = arith.subf %add3A_20, %sub3A : vector<512x256xf32>
    %integer_pow3A = arith.mulf %sub3A_24, %sub3A_24 : vector<512x256xf32>
    %reduce_sum3A_25 = arith.constant dense<0.000000e+00> : vector<512xf32>
    %reduce_sum3A_26 = vector.multi_reduction <add>, %integer_pow3A, %reduce_sum3A_25 [1] : vector<512x256xf32> to vector<512xf32>
    %broadcast_in_dim3A_27 = vector.shape_cast %reduce_sum3A_26 : vector<512xf32> to vector<512x1xf32>
    %div3A_28 = arith.constant 2.560000e+02 : f32
    %div3A_29 = vector.broadcast %div3A_28 : f32 to vector<512x1xf32>
    %div3A_30 = arith.divf %broadcast_in_dim3A_27, %div3A_29 : vector<512x1xf32>
    %sub3A_31 = vector.broadcast %div3A_23 : vector<512x1xf32> to vector<512x256xf32>
    %sub3A_32 = arith.subf %add3A_20, %sub3A_31 : vector<512x256xf32>
    %add3A_33 = arith.constant 9.99999974E-6 : f32
    %add3A_34 = vector.broadcast %add3A_33 : f32 to vector<512x1xf32>
    %add3A_35 = arith.addf %div3A_30, %add3A_34 : vector<512x1xf32>
    %sqrt3A = math.sqrt %add3A_35 : vector<512x1xf32>
    %div3A_36 = vector.broadcast %sqrt3A : vector<512x1xf32> to vector<512x256xf32>
    %div3A_37 = arith.divf %sub3A_32, %div3A_36 : vector<512x256xf32>
    %get3A_38 = arith.constant 0 : index
    %get3A_39 = arith.constant 0 : index
    %get3A_40 = vector.load %arg6[%get3A_38, %get3A_39] : memref<1x256xf32, #tpu.memory_space<vmem>>, vector<1x256xf32>
    %mul3A_41 = vector.broadcast %get3A_40 : vector<1x256xf32> to vector<512x256xf32>
    %mul3A_42 = arith.mulf %div3A_37, %mul3A_41 : vector<512x256xf32>
    %get3A_43 = arith.constant 0 : index
    %get3A_44 = arith.constant 0 : index
    %get3A_45 = vector.load %arg7[%get3A_43, %get3A_44] : memref<1x256xf32, #tpu.memory_space<vmem>>, vector<1x256xf32>
    %add3A_46 = vector.broadcast %get3A_45 : vector<1x256xf32> to vector<512x256xf32>
    %add3A_47 = arith.addf %mul3A_42, %add3A_46 : vector<512x256xf32>
    %max3A = arith.constant 0.000000e+00 : f32
    %max3A_48 = vector.broadcast %max3A : f32 to vector<512x256xf32>
    %max3A_49 = arith.maximumf %add3A_47, %max3A_48 : vector<512x256xf32>
    %get3A_50 = arith.constant 0 : index
    %get3A_51 = arith.constant 0 : index
    %get3A_52 = vector.load %arg3[%get3A_50, %get3A_51] : memref<512x1xf32, #tpu.memory_space<vmem>>, vector<512x1xf32>
    %mul3A_53 = vector.broadcast %get3A_52 : vector<512x1xf32> to vector<512x256xf32>
    %mul3A_54 = arith.mulf %max3A_49, %mul3A_53 : vector<512x256xf32>
    %slice3A = vector.extract_strided_slice %mul3A_54 {offsets = [0, 0], sizes = [512, 128], strides = [1, 1]} : vector<512x256xf32> to vector<512x128xf32>
    %swap3A = arith.constant 0 : index
    %swap3A_55 = arith.constant 0 : index
    %swap3A_56 = arith.constant 0 : index
    %swap3A_57 = vector.load %arg8[%swap3A, %swap3A_55, %swap3A_56] : memref<2x512x128xf32, #tpu.memory_space<vmem>>, vector<1x512x128xf32>
    %swap3A_58 = vector.shape_cast %swap3A_57 : vector<1x512x128xf32> to vector<512x128xf32>
    %swap3A_59 = vector.shape_cast %slice3A : vector<512x128xf32> to vector<1x512x128xf32>
    tpu.vector_store %arg8[%swap3A, %swap3A_55, %swap3A_56], %swap3A_59 {strides = array<i32>} : memref<2x512x128xf32, #tpu.memory_space<vmem>>, vector<1x512x128xf32>,
    %slice3A_60 = vector.extract_strided_slice %mul3A_54 {offsets = [0, 128], sizes = [512, 128], strides = [1, 1]} : vector<512x256xf32> to vector<512x128xf32>
    %swap3A_61 = arith.constant 1 : index
    %swap3A_62 = arith.constant 0 : index
    %swap3A_63 = arith.constant 0 : index
    %swap3A_64 = vector.load %arg8[%swap3A_61, %swap3A_62, %swap3A_63] : memref<2x512x128xf32, #tpu.memory_space<vmem>>, vector<1x512x128xf32>
    %swap3A_65 = vector.shape_cast %swap3A_64 : vector<1x512x128xf32> to vector<512x128xf32>
    %swap3A_66 = vector.shape_cast %slice3A_60 : vector<512x128xf32> to vector<1x512x128xf32>
    tpu.vector_store %arg8[%swap3A_61, %swap3A_62, %swap3A_63], %swap3A_66 {strides = array<i32>} : memref<2x512x128xf32, #tpu.memory_space<vmem>>, vector<1x512x128xf32>,
    return
  }
  func.func @transform_0(%arg0: i32) -> (i32, i32, i32) {
    %c0_i32 = arith.constant 0 : i32
    %c0_i32_0 = arith.constant 0 : i32
    %c0_i32_1 = arith.constant 0 : i32
    return %c0_i32, %arg0, %c0_i32_0 : i32, i32, i32
  }
  func.func @transform_1(%arg0: i32) -> (i32, i32) {
    %c0_i32 = arith.constant 0 : i32
    %c0_i32_0 = arith.constant 0 : i32
    return %arg0, %c0_i32 : i32, i32
  }
  func.func @transform_2(%arg0: i32) -> (i32, i32) {
    %c0_i32 = arith.constant 0 : i32
    %c0_i32_0 = arith.constant 0 : i32
    return %arg0, %c0_i32 : i32, i32
  }
  func.func @transform_3(%arg0: i32) -> (i32, i32) {
    %c0_i32 = arith.constant 0 : i32
    %c0_i32_0 = arith.constant 0 : i32
    %c0_i32_1 = arith.constant 0 : i32
    return %c0_i32, %c0_i32_0 : i32, i32
  }
  func.func @transform_4(%arg0: i32) -> (i32, i32) {
    %c0_i32 = arith.constant 0 : i32
    %c0_i32_0 = arith.constant 0 : i32
    %c0_i32_1 = arith.constant 0 : i32
    return %c0_i32, %c0_i32_0 : i32, i32
  }
  func.func @transform_5(%arg0: i32) -> (i32, i32) {
    %c0_i32 = arith.constant 0 : i32
    %c0_i32_0 = arith.constant 0 : i32
    %c0_i32_1 = arith.constant 0 : i32
    return %c0_i32, %c0_i32_0 : i32, i32
  }
  func.func @transform_6(%arg0: i32) -> (i32, i32) {
    %c0_i32 = arith.constant 0 : i32
    %c0_i32_0 = arith.constant 0 : i32
    %c0_i32_1 = arith.constant 0 : i32
    return %c0_i32, %c0_i32_0 : i32, i32
  }
  func.func @transform_7(%arg0: i32) -> (i32, i32, i32) {
    %c0_i32 = arith.constant 0 : i32
    %c0_i32_0 = arith.constant 0 : i32
    %c0_i32_1 = arith.constant 0 : i32
    return %c0_i32, %arg0, %c0_i32_0 : i32, i32, i32
  }
}

module attributes {stable_mosaic.version = 14 : i64} {
  func.func @_final_body(%arg0: i32, %arg1: memref<2x256x128xf32, #tpu.memory_space<vmem>>, %arg2: memref<256x1xf32, #tpu.memory_space<vmem>>, %arg3: memref<256x256xf32, #tpu.memory_space<vmem>>, %arg4: memref<1x256xf32, #tpu.memory_space<vmem>>, %arg5: memref<1x256xf32, #tpu.memory_space<vmem>>, %arg6: memref<1x256xf32, #tpu.memory_space<vmem>>, %arg7: memref<256x128xf32, #tpu.memory_space<vmem>>, %arg8: memref<1x1xf32, #tpu.memory_space<vmem>>, %arg9: memref<256x128xf32, #tpu.memory_space<vmem>>) attributes {dimension_semantics = [#tpu.dimension_semantics<arbitrary>], iteration_bounds = array<i64: 5>, scalar_prefetch = 0 : i64, scratch_operands = 0 : i64, tpu.core_type = #tpu.core_type<tc>, window_params = [{transform_indices = @transform_0, window_bounds = array<i64: 2, 256, 128>}, {transform_indices = @transform_1, window_bounds = array<i64: 256, 1>}, {pipeline_mode = #tpu.pipeline_mode<synchronous>, transform_indices = @transform_2, window_bounds = array<i64: 256, 256>}, {pipeline_mode = #tpu.pipeline_mode<synchronous>, transform_indices = @transform_3, window_bounds = array<i64: 1, 256>}, {pipeline_mode = #tpu.pipeline_mode<synchronous>, transform_indices = @transform_4, window_bounds = array<i64: 1, 256>}, {pipeline_mode = #tpu.pipeline_mode<synchronous>, transform_indices = @transform_5, window_bounds = array<i64: 1, 256>}, {pipeline_mode = #tpu.pipeline_mode<synchronous>, transform_indices = @transform_6, window_bounds = array<i64: 256, 128>}, {pipeline_mode = #tpu.pipeline_mode<synchronous>, transform_indices = @transform_7, window_bounds = array<i64: 1, 1>}, {transform_indices = @transform_8, window_bounds = array<i64: 256, 128>}]} {
    %get3A = arith.constant 0 : index
    %get3A_0 = arith.constant 0 : index
    %get3A_1 = arith.constant 0 : index
    %get3A_2 = vector.load %arg1[%get3A, %get3A_0, %get3A_1] : memref<2x256x128xf32, #tpu.memory_space<vmem>>, vector<1x256x128xf32>
    %get3A_3 = vector.shape_cast %get3A_2 : vector<1x256x128xf32> to vector<256x128xf32>
    %get3A_4 = arith.constant 1 : index
    %get3A_5 = arith.constant 0 : index
    %get3A_6 = arith.constant 0 : index
    %get3A_7 = vector.load %arg1[%get3A_4, %get3A_5, %get3A_6] : memref<2x256x128xf32, #tpu.memory_space<vmem>>, vector<1x256x128xf32>
    %get3A_8 = vector.shape_cast %get3A_7 : vector<1x256x128xf32> to vector<256x128xf32>
    %concatenate3A = tpu.concatenate %get3A_3, %get3A_8 in 1 : vector<256x128xf32>, vector<256x128xf32> -> vector<256x256xf32>
    %get3A_9 = arith.constant 0 : index
    %get3A_10 = arith.constant 0 : index
    %get3A_11 = vector.load %arg2[%get3A_9, %get3A_10] : memref<256x1xf32, #tpu.memory_space<vmem>>, vector<256x1xf32>
    %mul3A = vector.broadcast %get3A_11 : vector<256x1xf32> to vector<256x256xf32>
    %mul3A_12 = arith.mulf %concatenate3A, %mul3A : vector<256x256xf32>
    %get3A_13 = arith.constant 0 : index
    %get3A_14 = arith.constant 0 : index
    %get3A_15 = vector.load %arg3[%get3A_13, %get3A_14] : memref<256x256xf32, #tpu.memory_space<vmem>>, vector<256x256xf32>
    %dot_general3A = arith.constant dense<0.000000e+00> : vector<256x256xf32>
    %dot_general3A_16 = tpu.matmul %mul3A_12, %get3A_15, %dot_general3A {dimension_numbers = #tpu.dot_dimension_numbers<[1], [0], [0], [1], [0, 0, 1, 1], [], []>, transpose_lhs_hint = false} : vector<256x256xf32>, vector<256x256xf32>, vector<256x256xf32> -> vector<256x256xf32>
    %get3A_17 = arith.constant 0 : index
    %get3A_18 = arith.constant 0 : index
    %get3A_19 = vector.load %arg4[%get3A_17, %get3A_18] : memref<1x256xf32, #tpu.memory_space<vmem>>, vector<1x256xf32>
    %add3A = vector.broadcast %get3A_19 : vector<1x256xf32> to vector<256x256xf32>
    %add3A_20 = arith.addf %dot_general3A_16, %add3A : vector<256x256xf32>
    %reduce_sum3A = arith.constant dense<0.000000e+00> : vector<256xf32>
    %reduce_sum3A_21 = vector.multi_reduction <add>, %add3A_20, %reduce_sum3A [1] : vector<256x256xf32> to vector<256xf32>
    %broadcast_in_dim3A = vector.shape_cast %reduce_sum3A_21 : vector<256xf32> to vector<256x1xf32>
    %div3A = arith.constant 2.560000e+02 : f32
    %div3A_22 = vector.broadcast %div3A : f32 to vector<256x1xf32>
    %div3A_23 = arith.divf %broadcast_in_dim3A, %div3A_22 : vector<256x1xf32>
    %sub3A = vector.broadcast %div3A_23 : vector<256x1xf32> to vector<256x256xf32>
    %sub3A_24 = arith.subf %add3A_20, %sub3A : vector<256x256xf32>
    %integer_pow3A = arith.mulf %sub3A_24, %sub3A_24 : vector<256x256xf32>
    %reduce_sum3A_25 = arith.constant dense<0.000000e+00> : vector<256xf32>
    %reduce_sum3A_26 = vector.multi_reduction <add>, %integer_pow3A, %reduce_sum3A_25 [1] : vector<256x256xf32> to vector<256xf32>
    %broadcast_in_dim3A_27 = vector.shape_cast %reduce_sum3A_26 : vector<256xf32> to vector<256x1xf32>
    %div3A_28 = arith.constant 2.560000e+02 : f32
    %div3A_29 = vector.broadcast %div3A_28 : f32 to vector<256x1xf32>
    %div3A_30 = arith.divf %broadcast_in_dim3A_27, %div3A_29 : vector<256x1xf32>
    %sub3A_31 = vector.broadcast %div3A_23 : vector<256x1xf32> to vector<256x256xf32>
    %sub3A_32 = arith.subf %add3A_20, %sub3A_31 : vector<256x256xf32>
    %add3A_33 = arith.constant 9.99999974E-6 : f32
    %add3A_34 = vector.broadcast %add3A_33 : f32 to vector<256x1xf32>
    %add3A_35 = arith.addf %div3A_30, %add3A_34 : vector<256x1xf32>
    %sqrt3A = math.sqrt %add3A_35 : vector<256x1xf32>
    %div3A_36 = vector.broadcast %sqrt3A : vector<256x1xf32> to vector<256x256xf32>
    %div3A_37 = arith.divf %sub3A_32, %div3A_36 : vector<256x256xf32>
    %get3A_38 = arith.constant 0 : index
    %get3A_39 = arith.constant 0 : index
    %get3A_40 = vector.load %arg5[%get3A_38, %get3A_39] : memref<1x256xf32, #tpu.memory_space<vmem>>, vector<1x256xf32>
    %mul3A_41 = vector.broadcast %get3A_40 : vector<1x256xf32> to vector<256x256xf32>
    %mul3A_42 = arith.mulf %div3A_37, %mul3A_41 : vector<256x256xf32>
    %get3A_43 = arith.constant 0 : index
    %get3A_44 = arith.constant 0 : index
    %get3A_45 = vector.load %arg6[%get3A_43, %get3A_44] : memref<1x256xf32, #tpu.memory_space<vmem>>, vector<1x256xf32>
    %add3A_46 = vector.broadcast %get3A_45 : vector<1x256xf32> to vector<256x256xf32>
    %add3A_47 = arith.addf %mul3A_42, %add3A_46 : vector<256x256xf32>
    %max3A = arith.constant 0.000000e+00 : f32
    %max3A_48 = vector.broadcast %max3A : f32 to vector<256x256xf32>
    %max3A_49 = arith.maximumf %add3A_47, %max3A_48 : vector<256x256xf32>
    %get3A_50 = arith.constant 0 : index
    %get3A_51 = arith.constant 0 : index
    %get3A_52 = vector.load %arg7[%get3A_50, %get3A_51] : memref<256x128xf32, #tpu.memory_space<vmem>>, vector<256x128xf32>
    %dot_general3A_53 = arith.constant dense<0.000000e+00> : vector<256x128xf32>
    %dot_general3A_54 = tpu.matmul %max3A_49, %get3A_52, %dot_general3A_53 {dimension_numbers = #tpu.dot_dimension_numbers<[1], [0], [0], [1], [0, 0, 1, 1], [], []>, transpose_lhs_hint = false} : vector<256x256xf32>, vector<256x128xf32>, vector<256x128xf32> -> vector<256x128xf32>
    %get3A_55 = arith.constant 0 : index
    %get3A_56 = arith.constant 0 : index
    %get3A_57 = vector.load %arg8[%get3A_55, %get3A_56] : memref<1x1xf32, #tpu.memory_space<vmem>>, vector<1x1xf32>
    %add3A_58 = vector.broadcast %get3A_57 : vector<1x1xf32> to vector<256x128xf32>
    %add3A_59 = arith.addf %dot_general3A_54, %add3A_58 : vector<256x128xf32>
    %swap3A = arith.constant 0 : index
    %swap3A_60 = arith.constant 0 : index
    %swap3A_61 = vector.load %arg9[%swap3A, %swap3A_60] : memref<256x128xf32, #tpu.memory_space<vmem>>, vector<256x128xf32>
    tpu.vector_store %arg9[%swap3A, %swap3A_60], %add3A_59 {strides = array<i32>} : memref<256x128xf32, #tpu.memory_space<vmem>>, vector<256x128xf32>,
    return
  }
  func.func @transform_0(%arg0: i32) -> (i32, i32, i32) {
    %c0_i32 = arith.constant 0 : i32
    %c0_i32_0 = arith.constant 0 : i32
    %c0_i32_1 = arith.constant 0 : i32
    return %c0_i32, %arg0, %c0_i32_0 : i32, i32, i32
  }
  func.func @transform_1(%arg0: i32) -> (i32, i32) {
    %c0_i32 = arith.constant 0 : i32
    %c0_i32_0 = arith.constant 0 : i32
    return %arg0, %c0_i32 : i32, i32
  }
  func.func @transform_2(%arg0: i32) -> (i32, i32) {
    %c0_i32 = arith.constant 0 : i32
    %c0_i32_0 = arith.constant 0 : i32
    %c0_i32_1 = arith.constant 0 : i32
    return %c0_i32, %c0_i32_0 : i32, i32
  }
  func.func @transform_3(%arg0: i32) -> (i32, i32) {
    %c0_i32 = arith.constant 0 : i32
    %c0_i32_0 = arith.constant 0 : i32
    %c0_i32_1 = arith.constant 0 : i32
    return %c0_i32, %c0_i32_0 : i32, i32
  }
  func.func @transform_4(%arg0: i32) -> (i32, i32) {
    %c0_i32 = arith.constant 0 : i32
    %c0_i32_0 = arith.constant 0 : i32
    %c0_i32_1 = arith.constant 0 : i32
    return %c0_i32, %c0_i32_0 : i32, i32
  }
  func.func @transform_5(%arg0: i32) -> (i32, i32) {
    %c0_i32 = arith.constant 0 : i32
    %c0_i32_0 = arith.constant 0 : i32
    %c0_i32_1 = arith.constant 0 : i32
    return %c0_i32, %c0_i32_0 : i32, i32
  }
  func.func @transform_6(%arg0: i32) -> (i32, i32) {
    %c0_i32 = arith.constant 0 : i32
    %c0_i32_0 = arith.constant 0 : i32
    %c0_i32_1 = arith.constant 0 : i32
    return %c0_i32, %c0_i32_0 : i32, i32
  }
  func.func @transform_7(%arg0: i32) -> (i32, i32) {
    %c0_i32 = arith.constant 0 : i32
    %c0_i32_0 = arith.constant 0 : i32
    %c0_i32_1 = arith.constant 0 : i32
    return %c0_i32, %c0_i32_0 : i32, i32
  }
  func.func @transform_8(%arg0: i32) -> (i32, i32) {
    %c0_i32 = arith.constant 0 : i32
    %c0_i32_0 = arith.constant 0 : i32
    return %arg0, %c0_i32 : i32, i32
  }
}

</mosaic_0001>

<sc_bundles>
// kernel: kernel.10.cloned.1.call-start
scs
__scs_entry_jumppad:
0x0: {  	(pc) =	sbr.rel $0x88, $3  }
0x1: {  	(tag) =	ssettag $0x0;
	lr =	simm.s32 $0x1  }
0x2: {  	[smem:$0x3F91] =	sst lr;
	_ =	strace $0xD0000000  }
0x3: {  	_ = 	snop  }
0x4: {  	_ = 	snop  }
0x5: {  	_ = 	snop  }
0x6: {  	_ = 	snop  }
0x7: {  	_ = 	snop  }
__scs_overlays_trampoline_lowered:
0x8: {  	[smem:$0x3FA0] =	sst s0  }
0x9: {  	[smem:$0x3FA1] =	sst s1  }
0xa: {  	[smem:$0x3FA2] =	sst s2  }
0xb: {  	[smem:$0x3FA3] =	sst s3  }
0xc: {  	[smem:$0x3FA4] =	sst s4  }
0xd: {  	[smem:$0x3FA5] =	sst s5  }
0xe: {  	[smem:$0x3FA6] =	sst s6  }
0xf: {  	[smem:$0x3FA7] =	sst s7  }
0x10: {  	[smem:$0x3FA8] =	sst s8  }
0x11: {  	[smem:$0x3FA9] =	sst s9;
	s0 =	simm.s32 @!p0 $0x0  }
0x12: {  	s1 =	sld [smem:$0x3F8F];
	s0 =	simm.s32 @p0 $0x1  }
0x13: {  	[smem:$0x3FAA] =	sst s0;
	s0 =	simm.s32 @!p1 $0x0  }
0x14: {  	s2 =	sld [smem:$0x3F8E];
	s0 =	simm.s32 @p1 $0x1  }
0x15: {  	[smem:$0x3FAB] =	sst s0;
	s0 =	simm.s32 @!p2 $0x0  }
0x16: {  	s3 =	sld [smem:$0x3FDB];
	s0 =	simm.s32 @p2 $0x1  }
0x17: {  	s4 =	simm.s32 $0x1BF5;
	[smem:$0x3FAD] =	sst s0  }
0x18: {  	s0 =	sld [smem:$0x3F90];
	_ =	swait.ge [sflag:s4], $0x0  }
0x19: {  	s7 =	sld [smem:$0x3F91]  }
0x1a: {  	s8 =	sadd.s32 $0xFFFFE003, lr  }
0x1b: {  	s9 =	sadd.s32 $0xFFFFFEF7, lr;
	s5 =	simm.s32 $0xFFFFFFFF;
	p2 =	slt.u32 s8, $0xFFFFF086  }
0x1c: {  	p1 =	slt.u32 s9, $0xF7A;
	s5 =	simm.s32 @!p2 $0x0  }
0x1d: {  	s5 =	simm.s32 @p1 $0x1;
	p0 =	seq.s32 s7, s2  }
0x1e: {  	s7 =	smul.u32 @!p0 $0xF7A, s2;
	p2 =	seq.s32 @!p0 s5, $0x0  }
0x1f: {  	s9 =	smul.u32 $0xF7A, s1;
	s8 =	simm.s32 @!p0 $0x1BF5;
	p2 =	por !p2, p0  }
0x20: {  	[sflag:s8] =	ssyncset.s32 @!p0 $0xFFFFF086;
	s6 =	sadd.s32 @!p0 s3, s7;
	s7 =	simm.s32 @!p0 $0x108  }
0x21: {  	s3 =	sadd.s32 s3, s9;
	s6 =	sadd.s32 @!p0 $0x88, s6;
	s7 =	simm.s32 @p2 $0x1082  }
0x22: {  	[simem:s7], [sflag:s8] =	dma.local @!p0 [hbm:s6], $0xF7A  }
0x23: {  	s9 =	sor.u32 $0xD0000000, s2;
	s6 =	simm.s32 $0x108;
	_ =	swait.ge @!p0 [sflag:s8], $0x0  }
0x24: {  	s3 =	sadd.s32 $0x88, s3;
	s6 =	simm.s32 @!p1 $0x1082;
	[sflag:s4] =	ssyncset.s32 $0xFFFFF086  }
0x25: {  	[simem:s6], [sflag:s4] =	dma.local [hbm:s3], $0xF7A  }
0x26: {  	[smem:$0x3F91] =	sst s1;
	(tag) =	ssettag s2;
	_ =	strace s9  }
0x27: {  	s1 =	sld [smem:$0x3FA1]  }
0x28: {  	s2 =	sld [smem:$0x3FA2]  }
0x29: {  	s4 =	sld [smem:$0x3FA4]  }
0x2a: {  	p0 =	seq.s32 s5, $0x0;
	s5 =	sld [smem:$0x3FA5]  }
0x2b: {  	s6 =	sld [smem:$0x3FA6]  }
0x2c: {  	s7 =	sld [smem:$0x3FA7]  }
0x2d: {  	s3 =	simm.s32 $0x108;
	s8 =	sld [smem:$0x3FA8]  }
0x2e: {  	s3 =	simm.s32 @!p0 $0x1082;
	s9 =	sld [smem:$0x3FA9]  }
0x2f: {  	lr =	sadd.s32 s0, s3;
	s0 =	sld [smem:$0x3FA0]  }
0x30: {  	s3 =	sld [smem:$0x3FA3]  }
0x31: {  	[smem:$0x3FAC] =	sst s10  }
0x32: {  	s10 =	sld [smem:$0x3FAA];
	_ =	sdelay $0x3  }
0x33: {  	p0 =	seq.s32 s10, $0x1;
	s10 =	sld [smem:$0x3FAC];
	_ =	sdelay $0x3  }
0x34: {  	[smem:$0x3FAC] =	sst s10  }
0x35: {  	s10 =	sld [smem:$0x3FAB];
	_ =	sdelay $0x3  }
0x36: {  	p1 =	seq.s32 s10, $0x1;
	s10 =	sld [smem:$0x3FAC];
	_ =	sdelay $0x3  }
0x37: {  	[smem:$0x3FAC] =	sst s10  }
0x38: {  	s10 =	sld [smem:$0x3FAD]  }
0x39: {  	_ = 	snop;
	(pc) =	sbr.ind lr, $3  }
0x3a: {  	_ = 	snop  }
0x3b: {  	_ = 	snop  }
0x3c: {  	p2 =	seq.s32 s10, $0x1;
	s10 =	sld [smem:$0x3FAC]  }
0x3d: {  	_ =	shalt  }
0x3e: {  	_ =	shalt  }
0x3f: {  	_ =	shalt  }
0x40: {  	_ =	shalt  }
0x41: {  	_ =	shalt  }
0x42: {  	_ =	shalt  }
0x43: {  	_ =	shalt  }
0x44: {  	_ =	shalt  }
0x45: {  	_ =	shalt  }
0x46: {  	_ =	shalt  }
0x47: {  	_ =	shalt  }
0x48: {  	_ =	shalt  }
0x49: {  	_ =	shalt  }
0x4a: {  	_ =	shalt  }
0x4b: {  	_ =	shalt  }
0x4c: {  	_ =	shalt  }
0x4d: {  	_ =	shalt  }
0x4e: {  	_ =	shalt  }
0x4f: {  	_ =	shalt  }
0x50: {  	_ =	shalt  }
0x51: {  	_ =	shalt  }
0x52: {  	_ =	shalt  }
0x53: {  	_ =	shalt  }
0x54: {  	_ =	shalt  }
0x55: {  	_ =	shalt  }
0x56: {  	_ =	shalt  }
0x57: {  	_ =	shalt  }
0x58: {  	_ =	shalt  }
0x59: {  	_ =	shalt  }
0x5a: {  	_ =	shalt  }
0x5b: {  	_ =	shalt  }
0x5c: {  	_ =	shalt  }
0x5d: {  	_ =	shalt  }
0x5e: {  	_ =	shalt  }
0x5f: {  	_ =	shalt  }
0x60: {  	_ =	shalt  }
0x61: {  	_ =	shalt  }
0x62: {  	_ =	shalt  }
0x63: {  	_ =	shalt  }
0x64: {  	_ =	shalt  }
0x65: {  	_ =	shalt  }
0x66: {  	_ =	shalt  }
0x67: {  	_ =	shalt  }
0x68: {  	_ =	shalt  }
0x69: {  	_ =	shalt  }
0x6a: {  	_ =	shalt  }
0x6b: {  	_ =	shalt  }
0x6c: {  	_ =	shalt  }
0x6d: {  	_ =	shalt  }
0x6e: {  	_ =	shalt  }
0x6f: {  	_ =	shalt  }
0x70: {  	_ =	shalt  }
0x71: {  	_ =	shalt  }
0x72: {  	_ =	shalt  }
0x73: {  	_ =	shalt  }
0x74: {  	_ =	shalt  }
0x75: {  	_ =	shalt  }
0x76: {  	_ =	shalt  }
0x77: {  	_ =	shalt  }
0x78: {  	_ =	shalt  }
0x79: {  	_ =	shalt  }
0x7a: {  	_ =	shalt  }
0x7b: {  	_ =	shalt  }
0x7c: {  	_ =	shalt  }
0x7d: {  	_ =	shalt  }
0x7e: {  	_ =	shalt  }
0x7f: {  	_ =	shalt  }
0x80: {  	_ =	shalt  }
0x81: {  	_ =	shalt  }
0x82: {  	_ =	shalt  }
0x83: {  	_ =	shalt  }
0x84: {  	_ =	shalt  }
0x85: {  	_ =	shalt  }
0x86: {  	_ =	shalt  }
0x87: {  	_ =	shalt  }
.Lfunc_end0:
.L_simem_size_0:
called_computation_lowered:
.L_overlay_start_0:
0x88: {  	s2 =	sld [smem:$0x3FD9]  }
0x89: {  	s3 =	sld [smem:$0x3FFE];
	_ =	sdelay $0x1  }
0x8a: {  	s1 =	srdreg.scid  }
0x8b: {  	s0 =	sand.u32 $0x1, s1  }
0x8c: {  	s16 =	sshll.u32 s0, $0xA;
	s2 =	sadd.s32 s3, s2  }
0x8d: {  	s2 =	sadd.s32 s2, s16  }
0x8e: {  	[smem:$0x3FB8] =	sst s2  }
0x8f: {  	_ = 	snop  }
0x90: {  	(tm) =	ssettm $0x1  }
0x91: {  	s17 =	sld [smem:$0x3FFB];
	_ =	sdelay $0x3  }
0x92: {  	_ =	strace s17  }
0x93: {  	s2 =	sld [smem:$0x3FFC];
	_ =	sdelay $0x3  }
0x94: {  	_ =	strace s2  }
0x95: {  	s2 =	sld [smem:$0x3FFD];
	_ =	sdelay $0x3  }
0x96: {  	_ =	strace s2  }
0x97: {  	_ =	strace $0x8FFFFFFF  }
0x98: {  	s18 =	sld [smem:$0x3FDB];
	_ =	sdelay $0x1  }
0x99: {  	s19 =	simm.s32 $_scs_section_size  }
0x9a: {  	s4 =	simm.s32 $_size__tile_overlayer_lowered;
	s5 =	simm.s32 $_tile_overlayer_lowered  }
0x9b: {  	s22 =	simm.s32 $0x1BFF;
	s21 =	sshll.u32 s5, $0x1;
	s2 =	sadd.s32 s19, s18  }
0x9c: {  	s6 =	simm.s32 $0x0;
	s20 =	sshll.u32 s4, $0x1;
	s4 =	sadd.s32 s21, s2  }
0x9d: {  	[timem:s6], [sflag:s22] =	dma.local [hbm:s4], s20  }
0x9e: {  	_ =	swait.ge [sflag:s22], s20  }
0x9f: {  	s3 =	ssub.s32 $0x0, s20;
	[sflag:s22] =	ssyncset.done $0x0  }
0xa0: {  	[sflag:s22] =	ssyncadd.s32 s3;
	_ =	sdelay $0x1  }
0xa1: {  	s23 =	simm.s32 $0x1B8B  }
0xa2: {  	_ =	swait.ge [sflag:s23], $0x1  }
0xa3: {  	[sflag:s23] =	ssyncset.done $0x0  }
0xa4: {  	s25 =	simm.s32 $0x1B8E;
	s24 =	sld [smem:$0x3FFE];
	[sflag:s23] =	ssyncadd.s32 $0xFFFFFFFF  }
0xa5: {  	s26 =	simm.s32 $execute0_lowered;
	[smem:$0x3FD2] =	sst s25  }
0xa6: {  	s4 =	sshll.u32 s26, $0x1;
	_ =	strace $0x80000046;
	[dreg:$0x1] =	wrdreg $0xFFFFFFFF  }
0xa7: {  	s28 =	simm.s32 $_size_execute0_lowered;
	s2 =	sadd.s32 s2, s4;
	[dreg:$0x0] =	wrdreg $0x0  }
0xa8: {  	s4 =	sshll.u32 s28, $0x1;
	[dreg:$0x2] =	wrdreg s2  }
0xa9: {  	[dreg:$0x3] =	wrdreg s4  }
0xaa: {  	[dreg:$0x4] =	wrdreg $0xC0  }
0xab: {  	_ =	task [dreg:s6], $0x5FFFF  }
0xac: {  	[dreg:$0x1] =	wrdreg $0xFFFFFFFF  }
0xad: {  	[dreg:$0x0] =	wrdreg $0x60  }
0xae: {  	[dreg:$0x2] =	wrdreg s24  }
0xaf: {  	[dreg:$0x3] =	wrdreg $0x66800  }
0xb0: {  	[dreg:$0x4] =	wrdreg $0x9  }
0xb1: {  	_ =	task.clear_ibuf [dreg:s6], $0x5FFFF;
	_ =	strace $0x90000046  }
0xb2: {  	s29 =	simm.s32 $0x9;
	_ =	strace $0x80000048  }
0xb3: {  	_ =	swait.ge [sflag:s29], $0x1  }
0xb4: {  	[sflag:s29] =	ssyncadd.s32 $0xFFFFFFFF  }
0xb5: {  	_ =	strace $0x90000048  }
0xb6: {  	_ =	sfence  }
0xb7: {  	s30 =	sld [smem:$0x0];
	_ =	sdelay $0x2  }
0xb8: {  	s31 =	sshll.u32 s1, $0xD;
	s1 =	sshrl.u32 s1, $0x2  }
0xb9: {  	s3 =	sand.u32 $0x4000, s31;
	s1 =	sadd.s32 s1, s30  }
0xba: {  	s0 =	sor.u32 s3, s0;
	s1 =	sshll.u32 s1, $0x11  }
0xbb: {  	s0 =	sor.u32 s1, s0  }
0xbc: {  	s0 =	sadd.s32 $0x8F2B, s0  }
0xbd: {  	[sflag:s0] =	ssyncadd.remote.s32 $0x1  }
0xbe: {  	_ =	sfence.sel $0xFFFF  }
0xbf: {  	[dreg:$0x0] =	wrdreg $0xFFFFFFFF;
	(pc) =	sbr.abs _section_cstart, $3  }
0xc0: {  	[dreg:$0x1] =	wrdreg $0xFFFFFFFF  }
0xc1: {  	_ =	task.clear_ibuf [dreg:s6], $0x2FFFF;
	_ =	strace $0x9FFFFFFF  }
0xc2: {  	(tm) =	ssettm $0x7FFFFFFF  }
0xc3: {  	_ =	shalt  }
tec
execute0_lowered:
.L_overlay_start_1:
0x0: {  	(tag) =	ssettag $0x1  }
0x1: {  	s3 =	rddreg [dreg:$0x0]  }
0x2: {  	s6 =	rddreg [dreg:$0x1]  }
0x3: {  	s0 =	rddreg [dreg:$0x2];
	s2 =	simm.s32 $0x0;
	s4 =	srdreg.scid  }
0x4: {  	s1 =	stileid.u32;
	s13 =	simm.s32 $0x14000;
	s14 =	simm.s32 $0x3C00  }
0x5: {  	s15 =	simm.s32 $0x100;
	[smem:$0x7FF] =	sst s2;
	s5 =	smul.u32 $0x500, s1  }
0x6: {  	s4 =	sand.u32 $0x1, s4;
	s16 =	sshrl.u32 s1, $0x3;
	s26 =	smul.u32 $0x5000, s1  }
0x7: {  	s9 =	sadd.s32 $0x2A00, s3;
	s18 =	sshll.u32 s1, $0x7;
	s8 =	smul.u32 $0x28000, s4  }
0x8: {  	_ =	strace $0x80000047;
	s7 =	sshll.u32 s4, $0x7;
	s10 =	smul.u32 $0xA000, s16  }
0x9: {  	s17 =	ssub.s32 $0x2, s4;
	s12 =	sand.u32 $0x380, s18;
	s23 =	smul.u32 $0x50000, s16  }
0xa: {  	s16 =	simm.s32 $0x6400;
	s5 =	sor.u32 s7, s5;
	s19 =	sshrl.u32 s17, $0x1  }
0xb: {  	s31 =	sshrl.u32 s26, $0x2;
	s5 =	sshrl.u32 s5, $0x3;
	s20 =	sadd.s32 s8, s10  }
0xc: {  	s21 =	ssub.s32 s17, s19;
	s29 =	sshrl.u32 s23, $0x2;
	s10 =	simm.s32 $0x400  }
0xd: {  	s11 =	sadd.s32 s5, s3;
	s22 =	sor.u32 s12, s20;
	s30 =	sadd.s32 s29, s6  }
0xe: {  	s6 =	sadd.s32 s31, s6;
	s8 =	smax.u32 s21, $0x1;
	s24 =	sshrl.u32 s22, $0x3  }
0xf: {  	s25 =	sadd.s32 $0x14000, s22;
	s5 =	sadd.s32 s12, s30;
	s7 =	sadd.s32 $0xCA00, s11  }
0x10: {  	s11 =	simm.s32 $0x1;
	s12 =	simm.s32 $0x1400;
	s28 =	sshrl.u32 s25, $0x3  }
0x11: {  	v0 =	vimm.f32 $0.0e+00;
	v1 =	vimm.f32 $1.000000000e+00;
	s3 =	sadd.s32 s9, s24;
	s4 =	sadd.s32 s9, s28;
	s9 =	simm.s32 $0x80  }
.LBB2_1:
0x12: {  	s17 =	simm.s32 $0x40;
	s18 =	simm.s32 $0x0  }
.LBB2_2:
0x13: {  	p0 =	sne.s32 s17, $0x9FC0;
	[tilespmem:s18+$0x1400] =	vst v0;
	s18 =	smov.u32 s17;
	s17 =	sadd.s32 $0x40, s17  }
.Ltmp0:
0x14: {  	(pc) =	sbr.rel @p0 .LBB2_2-.Ltmp0, $2  }
0x15: {  	_ =	sdelay $0x2  }
0x16: {  	s18 =	sshra.s32 s18, $0x2  }
0x17: {  	[tilespmem:s18+$0x1400] =	vst v0;
	s17 =	simm.s32 $0x0  }
0x18: {  	[tilespmem:s17], [sflag:$0x1] =	stream.strided.gather [hbm4b:s3+s9], $0x1400, s10, s9, $0x38;
	[tilespmem:$0x8E80] =	vst v63  }
0x19: {  	_ =	swait.ge [sflag:s11], $0x1400  }
0x1a: {  	[sflag:s11] =	ssyncset.done $0x0  }
0x1b: {  	s18 =	simm.s32 $0x0;
	s17 =	simm.s32 $0x40;
	[sflag:s11] =	ssyncadd.s32 $0xFFFFEC00  }
.LBB2_4:
0x1c: {  	p0 =	sne.s32 s17, $0x4FC0;
	v2 =	vld [tilespmem:s18+$0x0];
	_ =	sdelay $0x3  }
.Ltmp1:
0x1d: {  	(pc) =	sbr.rel @p0 .LBB2_4-.Ltmp1, $2  }
0x1e: {  	_ =	sdelay $0x2  }
0x1f: {  	s18 =	sshra.s32 s17, $0x2;
	s17 =	sadd.s32 $0x40, s17;
	[tilespmem:v2+s12+$0x0] =	vst.idx.add.f32.msk $0xffff, v1  }
0x20: {  	v2 =	vld [tilespmem:s18+$0x0];
	_ =	sdelay $0x7  }
0x21: {  	s17 =	simm.s32 $0x0;
	[tilespmem:v2+s12+$0x0] =	vst.idx.add.f32.msk $0xffff, v1  }
0x22: {  	[tilespmem:s17], [sflag:$0x1] =	stream.strided.gather [hbm4b:s4+s9], $0x1400, s10, s9, $0x38;
	[tilespmem:$0x8E80] =	vst v63  }
0x23: {  	_ =	swait.ge [sflag:s11], $0x1400  }
0x24: {  	[sflag:s11] =	ssyncset.done $0x0  }
0x25: {  	s18 =	simm.s32 $0x0;
	s17 =	simm.s32 $0x40;
	[sflag:s11] =	ssyncadd.s32 $0xFFFFEC00  }
.LBB2_6:
0x26: {  	p0 =	sne.s32 s17, $0x4FC0;
	v2 =	vld [tilespmem:s18+$0x0];
	_ =	sdelay $0x3  }
.Ltmp2:
0x27: {  	(pc) =	sbr.rel @p0 .LBB2_6-.Ltmp2, $2  }
0x28: {  	_ =	sdelay $0x2  }
0x29: {  	s18 =	sshra.s32 s17, $0x2;
	s17 =	sadd.s32 $0x40, s17;
	[tilespmem:v2+s12+$0x0] =	vst.idx.add.f32.msk $0xffff, v1  }
0x2a: {  	v2 =	vld [tilespmem:s18+$0x0];
	_ =	sdelay $0x7  }
0x2b: {  	[tilespmem:v2+s12+$0x0] =	vst.idx.add.f32.msk $0xffff, v1  }
0x2c: {  	[spmem:s5] =	stream.strided.scatter [tilespmem:s12], [sflag:$0x1], $0x2800, s10, s9, $0x38;
	[tilespmem:$0x8E80] =	vst v63  }
0x2d: {  	_ =	swait.ge [sflag:s11], $0x2800  }
0x2e: {  	[sflag:s11] =	ssyncset.done $0x0  }
0x2f: {  	[sflag:s11] =	ssyncadd.s32 $0xFFFFD800  }
0x30: {  	[bflag:$0x0] =	sbarrier.arrive $0xFFFF  }
0x31: {  	[tilespmem:s14], [sflag:$0x1] =	stream.strided.gather [spmem:s6], $0x2800, s13, s12, $0x38;
	[tilespmem:$0x8E80] =	vst v63  }
0x32: {  	s17 =	simm.s32 $0x0;
	_ =	swait.ge [sflag:s11], $0x2800  }
0x33: {  	s31 =	sand.u32 $0x70, s17;
	s17 =	sand.u32 $0x1C00, s17;
	[sflag:s11] =	ssyncset.done $0x0  }
0x34: {  	s17 =	sor.u32 s31, s17;
	[sflag:s11] =	ssyncadd.s32 $0xFFFFD800  }
0x35: {  	v2 =	vld [tilespmem:s17+$0x3C00];
	_ =	sdelay $0x1  }
0x36: {  	v3 =	vld [tilespmem:s17+$0x3C80];
	_ =	sdelay $0x1  }
0x37: {  	v4 =	vld [tilespmem:s17+$0x3D00]  }
0x38: {  	v2 =	vadd.f32 $0.0e+00, v2  }
0x39: {  	v5 =	vld [tilespmem:s17+$0x3D80]  }
0x3a: {  	v2 =	vadd.f32 v3, v2  }
0x3b: {  	v3 =	vld [tilespmem:s17+$0x3E00]  }
0x3c: {  	v2 =	vadd.f32 v4, v2  }
0x3d: {  	v56 =	vld [tilespmem:s17+$0x3E80]  }
0x3e: {  	v2 =	vadd.f32 v5, v2  }
0x3f: {  	v57 =	vld [tilespmem:s17+$0x3F00]  }
0x40: {  	v2 =	vadd.f32 v3, v2  }
0x41: {  	v3 =	vld [tilespmem:s17+$0x3F80]  }
0x42: {  	v2 =	vadd.f32 v56, v2  }
0x43: {  	v58 =	vld [tilespmem:s17+$0x5000]  }
0x44: {  	v2 =	vadd.f32 v57, v2  }
0x45: {  	v59 =	vld [tilespmem:s17+$0x5080]  }
0x46: {  	v2 =	vadd.f32 v3, v2  }
0x47: {  	v3 =	vld [tilespmem:s17+$0x5100]  }
0x48: {  	v2 =	vadd.f32 v58, v2  }
0x49: {  	v60 =	vld [tilespmem:s17+$0x5180]  }
0x4a: {  	v2 =	vadd.f32 v59, v2  }
0x4b: {  	v61 =	vld [tilespmem:s17+$0x5200]  }
0x4c: {  	v2 =	vadd.f32 v3, v2  }
0x4d: {  	v3 =	vld [tilespmem:s17+$0x5280]  }
0x4e: {  	v2 =	vadd.f32 v60, v2  }
0x4f: {  	v62 =	vld [tilespmem:s17+$0x5300]  }
0x50: {  	v2 =	vadd.f32 v61, v2  }
0x51: {  	v63 =	vld [tilespmem:s17+$0x5380]  }
0x52: {  	v2 =	vadd.f32 v3, v2;
	_ =	sdelay $0x1  }
0x53: {  	v2 =	vadd.f32 v62, v2  }
0x54: {  	s19 =	simm.s32 $0x10  }
0x55: {  	s18 =	simm.s32 $0x80;
	s20 =	sand.u32 $0x70, s19;
	v2 =	vadd.f32 v63, v2  }
0x56: {  	s21 =	sand.u32 $0x1C00, s18;
	s19 =	simm.s32 $0x20;
	s17 =	simm.s32 $0x6400  }
.LBB2_8:
0x57: {  	p0 =	sne.s32 s19, $0x270;
	s20 =	sor.u32 s20, s21;
	[tilespmem:s17+$0x0] =	vst v2  }
0x58: {  	v2 =	vld [tilespmem:s20+$0x3C00];
	_ =	sdelay $0x1  }
0x59: {  	v3 =	vld [tilespmem:s20+$0x3C80];
	_ =	sdelay $0x1  }
0x5a: {  	v4 =	vld [tilespmem:s20+$0x3D00]  }
0x5b: {  	v2 =	vadd.f32 $0.0e+00, v2  }
0x5c: {  	v5 =	vld [tilespmem:s20+$0x3D80]  }
0x5d: {  	v2 =	vadd.f32 v3, v2  }
0x5e: {  	v3 =	vld [tilespmem:s20+$0x3E00]  }
0x5f: {  	v2 =	vadd.f32 v4, v2  }
0x60: {  	v4 =	vld [tilespmem:s20+$0x3E80]  }
0x61: {  	v2 =	vadd.f32 v5, v2  }
0x62: {  	v5 =	vld [tilespmem:s20+$0x3F00]  }
0x63: {  	v2 =	vadd.f32 v3, v2  }
0x64: {  	v3 =	vld [tilespmem:s20+$0x3F80]  }
0x65: {  	v2 =	vadd.f32 v4, v2  }
0x66: {  	v4 =	vld [tilespmem:s20+$0x5000]  }
0x67: {  	v2 =	vadd.f32 v5, v2  }
0x68: {  	v5 =	vld [tilespmem:s20+$0x5080]  }
0x69: {  	v2 =	vadd.f32 v3, v2  }
0x6a: {  	v3 =	vld [tilespmem:s20+$0x5100]  }
0x6b: {  	v2 =	vadd.f32 v4, v2  }
0x6c: {  	v4 =	vld [tilespmem:s20+$0x5180]  }
0x6d: {  	v2 =	vadd.f32 v5, v2  }
0x6e: {  	v5 =	vld [tilespmem:s20+$0x5200]  }
0x6f: {  	v2 =	vadd.f32 v3, v2  }
0x70: {  	v3 =	vld [tilespmem:s20+$0x5280]  }
0x71: {  	v2 =	vadd.f32 v4, v2  }
0x72: {  	v4 =	vld [tilespmem:s20+$0x5300]  }
0x73: {  	v2 =	vadd.f32 v5, v2  }
0x74: {  	v5 =	vld [tilespmem:s20+$0x5380]  }
0x75: {  	v2 =	vadd.f32 v3, v2  }
.Ltmp3:
0x76: {  	(pc) =	sbr.rel @p0 .LBB2_8-.Ltmp3, $3  }
0x77: {  	v2 =	vadd.f32 v4, v2;
	_ =	sdelay $0x1  }
0x78: {  	s18 =	sadd.s32 $0x80, s18;
	s17 =	sadd.s32 $0x10, s17;
	v2 =	vadd.f32 v5, v2  }
0x79: {  	s21 =	sand.u32 $0x1C00, s18;
	s20 =	sand.u32 $0x70, s19;
	s19 =	sadd.s32 $0x10, s19  }
0x7a: {  	s18 =	sor.u32 s20, s21;
	[tilespmem:s17+$0x0] =	vst v2  }
0x7b: {  	v2 =	vld [tilespmem:s18+$0x3C00];
	_ =	sdelay $0x1  }
0x7c: {  	v3 =	vld [tilespmem:s18+$0x3C80];
	_ =	sdelay $0x1  }
0x7d: {  	v4 =	vld [tilespmem:s18+$0x3D00]  }
0x7e: {  	v2 =	vadd.f32 $0.0e+00, v2  }
0x7f: {  	v5 =	vld [tilespmem:s18+$0x3D80]  }
0x80: {  	v2 =	vadd.f32 v3, v2  }
0x81: {  	v3 =	vld [tilespmem:s18+$0x3E00]  }
0x82: {  	v2 =	vadd.f32 v4, v2  }
0x83: {  	v56 =	vld [tilespmem:s18+$0x3E80]  }
0x84: {  	v2 =	vadd.f32 v5, v2  }
0x85: {  	v57 =	vld [tilespmem:s18+$0x3F00]  }
0x86: {  	v2 =	vadd.f32 v3, v2  }
0x87: {  	v3 =	vld [tilespmem:s18+$0x3F80]  }
0x88: {  	v2 =	vadd.f32 v56, v2  }
0x89: {  	v58 =	vld [tilespmem:s18+$0x5000]  }
0x8a: {  	v2 =	vadd.f32 v57, v2  }
0x8b: {  	v59 =	vld [tilespmem:s18+$0x5080]  }
0x8c: {  	v2 =	vadd.f32 v3, v2  }
0x8d: {  	v3 =	vld [tilespmem:s18+$0x5100]  }
0x8e: {  	v2 =	vadd.f32 v58, v2  }
0x8f: {  	v60 =	vld [tilespmem:s18+$0x5180]  }
0x90: {  	v2 =	vadd.f32 v59, v2  }
0x91: {  	v61 =	vld [tilespmem:s18+$0x5200]  }
0x92: {  	v2 =	vadd.f32 v3, v2  }
0x93: {  	v3 =	vld [tilespmem:s18+$0x5280]  }
0x94: {  	v2 =	vadd.f32 v60, v2  }
0x95: {  	v62 =	vld [tilespmem:s18+$0x5300]  }
0x96: {  	v2 =	vadd.f32 v61, v2  }
0x97: {  	v63 =	vld [tilespmem:s18+$0x5380]  }
0x98: {  	v2 =	vadd.f32 v3, v2;
	_ =	sdelay $0x1  }
0x99: {  	v2 =	vadd.f32 v62, v2;
	_ =	sdelay $0x1  }
0x9a: {  	s2 =	sadd.s32 $0x1, s2;
	v2 =	vadd.f32 v63, v2  }
0x9b: {  	s31 =	sadd.s32 $0x10, s17;
	p0 =	sne.s32 s2, s8  }
.Ltmp4:
0x9c: {  	[tilespmem:s31+$0x0] =	vst v2;
	(pc) =	sbr.rel @p0 .LBB2_1-.Ltmp4, $4  }
0x9d: {  	[hbm4b:s7+s9] =	stream.strided.scatter [tilespmem:s16], [sflag:$0x1], $0x280, s15, s9, $0x38;
	[tilespmem:$0x8E80] =	vst v63  }
0x9e: {  	_ =	swait.ge [sflag:s11], $0x280  }
0x9f: {  	[sflag:s11] =	ssyncset.done $0x0  }
0xa0: {  	[sflag:s11] =	ssyncadd.s32 $0xFFFFFD80  }
0xa1: {  	_ =	sfence.sel $0x180000  }
0xa2: {  	[bflag:$0x0] =	sbarrier.arrive $0xFFFF  }
0xa3: {  	p0 =	sne.s32 s1, $0x0;
	_ =	strace $0x90000047  }
0xa4: {  	s0 =	sadd.s32 @!p0 $0x100000, s0;
	[bflag:$0x2] =	sbarrier.arrive $0xFFFF  }
0xa5: {  	[sflag:s0] =	ssyncadd.tile.s32 @!p0 $0x1;
	_ =	shalt  }
.Lfunc_end2:
_tile_overlayer_lowered:
.L_overlay_start_2:
0xa6: {  	(tag) =	ssettag $0x2  }
0xa7: {  	s0 =	rddreg [dreg:$0x0];
	s2 =	stileid.u32  }
0xa8: {  	s1 =	rddreg [dreg:$0x1];
	p0 =	sne.s32 s2, $0x0  }
0xa9: {  	s3 =	rddreg [dreg:$0x2];
	[bflag:$0x3] =	sbarrier.arrive $0xFFFF;
	s2 =	simm.s32 @!p0 $0x1C01  }
0xaa: {  	[timem:s3], [sflag:s2] =	dma.local @!p0 [hbm:s0], s1  }
0xab: {  	s0 =	simm.s32 @!p0 $0x1  }
0xac: {  	_ =	swait.ge @!p0 [sflag:s0], s1  }
0xad: {  	s1 =	ssub.s32 @!p0 $0x0, s1;
	[sflag:s0] =	ssyncset.done @!p0 $0x0  }
0xae: {  	[sflag:s0] =	ssyncadd.s32 @!p0 s1  }
0xaf: {  	[bflag:$0x3] =	sbarrier.arrive $0xFFFF  }
0xb0: {  	_ =	shalt  }

// kernel: kernel.13.cloned.1.call-start
scs
__scs_entry_jumppad:
0x0: {  	(pc) =	sbr.rel $0x88, $3  }
0x1: {  	(tag) =	ssettag $0x0;
	lr =	simm.s32 $0x1  }
0x2: {  	[smem:$0x3F91] =	sst lr;
	_ =	strace $0xD0000000  }
0x3: {  	_ = 	snop  }
0x4: {  	_ = 	snop  }
0x5: {  	_ = 	snop  }
0x6: {  	_ = 	snop  }
0x7: {  	_ = 	snop  }
__scs_overlays_trampoline_lowered:
0x8: {  	[smem:$0x3FA0] =	sst s0  }
0x9: {  	[smem:$0x3FA1] =	sst s1  }
0xa: {  	[smem:$0x3FA2] =	sst s2  }
0xb: {  	[smem:$0x3FA3] =	sst s3  }
0xc: {  	[smem:$0x3FA4] =	sst s4  }
0xd: {  	[smem:$0x3FA5] =	sst s5  }
0xe: {  	[smem:$0x3FA6] =	sst s6  }
0xf: {  	[smem:$0x3FA7] =	sst s7  }
0x10: {  	[smem:$0x3FA8] =	sst s8  }
0x11: {  	[smem:$0x3FA9] =	sst s9;
	s0 =	simm.s32 @!p0 $0x0  }
0x12: {  	s1 =	sld [smem:$0x3F8F];
	s0 =	simm.s32 @p0 $0x1  }
0x13: {  	[smem:$0x3FAA] =	sst s0;
	s0 =	simm.s32 @!p1 $0x0  }
0x14: {  	s2 =	sld [smem:$0x3F8E];
	s0 =	simm.s32 @p1 $0x1  }
0x15: {  	[smem:$0x3FAB] =	sst s0;
	s0 =	simm.s32 @!p2 $0x0  }
0x16: {  	s3 =	sld [smem:$0x3FDB];
	s0 =	simm.s32 @p2 $0x1  }
0x17: {  	s4 =	simm.s32 $0x1BF5;
	[smem:$0x3FAD] =	sst s0  }
0x18: {  	s0 =	sld [smem:$0x3F90];
	_ =	swait.ge [sflag:s4], $0x0  }
0x19: {  	s7 =	sld [smem:$0x3F91]  }
0x1a: {  	s8 =	sadd.s32 $0xFFFFE003, lr  }
0x1b: {  	s9 =	sadd.s32 $0xFFFFFEF7, lr;
	s5 =	simm.s32 $0xFFFFFFFF;
	p2 =	slt.u32 s8, $0xFFFFF086  }
0x1c: {  	p1 =	slt.u32 s9, $0xF7A;
	s5 =	simm.s32 @!p2 $0x0  }
0x1d: {  	s5 =	simm.s32 @p1 $0x1;
	p0 =	seq.s32 s7, s2  }
0x1e: {  	s7 =	smul.u32 @!p0 $0xF7A, s2;
	p2 =	seq.s32 @!p0 s5, $0x0  }
0x1f: {  	s9 =	smul.u32 $0xF7A, s1;
	s8 =	simm.s32 @!p0 $0x1BF5;
	p2 =	por !p2, p0  }
0x20: {  	[sflag:s8] =	ssyncset.s32 @!p0 $0xFFFFF086;
	s6 =	sadd.s32 @!p0 s3, s7;
	s7 =	simm.s32 @!p0 $0x108  }
0x21: {  	s3 =	sadd.s32 s3, s9;
	s6 =	sadd.s32 @!p0 $0x88, s6;
	s7 =	simm.s32 @p2 $0x1082  }
0x22: {  	[simem:s7], [sflag:s8] =	dma.local @!p0 [hbm:s6], $0xF7A  }
0x23: {  	s9 =	sor.u32 $0xD0000000, s2;
	s6 =	simm.s32 $0x108;
	_ =	swait.ge @!p0 [sflag:s8], $0x0  }
0x24: {  	s3 =	sadd.s32 $0x88, s3;
	s6 =	simm.s32 @!p1 $0x1082;
	[sflag:s4] =	ssyncset.s32 $0xFFFFF086  }
0x25: {  	[simem:s6], [sflag:s4] =	dma.local [hbm:s3], $0xF7A  }
0x26: {  	[smem:$0x3F91] =	sst s1;
	(tag) =	ssettag s2;
	_ =	strace s9  }
0x27: {  	s1 =	sld [smem:$0x3FA1]  }
0x28: {  	s2 =	sld [smem:$0x3FA2]  }
0x29: {  	s4 =	sld [smem:$0x3FA4]  }
0x2a: {  	p0 =	seq.s32 s5, $0x0;
	s5 =	sld [smem:$0x3FA5]  }
0x2b: {  	s6 =	sld [smem:$0x3FA6]  }
0x2c: {  	s7 =	sld [smem:$0x3FA7]  }
0x2d: {  	s3 =	simm.s32 $0x108;
	s8 =	sld [smem:$0x3FA8]  }
0x2e: {  	s3 =	simm.s32 @!p0 $0x1082;
	s9 =	sld [smem:$0x3FA9]  }
0x2f: {  	lr =	sadd.s32 s0, s3;
	s0 =	sld [smem:$0x3FA0]  }
0x30: {  	s3 =	sld [smem:$0x3FA3]  }
0x31: {  	[smem:$0x3FAC] =	sst s10  }
0x32: {  	s10 =	sld [smem:$0x3FAA];
	_ =	sdelay $0x3  }
0x33: {  	p0 =	seq.s32 s10, $0x1;
	s10 =	sld [smem:$0x3FAC];
	_ =	sdelay $0x3  }
0x34: {  	[smem:$0x3FAC] =	sst s10  }
0x35: {  	s10 =	sld [smem:$0x3FAB];
	_ =	sdelay $0x3  }
0x36: {  	p1 =	seq.s32 s10, $0x1;
	s10 =	sld [smem:$0x3FAC];
	_ =	sdelay $0x3  }
0x37: {  	[smem:$0x3FAC] =	sst s10  }
0x38: {  	s10 =	sld [smem:$0x3FAD]  }
0x39: {  	_ = 	snop;
	(pc) =	sbr.ind lr, $3  }
0x3a: {  	_ = 	snop  }
0x3b: {  	_ = 	snop  }
0x3c: {  	p2 =	seq.s32 s10, $0x1;
	s10 =	sld [smem:$0x3FAC]  }
0x3d: {  	_ =	shalt  }
0x3e: {  	_ =	shalt  }
0x3f: {  	_ =	shalt  }
0x40: {  	_ =	shalt  }
0x41: {  	_ =	shalt  }
0x42: {  	_ =	shalt  }
0x43: {  	_ =	shalt  }
0x44: {  	_ =	shalt  }
0x45: {  	_ =	shalt  }
0x46: {  	_ =	shalt  }
0x47: {  	_ =	shalt  }
0x48: {  	_ =	shalt  }
0x49: {  	_ =	shalt  }
0x4a: {  	_ =	shalt  }
0x4b: {  	_ =	shalt  }
0x4c: {  	_ =	shalt  }
0x4d: {  	_ =	shalt  }
0x4e: {  	_ =	shalt  }
0x4f: {  	_ =	shalt  }
0x50: {  	_ =	shalt  }
0x51: {  	_ =	shalt  }
0x52: {  	_ =	shalt  }
0x53: {  	_ =	shalt  }
0x54: {  	_ =	shalt  }
0x55: {  	_ =	shalt  }
0x56: {  	_ =	shalt  }
0x57: {  	_ =	shalt  }
0x58: {  	_ =	shalt  }
0x59: {  	_ =	shalt  }
0x5a: {  	_ =	shalt  }
0x5b: {  	_ =	shalt  }
0x5c: {  	_ =	shalt  }
0x5d: {  	_ =	shalt  }
0x5e: {  	_ =	shalt  }
0x5f: {  	_ =	shalt  }
0x60: {  	_ =	shalt  }
0x61: {  	_ =	shalt  }
0x62: {  	_ =	shalt  }
0x63: {  	_ =	shalt  }
0x64: {  	_ =	shalt  }
0x65: {  	_ =	shalt  }
0x66: {  	_ =	shalt  }
0x67: {  	_ =	shalt  }
0x68: {  	_ =	shalt  }
0x69: {  	_ =	shalt  }
0x6a: {  	_ =	shalt  }
0x6b: {  	_ =	shalt  }
0x6c: {  	_ =	shalt  }
0x6d: {  	_ =	shalt  }
0x6e: {  	_ =	shalt  }
0x6f: {  	_ =	shalt  }
0x70: {  	_ =	shalt  }
0x71: {  	_ =	shalt  }
0x72: {  	_ =	shalt  }
0x73: {  	_ =	shalt  }
0x74: {  	_ =	shalt  }
0x75: {  	_ =	shalt  }
0x76: {  	_ =	shalt  }
0x77: {  	_ =	shalt  }
0x78: {  	_ =	shalt  }
0x79: {  	_ =	shalt  }
0x7a: {  	_ =	shalt  }
0x7b: {  	_ =	shalt  }
0x7c: {  	_ =	shalt  }
0x7d: {  	_ =	shalt  }
0x7e: {  	_ =	shalt  }
0x7f: {  	_ =	shalt  }
0x80: {  	_ =	shalt  }
0x81: {  	_ =	shalt  }
0x82: {  	_ =	shalt  }
0x83: {  	_ =	shalt  }
0x84: {  	_ =	shalt  }
0x85: {  	_ =	shalt  }
0x86: {  	_ =	shalt  }
0x87: {  	_ =	shalt  }
.Lfunc_end0:
.L_simem_size_0:
called_computation.1_lowered:
.L_overlay_start_0:
0x88: {  	s2 =	sld [smem:$0x3FD9]  }
0x89: {  	s3 =	sld [smem:$0x3FFE];
	_ =	sdelay $0x1  }
0x8a: {  	s1 =	srdreg.scid  }
0x8b: {  	s0 =	sand.u32 $0x1, s1  }
0x8c: {  	s16 =	sshll.u32 s0, $0xA;
	s2 =	sadd.s32 s3, s2  }
0x8d: {  	s2 =	sadd.s32 s2, s16  }
0x8e: {  	[smem:$0x3FB8] =	sst s2  }
0x8f: {  	_ = 	snop  }
0x90: {  	(tm) =	ssettm $0x1  }
0x91: {  	s17 =	sld [smem:$0x3FFB];
	_ =	sdelay $0x3  }
0x92: {  	_ =	strace s17  }
0x93: {  	s2 =	sld [smem:$0x3FFC];
	_ =	sdelay $0x3  }
0x94: {  	_ =	strace s2  }
0x95: {  	s2 =	sld [smem:$0x3FFD];
	_ =	sdelay $0x3  }
0x96: {  	_ =	strace s2  }
0x97: {  	_ =	strace $0x8FFFFFFF  }
0x98: {  	s18 =	sld [smem:$0x3FDB];
	_ =	sdelay $0x1  }
0x99: {  	s19 =	simm.s32 $_scs_section_size  }
0x9a: {  	s4 =	simm.s32 $_size__tile_overlayer_lowered;
	s5 =	simm.s32 $_tile_overlayer_lowered  }
0x9b: {  	s22 =	simm.s32 $0x1BFF;
	s21 =	sshll.u32 s5, $0x1;
	s2 =	sadd.s32 s19, s18  }
0x9c: {  	s6 =	simm.s32 $0x0;
	s20 =	sshll.u32 s4, $0x1;
	s4 =	sadd.s32 s21, s2  }
0x9d: {  	[timem:s6], [sflag:s22] =	dma.local [hbm:s4], s20  }
0x9e: {  	_ =	swait.ge [sflag:s22], s20  }
0x9f: {  	s3 =	ssub.s32 $0x0, s20;
	[sflag:s22] =	ssyncset.done $0x0  }
0xa0: {  	[sflag:s22] =	ssyncadd.s32 s3;
	_ =	sdelay $0x1  }
0xa1: {  	s23 =	simm.s32 $0x1B8B  }
0xa2: {  	_ =	swait.ge [sflag:s23], $0x1  }
0xa3: {  	[sflag:s23] =	ssyncset.done $0x0  }
0xa4: {  	s25 =	simm.s32 $0x1B8E;
	s24 =	sld [smem:$0x3FFE];
	[sflag:s23] =	ssyncadd.s32 $0xFFFFFFFF  }
0xa5: {  	s26 =	simm.s32 $execute0_lowered;
	[smem:$0x3FD2] =	sst s25  }
0xa6: {  	s4 =	sshll.u32 s26, $0x1;
	_ =	strace $0x80000049;
	[dreg:$0x1] =	wrdreg $0xFFFFFFFF  }
0xa7: {  	s28 =	simm.s32 $_size_execute0_lowered;
	s2 =	sadd.s32 s2, s4;
	[dreg:$0x0] =	wrdreg $0x0  }
0xa8: {  	s4 =	sshll.u32 s28, $0x1;
	[dreg:$0x2] =	wrdreg s2  }
0xa9: {  	[dreg:$0x3] =	wrdreg s4  }
0xaa: {  	[dreg:$0x4] =	wrdreg $0xC0  }
0xab: {  	_ =	task [dreg:s6], $0x5FFFF  }
0xac: {  	[dreg:$0x1] =	wrdreg $0xFFFFFFFF  }
0xad: {  	[dreg:$0x0] =	wrdreg $0x60  }
0xae: {  	[dreg:$0x2] =	wrdreg s24  }
0xaf: {  	[dreg:$0x3] =	wrdreg $0xA8000  }
0xb0: {  	[dreg:$0x4] =	wrdreg $0x9  }
0xb1: {  	_ =	task.clear_ibuf [dreg:s6], $0x5FFFF;
	_ =	strace $0x90000049  }
0xb2: {  	s29 =	simm.s32 $0x9;
	_ =	strace $0x8000004B  }
0xb3: {  	_ =	swait.ge [sflag:s29], $0x1  }
0xb4: {  	[sflag:s29] =	ssyncadd.s32 $0xFFFFFFFF  }
0xb5: {  	_ =	strace $0x9000004B  }
0xb6: {  	_ =	sfence  }
0xb7: {  	s30 =	sld [smem:$0x0];
	_ =	sdelay $0x2  }
0xb8: {  	s31 =	sshll.u32 s1, $0xD;
	s1 =	sshrl.u32 s1, $0x2  }
0xb9: {  	s3 =	sand.u32 $0x4000, s31;
	s1 =	sadd.s32 s1, s30  }
0xba: {  	s0 =	sor.u32 s3, s0;
	s1 =	sshll.u32 s1, $0x11  }
0xbb: {  	s0 =	sor.u32 s1, s0  }
0xbc: {  	s0 =	sadd.s32 $0x8F2B, s0  }
0xbd: {  	[sflag:s0] =	ssyncadd.remote.s32 $0x1  }
0xbe: {  	_ =	sfence.sel $0xFFFF  }
0xbf: {  	[dreg:$0x0] =	wrdreg $0xFFFFFFFF;
	(pc) =	sbr.abs _section_cstart, $3  }
0xc0: {  	[dreg:$0x1] =	wrdreg $0xFFFFFFFF  }
0xc1: {  	_ =	task.clear_ibuf [dreg:s6], $0x2FFFF;
	_ =	strace $0x9FFFFFFF  }
0xc2: {  	(tm) =	ssettm $0x7FFFFFFF  }
0xc3: {  	_ =	shalt  }
tec
execute0_lowered:
.L_overlay_start_1:
0x0: {  	(tag) =	ssettag $0x1  }
0x1: {  	s0 =	rddreg [dreg:$0x0];
	s1 =	srdreg.scid  }
0x2: {  	s2 =	rddreg [dreg:$0x1];
	s9 =	stileid.u32;
	s5 =	simm.s32 $0x0  }
0x3: {  	s14 =	simm.s32 $0x9;
	s15 =	simm.s32 $0x80;
	s16 =	simm.s32 $0x400  }
0x4: {  	s28 =	simm.s32 $0x5;
	s30 =	simm.s32 $0x3;
	s10 =	simm.s32 $0x0  }
0x5: {  	s1 =	sand.u32 $0x1, s1;
	s4 =	smul.u32 $0x14000, s9;
	[smem:$0x7FF] =	sst s5  }
0x6: {  	s18 =	sadd.s32 $0x2A00, s0;
	s19 =	sadd.s32 $0xCA00, s0;
	s20 =	smul.u32 $0x50000, s9  }
0x7: {  	s21 =	sshrl.u32 s9, $0x3;
	s7 =	sshll.u32 s9, $0x7;
	s22 =	sshll.u32 s9, $0x6  }
0x8: {  	s9 =	simm.s32 $0x8;
	s3 =	smul.u32 $0x140000, s1;
	_ =	strace $0x8000004A  }
0x9: {  	[dreg:$0x3] =	wrdreg s19;
	s1 =	ssub.s32 $0x2, s1;
	s5 =	smul.u32 $0xA000, s21  }
0xa: {  	s7 =	sand.u32 $0x380, s7;
	s19 =	simm.s32 $0x2800;
	s21 =	simm.s32 $0x6800  }
0xb: {  	s8 =	sshrl.u32 s1, $0x1;
	s17 =	sshrl.u32 s3, $0x3;
	s3 =	sadd.s32 s4, s3  }
0xc: {  	s1 =	ssub.s32 s1, s8;
	s7 =	sor.u32 s7, s5;
	s5 =	sor.u32 $0x1C09, s22  }
0xd: {  	s22 =	simm.s32 $0x1;
	s6 =	sadd.s32 s17, s0;
	s3 =	sshrl.u32 s3, $0x3  }
0xe: {  	s23 =	sshrl.u32 s7, $0x3;
	s24 =	sadd.s32 $0x28000, s7;
	s26 =	sadd.s32 $0x14000, s7  }
0xf: {  	s7 =	sadd.s32 $0x3C000, s7;
	s31 =	smax.u32 s1, $0x1;
	s17 =	simm.s32 $0x1400  }
0x10: {  	s1 =	simm.s32 $0x140;
	s0 =	sadd.s32 s3, s0;
	s3 =	sshrl.u32 s20, $0x2  }
0x11: {  	s8 =	sadd.s32 s18, s23;
	s25 =	sshrl.u32 s24, $0x3;
	s29 =	sshrl.u32 s26, $0x3  }
0x12: {  	s7 =	sshrl.u32 s7, $0x3;
	[dreg:$0x9] =	wrdreg s31;
	s20 =	simm.s32 $0x4800  }
0x13: {  	s24 =	simm.s32 $0x8800;
	s3 =	sadd.s32 s3, s2;
	[dreg:$0x4] =	wrdreg s8  }
0x14: {  	s8 =	sadd.s32 s18, s25;
	s4 =	sadd.s32 s18, s7;
	s0 =	sadd.s32 $0xAD400, s0  }
.Ltmp0:
0x15: {  	s25 =	simm.s32 $0x2;
	[dreg:$0x5] =	wrdreg s8;
	(pc) =	sbr.rel .LBB2_1-.Ltmp0, $4  }
0x16: {  	s7 =	simm.s32 $0x180;
	s8 =	sadd.s32 $0x5D400, s6;
	[dreg:$0x7] =	wrdreg s4  }
0x17: {  	s6 =	sadd.s32 s18, s29;
	[dreg:$0x8] =	wrdreg s0;
	s13 =	sshrl.u32 s3, $0x3  }
0x18: {  	s18 =	simm.s32 $0x40;
	s0 =	simm.s32 $0x6;
	s3 =	simm.s32 $0x4  }
0x19: {  	s4 =	simm.s32 $0x14C0;
	[dreg:$0x6] =	wrdreg s6;
	s6 =	simm.s32 $0x7  }
.LBB2_7:
0x1a: {  	_ =	swait.ge [sflag:s28], $0x2000  }
0x1b: {  	[sflag:s28] =	ssyncset.done $0x0  }
0x1c: {  	[sflag:s28] =	ssyncadd.s32 $0xFFFFE000  }
0x1d: {  	_ =	swait.ge [sflag:s0], $0x2000  }
0x1e: {  	[sflag:s0] =	ssyncset.done $0x0  }
0x1f: {  	[sflag:s0] =	ssyncadd.s32 $0xFFFFE000  }
0x20: {  	_ =	swait.ge [sflag:s6], $0x2000  }
0x21: {  	[sflag:s6] =	ssyncset.done $0x0  }
0x22: {  	[sflag:s6] =	ssyncadd.s32 $0xFFFFE000  }
0x23: {  	_ =	swait.ge [sflag:s9], $0x2000  }
0x24: {  	[sflag:s9] =	ssyncset.done $0x0  }
0x25: {  	[sflag:s9] =	ssyncadd.s32 $0xFFFFE000  }
0x26: {  	[bflag:$0x0] =	sbarrier.arrive $0xFFFF  }
0x27: {  	s11 =	rddreg [dreg:$0x8]  }
0x28: {  	[hbm:s11], [sflag:s5] =	dma.local [spmem:s13], $0x2800  }
0x29: {  	_ =	swait.ge [sflag:s14], $0x2800  }
0x2a: {  	s10 =	sadd.s32 $0x1, s10;
	s31 =	rddreg [dreg:$0x9]  }
0x2b: {  	p0 =	sne.s32 s10, s31  }
.Ltmp1:
0x2c: {  	_ = 	snop;
	(pc) =	sbr.rel @!p0 .LBB2_8-.Ltmp1, $3  }
0x2d: {  	_ =	sdelay $0x1  }
0x2e: {  	[sflag:s14] =	ssyncset.done $0x0  }
0x2f: {  	[sflag:s14] =	ssyncadd.s32 $0xFFFFD800  }
.LBB2_1:
0x30: {  	s11 =	rddreg [dreg:$0x3]  }
0x31: {  	[spmem:s13], [sflag:s5] =	dma.local [hbm:s11], $0x2800  }
0x32: {  	_ =	swait.ge [sflag:s14], $0x2800  }
0x33: {  	[sflag:s14] =	ssyncset.done $0x0  }
0x34: {  	[sflag:s14] =	ssyncadd.s32 $0xFFFFD800  }
0x35: {  	[bflag:$0x0] =	sbarrier.arrive $0xFFFF  }
0x36: {  	s29 =	simm.s32 $0x0;
	s12 =	rddreg [dreg:$0x4]  }
0x37: {  	[tilespmem:s29], [sflag:$0x9] =	stream.strided.gather [hbm4b:s12+s15], $0x1400, s16, s15, $0x38;
	[tilespmem:$0x1E800] =	vst v63  }
0x38: {  	_ =	swait.ge [sflag:s14], $0x1400  }
0x39: {  	[sflag:s14] =	ssyncset.done $0x0  }
0x3a: {  	s31 =	rddreg [dreg:$0x5];
	[sflag:s14] =	ssyncadd.s32 $0xFFFFEC00  }
0x3b: {  	[tilespmem:s17], [sflag:$0x9] =	stream.strided.gather [hbm4b:s31+s15], $0x1400, s16, s15, $0x38;
	[tilespmem:$0x1E800] =	vst v63  }
0x3c: {  	_ =	swait.ge [sflag:s14], $0x1400  }
0x3d: {  	[sflag:s14] =	ssyncset.done $0x0  }
0x3e: {  	[sflag:s14] =	ssyncadd.s32 $0xFFFFEC00  }
0x3f: {  	[tilespmem:s19], [sflag:$0x1] =	stream.indirect.gather [hbm4b:s8+s18], $0x80, s29, s18, $0xb8;
	[tilespmem:$0x1E800] =	vst v63  }
0x40: {  	_ = 	snop  }
0x41: {  	[tilespmem:s20], [sflag:$0x2] =	stream.indirect.gather [hbm4b:s8+s18], $0x80, s18, s18, $0xb8;
	[tilespmem:$0x1E800] =	vst v63  }
0x42: {  	_ = 	snop  }
0x43: {  	[tilespmem:s21], [sflag:$0x3] =	stream.indirect.gather [hbm4b:s8+s18], $0x80, s15, s18, $0xb8;
	[tilespmem:$0x1E800] =	vst v63  }
0x44: {  	_ =	swait.ge [sflag:s22], $0x2000  }
0x45: {  	[sflag:s22] =	ssyncset.done $0x0  }
0x46: {  	[sflag:s22] =	ssyncadd.s32 $0xFFFFE000  }
0x47: {  	[spmem:s2] =	stream.indirect.scatter.add.f32 [tilespmem:s19], [sflag:$0x5], $0x80, s17, s18, $0xb8;
	[tilespmem:$0x1E800] =	vst v63  }
0x48: {  	s23 =	simm.s32 $0xC0  }
0x49: {  	[tilespmem:s24], [sflag:$0x4] =	stream.indirect.gather [hbm4b:s8+s18], $0x80, s23, s18, $0xb8;
	[tilespmem:$0x1E800] =	vst v63  }
0x4a: {  	_ =	swait.ge [sflag:s25], $0x2000  }
0x4b: {  	[sflag:s25] =	ssyncset.done $0x0  }
0x4c: {  	s26 =	simm.s32 $0x1440;
	[sflag:s25] =	ssyncadd.s32 $0xFFFFE000  }
0x4d: {  	[spmem:s2] =	stream.indirect.scatter.add.f32 [tilespmem:s20], [sflag:$0x6], $0x80, s26, s18, $0xb8;
	[tilespmem:$0x1E800] =	vst v63  }
0x4e: {  	_ =	swait.ge [sflag:s28], $0x2000  }
0x4f: {  	[sflag:s28] =	ssyncset.done $0x0  }
0x50: {  	s29 =	simm.s32 $0x100;
	[sflag:s28] =	ssyncadd.s32 $0xFFFFE000  }
0x51: {  	[tilespmem:s19], [sflag:$0x1] =	stream.indirect.gather [hbm4b:s8+s18], $0x80, s29, s18, $0xb8;
	[tilespmem:$0x1E800] =	vst v63  }
0x52: {  	_ =	swait.ge [sflag:s30], $0x2000  }
0x53: {  	[sflag:s30] =	ssyncset.done $0x0  }
0x54: {  	s31 =	simm.s32 $0x1480;
	[sflag:s30] =	ssyncadd.s32 $0xFFFFE000  }
0x55: {  	[spmem:s2] =	stream.indirect.scatter.add.f32 [tilespmem:s21], [sflag:$0x7], $0x80, s31, s18, $0xb8;
	[tilespmem:$0x1E800] =	vst v63  }
0x56: {  	_ =	swait.ge [sflag:s0], $0x2000  }
0x57: {  	[sflag:s0] =	ssyncset.done $0x0  }
0x58: {  	[sflag:s0] =	ssyncadd.s32 $0xFFFFE000  }
0x59: {  	[tilespmem:s20], [sflag:$0x2] =	stream.indirect.gather [hbm4b:s8+s18], $0x80, s1, s18, $0xb8;
	[tilespmem:$0x1E800] =	vst v63  }
0x5a: {  	_ =	swait.ge [sflag:s3], $0x2000  }
0x5b: {  	[sflag:s3] =	ssyncset.done $0x0  }
0x5c: {  	[sflag:s3] =	ssyncadd.s32 $0xFFFFE000  }
0x5d: {  	[spmem:s2] =	stream.indirect.scatter.add.f32 [tilespmem:s24], [sflag:$0x8], $0x80, s4, s18, $0xb8;
	[tilespmem:$0x1E800] =	vst v63  }
0x5e: {  	_ =	swait.ge [sflag:s6], $0x2000  }
0x5f: {  	[sflag:s6] =	ssyncset.done $0x0  }
0x60: {  	s11 =	simm.s32 $0x0;
	[sflag:s6] =	ssyncadd.s32 $0xFFFFE000  }
0x61: {  	[tilespmem:s21], [sflag:$0x3] =	stream.indirect.gather [hbm4b:s8+s18], $0x80, s7, s18, $0xb8;
	[tilespmem:$0x1E800] =	vst v63  }
.LBB2_2:
0x62: {  	_ =	swait.ge [sflag:s22], $0x2000  }
0x63: {  	s12 =	sshra.s32 s11, $0x2;
	[sflag:s22] =	ssyncset.done $0x0  }
0x64: {  	s23 =	sadd.s32 $0x1500, s12;
	[sflag:s22] =	ssyncadd.s32 $0xFFFFE000  }
0x65: {  	[spmem:s2] =	stream.indirect.scatter.add.f32 [tilespmem:s19], [sflag:$0x5], $0x80, s23, s18, $0xb8;
	[tilespmem:$0x1E800] =	vst v63  }
0x66: {  	_ =	swait.ge [sflag:s9], $0x2000  }
0x67: {  	[sflag:s9] =	ssyncset.done $0x0  }
0x68: {  	s26 =	sadd.s32 $0x1C0, s12;
	[sflag:s9] =	ssyncadd.s32 $0xFFFFE000  }
0x69: {  	[tilespmem:s24], [sflag:$0x4] =	stream.indirect.gather [hbm4b:s8+s18], $0x80, s26, s18, $0xb8;
	[tilespmem:$0x1E800] =	vst v63  }
0x6a: {  	_ =	swait.ge [sflag:s25], $0x2000  }
0x6b: {  	p0 =	seq.s32 s11, $0x4800;
	[sflag:s25] =	ssyncset.done $0x0  }
0x6c: {  	s29 =	sadd.s32 $0x1540, s12;
	s23 =	simm.s32 @p0 $0x3;
	[sflag:s25] =	ssyncadd.s32 $0xFFFFE000  }
0x6d: {  	[spmem:s2] =	stream.indirect.scatter.add.f32 [tilespmem:s20], [sflag:$0x6], $0x80, s29, s18, $0xb8;
	[tilespmem:$0x1E800] =	vst v63  }
0x6e: {  	_ =	swait.ge @p0 [sflag:s23], $0x2000  }
0x6f: {  	[sflag:s23] =	ssyncset.done @p0 $0x0  }
0x70: {  	[sflag:s23] =	ssyncadd.s32 @p0 $0xFFFFE000;
	s23 =	sshra.s32 @p0 s11, $0x2  }
0x71: {  	s26 =	simm.s32 @p0 $0x40;
	s29 =	simm.s32 @p0 $0x6800;
	s23 =	sadd.s32 @p0 $0x1580, s23  }
0x72: {  	[spmem:s2] =	stream.indirect.scatter.add.f32 @p0 [tilespmem:s29], [sflag:$0x7], $0x80, s23, s26, $0xb8;
	[tilespmem:$0x1E800] =	vst v63  }
0x73: {  	s23 =	simm.s32 @!p0 $0x5  }
0x74: {  	_ =	swait.ge @!p0 [sflag:s23], $0x2000  }
0x75: {  	[sflag:s23] =	ssyncset.done @!p0 $0x0  }
0x76: {  	[sflag:s23] =	ssyncadd.s32 @!p0 $0xFFFFE000;
	s23 =	sshra.s32 @!p0 s11, $0x2  }
0x77: {  	s31 =	simm.s32 @!p0 $0x2800;
	s29 =	simm.s32 @!p0 $0x40;
	s26 =	sadd.s32 @!p0 $0x200, s23  }
0x78: {  	[tilespmem:s31], [sflag:$0x1] =	stream.indirect.gather @!p0 [hbm4b:s8+s29], $0x80, s26, s29, $0xb8;
	[tilespmem:$0x1E800] =	vst v63  }
0x79: {  	s26 =	simm.s32 @!p0 $0x3  }
0x7a: {  	_ =	swait.ge @!p0 [sflag:s26], $0x2000  }
0x7b: {  	[sflag:s26] =	ssyncset.done @!p0 $0x0  }
0x7c: {  	s31 =	simm.s32 @!p0 $0x6800;
	[sflag:s26] =	ssyncadd.s32 @!p0 $0xFFFFE000;
	s26 =	sadd.s32 @!p0 $0x1580, s23  }
0x7d: {  	[spmem:s2] =	stream.indirect.scatter.add.f32 @!p0 [tilespmem:s31], [sflag:$0x7], $0x80, s26, s29, $0xb8;
	[tilespmem:$0x1E800] =	vst v63  }
0x7e: {  	s26 =	simm.s32 @!p0 $0x6  }
0x7f: {  	_ =	swait.ge @!p0 [sflag:s26], $0x2000  }
0x80: {  	[sflag:s26] =	ssyncset.done @!p0 $0x0  }
0x81: {  	s23 =	sadd.s32 @!p0 $0x240, s23;
	[sflag:s26] =	ssyncadd.s32 @!p0 $0xFFFFE000;
	s26 =	simm.s32 @!p0 $0x4800  }
0x82: {  	[tilespmem:s26], [sflag:$0x2] =	stream.indirect.gather @!p0 [hbm4b:s8+s29], $0x80, s23, s29, $0xb8;
	[tilespmem:$0x1E800] =	vst v63  }
.Ltmp2:
0x83: {  	_ = 	snop;
	(pc) =	sbr.rel @p0 .LBB2_4-.Ltmp2, $4  }
0x84: {  	_ =	swait.ge [sflag:s3], $0x2000  }
0x85: {  	[sflag:s3] =	ssyncset.done $0x0  }
0x86: {  	s31 =	sadd.s32 $0x15C0, s12;
	[sflag:s3] =	ssyncadd.s32 $0xFFFFE000  }
0x87: {  	[spmem:s2] =	stream.indirect.scatter.add.f32 [tilespmem:s24], [sflag:$0x8], $0x80, s31, s18, $0xb8;
	[tilespmem:$0x1E800] =	vst v63  }
.Ltmp3:
0x88: {  	(pc) =	sbr.rel .LBB2_2-.Ltmp3, $4  }
0x89: {  	_ =	swait.ge [sflag:s6], $0x2000  }
0x8a: {  	[sflag:s6] =	ssyncset.done $0x0  }
0x8b: {  	s12 =	sadd.s32 $0x280, s12;
	s11 =	sadd.s32 $0x400, s11;
	[sflag:s6] =	ssyncadd.s32 $0xFFFFE000  }
0x8c: {  	[tilespmem:s21], [sflag:$0x3] =	stream.indirect.gather [hbm4b:s8+s18], $0x80, s12, s18, $0xb8;
	[tilespmem:$0x1E800] =	vst v63  }
.LBB2_4:
0x8d: {  	_ =	swait.ge [sflag:s28], $0x2000  }
0x8e: {  	[sflag:s28] =	ssyncset.done $0x0  }
0x8f: {  	[sflag:s28] =	ssyncadd.s32 $0xFFFFE000  }
0x90: {  	_ =	swait.ge [sflag:s0], $0x2000  }
0x91: {  	[sflag:s0] =	ssyncset.done $0x0  }
0x92: {  	[sflag:s0] =	ssyncadd.s32 $0xFFFFE000  }
0x93: {  	_ =	swait.ge [sflag:s6], $0x2000  }
0x94: {  	[sflag:s6] =	ssyncset.done $0x0  }
0x95: {  	[sflag:s6] =	ssyncadd.s32 $0xFFFFE000  }
0x96: {  	_ =	swait.ge [sflag:s9], $0x2000  }
0x97: {  	[sflag:s9] =	ssyncset.done $0x0  }
0x98: {  	s11 =	simm.s32 $0x0;
	s12 =	rddreg [dreg:$0x6];
	[sflag:s9] =	ssyncadd.s32 $0xFFFFE000  }
0x99: {  	[tilespmem:s11], [sflag:$0x9] =	stream.strided.gather [hbm4b:s12+s15], $0x1400, s16, s15, $0x38;
	[tilespmem:$0x1E800] =	vst v63  }
0x9a: {  	_ =	swait.ge [sflag:s14], $0x1400  }
0x9b: {  	[sflag:s14] =	ssyncset.done $0x0  }
0x9c: {  	s31 =	rddreg [dreg:$0x7];
	[sflag:s14] =	ssyncadd.s32 $0xFFFFEC00  }
0x9d: {  	[tilespmem:s17], [sflag:$0x9] =	stream.strided.gather [hbm4b:s31+s15], $0x1400, s16, s15, $0x38;
	[tilespmem:$0x1E800] =	vst v63  }
0x9e: {  	_ =	swait.ge [sflag:s14], $0x1400  }
0x9f: {  	[sflag:s14] =	ssyncset.done $0x0  }
0xa0: {  	[sflag:s14] =	ssyncadd.s32 $0xFFFFEC00  }
0xa1: {  	[tilespmem:s19], [sflag:$0x1] =	stream.indirect.gather [hbm4b:s8+s18], $0x80, s11, s18, $0xb8;
	[tilespmem:$0x1E800] =	vst v63  }
0xa2: {  	_ = 	snop  }
0xa3: {  	[tilespmem:s20], [sflag:$0x2] =	stream.indirect.gather [hbm4b:s8+s18], $0x80, s18, s18, $0xb8;
	[tilespmem:$0x1E800] =	vst v63  }
0xa4: {  	_ = 	snop  }
0xa5: {  	[tilespmem:s21], [sflag:$0x3] =	stream.indirect.gather [hbm4b:s8+s18], $0x80, s15, s18, $0xb8;
	[tilespmem:$0x1E800] =	vst v63  }
0xa6: {  	_ =	swait.ge [sflag:s22], $0x2000  }
0xa7: {  	[sflag:s22] =	ssyncset.done $0x0  }
0xa8: {  	[sflag:s22] =	ssyncadd.s32 $0xFFFFE000  }
0xa9: {  	[spmem:s2] =	stream.indirect.scatter.add.f32 [tilespmem:s19], [sflag:$0x5], $0x80, s17, s18, $0xb8;
	[tilespmem:$0x1E800] =	vst v63  }
0xaa: {  	s23 =	simm.s32 $0xC0  }
0xab: {  	[tilespmem:s24], [sflag:$0x4] =	stream.indirect.gather [hbm4b:s8+s18], $0x80, s23, s18, $0xb8;
	[tilespmem:$0x1E800] =	vst v63  }
0xac: {  	_ =	swait.ge [sflag:s25], $0x2000  }
0xad: {  	[sflag:s25] =	ssyncset.done $0x0  }
0xae: {  	s26 =	simm.s32 $0x1440;
	[sflag:s25] =	ssyncadd.s32 $0xFFFFE000  }
0xaf: {  	[spmem:s2] =	stream.indirect.scatter.add.f32 [tilespmem:s20], [sflag:$0x6], $0x80, s26, s18, $0xb8;
	[tilespmem:$0x1E800] =	vst v63  }
0xb0: {  	_ =	swait.ge [sflag:s28], $0x2000  }
0xb1: {  	[sflag:s28] =	ssyncset.done $0x0  }
0xb2: {  	s29 =	simm.s32 $0x100;
	[sflag:s28] =	ssyncadd.s32 $0xFFFFE000  }
0xb3: {  	[tilespmem:s19], [sflag:$0x1] =	stream.indirect.gather [hbm4b:s8+s18], $0x80, s29, s18, $0xb8;
	[tilespmem:$0x1E800] =	vst v63  }
0xb4: {  	_ =	swait.ge [sflag:s30], $0x2000  }
0xb5: {  	[sflag:s30] =	ssyncset.done $0x0  }
0xb6: {  	s31 =	simm.s32 $0x1480;
	[sflag:s30] =	ssyncadd.s32 $0xFFFFE000  }
0xb7: {  	[spmem:s2] =	stream.indirect.scatter.add.f32 [tilespmem:s21], [sflag:$0x7], $0x80, s31, s18, $0xb8;
	[tilespmem:$0x1E800] =	vst v63  }
0xb8: {  	_ =	swait.ge [sflag:s0], $0x2000  }
0xb9: {  	[sflag:s0] =	ssyncset.done $0x0  }
0xba: {  	[sflag:s0] =	ssyncadd.s32 $0xFFFFE000  }
0xbb: {  	[tilespmem:s20], [sflag:$0x2] =	stream.indirect.gather [hbm4b:s8+s18], $0x80, s1, s18, $0xb8;
	[tilespmem:$0x1E800] =	vst v63  }
0xbc: {  	_ =	swait.ge [sflag:s3], $0x2000  }
0xbd: {  	[sflag:s3] =	ssyncset.done $0x0  }
0xbe: {  	[sflag:s3] =	ssyncadd.s32 $0xFFFFE000  }
0xbf: {  	[spmem:s2] =	stream.indirect.scatter.add.f32 [tilespmem:s24], [sflag:$0x8], $0x80, s4, s18, $0xb8;
	[tilespmem:$0x1E800] =	vst v63  }
0xc0: {  	_ =	swait.ge [sflag:s6], $0x2000  }
0xc1: {  	[sflag:s6] =	ssyncset.done $0x0  }
0xc2: {  	[sflag:s6] =	ssyncadd.s32 $0xFFFFE000  }
0xc3: {  	[tilespmem:s21], [sflag:$0x3] =	stream.indirect.gather [hbm4b:s8+s18], $0x80, s7, s18, $0xb8;
	[tilespmem:$0x1E800] =	vst v63  }
.LBB2_5:
0xc4: {  	_ =	swait.ge [sflag:s22], $0x2000  }
0xc5: {  	s12 =	sshra.s32 s11, $0x2;
	[sflag:s22] =	ssyncset.done $0x0  }
0xc6: {  	s23 =	sadd.s32 $0x1500, s12;
	[sflag:s22] =	ssyncadd.s32 $0xFFFFE000  }
0xc7: {  	[spmem:s2] =	stream.indirect.scatter.add.f32 [tilespmem:s19], [sflag:$0x5], $0x80, s23, s18, $0xb8;
	[tilespmem:$0x1E800] =	vst v63  }
0xc8: {  	_ =	swait.ge [sflag:s9], $0x2000  }
0xc9: {  	[sflag:s9] =	ssyncset.done $0x0  }
0xca: {  	s26 =	sadd.s32 $0x1C0, s12;
	[sflag:s9] =	ssyncadd.s32 $0xFFFFE000  }
0xcb: {  	[tilespmem:s24], [sflag:$0x4] =	stream.indirect.gather [hbm4b:s8+s18], $0x80, s26, s18, $0xb8;
	[tilespmem:$0x1E800] =	vst v63  }
0xcc: {  	_ =	swait.ge [sflag:s25], $0x2000  }
0xcd: {  	p0 =	seq.s32 s11, $0x4800;
	[sflag:s25] =	ssyncset.done $0x0  }
0xce: {  	s29 =	sadd.s32 $0x1540, s12;
	s23 =	simm.s32 @p0 $0x3;
	[sflag:s25] =	ssyncadd.s32 $0xFFFFE000  }
0xcf: {  	[spmem:s2] =	stream.indirect.scatter.add.f32 [tilespmem:s20], [sflag:$0x6], $0x80, s29, s18, $0xb8;
	[tilespmem:$0x1E800] =	vst v63  }
0xd0: {  	_ =	swait.ge @p0 [sflag:s23], $0x2000  }
0xd1: {  	[sflag:s23] =	ssyncset.done @p0 $0x0  }
0xd2: {  	[sflag:s23] =	ssyncadd.s32 @p0 $0xFFFFE000;
	s23 =	sshra.s32 @p0 s11, $0x2  }
0xd3: {  	s26 =	simm.s32 @p0 $0x40;
	s29 =	simm.s32 @p0 $0x6800;
	s23 =	sadd.s32 @p0 $0x1580, s23  }
0xd4: {  	[spmem:s2] =	stream.indirect.scatter.add.f32 @p0 [tilespmem:s29], [sflag:$0x7], $0x80, s23, s26, $0xb8;
	[tilespmem:$0x1E800] =	vst v63  }
0xd5: {  	s23 =	simm.s32 @!p0 $0x5  }
0xd6: {  	_ =	swait.ge @!p0 [sflag:s23], $0x2000  }
0xd7: {  	[sflag:s23] =	ssyncset.done @!p0 $0x0  }
0xd8: {  	[sflag:s23] =	ssyncadd.s32 @!p0 $0xFFFFE000;
	s23 =	sshra.s32 @!p0 s11, $0x2  }
0xd9: {  	s31 =	simm.s32 @!p0 $0x2800;
	s29 =	simm.s32 @!p0 $0x40;
	s26 =	sadd.s32 @!p0 $0x200, s23  }
0xda: {  	[tilespmem:s31], [sflag:$0x1] =	stream.indirect.gather @!p0 [hbm4b:s8+s29], $0x80, s26, s29, $0xb8;
	[tilespmem:$0x1E800] =	vst v63  }
0xdb: {  	s26 =	simm.s32 @!p0 $0x3  }
0xdc: {  	_ =	swait.ge @!p0 [sflag:s26], $0x2000  }
0xdd: {  	[sflag:s26] =	ssyncset.done @!p0 $0x0  }
0xde: {  	s31 =	simm.s32 @!p0 $0x6800;
	[sflag:s26] =	ssyncadd.s32 @!p0 $0xFFFFE000;
	s26 =	sadd.s32 @!p0 $0x1580, s23  }
0xdf: {  	[spmem:s2] =	stream.indirect.scatter.add.f32 @!p0 [tilespmem:s31], [sflag:$0x7], $0x80, s26, s29, $0xb8;
	[tilespmem:$0x1E800] =	vst v63  }
0xe0: {  	s26 =	simm.s32 @!p0 $0x6  }
0xe1: {  	_ =	swait.ge @!p0 [sflag:s26], $0x2000  }
0xe2: {  	[sflag:s26] =	ssyncset.done @!p0 $0x0  }
0xe3: {  	s23 =	sadd.s32 @!p0 $0x240, s23;
	[sflag:s26] =	ssyncadd.s32 @!p0 $0xFFFFE000;
	s26 =	simm.s32 @!p0 $0x4800  }
0xe4: {  	[tilespmem:s26], [sflag:$0x2] =	stream.indirect.gather @!p0 [hbm4b:s8+s29], $0x80, s23, s29, $0xb8;
	[tilespmem:$0x1E800] =	vst v63  }
.Ltmp4:
0xe5: {  	_ = 	snop;
	(pc) =	sbr.rel @p0 .LBB2_7-.Ltmp4, $4  }
0xe6: {  	_ =	swait.ge [sflag:s3], $0x2000  }
0xe7: {  	[sflag:s3] =	ssyncset.done $0x0  }
0xe8: {  	s31 =	sadd.s32 $0x15C0, s12;
	[sflag:s3] =	ssyncadd.s32 $0xFFFFE000  }
0xe9: {  	[spmem:s2] =	stream.indirect.scatter.add.f32 [tilespmem:s24], [sflag:$0x8], $0x80, s31, s18, $0xb8;
	[tilespmem:$0x1E800] =	vst v63  }
.Ltmp5:
0xea: {  	(pc) =	sbr.rel .LBB2_5-.Ltmp5, $4  }
0xeb: {  	_ =	swait.ge [sflag:s6], $0x2000  }
0xec: {  	[sflag:s6] =	ssyncset.done $0x0  }
0xed: {  	s12 =	sadd.s32 $0x280, s12;
	s11 =	sadd.s32 $0x400, s11;
	[sflag:s6] =	ssyncadd.s32 $0xFFFFE000  }
0xee: {  	[tilespmem:s21], [sflag:$0x3] =	stream.indirect.gather [hbm4b:s8+s18], $0x80, s12, s18, $0xb8;
	[tilespmem:$0x1E800] =	vst v63  }
.LBB2_8:
0xef: {  	_ =	sfence.sel $0x180000  }
0xf0: {  	[bflag:$0x0] =	sbarrier.arrive $0xFFFF  }
0xf1: {  	_ =	strace $0x9000004A  }
0xf2: {  	s0 =	stileid.u32;
	[bflag:$0x2] =	sbarrier.arrive $0xFFFF  }
0xf3: {  	p0 =	sne.s32 s0, $0x0;
	s0 =	rddreg [dreg:$0x2]  }
0xf4: {  	s0 =	sadd.s32 @!p0 $0x100000, s0  }
0xf5: {  	[sflag:s0] =	ssyncadd.tile.s32 @!p0 $0x1;
	_ =	shalt  }
.Lfunc_end2:
_tile_overlayer_lowered:
.L_overlay_start_2:
0xf6: {  	(tag) =	ssettag $0x2  }
0xf7: {  	s0 =	rddreg [dreg:$0x0];
	s2 =	stileid.u32  }
0xf8: {  	s1 =	rddreg [dreg:$0x1];
	p0 =	sne.s32 s2, $0x0  }
0xf9: {  	s3 =	rddreg [dreg:$0x2];
	[bflag:$0x3] =	sbarrier.arrive $0xFFFF;
	s2 =	simm.s32 @!p0 $0x1C09  }
0xfa: {  	[timem:s3], [sflag:s2] =	dma.local @!p0 [hbm:s0], s1  }
0xfb: {  	s0 =	simm.s32 @!p0 $0x9  }
0xfc: {  	_ =	swait.ge @!p0 [sflag:s0], s1  }
0xfd: {  	s1 =	ssub.s32 @!p0 $0x0, s1;
	[sflag:s0] =	ssyncset.done @!p0 $0x0  }
0xfe: {  	[sflag:s0] =	ssyncadd.s32 @!p0 s1  }
0xff: {  	[bflag:$0x3] =	sbarrier.arrive $0xFFFF  }
0x100: {  	_ =	shalt  }

// kernel: kernel.16.cloned.1.call-start
scs
__scs_entry_jumppad:
0x0: {  	(pc) =	sbr.rel $0x88, $3  }
0x1: {  	(tag) =	ssettag $0x0;
	lr =	simm.s32 $0x1  }
0x2: {  	[smem:$0x3F91] =	sst lr;
	_ =	strace $0xD0000000  }
0x3: {  	_ = 	snop  }
0x4: {  	_ = 	snop  }
0x5: {  	_ = 	snop  }
0x6: {  	_ = 	snop  }
0x7: {  	_ = 	snop  }
__scs_overlays_trampoline_lowered:
0x8: {  	[smem:$0x3FA0] =	sst s0  }
0x9: {  	[smem:$0x3FA1] =	sst s1  }
0xa: {  	[smem:$0x3FA2] =	sst s2  }
0xb: {  	[smem:$0x3FA3] =	sst s3  }
0xc: {  	[smem:$0x3FA4] =	sst s4  }
0xd: {  	[smem:$0x3FA5] =	sst s5  }
0xe: {  	[smem:$0x3FA6] =	sst s6  }
0xf: {  	[smem:$0x3FA7] =	sst s7  }
0x10: {  	[smem:$0x3FA8] =	sst s8  }
0x11: {  	[smem:$0x3FA9] =	sst s9;
	s0 =	simm.s32 @!p0 $0x0  }
0x12: {  	s1 =	sld [smem:$0x3F8F];
	s0 =	simm.s32 @p0 $0x1  }
0x13: {  	[smem:$0x3FAA] =	sst s0;
	s0 =	simm.s32 @!p1 $0x0  }
0x14: {  	s2 =	sld [smem:$0x3F8E];
	s0 =	simm.s32 @p1 $0x1  }
0x15: {  	[smem:$0x3FAB] =	sst s0;
	s0 =	simm.s32 @!p2 $0x0  }
0x16: {  	s3 =	sld [smem:$0x3FDB];
	s0 =	simm.s32 @p2 $0x1  }
0x17: {  	s4 =	simm.s32 $0x1BF5;
	[smem:$0x3FAD] =	sst s0  }
0x18: {  	s0 =	sld [smem:$0x3F90];
	_ =	swait.ge [sflag:s4], $0x0  }
0x19: {  	s7 =	sld [smem:$0x3F91]  }
0x1a: {  	s8 =	sadd.s32 $0xFFFFE003, lr  }
0x1b: {  	s9 =	sadd.s32 $0xFFFFFEF7, lr;
	s5 =	simm.s32 $0xFFFFFFFF;
	p2 =	slt.u32 s8, $0xFFFFF086  }
0x1c: {  	p1 =	slt.u32 s9, $0xF7A;
	s5 =	simm.s32 @!p2 $0x0  }
0x1d: {  	s5 =	simm.s32 @p1 $0x1;
	p0 =	seq.s32 s7, s2  }
0x1e: {  	s7 =	smul.u32 @!p0 $0xF7A, s2;
	p2 =	seq.s32 @!p0 s5, $0x0  }
0x1f: {  	s9 =	smul.u32 $0xF7A, s1;
	s8 =	simm.s32 @!p0 $0x1BF5;
	p2 =	por !p2, p0  }
0x20: {  	[sflag:s8] =	ssyncset.s32 @!p0 $0xFFFFF086;
	s6 =	sadd.s32 @!p0 s3, s7;
	s7 =	simm.s32 @!p0 $0x108  }
0x21: {  	s3 =	sadd.s32 s3, s9;
	s6 =	sadd.s32 @!p0 $0x88, s6;
	s7 =	simm.s32 @p2 $0x1082  }
0x22: {  	[simem:s7], [sflag:s8] =	dma.local @!p0 [hbm:s6], $0xF7A  }
0x23: {  	s9 =	sor.u32 $0xD0000000, s2;
	s6 =	simm.s32 $0x108;
	_ =	swait.ge @!p0 [sflag:s8], $0x0  }
0x24: {  	s3 =	sadd.s32 $0x88, s3;
	s6 =	simm.s32 @!p1 $0x1082;
	[sflag:s4] =	ssyncset.s32 $0xFFFFF086  }
0x25: {  	[simem:s6], [sflag:s4] =	dma.local [hbm:s3], $0xF7A  }
0x26: {  	[smem:$0x3F91] =	sst s1;
	(tag) =	ssettag s2;
	_ =	strace s9  }
0x27: {  	s1 =	sld [smem:$0x3FA1]  }
0x28: {  	s2 =	sld [smem:$0x3FA2]  }
0x29: {  	s4 =	sld [smem:$0x3FA4]  }
0x2a: {  	p0 =	seq.s32 s5, $0x0;
	s5 =	sld [smem:$0x3FA5]  }
0x2b: {  	s6 =	sld [smem:$0x3FA6]  }
0x2c: {  	s7 =	sld [smem:$0x3FA7]  }
0x2d: {  	s3 =	simm.s32 $0x108;
	s8 =	sld [smem:$0x3FA8]  }
0x2e: {  	s3 =	simm.s32 @!p0 $0x1082;
	s9 =	sld [smem:$0x3FA9]  }
0x2f: {  	lr =	sadd.s32 s0, s3;
	s0 =	sld [smem:$0x3FA0]  }
0x30: {  	s3 =	sld [smem:$0x3FA3]  }
0x31: {  	[smem:$0x3FAC] =	sst s10  }
0x32: {  	s10 =	sld [smem:$0x3FAA];
	_ =	sdelay $0x3  }
0x33: {  	p0 =	seq.s32 s10, $0x1;
	s10 =	sld [smem:$0x3FAC];
	_ =	sdelay $0x3  }
0x34: {  	[smem:$0x3FAC] =	sst s10  }
0x35: {  	s10 =	sld [smem:$0x3FAB];
	_ =	sdelay $0x3  }
0x36: {  	p1 =	seq.s32 s10, $0x1;
	s10 =	sld [smem:$0x3FAC];
	_ =	sdelay $0x3  }
0x37: {  	[smem:$0x3FAC] =	sst s10  }
0x38: {  	s10 =	sld [smem:$0x3FAD]  }
0x39: {  	_ = 	snop;
	(pc) =	sbr.ind lr, $3  }
0x3a: {  	_ = 	snop  }
0x3b: {  	_ = 	snop  }
0x3c: {  	p2 =	seq.s32 s10, $0x1;
	s10 =	sld [smem:$0x3FAC]  }
0x3d: {  	_ =	shalt  }
0x3e: {  	_ =	shalt  }
0x3f: {  	_ =	shalt  }
0x40: {  	_ =	shalt  }
0x41: {  	_ =	shalt  }
0x42: {  	_ =	shalt  }
0x43: {  	_ =	shalt  }
0x44: {  	_ =	shalt  }
0x45: {  	_ =	shalt  }
0x46: {  	_ =	shalt  }
0x47: {  	_ =	shalt  }
0x48: {  	_ =	shalt  }
0x49: {  	_ =	shalt  }
0x4a: {  	_ =	shalt  }
0x4b: {  	_ =	shalt  }
0x4c: {  	_ =	shalt  }
0x4d: {  	_ =	shalt  }
0x4e: {  	_ =	shalt  }
0x4f: {  	_ =	shalt  }
0x50: {  	_ =	shalt  }
0x51: {  	_ =	shalt  }
0x52: {  	_ =	shalt  }
0x53: {  	_ =	shalt  }
0x54: {  	_ =	shalt  }
0x55: {  	_ =	shalt  }
0x56: {  	_ =	shalt  }
0x57: {  	_ =	shalt  }
0x58: {  	_ =	shalt  }
0x59: {  	_ =	shalt  }
0x5a: {  	_ =	shalt  }
0x5b: {  	_ =	shalt  }
0x5c: {  	_ =	shalt  }
0x5d: {  	_ =	shalt  }
0x5e: {  	_ =	shalt  }
0x5f: {  	_ =	shalt  }
0x60: {  	_ =	shalt  }
0x61: {  	_ =	shalt  }
0x62: {  	_ =	shalt  }
0x63: {  	_ =	shalt  }
0x64: {  	_ =	shalt  }
0x65: {  	_ =	shalt  }
0x66: {  	_ =	shalt  }
0x67: {  	_ =	shalt  }
0x68: {  	_ =	shalt  }
0x69: {  	_ =	shalt  }
0x6a: {  	_ =	shalt  }
0x6b: {  	_ =	shalt  }
0x6c: {  	_ =	shalt  }
0x6d: {  	_ =	shalt  }
0x6e: {  	_ =	shalt  }
0x6f: {  	_ =	shalt  }
0x70: {  	_ =	shalt  }
0x71: {  	_ =	shalt  }
0x72: {  	_ =	shalt  }
0x73: {  	_ =	shalt  }
0x74: {  	_ =	shalt  }
0x75: {  	_ =	shalt  }
0x76: {  	_ =	shalt  }
0x77: {  	_ =	shalt  }
0x78: {  	_ =	shalt  }
0x79: {  	_ =	shalt  }
0x7a: {  	_ =	shalt  }
0x7b: {  	_ =	shalt  }
0x7c: {  	_ =	shalt  }
0x7d: {  	_ =	shalt  }
0x7e: {  	_ =	shalt  }
0x7f: {  	_ =	shalt  }
0x80: {  	_ =	shalt  }
0x81: {  	_ =	shalt  }
0x82: {  	_ =	shalt  }
0x83: {  	_ =	shalt  }
0x84: {  	_ =	shalt  }
0x85: {  	_ =	shalt  }
0x86: {  	_ =	shalt  }
0x87: {  	_ =	shalt  }
.Lfunc_end0:
.L_simem_size_0:
called_computation.2_lowered:
.L_overlay_start_0:
0x88: {  	s2 =	sld [smem:$0x3FD9]  }
0x89: {  	s3 =	sld [smem:$0x3FFE];
	_ =	sdelay $0x1  }
0x8a: {  	s1 =	srdreg.scid  }
0x8b: {  	s0 =	sand.u32 $0x1, s1  }
0x8c: {  	s16 =	sshll.u32 s0, $0xA;
	s2 =	sadd.s32 s3, s2  }
0x8d: {  	s2 =	sadd.s32 s2, s16  }
0x8e: {  	[smem:$0x3FB8] =	sst s2  }
0x8f: {  	_ = 	snop  }
0x90: {  	(tm) =	ssettm $0x1  }
0x91: {  	s17 =	sld [smem:$0x3FFB];
	_ =	sdelay $0x3  }
0x92: {  	_ =	strace s17  }
0x93: {  	s2 =	sld [smem:$0x3FFC];
	_ =	sdelay $0x3  }
0x94: {  	_ =	strace s2  }
0x95: {  	s2 =	sld [smem:$0x3FFD];
	_ =	sdelay $0x3  }
0x96: {  	_ =	strace s2  }
0x97: {  	_ =	strace $0x8FFFFFFF  }
0x98: {  	s18 =	sld [smem:$0x3FDB];
	_ =	sdelay $0x1  }
0x99: {  	s19 =	simm.s32 $_scs_section_size  }
0x9a: {  	s4 =	simm.s32 $_size__tile_overlayer_lowered;
	s5 =	simm.s32 $_tile_overlayer_lowered  }
0x9b: {  	s22 =	simm.s32 $0x1BFF;
	s21 =	sshll.u32 s5, $0x1;
	s2 =	sadd.s32 s19, s18  }
0x9c: {  	s6 =	simm.s32 $0x0;
	s20 =	sshll.u32 s4, $0x1;
	s4 =	sadd.s32 s21, s2  }
0x9d: {  	[timem:s6], [sflag:s22] =	dma.local [hbm:s4], s20  }
0x9e: {  	_ =	swait.ge [sflag:s22], s20  }
0x9f: {  	s3 =	ssub.s32 $0x0, s20;
	[sflag:s22] =	ssyncset.done $0x0  }
0xa0: {  	[sflag:s22] =	ssyncadd.s32 s3;
	_ =	sdelay $0x1  }
0xa1: {  	s23 =	simm.s32 $0x1B8B  }
0xa2: {  	_ =	swait.ge [sflag:s23], $0x1  }
0xa3: {  	[sflag:s23] =	ssyncset.done $0x0  }
0xa4: {  	s25 =	simm.s32 $0x1B8E;
	s24 =	sld [smem:$0x3FFE];
	[sflag:s23] =	ssyncadd.s32 $0xFFFFFFFF  }
0xa5: {  	s26 =	simm.s32 $execute0_lowered;
	[smem:$0x3FD2] =	sst s25  }
0xa6: {  	s4 =	sshll.u32 s26, $0x1;
	_ =	strace $0x8000004C;
	[dreg:$0x1] =	wrdreg $0xFFFFFFFF  }
0xa7: {  	s28 =	simm.s32 $_size_execute0_lowered;
	s2 =	sadd.s32 s2, s4;
	[dreg:$0x0] =	wrdreg $0x0  }
0xa8: {  	s4 =	sshll.u32 s28, $0x1;
	[dreg:$0x2] =	wrdreg s2  }
0xa9: {  	[dreg:$0x3] =	wrdreg s4  }
0xaa: {  	[dreg:$0x4] =	wrdreg $0xC0  }
0xab: {  	_ =	task [dreg:s6], $0x5FFFF  }
0xac: {  	[dreg:$0x1] =	wrdreg $0xFFFFFFFF  }
0xad: {  	[dreg:$0x0] =	wrdreg $0x60  }
0xae: {  	[dreg:$0x2] =	wrdreg s24  }
0xaf: {  	[dreg:$0x3] =	wrdreg $0xA8000  }
0xb0: {  	[dreg:$0x4] =	wrdreg $0x9  }
0xb1: {  	_ =	task.clear_ibuf [dreg:s6], $0x5FFFF;
	_ =	strace $0x9000004C  }
0xb2: {  	s29 =	simm.s32 $0x9;
	_ =	strace $0x8000004E  }
0xb3: {  	_ =	swait.ge [sflag:s29], $0x1  }
0xb4: {  	[sflag:s29] =	ssyncadd.s32 $0xFFFFFFFF  }
0xb5: {  	_ =	strace $0x9000004E  }
0xb6: {  	_ =	sfence  }
0xb7: {  	s30 =	sld [smem:$0x0];
	_ =	sdelay $0x2  }
0xb8: {  	s31 =	sshll.u32 s1, $0xD;
	s1 =	sshrl.u32 s1, $0x2  }
0xb9: {  	s3 =	sand.u32 $0x4000, s31;
	s1 =	sadd.s32 s1, s30  }
0xba: {  	s0 =	sor.u32 s3, s0;
	s1 =	sshll.u32 s1, $0x11  }
0xbb: {  	s0 =	sor.u32 s1, s0  }
0xbc: {  	s0 =	sadd.s32 $0x8F2B, s0  }
0xbd: {  	[sflag:s0] =	ssyncadd.remote.s32 $0x1  }
0xbe: {  	_ =	sfence.sel $0xFFFF  }
0xbf: {  	[dreg:$0x0] =	wrdreg $0xFFFFFFFF;
	(pc) =	sbr.abs _section_cstart, $3  }
0xc0: {  	[dreg:$0x1] =	wrdreg $0xFFFFFFFF  }
0xc1: {  	_ =	task.clear_ibuf [dreg:s6], $0x2FFFF;
	_ =	strace $0x9FFFFFFF  }
0xc2: {  	(tm) =	ssettm $0x7FFFFFFF  }
0xc3: {  	_ =	shalt  }
tec
execute0_lowered:
.L_overlay_start_1:
0x0: {  	(tag) =	ssettag $0x1  }
0x1: {  	s0 =	rddreg [dreg:$0x0];
	s1 =	srdreg.scid  }
0x2: {  	s2 =	rddreg [dreg:$0x1];
	s9 =	stileid.u32;
	s5 =	simm.s32 $0x0  }
0x3: {  	s14 =	simm.s32 $0x9;
	s15 =	simm.s32 $0x80;
	s16 =	simm.s32 $0x400  }
0x4: {  	s28 =	simm.s32 $0x5;
	s30 =	simm.s32 $0x3;
	s10 =	simm.s32 $0x0  }
0x5: {  	s1 =	sand.u32 $0x1, s1;
	s4 =	smul.u32 $0x14000, s9;
	[smem:$0x7FF] =	sst s5  }
0x6: {  	s18 =	sadd.s32 $0x2A00, s0;
	s19 =	sadd.s32 $0xCA00, s0;
	s20 =	smul.u32 $0x50000, s9  }
0x7: {  	s21 =	sshrl.u32 s9, $0x3;
	s7 =	sshll.u32 s9, $0x7;
	s22 =	sshll.u32 s9, $0x6  }
0x8: {  	s9 =	simm.s32 $0x8;
	s3 =	smul.u32 $0x140000, s1;
	_ =	strace $0x8000004D  }
0x9: {  	[dreg:$0x3] =	wrdreg s19;
	s1 =	ssub.s32 $0x2, s1;
	s5 =	smul.u32 $0xA000, s21  }
0xa: {  	s7 =	sand.u32 $0x380, s7;
	s19 =	simm.s32 $0x2800;
	s21 =	simm.s32 $0x6800  }
0xb: {  	s8 =	sshrl.u32 s1, $0x1;
	s17 =	sshrl.u32 s3, $0x3;
	s3 =	sadd.s32 s4, s3  }
0xc: {  	s1 =	ssub.s32 s1, s8;
	s7 =	sor.u32 s7, s5;
	s5 =	sor.u32 $0x1C09, s22  }
0xd: {  	s22 =	simm.s32 $0x1;
	s6 =	sadd.s32 s17, s0;
	s3 =	sshrl.u32 s3, $0x3  }
0xe: {  	s23 =	sshrl.u32 s7, $0x3;
	s24 =	sadd.s32 $0x28000, s7;
	s26 =	sadd.s32 $0x14000, s7  }
0xf: {  	s7 =	sadd.s32 $0x3C000, s7;
	s31 =	smax.u32 s1, $0x1;
	s17 =	simm.s32 $0x1400  }
0x10: {  	s1 =	simm.s32 $0x140;
	s0 =	sadd.s32 s3, s0;
	s3 =	sshrl.u32 s20, $0x2  }
0x11: {  	s8 =	sadd.s32 s18, s23;
	s25 =	sshrl.u32 s24, $0x3;
	s29 =	sshrl.u32 s26, $0x3  }
0x12: {  	s7 =	sshrl.u32 s7, $0x3;
	[dreg:$0x9] =	wrdreg s31;
	s20 =	simm.s32 $0x4800  }
0x13: {  	s24 =	simm.s32 $0x8800;
	s3 =	sadd.s32 s3, s2;
	[dreg:$0x4] =	wrdreg s8  }
0x14: {  	s8 =	sadd.s32 s18, s25;
	s4 =	sadd.s32 s18, s7;
	s0 =	sadd.s32 $0x5F200, s0  }
.Ltmp0:
0x15: {  	s25 =	simm.s32 $0x2;
	[dreg:$0x5] =	wrdreg s8;
	(pc) =	sbr.rel .LBB2_1-.Ltmp0, $4  }
0x16: {  	s7 =	simm.s32 $0x180;
	s8 =	sadd.s32 $0xF200, s6;
	[dreg:$0x7] =	wrdreg s4  }
0x17: {  	s6 =	sadd.s32 s18, s29;
	[dreg:$0x8] =	wrdreg s0;
	s13 =	sshrl.u32 s3, $0x3  }
0x18: {  	s18 =	simm.s32 $0x40;
	s0 =	simm.s32 $0x6;
	s3 =	simm.s32 $0x4  }
0x19: {  	s4 =	simm.s32 $0x14C0;
	[dreg:$0x6] =	wrdreg s6;
	s6 =	simm.s32 $0x7  }
.LBB2_7:
0x1a: {  	_ =	swait.ge [sflag:s28], $0x2000  }
0x1b: {  	[sflag:s28] =	ssyncset.done $0x0  }
0x1c: {  	[sflag:s28] =	ssyncadd.s32 $0xFFFFE000  }
0x1d: {  	_ =	swait.ge [sflag:s0], $0x2000  }
0x1e: {  	[sflag:s0] =	ssyncset.done $0x0  }
0x1f: {  	[sflag:s0] =	ssyncadd.s32 $0xFFFFE000  }
0x20: {  	_ =	swait.ge [sflag:s6], $0x2000  }
0x21: {  	[sflag:s6] =	ssyncset.done $0x0  }
0x22: {  	[sflag:s6] =	ssyncadd.s32 $0xFFFFE000  }
0x23: {  	_ =	swait.ge [sflag:s9], $0x2000  }
0x24: {  	[sflag:s9] =	ssyncset.done $0x0  }
0x25: {  	[sflag:s9] =	ssyncadd.s32 $0xFFFFE000  }
0x26: {  	[bflag:$0x0] =	sbarrier.arrive $0xFFFF  }
0x27: {  	s11 =	rddreg [dreg:$0x8]  }
0x28: {  	[hbm:s11], [sflag:s5] =	dma.local [spmem:s13], $0x2800  }
0x29: {  	_ =	swait.ge [sflag:s14], $0x2800  }
0x2a: {  	s10 =	sadd.s32 $0x1, s10;
	s31 =	rddreg [dreg:$0x9]  }
0x2b: {  	p0 =	sne.s32 s10, s31  }
.Ltmp1:
0x2c: {  	_ = 	snop;
	(pc) =	sbr.rel @!p0 .LBB2_8-.Ltmp1, $3  }
0x2d: {  	_ =	sdelay $0x1  }
0x2e: {  	[sflag:s14] =	ssyncset.done $0x0  }
0x2f: {  	[sflag:s14] =	ssyncadd.s32 $0xFFFFD800  }
.LBB2_1:
0x30: {  	s11 =	rddreg [dreg:$0x3]  }
0x31: {  	[spmem:s13], [sflag:s5] =	dma.local [hbm:s11], $0x2800  }
0x32: {  	_ =	swait.ge [sflag:s14], $0x2800  }
0x33: {  	[sflag:s14] =	ssyncset.done $0x0  }
0x34: {  	[sflag:s14] =	ssyncadd.s32 $0xFFFFD800  }
0x35: {  	[bflag:$0x0] =	sbarrier.arrive $0xFFFF  }
0x36: {  	s29 =	simm.s32 $0x0;
	s12 =	rddreg [dreg:$0x4]  }
0x37: {  	[tilespmem:s29], [sflag:$0x9] =	stream.strided.gather [hbm4b:s12+s15], $0x1400, s16, s15, $0x38;
	[tilespmem:$0x1E800] =	vst v63  }
0x38: {  	_ =	swait.ge [sflag:s14], $0x1400  }
0x39: {  	[sflag:s14] =	ssyncset.done $0x0  }
0x3a: {  	s31 =	rddreg [dreg:$0x5];
	[sflag:s14] =	ssyncadd.s32 $0xFFFFEC00  }
0x3b: {  	[tilespmem:s17], [sflag:$0x9] =	stream.strided.gather [hbm4b:s31+s15], $0x1400, s16, s15, $0x38;
	[tilespmem:$0x1E800] =	vst v63  }
0x3c: {  	_ =	swait.ge [sflag:s14], $0x1400  }
0x3d: {  	[sflag:s14] =	ssyncset.done $0x0  }
0x3e: {  	[sflag:s14] =	ssyncadd.s32 $0xFFFFEC00  }
0x3f: {  	[tilespmem:s19], [sflag:$0x1] =	stream.indirect.gather [hbm4b:s8+s18], $0x80, s29, s18, $0xb8;
	[tilespmem:$0x1E800] =	vst v63  }
0x40: {  	_ = 	snop  }
0x41: {  	[tilespmem:s20], [sflag:$0x2] =	stream.indirect.gather [hbm4b:s8+s18], $0x80, s18, s18, $0xb8;
	[tilespmem:$0x1E800] =	vst v63  }
0x42: {  	_ = 	snop  }
0x43: {  	[tilespmem:s21], [sflag:$0x3] =	stream.indirect.gather [hbm4b:s8+s18], $0x80, s15, s18, $0xb8;
	[tilespmem:$0x1E800] =	vst v63  }
0x44: {  	_ =	swait.ge [sflag:s22], $0x2000  }
0x45: {  	[sflag:s22] =	ssyncset.done $0x0  }
0x46: {  	[sflag:s22] =	ssyncadd.s32 $0xFFFFE000  }
0x47: {  	[spmem:s2] =	stream.indirect.scatter.add.f32 [tilespmem:s19], [sflag:$0x5], $0x80, s17, s18, $0xb8;
	[tilespmem:$0x1E800] =	vst v63  }
0x48: {  	s23 =	simm.s32 $0xC0  }
0x49: {  	[tilespmem:s24], [sflag:$0x4] =	stream.indirect.gather [hbm4b:s8+s18], $0x80, s23, s18, $0xb8;
	[tilespmem:$0x1E800] =	vst v63  }
0x4a: {  	_ =	swait.ge [sflag:s25], $0x2000  }
0x4b: {  	[sflag:s25] =	ssyncset.done $0x0  }
0x4c: {  	s26 =	simm.s32 $0x1440;
	[sflag:s25] =	ssyncadd.s32 $0xFFFFE000  }
0x4d: {  	[spmem:s2] =	stream.indirect.scatter.add.f32 [tilespmem:s20], [sflag:$0x6], $0x80, s26, s18, $0xb8;
	[tilespmem:$0x1E800] =	vst v63  }
0x4e: {  	_ =	swait.ge [sflag:s28], $0x2000  }
0x4f: {  	[sflag:s28] =	ssyncset.done $0x0  }
0x50: {  	s29 =	simm.s32 $0x100;
	[sflag:s28] =	ssyncadd.s32 $0xFFFFE000  }
0x51: {  	[tilespmem:s19], [sflag:$0x1] =	stream.indirect.gather [hbm4b:s8+s18], $0x80, s29, s18, $0xb8;
	[tilespmem:$0x1E800] =	vst v63  }
0x52: {  	_ =	swait.ge [sflag:s30], $0x2000  }
0x53: {  	[sflag:s30] =	ssyncset.done $0x0  }
0x54: {  	s31 =	simm.s32 $0x1480;
	[sflag:s30] =	ssyncadd.s32 $0xFFFFE000  }
0x55: {  	[spmem:s2] =	stream.indirect.scatter.add.f32 [tilespmem:s21], [sflag:$0x7], $0x80, s31, s18, $0xb8;
	[tilespmem:$0x1E800] =	vst v63  }
0x56: {  	_ =	swait.ge [sflag:s0], $0x2000  }
0x57: {  	[sflag:s0] =	ssyncset.done $0x0  }
0x58: {  	[sflag:s0] =	ssyncadd.s32 $0xFFFFE000  }
0x59: {  	[tilespmem:s20], [sflag:$0x2] =	stream.indirect.gather [hbm4b:s8+s18], $0x80, s1, s18, $0xb8;
	[tilespmem:$0x1E800] =	vst v63  }
0x5a: {  	_ =	swait.ge [sflag:s3], $0x2000  }
0x5b: {  	[sflag:s3] =	ssyncset.done $0x0  }
0x5c: {  	[sflag:s3] =	ssyncadd.s32 $0xFFFFE000  }
0x5d: {  	[spmem:s2] =	stream.indirect.scatter.add.f32 [tilespmem:s24], [sflag:$0x8], $0x80, s4, s18, $0xb8;
	[tilespmem:$0x1E800] =	vst v63  }
0x5e: {  	_ =	swait.ge [sflag:s6], $0x2000  }
0x5f: {  	[sflag:s6] =	ssyncset.done $0x0  }
0x60: {  	s11 =	simm.s32 $0x0;
	[sflag:s6] =	ssyncadd.s32 $0xFFFFE000  }
0x61: {  	[tilespmem:s21], [sflag:$0x3] =	stream.indirect.gather [hbm4b:s8+s18], $0x80, s7, s18, $0xb8;
	[tilespmem:$0x1E800] =	vst v63  }
.LBB2_2:
0x62: {  	_ =	swait.ge [sflag:s22], $0x2000  }
0x63: {  	s12 =	sshra.s32 s11, $0x2;
	[sflag:s22] =	ssyncset.done $0x0  }
0x64: {  	s23 =	sadd.s32 $0x1500, s12;
	[sflag:s22] =	ssyncadd.s32 $0xFFFFE000  }
0x65: {  	[spmem:s2] =	stream.indirect.scatter.add.f32 [tilespmem:s19], [sflag:$0x5], $0x80, s23, s18, $0xb8;
	[tilespmem:$0x1E800] =	vst v63  }
0x66: {  	_ =	swait.ge [sflag:s9], $0x2000  }
0x67: {  	[sflag:s9] =	ssyncset.done $0x0  }
0x68: {  	s26 =	sadd.s32 $0x1C0, s12;
	[sflag:s9] =	ssyncadd.s32 $0xFFFFE000  }
0x69: {  	[tilespmem:s24], [sflag:$0x4] =	stream.indirect.gather [hbm4b:s8+s18], $0x80, s26, s18, $0xb8;
	[tilespmem:$0x1E800] =	vst v63  }
0x6a: {  	_ =	swait.ge [sflag:s25], $0x2000  }
0x6b: {  	p0 =	seq.s32 s11, $0x4800;
	[sflag:s25] =	ssyncset.done $0x0  }
0x6c: {  	s29 =	sadd.s32 $0x1540, s12;
	s23 =	simm.s32 @p0 $0x3;
	[sflag:s25] =	ssyncadd.s32 $0xFFFFE000  }
0x6d: {  	[spmem:s2] =	stream.indirect.scatter.add.f32 [tilespmem:s20], [sflag:$0x6], $0x80, s29, s18, $0xb8;
	[tilespmem:$0x1E800] =	vst v63  }
0x6e: {  	_ =	swait.ge @p0 [sflag:s23], $0x2000  }
0x6f: {  	[sflag:s23] =	ssyncset.done @p0 $0x0  }
0x70: {  	[sflag:s23] =	ssyncadd.s32 @p0 $0xFFFFE000;
	s23 =	sshra.s32 @p0 s11, $0x2  }
0x71: {  	s26 =	simm.s32 @p0 $0x40;
	s29 =	simm.s32 @p0 $0x6800;
	s23 =	sadd.s32 @p0 $0x1580, s23  }
0x72: {  	[spmem:s2] =	stream.indirect.scatter.add.f32 @p0 [tilespmem:s29], [sflag:$0x7], $0x80, s23, s26, $0xb8;
	[tilespmem:$0x1E800] =	vst v63  }
0x73: {  	s23 =	simm.s32 @!p0 $0x5  }
0x74: {  	_ =	swait.ge @!p0 [sflag:s23], $0x2000  }
0x75: {  	[sflag:s23] =	ssyncset.done @!p0 $0x0  }
0x76: {  	[sflag:s23] =	ssyncadd.s32 @!p0 $0xFFFFE000;
	s23 =	sshra.s32 @!p0 s11, $0x2  }
0x77: {  	s31 =	simm.s32 @!p0 $0x2800;
	s29 =	simm.s32 @!p0 $0x40;
	s26 =	sadd.s32 @!p0 $0x200, s23  }
0x78: {  	[tilespmem:s31], [sflag:$0x1] =	stream.indirect.gather @!p0 [hbm4b:s8+s29], $0x80, s26, s29, $0xb8;
	[tilespmem:$0x1E800] =	vst v63  }
0x79: {  	s26 =	simm.s32 @!p0 $0x3  }
0x7a: {  	_ =	swait.ge @!p0 [sflag:s26], $0x2000  }
0x7b: {  	[sflag:s26] =	ssyncset.done @!p0 $0x0  }
0x7c: {  	s31 =	simm.s32 @!p0 $0x6800;
	[sflag:s26] =	ssyncadd.s32 @!p0 $0xFFFFE000;
	s26 =	sadd.s32 @!p0 $0x1580, s23  }
0x7d: {  	[spmem:s2] =	stream.indirect.scatter.add.f32 @!p0 [tilespmem:s31], [sflag:$0x7], $0x80, s26, s29, $0xb8;
	[tilespmem:$0x1E800] =	vst v63  }
0x7e: {  	s26 =	simm.s32 @!p0 $0x6  }
0x7f: {  	_ =	swait.ge @!p0 [sflag:s26], $0x2000  }
0x80: {  	[sflag:s26] =	ssyncset.done @!p0 $0x0  }
0x81: {  	s23 =	sadd.s32 @!p0 $0x240, s23;
	[sflag:s26] =	ssyncadd.s32 @!p0 $0xFFFFE000;
	s26 =	simm.s32 @!p0 $0x4800  }
0x82: {  	[tilespmem:s26], [sflag:$0x2] =	stream.indirect.gather @!p0 [hbm4b:s8+s29], $0x80, s23, s29, $0xb8;
	[tilespmem:$0x1E800] =	vst v63  }
.Ltmp2:
0x83: {  	_ = 	snop;
	(pc) =	sbr.rel @p0 .LBB2_4-.Ltmp2, $4  }
0x84: {  	_ =	swait.ge [sflag:s3], $0x2000  }
0x85: {  	[sflag:s3] =	ssyncset.done $0x0  }
0x86: {  	s31 =	sadd.s32 $0x15C0, s12;
	[sflag:s3] =	ssyncadd.s32 $0xFFFFE000  }
0x87: {  	[spmem:s2] =	stream.indirect.scatter.add.f32 [tilespmem:s24], [sflag:$0x8], $0x80, s31, s18, $0xb8;
	[tilespmem:$0x1E800] =	vst v63  }
.Ltmp3:
0x88: {  	(pc) =	sbr.rel .LBB2_2-.Ltmp3, $4  }
0x89: {  	_ =	swait.ge [sflag:s6], $0x2000  }
0x8a: {  	[sflag:s6] =	ssyncset.done $0x0  }
0x8b: {  	s12 =	sadd.s32 $0x280, s12;
	s11 =	sadd.s32 $0x400, s11;
	[sflag:s6] =	ssyncadd.s32 $0xFFFFE000  }
0x8c: {  	[tilespmem:s21], [sflag:$0x3] =	stream.indirect.gather [hbm4b:s8+s18], $0x80, s12, s18, $0xb8;
	[tilespmem:$0x1E800] =	vst v63  }
.LBB2_4:
0x8d: {  	_ =	swait.ge [sflag:s28], $0x2000  }
0x8e: {  	[sflag:s28] =	ssyncset.done $0x0  }
0x8f: {  	[sflag:s28] =	ssyncadd.s32 $0xFFFFE000  }
0x90: {  	_ =	swait.ge [sflag:s0], $0x2000  }
0x91: {  	[sflag:s0] =	ssyncset.done $0x0  }
0x92: {  	[sflag:s0] =	ssyncadd.s32 $0xFFFFE000  }
0x93: {  	_ =	swait.ge [sflag:s6], $0x2000  }
0x94: {  	[sflag:s6] =	ssyncset.done $0x0  }
0x95: {  	[sflag:s6] =	ssyncadd.s32 $0xFFFFE000  }
0x96: {  	_ =	swait.ge [sflag:s9], $0x2000  }
0x97: {  	[sflag:s9] =	ssyncset.done $0x0  }
0x98: {  	s11 =	simm.s32 $0x0;
	s12 =	rddreg [dreg:$0x6];
	[sflag:s9] =	ssyncadd.s32 $0xFFFFE000  }
0x99: {  	[tilespmem:s11], [sflag:$0x9] =	stream.strided.gather [hbm4b:s12+s15], $0x1400, s16, s15, $0x38;
	[tilespmem:$0x1E800] =	vst v63  }
0x9a: {  	_ =	swait.ge [sflag:s14], $0x1400  }
0x9b: {  	[sflag:s14] =	ssyncset.done $0x0  }
0x9c: {  	s31 =	rddreg [dreg:$0x7];
	[sflag:s14] =	ssyncadd.s32 $0xFFFFEC00  }
0x9d: {  	[tilespmem:s17], [sflag:$0x9] =	stream.strided.gather [hbm4b:s31+s15], $0x1400, s16, s15, $0x38;
	[tilespmem:$0x1E800] =	vst v63  }
0x9e: {  	_ =	swait.ge [sflag:s14], $0x1400  }
0x9f: {  	[sflag:s14] =	ssyncset.done $0x0  }
0xa0: {  	[sflag:s14] =	ssyncadd.s32 $0xFFFFEC00  }
0xa1: {  	[tilespmem:s19], [sflag:$0x1] =	stream.indirect.gather [hbm4b:s8+s18], $0x80, s11, s18, $0xb8;
	[tilespmem:$0x1E800] =	vst v63  }
0xa2: {  	_ = 	snop  }
0xa3: {  	[tilespmem:s20], [sflag:$0x2] =	stream.indirect.gather [hbm4b:s8+s18], $0x80, s18, s18, $0xb8;
	[tilespmem:$0x1E800] =	vst v63  }
0xa4: {  	_ = 	snop  }
0xa5: {  	[tilespmem:s21], [sflag:$0x3] =	stream.indirect.gather [hbm4b:s8+s18], $0x80, s15, s18, $0xb8;
	[tilespmem:$0x1E800] =	vst v63  }
0xa6: {  	_ =	swait.ge [sflag:s22], $0x2000  }
0xa7: {  	[sflag:s22] =	ssyncset.done $0x0  }
0xa8: {  	[sflag:s22] =	ssyncadd.s32 $0xFFFFE000  }
0xa9: {  	[spmem:s2] =	stream.indirect.scatter.add.f32 [tilespmem:s19], [sflag:$0x5], $0x80, s17, s18, $0xb8;
	[tilespmem:$0x1E800] =	vst v63  }
0xaa: {  	s23 =	simm.s32 $0xC0  }
0xab: {  	[tilespmem:s24], [sflag:$0x4] =	stream.indirect.gather [hbm4b:s8+s18], $0x80, s23, s18, $0xb8;
	[tilespmem:$0x1E800] =	vst v63  }
0xac: {  	_ =	swait.ge [sflag:s25], $0x2000  }
0xad: {  	[sflag:s25] =	ssyncset.done $0x0  }
0xae: {  	s26 =	simm.s32 $0x1440;
	[sflag:s25] =	ssyncadd.s32 $0xFFFFE000  }
0xaf: {  	[spmem:s2] =	stream.indirect.scatter.add.f32 [tilespmem:s20], [sflag:$0x6], $0x80, s26, s18, $0xb8;
	[tilespmem:$0x1E800] =	vst v63  }
0xb0: {  	_ =	swait.ge [sflag:s28], $0x2000  }
0xb1: {  	[sflag:s28] =	ssyncset.done $0x0  }
0xb2: {  	s29 =	simm.s32 $0x100;
	[sflag:s28] =	ssyncadd.s32 $0xFFFFE000  }
0xb3: {  	[tilespmem:s19], [sflag:$0x1] =	stream.indirect.gather [hbm4b:s8+s18], $0x80, s29, s18, $0xb8;
	[tilespmem:$0x1E800] =	vst v63  }
0xb4: {  	_ =	swait.ge [sflag:s30], $0x2000  }
0xb5: {  	[sflag:s30] =	ssyncset.done $0x0  }
0xb6: {  	s31 =	simm.s32 $0x1480;
	[sflag:s30] =	ssyncadd.s32 $0xFFFFE000  }
0xb7: {  	[spmem:s2] =	stream.indirect.scatter.add.f32 [tilespmem:s21], [sflag:$0x7], $0x80, s31, s18, $0xb8;
	[tilespmem:$0x1E800] =	vst v63  }
0xb8: {  	_ =	swait.ge [sflag:s0], $0x2000  }
0xb9: {  	[sflag:s0] =	ssyncset.done $0x0  }
0xba: {  	[sflag:s0] =	ssyncadd.s32 $0xFFFFE000  }
0xbb: {  	[tilespmem:s20], [sflag:$0x2] =	stream.indirect.gather [hbm4b:s8+s18], $0x80, s1, s18, $0xb8;
	[tilespmem:$0x1E800] =	vst v63  }
0xbc: {  	_ =	swait.ge [sflag:s3], $0x2000  }
0xbd: {  	[sflag:s3] =	ssyncset.done $0x0  }
0xbe: {  	[sflag:s3] =	ssyncadd.s32 $0xFFFFE000  }
0xbf: {  	[spmem:s2] =	stream.indirect.scatter.add.f32 [tilespmem:s24], [sflag:$0x8], $0x80, s4, s18, $0xb8;
	[tilespmem:$0x1E800] =	vst v63  }
0xc0: {  	_ =	swait.ge [sflag:s6], $0x2000  }
0xc1: {  	[sflag:s6] =	ssyncset.done $0x0  }
0xc2: {  	[sflag:s6] =	ssyncadd.s32 $0xFFFFE000  }
0xc3: {  	[tilespmem:s21], [sflag:$0x3] =	stream.indirect.gather [hbm4b:s8+s18], $0x80, s7, s18, $0xb8;
	[tilespmem:$0x1E800] =	vst v63  }
.LBB2_5:
0xc4: {  	_ =	swait.ge [sflag:s22], $0x2000  }
0xc5: {  	s12 =	sshra.s32 s11, $0x2;
	[sflag:s22] =	ssyncset.done $0x0  }
0xc6: {  	s23 =	sadd.s32 $0x1500, s12;
	[sflag:s22] =	ssyncadd.s32 $0xFFFFE000  }
0xc7: {  	[spmem:s2] =	stream.indirect.scatter.add.f32 [tilespmem:s19], [sflag:$0x5], $0x80, s23, s18, $0xb8;
	[tilespmem:$0x1E800] =	vst v63  }
0xc8: {  	_ =	swait.ge [sflag:s9], $0x2000  }
0xc9: {  	[sflag:s9] =	ssyncset.done $0x0  }
0xca: {  	s26 =	sadd.s32 $0x1C0, s12;
	[sflag:s9] =	ssyncadd.s32 $0xFFFFE000  }
0xcb: {  	[tilespmem:s24], [sflag:$0x4] =	stream.indirect.gather [hbm4b:s8+s18], $0x80, s26, s18, $0xb8;
	[tilespmem:$0x1E800] =	vst v63  }
0xcc: {  	_ =	swait.ge [sflag:s25], $0x2000  }
0xcd: {  	p0 =	seq.s32 s11, $0x4800;
	[sflag:s25] =	ssyncset.done $0x0  }
0xce: {  	s29 =	sadd.s32 $0x1540, s12;
	s23 =	simm.s32 @p0 $0x3;
	[sflag:s25] =	ssyncadd.s32 $0xFFFFE000  }
0xcf: {  	[spmem:s2] =	stream.indirect.scatter.add.f32 [tilespmem:s20], [sflag:$0x6], $0x80, s29, s18, $0xb8;
	[tilespmem:$0x1E800] =	vst v63  }
0xd0: {  	_ =	swait.ge @p0 [sflag:s23], $0x2000  }
0xd1: {  	[sflag:s23] =	ssyncset.done @p0 $0x0  }
0xd2: {  	[sflag:s23] =	ssyncadd.s32 @p0 $0xFFFFE000;
	s23 =	sshra.s32 @p0 s11, $0x2  }
0xd3: {  	s26 =	simm.s32 @p0 $0x40;
	s29 =	simm.s32 @p0 $0x6800;
	s23 =	sadd.s32 @p0 $0x1580, s23  }
0xd4: {  	[spmem:s2] =	stream.indirect.scatter.add.f32 @p0 [tilespmem:s29], [sflag:$0x7], $0x80, s23, s26, $0xb8;
	[tilespmem:$0x1E800] =	vst v63  }
0xd5: {  	s23 =	simm.s32 @!p0 $0x5  }
0xd6: {  	_ =	swait.ge @!p0 [sflag:s23], $0x2000  }
0xd7: {  	[sflag:s23] =	ssyncset.done @!p0 $0x0  }
0xd8: {  	[sflag:s23] =	ssyncadd.s32 @!p0 $0xFFFFE000;
	s23 =	sshra.s32 @!p0 s11, $0x2  }
0xd9: {  	s31 =	simm.s32 @!p0 $0x2800;
	s29 =	simm.s32 @!p0 $0x40;
	s26 =	sadd.s32 @!p0 $0x200, s23  }
0xda: {  	[tilespmem:s31], [sflag:$0x1] =	stream.indirect.gather @!p0 [hbm4b:s8+s29], $0x80, s26, s29, $0xb8;
	[tilespmem:$0x1E800] =	vst v63  }
0xdb: {  	s26 =	simm.s32 @!p0 $0x3  }
0xdc: {  	_ =	swait.ge @!p0 [sflag:s26], $0x2000  }
0xdd: {  	[sflag:s26] =	ssyncset.done @!p0 $0x0  }
0xde: {  	s31 =	simm.s32 @!p0 $0x6800;
	[sflag:s26] =	ssyncadd.s32 @!p0 $0xFFFFE000;
	s26 =	sadd.s32 @!p0 $0x1580, s23  }
0xdf: {  	[spmem:s2] =	stream.indirect.scatter.add.f32 @!p0 [tilespmem:s31], [sflag:$0x7], $0x80, s26, s29, $0xb8;
	[tilespmem:$0x1E800] =	vst v63  }
0xe0: {  	s26 =	simm.s32 @!p0 $0x6  }
0xe1: {  	_ =	swait.ge @!p0 [sflag:s26], $0x2000  }
0xe2: {  	[sflag:s26] =	ssyncset.done @!p0 $0x0  }
0xe3: {  	s23 =	sadd.s32 @!p0 $0x240, s23;
	[sflag:s26] =	ssyncadd.s32 @!p0 $0xFFFFE000;
	s26 =	simm.s32 @!p0 $0x4800  }
0xe4: {  	[tilespmem:s26], [sflag:$0x2] =	stream.indirect.gather @!p0 [hbm4b:s8+s29], $0x80, s23, s29, $0xb8;
	[tilespmem:$0x1E800] =	vst v63  }
.Ltmp4:
0xe5: {  	_ = 	snop;
	(pc) =	sbr.rel @p0 .LBB2_7-.Ltmp4, $4  }
0xe6: {  	_ =	swait.ge [sflag:s3], $0x2000  }
0xe7: {  	[sflag:s3] =	ssyncset.done $0x0  }
0xe8: {  	s31 =	sadd.s32 $0x15C0, s12;
	[sflag:s3] =	ssyncadd.s32 $0xFFFFE000  }
0xe9: {  	[spmem:s2] =	stream.indirect.scatter.add.f32 [tilespmem:s24], [sflag:$0x8], $0x80, s31, s18, $0xb8;
	[tilespmem:$0x1E800] =	vst v63  }
.Ltmp5:
0xea: {  	(pc) =	sbr.rel .LBB2_5-.Ltmp5, $4  }
0xeb: {  	_ =	swait.ge [sflag:s6], $0x2000  }
0xec: {  	[sflag:s6] =	ssyncset.done $0x0  }
0xed: {  	s12 =	sadd.s32 $0x280, s12;
	s11 =	sadd.s32 $0x400, s11;
	[sflag:s6] =	ssyncadd.s32 $0xFFFFE000  }
0xee: {  	[tilespmem:s21], [sflag:$0x3] =	stream.indirect.gather [hbm4b:s8+s18], $0x80, s12, s18, $0xb8;
	[tilespmem:$0x1E800] =	vst v63  }
.LBB2_8:
0xef: {  	_ =	sfence.sel $0x180000  }
0xf0: {  	[bflag:$0x0] =	sbarrier.arrive $0xFFFF  }
0xf1: {  	_ =	strace $0x9000004D  }
0xf2: {  	s0 =	stileid.u32;
	[bflag:$0x2] =	sbarrier.arrive $0xFFFF  }
0xf3: {  	p0 =	sne.s32 s0, $0x0;
	s0 =	rddreg [dreg:$0x2]  }
0xf4: {  	s0 =	sadd.s32 @!p0 $0x100000, s0  }
0xf5: {  	[sflag:s0] =	ssyncadd.tile.s32 @!p0 $0x1;
	_ =	shalt  }
.Lfunc_end2:
_tile_overlayer_lowered:
.L_overlay_start_2:
0xf6: {  	(tag) =	ssettag $0x2  }
0xf7: {  	s0 =	rddreg [dreg:$0x0];
	s2 =	stileid.u32  }
0xf8: {  	s1 =	rddreg [dreg:$0x1];
	p0 =	sne.s32 s2, $0x0  }
0xf9: {  	s3 =	rddreg [dreg:$0x2];
	[bflag:$0x3] =	sbarrier.arrive $0xFFFF;
	s2 =	simm.s32 @!p0 $0x1C09  }
0xfa: {  	[timem:s3], [sflag:s2] =	dma.local @!p0 [hbm:s0], s1  }
0xfb: {  	s0 =	simm.s32 @!p0 $0x9  }
0xfc: {  	_ =	swait.ge @!p0 [sflag:s0], s1  }
0xfd: {  	s1 =	ssub.s32 @!p0 $0x0, s1;
	[sflag:s0] =	ssyncset.done @!p0 $0x0  }
0xfe: {  	[sflag:s0] =	ssyncadd.s32 @!p0 s1  }
0xff: {  	[bflag:$0x3] =	sbarrier.arrive $0xFFFF  }
0x100: {  	_ =	shalt  }

// kernel: kernel.19.cloned.1.call-start
scs
__scs_entry_jumppad:
0x0: {  	(pc) =	sbr.rel $0x88, $3  }
0x1: {  	(tag) =	ssettag $0x0;
	lr =	simm.s32 $0x1  }
0x2: {  	[smem:$0x3F91] =	sst lr;
	_ =	strace $0xD0000000  }
0x3: {  	_ = 	snop  }
0x4: {  	_ = 	snop  }
0x5: {  	_ = 	snop  }
0x6: {  	_ = 	snop  }
0x7: {  	_ = 	snop  }
__scs_overlays_trampoline_lowered:
0x8: {  	[smem:$0x3FA0] =	sst s0  }
0x9: {  	[smem:$0x3FA1] =	sst s1  }
0xa: {  	[smem:$0x3FA2] =	sst s2  }
0xb: {  	[smem:$0x3FA3] =	sst s3  }
0xc: {  	[smem:$0x3FA4] =	sst s4  }
0xd: {  	[smem:$0x3FA5] =	sst s5  }
0xe: {  	[smem:$0x3FA6] =	sst s6  }
0xf: {  	[smem:$0x3FA7] =	sst s7  }
0x10: {  	[smem:$0x3FA8] =	sst s8  }
0x11: {  	[smem:$0x3FA9] =	sst s9;
	s0 =	simm.s32 @!p0 $0x0  }
0x12: {  	s1 =	sld [smem:$0x3F8F];
	s0 =	simm.s32 @p0 $0x1  }
0x13: {  	[smem:$0x3FAA] =	sst s0;
	s0 =	simm.s32 @!p1 $0x0  }
0x14: {  	s2 =	sld [smem:$0x3F8E];
	s0 =	simm.s32 @p1 $0x1  }
0x15: {  	[smem:$0x3FAB] =	sst s0;
	s0 =	simm.s32 @!p2 $0x0  }
0x16: {  	s3 =	sld [smem:$0x3FDB];
	s0 =	simm.s32 @p2 $0x1  }
0x17: {  	s4 =	simm.s32 $0x1BF5;
	[smem:$0x3FAD] =	sst s0  }
0x18: {  	s0 =	sld [smem:$0x3F90];
	_ =	swait.ge [sflag:s4], $0x0  }
0x19: {  	s7 =	sld [smem:$0x3F91]  }
0x1a: {  	s8 =	sadd.s32 $0xFFFFE003, lr  }
0x1b: {  	s9 =	sadd.s32 $0xFFFFFEF7, lr;
	s5 =	simm.s32 $0xFFFFFFFF;
	p2 =	slt.u32 s8, $0xFFFFF086  }
0x1c: {  	p1 =	slt.u32 s9, $0xF7A;
	s5 =	simm.s32 @!p2 $0x0  }
0x1d: {  	s5 =	simm.s32 @p1 $0x1;
	p0 =	seq.s32 s7, s2  }
0x1e: {  	s7 =	smul.u32 @!p0 $0xF7A, s2;
	p2 =	seq.s32 @!p0 s5, $0x0  }
0x1f: {  	s9 =	smul.u32 $0xF7A, s1;
	s8 =	simm.s32 @!p0 $0x1BF5;
	p2 =	por !p2, p0  }
0x20: {  	[sflag:s8] =	ssyncset.s32 @!p0 $0xFFFFF086;
	s6 =	sadd.s32 @!p0 s3, s7;
	s7 =	simm.s32 @!p0 $0x108  }
0x21: {  	s3 =	sadd.s32 s3, s9;
	s6 =	sadd.s32 @!p0 $0x88, s6;
	s7 =	simm.s32 @p2 $0x1082  }
0x22: {  	[simem:s7], [sflag:s8] =	dma.local @!p0 [hbm:s6], $0xF7A  }
0x23: {  	s9 =	sor.u32 $0xD0000000, s2;
	s6 =	simm.s32 $0x108;
	_ =	swait.ge @!p0 [sflag:s8], $0x0  }
0x24: {  	s3 =	sadd.s32 $0x88, s3;
	s6 =	simm.s32 @!p1 $0x1082;
	[sflag:s4] =	ssyncset.s32 $0xFFFFF086  }
0x25: {  	[simem:s6], [sflag:s4] =	dma.local [hbm:s3], $0xF7A  }
0x26: {  	[smem:$0x3F91] =	sst s1;
	(tag) =	ssettag s2;
	_ =	strace s9  }
0x27: {  	s1 =	sld [smem:$0x3FA1]  }
0x28: {  	s2 =	sld [smem:$0x3FA2]  }
0x29: {  	s4 =	sld [smem:$0x3FA4]  }
0x2a: {  	p0 =	seq.s32 s5, $0x0;
	s5 =	sld [smem:$0x3FA5]  }
0x2b: {  	s6 =	sld [smem:$0x3FA6]  }
0x2c: {  	s7 =	sld [smem:$0x3FA7]  }
0x2d: {  	s3 =	simm.s32 $0x108;
	s8 =	sld [smem:$0x3FA8]  }
0x2e: {  	s3 =	simm.s32 @!p0 $0x1082;
	s9 =	sld [smem:$0x3FA9]  }
0x2f: {  	lr =	sadd.s32 s0, s3;
	s0 =	sld [smem:$0x3FA0]  }
0x30: {  	s3 =	sld [smem:$0x3FA3]  }
0x31: {  	[smem:$0x3FAC] =	sst s10  }
0x32: {  	s10 =	sld [smem:$0x3FAA];
	_ =	sdelay $0x3  }
0x33: {  	p0 =	seq.s32 s10, $0x1;
	s10 =	sld [smem:$0x3FAC];
	_ =	sdelay $0x3  }
0x34: {  	[smem:$0x3FAC] =	sst s10  }
0x35: {  	s10 =	sld [smem:$0x3FAB];
	_ =	sdelay $0x3  }
0x36: {  	p1 =	seq.s32 s10, $0x1;
	s10 =	sld [smem:$0x3FAC];
	_ =	sdelay $0x3  }
0x37: {  	[smem:$0x3FAC] =	sst s10  }
0x38: {  	s10 =	sld [smem:$0x3FAD]  }
0x39: {  	_ = 	snop;
	(pc) =	sbr.ind lr, $3  }
0x3a: {  	_ = 	snop  }
0x3b: {  	_ = 	snop  }
0x3c: {  	p2 =	seq.s32 s10, $0x1;
	s10 =	sld [smem:$0x3FAC]  }
0x3d: {  	_ =	shalt  }
0x3e: {  	_ =	shalt  }
0x3f: {  	_ =	shalt  }
0x40: {  	_ =	shalt  }
0x41: {  	_ =	shalt  }
0x42: {  	_ =	shalt  }
0x43: {  	_ =	shalt  }
0x44: {  	_ =	shalt  }
0x45: {  	_ =	shalt  }
0x46: {  	_ =	shalt  }
0x47: {  	_ =	shalt  }
0x48: {  	_ =	shalt  }
0x49: {  	_ =	shalt  }
0x4a: {  	_ =	shalt  }
0x4b: {  	_ =	shalt  }
0x4c: {  	_ =	shalt  }
0x4d: {  	_ =	shalt  }
0x4e: {  	_ =	shalt  }
0x4f: {  	_ =	shalt  }
0x50: {  	_ =	shalt  }
0x51: {  	_ =	shalt  }
0x52: {  	_ =	shalt  }
0x53: {  	_ =	shalt  }
0x54: {  	_ =	shalt  }
0x55: {  	_ =	shalt  }
0x56: {  	_ =	shalt  }
0x57: {  	_ =	shalt  }
0x58: {  	_ =	shalt  }
0x59: {  	_ =	shalt  }
0x5a: {  	_ =	shalt  }
0x5b: {  	_ =	shalt  }
0x5c: {  	_ =	shalt  }
0x5d: {  	_ =	shalt  }
0x5e: {  	_ =	shalt  }
0x5f: {  	_ =	shalt  }
0x60: {  	_ =	shalt  }
0x61: {  	_ =	shalt  }
0x62: {  	_ =	shalt  }
0x63: {  	_ =	shalt  }
0x64: {  	_ =	shalt  }
0x65: {  	_ =	shalt  }
0x66: {  	_ =	shalt  }
0x67: {  	_ =	shalt  }
0x68: {  	_ =	shalt  }
0x69: {  	_ =	shalt  }
0x6a: {  	_ =	shalt  }
0x6b: {  	_ =	shalt  }
0x6c: {  	_ =	shalt  }
0x6d: {  	_ =	shalt  }
0x6e: {  	_ =	shalt  }
0x6f: {  	_ =	shalt  }
0x70: {  	_ =	shalt  }
0x71: {  	_ =	shalt  }
0x72: {  	_ =	shalt  }
0x73: {  	_ =	shalt  }
0x74: {  	_ =	shalt  }
0x75: {  	_ =	shalt  }
0x76: {  	_ =	shalt  }
0x77: {  	_ =	shalt  }
0x78: {  	_ =	shalt  }
0x79: {  	_ =	shalt  }
0x7a: {  	_ =	shalt  }
0x7b: {  	_ =	shalt  }
0x7c: {  	_ =	shalt  }
0x7d: {  	_ =	shalt  }
0x7e: {  	_ =	shalt  }
0x7f: {  	_ =	shalt  }
0x80: {  	_ =	shalt  }
0x81: {  	_ =	shalt  }
0x82: {  	_ =	shalt  }
0x83: {  	_ =	shalt  }
0x84: {  	_ =	shalt  }
0x85: {  	_ =	shalt  }
0x86: {  	_ =	shalt  }
0x87: {  	_ =	shalt  }
.Lfunc_end0:
.L_simem_size_0:
called_computation.3_lowered:
.L_overlay_start_0:
0x88: {  	s2 =	sld [smem:$0x3FD9]  }
0x89: {  	s3 =	sld [smem:$0x3FFE];
	_ =	sdelay $0x1  }
0x8a: {  	s1 =	srdreg.scid  }
0x8b: {  	s0 =	sand.u32 $0x1, s1  }
0x8c: {  	s16 =	sshll.u32 s0, $0xA;
	s2 =	sadd.s32 s3, s2  }
0x8d: {  	s2 =	sadd.s32 s2, s16  }
0x8e: {  	[smem:$0x3FB8] =	sst s2  }
0x8f: {  	_ = 	snop  }
0x90: {  	(tm) =	ssettm $0x1  }
0x91: {  	s17 =	sld [smem:$0x3FFB];
	_ =	sdelay $0x3  }
0x92: {  	_ =	strace s17  }
0x93: {  	s2 =	sld [smem:$0x3FFC];
	_ =	sdelay $0x3  }
0x94: {  	_ =	strace s2  }
0x95: {  	s2 =	sld [smem:$0x3FFD];
	_ =	sdelay $0x3  }
0x96: {  	_ =	strace s2  }
0x97: {  	_ =	strace $0x8FFFFFFF  }
0x98: {  	s18 =	sld [smem:$0x3FDB];
	_ =	sdelay $0x1  }
0x99: {  	s19 =	simm.s32 $_scs_section_size  }
0x9a: {  	s4 =	simm.s32 $_size__tile_overlayer_lowered;
	s5 =	simm.s32 $_tile_overlayer_lowered  }
0x9b: {  	s22 =	simm.s32 $0x1BFF;
	s21 =	sshll.u32 s5, $0x1;
	s2 =	sadd.s32 s19, s18  }
0x9c: {  	s6 =	simm.s32 $0x0;
	s20 =	sshll.u32 s4, $0x1;
	s4 =	sadd.s32 s21, s2  }
0x9d: {  	[timem:s6], [sflag:s22] =	dma.local [hbm:s4], s20  }
0x9e: {  	_ =	swait.ge [sflag:s22], s20  }
0x9f: {  	s3 =	ssub.s32 $0x0, s20;
	[sflag:s22] =	ssyncset.done $0x0  }
0xa0: {  	[sflag:s22] =	ssyncadd.s32 s3;
	_ =	sdelay $0x1  }
0xa1: {  	s23 =	simm.s32 $0x1B8B  }
0xa2: {  	_ =	swait.ge [sflag:s23], $0x1  }
0xa3: {  	[sflag:s23] =	ssyncset.done $0x0  }
0xa4: {  	s25 =	simm.s32 $0x1B8E;
	s24 =	sld [smem:$0x3FFE];
	[sflag:s23] =	ssyncadd.s32 $0xFFFFFFFF  }
0xa5: {  	s26 =	simm.s32 $execute0_lowered;
	[smem:$0x3FD2] =	sst s25  }
0xa6: {  	s4 =	sshll.u32 s26, $0x1;
	_ =	strace $0x8000004F;
	[dreg:$0x1] =	wrdreg $0xFFFFFFFF  }
0xa7: {  	s28 =	simm.s32 $_size_execute0_lowered;
	s2 =	sadd.s32 s2, s4;
	[dreg:$0x0] =	wrdreg $0x0  }
0xa8: {  	s4 =	sshll.u32 s28, $0x1;
	[dreg:$0x2] =	wrdreg s2  }
0xa9: {  	[dreg:$0x3] =	wrdreg s4  }
0xaa: {  	[dreg:$0x4] =	wrdreg $0xC0  }
0xab: {  	_ =	task [dreg:s6], $0x5FFFF  }
0xac: {  	[dreg:$0x1] =	wrdreg $0xFFFFFFFF  }
0xad: {  	[dreg:$0x0] =	wrdreg $0x60  }
0xae: {  	[dreg:$0x2] =	wrdreg s24  }
0xaf: {  	[dreg:$0x3] =	wrdreg $0xE0000  }
0xb0: {  	[dreg:$0x4] =	wrdreg $0x9  }
0xb1: {  	_ =	task.clear_ibuf [dreg:s6], $0x5FFFF;
	_ =	strace $0x9000004F  }
0xb2: {  	s29 =	simm.s32 $0x9;
	_ =	strace $0x80000051  }
0xb3: {  	_ =	swait.ge [sflag:s29], $0x1  }
0xb4: {  	[sflag:s29] =	ssyncadd.s32 $0xFFFFFFFF  }
0xb5: {  	_ =	strace $0x90000051  }
0xb6: {  	_ =	sfence  }
0xb7: {  	s30 =	sld [smem:$0x0];
	_ =	sdelay $0x2  }
0xb8: {  	s31 =	sshll.u32 s1, $0xD;
	s1 =	sshrl.u32 s1, $0x2  }
0xb9: {  	s3 =	sand.u32 $0x4000, s31;
	s1 =	sadd.s32 s1, s30  }
0xba: {  	s0 =	sor.u32 s3, s0;
	s1 =	sshll.u32 s1, $0x11  }
0xbb: {  	s0 =	sor.u32 s1, s0  }
0xbc: {  	s0 =	sadd.s32 $0x8F2B, s0  }
0xbd: {  	[sflag:s0] =	ssyncadd.remote.s32 $0x1  }
0xbe: {  	_ =	sfence.sel $0xFFFF  }
0xbf: {  	[dreg:$0x0] =	wrdreg $0xFFFFFFFF;
	(pc) =	sbr.abs _section_cstart, $3  }
0xc0: {  	[dreg:$0x1] =	wrdreg $0xFFFFFFFF  }
0xc1: {  	_ =	task.clear_ibuf [dreg:s6], $0x2FFFF;
	_ =	strace $0x9FFFFFFF  }
0xc2: {  	(tm) =	ssettm $0x7FFFFFFF  }
0xc3: {  	_ =	shalt  }
tec
execute0_lowered:
.L_overlay_start_1:
0x0: {  	(tag) =	ssettag $0x1  }
0x1: {  	s6 =	rddreg [dreg:$0x0]  }
0x2: {  	s1 =	rddreg [dreg:$0x1];
	s2 =	srdreg.scid  }
0x3: {  	s0 =	rddreg [dreg:$0x2];
	s3 =	simm.s32 $0x0;
	s17 =	simm.s32 $0x80  }
0x4: {  	s18 =	simm.s32 $0x400;
	s19 =	simm.s32 $0x1400;
	s20 =	simm.s32 $0xA000  }
0x5: {  	s21 =	simm.s32 $0x0;
	s7 =	sand.u32 $0x1, s2;
	s2 =	stileid.u32  }
0x6: {  	[smem:$0x7FF] =	sst s3;
	s10 =	sadd.s32 $0x2A00, s6;
	s4 =	smul.u32 $0x28000, s7  }
0x7: {  	s5 =	smul.u32 $0x2800, s2;
	_ =	strace $0x80000050;
	s7 =	ssub.s32 $0x2, s7  }
0x8: {  	s9 =	smul.u32 $0xA000, s2;
	s12 =	sshrl.u32 s2, $0x3;
	s14 =	sshll.u32 s2, $0x7  }
0x9: {  	s25 =	sshll.u32 s2, $0x6;
	s13 =	sshrl.u32 s7, $0x1;
	s12 =	smul.u32 $0xA000, s12  }
0xa: {  	s23 =	sand.u32 $0x380, s14;
	s11 =	sadd.s32 s4, s6;
	s8 =	sadd.s32 s5, s4  }
0xb: {  	s4 =	sadd.s32 $0xAF200, s6;
	s5 =	sadd.s32 $0x5CA00, s6;
	s13 =	ssub.s32 s7, s13  }
0xc: {  	s24 =	sshrl.u32 s9, $0x2;
	s8 =	sshrl.u32 s8, $0x3;
	s26 =	sor.u32 s23, s12  }
0xd: {  	s28 =	sadd.s32 s24, s1;
	s11 =	sadd.s32 $0xCA00, s11;
	s13 =	smax.u32 s13, $0x1  }
0xe: {  	s15 =	sadd.s32 s8, s6;
	s6 =	sor.u32 $0x1C01, s25;
	s29 =	sshrl.u32 s26, $0x3  }
.Ltmp0:
0xf: {  	s30 =	sadd.s32 $0x28000, s26;
	s12 =	sadd.s32 $0x14000, s26;
	(pc) =	sbr.rel .LBB2_1-.Ltmp0, $4  }
0x10: {  	s16 =	sadd.s32 $0x3C000, s26;
	s14 =	sshrl.u32 s28, $0x3;
	s7 =	sadd.s32 s10, s29  }
0x11: {  	s8 =	sshrl.u32 s30, $0x3;
	s12 =	sshrl.u32 s12, $0x3;
	s31 =	sshrl.u32 s16, $0x3  }
0x12: {  	s16 =	simm.s32 $0x7800;
	s8 =	sadd.s32 s10, s8;
	s9 =	sadd.s32 s10, s12  }
0x13: {  	v0 =	vimm.s32 $0x0;
	v1 =	vimm.s32 $0x4FF;
	s10 =	sadd.s32 s10, s31;
	s12 =	sadd.s32 $0x5D000, s15;
	s15 =	simm.s32 $0x1  }
.LBB2_10:
0x14: {  	[sflag:s15] =	ssyncadd.s32 $0xFFFFC000  }
.LBB2_11:
0x15: {  	s21 =	sadd.s32 $0x1, s21  }
0x16: {  	p0 =	sne.s32 s21, s13  }
.Ltmp1:
0x17: {  	[bflag:$0x0] =	sbarrier.arrive $0xFFFF;
	(pc) =	sbr.rel @!p0 .LBB2_12-.Ltmp1, $4  }
0x18: {  	[hbm:s12], [sflag:s6] =	dma.local [spmem:s14], $0x500  }
0x19: {  	_ =	swait.ge [sflag:s15], $0x500  }
0x1a: {  	[sflag:s15] =	ssyncset.done $0x0  }
0x1b: {  	[sflag:s15] =	ssyncadd.s32 $0xFFFFFB00  }
.LBB2_1:
0x1c: {  	[spmem:s14], [sflag:s6] =	dma.local [hbm:s5], $0x500  }
0x1d: {  	_ =	swait.ge [sflag:s15], $0x500  }
0x1e: {  	[sflag:s15] =	ssyncset.done $0x0  }
0x1f: {  	[sflag:s15] =	ssyncadd.s32 $0xFFFFFB00  }
0x20: {  	[tilespmem:s16], [sflag:$0x1] =	stream.linear.gather [hbm4b:s4+s3], $0x2800, $0x38;
	[tilespmem:$0x10800] =	vst v63  }
0x21: {  	_ =	swait.ge [sflag:s15], $0x2800  }
0x22: {  	[sflag:s15] =	ssyncset.done $0x0  }
0x23: {  	s22 =	simm.s32 $0x40;
	s23 =	simm.s32 $0x0;
	[sflag:s15] =	ssyncadd.s32 $0xFFFFD800  }
.LBB2_2:
0x24: {  	p0 =	sne.s32 s22, $0x9FC0;
	[tilespmem:s23+$0x2800] =	vst v0;
	s24 =	smov.u32 s22;
	s22 =	sadd.s32 $0x40, s22  }
.Ltmp2:
0x25: {  	[tilespmem:s23+$0x5000] =	vst v1;
	(pc) =	sbr.rel @p0 .LBB2_2-.Ltmp2, $2  }
0x26: {  	_ =	sdelay $0x2  }
0x27: {  	s23 =	sshra.s32 s24, $0x2  }
0x28: {  	[tilespmem:s23+$0x2800] =	vst v0  }
0x29: {  	[tilespmem:s23+$0x5000] =	vst v1;
	s22 =	simm.s32 $0x0  }
0x2a: {  	[tilespmem:s22], [sflag:$0x1] =	stream.strided.gather [hbm4b:s7+s17], $0x1400, s18, s17, $0x38;
	[tilespmem:$0x10800] =	vst v63  }
0x2b: {  	_ =	swait.ge [sflag:s15], $0x1400  }
0x2c: {  	[sflag:s15] =	ssyncset.done $0x0  }
0x2d: {  	[sflag:s15] =	ssyncadd.s32 $0xFFFFEC00  }
0x2e: {  	[tilespmem:s19], [sflag:$0x1] =	stream.strided.gather [hbm4b:s8+s17], $0x1400, s18, s17, $0x38;
	[tilespmem:$0x10800] =	vst v63  }
0x2f: {  	_ =	swait.ge [sflag:s15], $0x1400  }
0x30: {  	[sflag:s15] =	ssyncset.done $0x0  }
0x31: {  	s31 =	simm.s32 $0x0;
	[sflag:s15] =	ssyncadd.s32 $0xFFFFEC00  }
0x32: {  	v2 =	vld [tilespmem:s31+$0x1400];
	_ =	sdelay $0x7  }
0x33: {  	v2 =	vld.idx.msk [tilespmem:v2+s16+$0x0], $0xffff;
	_ =	sdelay $0x4  }
0x34: {  	vm0 =	vne.s32 v2, $0x4FF  }
0x35: {  	v4 =	vmpcnt.ones.xlane vm0  }
0x36: {  	v3 =	vld [tilespmem:s31+$0x0]  }
0x37: {  	v4 =	vxor.u32 $0x80000000, v4  }
0x38: {  	(xrf0) =	vmax.scan.msk.u32 $0xffff, v4;
	_ =	sdelay $0x2  }
0x39: {  	[tilespmem:s22+$0x2800] =	vst.msk vm0, v3  }
0x3a: {  	s24 =	simm.s32 $0x10;
	s23 =	simm.s32 $0x80;
	[tilespmem:s22+$0x5000] =	vst.msk vm0, v2  }
.LBB2_4:
0x3b: {  	p0 =	sne.s32 s23, $0x4FC0;
	v2 =	vld [tilespmem:s24+$0x1400]  }
0x3c: {  	v3, _, _ =	vpop (xrf0)  }
0x3d: {  	(v2sf) =	vpush v3, $0xF;
	_ =	sdelay $0x5  }
0x3e: {  	v2 =	vld.idx.msk [tilespmem:v2+s16+$0x0], $0xffff;
	_ =	sdelay $0x5  }
0x3f: {  	vm0 =	vne.s32 v2, $0x4FF  }
0x40: {  	v4 =	vmpcnt.ones.xlane vm0;
	v3 =	vld [tilespmem:s24+$0x0];
	_ =	sdelay $0x1  }
0x41: {  	v4 =	vxor.u32 $0x80000000, v4;
	s24 =	spop (v2sf)  }
.Ltmp3:
0x42: {  	(xrf0) =	vmax.scan.msk.u32 $0xffff, v4;
	s22 =	sadd.s32 s24, s22;
	(pc) =	sbr.rel @p0 .LBB2_4-.Ltmp3, $4  }
0x43: {  	s22 =	sadd.s32 $0x80000000, s22  }
0x44: {  	[tilespmem:s22+$0x2800] =	vst.msk vm0, v3  }
0x45: {  	[tilespmem:s22+$0x5000] =	vst.msk vm0, v2  }
0x46: {  	s24 =	sshra.s32 s23, $0x2;
	s23 =	sadd.s32 $0x40, s23  }
0x47: {  	v2 =	vld [tilespmem:s24+$0x1400];
	_ =	sdelay $0x7  }
0x48: {  	v2 =	vld.idx.msk [tilespmem:v2+s16+$0x0], $0xffff;
	_ =	sdelay $0x4  }
0x49: {  	vm0 =	vne.s32 v2, $0x4FF  }
0x4a: {  	v3 =	vmpcnt.ones.xlane vm0;
	_ =	sdelay $0x1  }
0x4b: {  	v3 =	vxor.u32 $0x80000000, v3  }
0x4c: {  	(xrf0) =	vmax.scan.msk.u32 $0xffff, v3;
	_ =	sdelay $0x1  }
0x4d: {  	v3, _, _ =	vpop (xrf0)  }
0x4e: {  	(v2sf) =	vpush v3, $0xF;
	_ =	sdelay $0x2  }
0x4f: {  	v3, _, _ =	vpop (xrf0)  }
0x50: {  	(v2sf) =	vpush v3, $0xF;
	_ =	sdelay $0x8  }
0x51: {  	v3 =	vld [tilespmem:s24+$0x0];
	_ =	sdelay $0x1  }
0x52: {  	s23 =	spop (v2sf)  }
0x53: {  	s22 =	sadd.s32 s23, s22  }
0x54: {  	s22 =	sadd.s32 $0x80000000, s22  }
0x55: {  	[tilespmem:s22+$0x2800] =	vst.msk vm0, v3  }
0x56: {  	s30 =	simm.s32 $0x0;
	[tilespmem:s22+$0x5000] =	vst.msk vm0, v2;
	s29 =	spop (v2sf)  }
0x57: {  	[tilespmem:s30], [sflag:$0x1] =	stream.strided.gather [hbm4b:s9+s17], $0x1400, s18, s17, $0x38;
	[tilespmem:$0x10800] =	vst v63  }
0x58: {  	_ =	swait.ge [sflag:s15], $0x1400  }
0x59: {  	[sflag:s15] =	ssyncset.done $0x0  }
0x5a: {  	[sflag:s15] =	ssyncadd.s32 $0xFFFFEC00  }
0x5b: {  	[tilespmem:s19], [sflag:$0x1] =	stream.strided.gather [hbm4b:s10+s17], $0x1400, s18, s17, $0x38;
	[tilespmem:$0x10800] =	vst v63  }
0x5c: {  	_ =	swait.ge [sflag:s15], $0x1400  }
0x5d: {  	[sflag:s15] =	ssyncset.done $0x0  }
0x5e: {  	s31 =	simm.s32 $0x0;
	[sflag:s15] =	ssyncadd.s32 $0xFFFFEC00  }
0x5f: {  	v2 =	vld [tilespmem:s31+$0x1400];
	_ =	sdelay $0x7  }
0x60: {  	v2 =	vld.idx.msk [tilespmem:v2+s16+$0x0], $0xffff;
	_ =	sdelay $0x4  }
0x61: {  	vm15 =	vne.s32 v2, $0x4FF  }
0x62: {  	v4 =	vmpcnt.ones.xlane vm15  }
0x63: {  	v3 =	vld [tilespmem:s31+$0x0]  }
0x64: {  	v4 =	vxor.u32 $0x80000000, v4  }
0x65: {  	(xrf0) =	vmax.scan.msk.u32 $0xffff, v4  }
0x66: {  	s22 =	sadd.s32 s29, s22  }
0x67: {  	s22 =	sadd.s32 $0x80000000, s22  }
0x68: {  	[tilespmem:s22+$0x2800] =	vst.msk vm15, v3  }
0x69: {  	s24 =	simm.s32 $0x80;
	s23 =	simm.s32 $0x10;
	[tilespmem:s22+$0x5000] =	vst.msk vm15, v2  }
.LBB2_6:
0x6a: {  	p0 =	sne.s32 s24, $0x4FC0;
	v2 =	vld [tilespmem:s23+$0x1400]  }
0x6b: {  	v3, _, _ =	vpop (xrf0)  }
0x6c: {  	(v2sf) =	vpush v3, $0xF;
	_ =	sdelay $0x5  }
0x6d: {  	v2 =	vld.idx.msk [tilespmem:v2+s16+$0x0], $0xffff;
	_ =	sdelay $0x5  }
0x6e: {  	vm0 =	vne.s32 v2, $0x4FF  }
0x6f: {  	v4 =	vmpcnt.ones.xlane vm0;
	v3 =	vld [tilespmem:s23+$0x0];
	_ =	sdelay $0x1  }
0x70: {  	v4 =	vxor.u32 $0x80000000, v4;
	s23 =	spop (v2sf)  }
.Ltmp4:
0x71: {  	(xrf0) =	vmax.scan.msk.u32 $0xffff, v4;
	s22 =	sadd.s32 s23, s22;
	(pc) =	sbr.rel @p0 .LBB2_6-.Ltmp4, $4  }
0x72: {  	s22 =	sadd.s32 $0x80000000, s22  }
0x73: {  	[tilespmem:s22+$0x2800] =	vst.msk vm0, v3  }
0x74: {  	[tilespmem:s22+$0x5000] =	vst.msk vm0, v2  }
0x75: {  	s23 =	sshra.s32 s24, $0x2;
	s24 =	sadd.s32 $0x40, s24  }
0x76: {  	v2 =	vld [tilespmem:s23+$0x1400];
	_ =	sdelay $0x7  }
0x77: {  	v2 =	vld.idx.msk [tilespmem:v2+s16+$0x0], $0xffff;
	_ =	sdelay $0x4  }
0x78: {  	vm0 =	vne.s32 v2, $0x4FF  }
0x79: {  	v3 =	vmpcnt.ones.xlane vm0;
	_ =	sdelay $0x1  }
0x7a: {  	v3 =	vxor.u32 $0x80000000, v3  }
0x7b: {  	(xrf0) =	vmax.scan.msk.u32 $0xffff, v3;
	_ =	sdelay $0x3  }
0x7c: {  	v3, _, _ =	vpop (xrf0)  }
0x7d: {  	(v2sf) =	vpush v3, $0xF  }
0x7e: {  	v3, _, _ =	vpop (xrf0)  }
0x7f: {  	(v2sf) =	vpush v3, $0xF;
	_ =	sdelay $0xc  }
0x80: {  	s24 =	spop (v2sf)  }
0x81: {  	s22 =	sadd.s32 s24, s22  }
0x82: {  	s22 =	sadd.s32 $0x80000000, s22;
	s29 =	spop (v2sf)  }
0x83: {  	s24 =	sadd.s32 s29, s22  }
0x84: {  	s24 =	sadd.s32 $0x80000000, s24  }
0x85: {  	s24 =	sadd.s32 $0x7F, s24  }
0x86: {  	s30 =	sand.u32 $0x7F, s24  }
0x87: {  	s31 =	sshra.s32 s24, $0x1F;
	p1 =	slt.s32 s24, $0x1;
	p0 =	sne.s32 s30, $0x0  }
0x88: {  	v3 =	vld [tilespmem:s23+$0x0];
	s23 =	sshrl.u32 s31, $0x19;
	p0 =	por !p1, !p0  }
0x89: {  	s23 =	sadd.s32 s23, s24;
	s24 =	simm.s32 $0x1;
	p0 =	por !p0, !p0  }
0x8a: {  	s23 =	sshra.s32 s23, $0x7;
	s24 =	simm.s32 @!p0 $0x0  }
0x8b: {  	s24 =	ssub.s32 s23, s24  }
0x8c: {  	p0 =	slt.s32 s24, $0x1  }
.Ltmp5:
0x8d: {  	_ = 	snop;
	(pc) =	sbr.rel @p0 .LBB2_11-.Ltmp5, $3  }
0x8e: {  	[tilespmem:s22+$0x2800] =	vst.msk vm0, v3  }
0x8f: {  	[tilespmem:s22+$0x5000] =	vst.msk vm0, v2  }
0x90: {  	[bflag:$0x0] =	sbarrier.arrive $0xFFFF;
	_ =	sdelay $0x1  }
0x91: {  	s22 =	simm.s32 $0x2800  }
0x92: {  	[tilespmem:s20], [sflag:$0x1] =	stream.indirect.gather [hbm4b:s11+s17], $0x80, s22, s17, $0xb8;
	[tilespmem:$0x10800] =	vst v63  }
0x93: {  	p0 =	sne.s32 s24, $0x1;
	_ =	swait.ge [sflag:s15], $0x4000  }
.Ltmp6:
0x94: {  	[sflag:s15] =	ssyncset.done $0x0;
	(pc) =	sbr.rel @!p0 .LBB2_10-.Ltmp6, $4  }
0x95: {  	s23 =	simm.s32 $0x5000;
	[sflag:s15] =	ssyncadd.s32 $0xFFFFC000  }
0x96: {  	[spmem:s1] =	stream.indirect.scatter.add.f32 [tilespmem:s20], [sflag:$0x1], $0x80, s23, s17, $0xb8;
	[tilespmem:$0x10800] =	vst v63  }
0x97: {  	_ =	swait.ge [sflag:s15], $0x4000  }
0x98: {  	s24 =	sadd.s32 $0xFFFFFFFF, s24;
	[sflag:s15] =	ssyncset.done $0x0  }
.LBB2_9:
0x99: {  	[sflag:s15] =	ssyncadd.s32 $0xFFFFC000;
	s22 =	sadd.s32 $0x80, s22;
	s23 =	sadd.s32 $0x80, s23  }
0x9a: {  	[tilespmem:s20], [sflag:$0x1] =	stream.indirect.gather [hbm4b:s11+s17], $0x80, s22, s17, $0xb8;
	[tilespmem:$0x10800] =	vst v63  }
0x9b: {  	p0 =	sne.s32 s24, $0x1;
	s24 =	sadd.s32 $0xFFFFFFFF, s24;
	_ =	swait.ge [sflag:s15], $0x4000  }
.Ltmp7:
0x9c: {  	[sflag:s15] =	ssyncset.done $0x0;
	(pc) =	sbr.rel @p0 .LBB2_9-.Ltmp7, $4  }
0x9d: {  	[sflag:s15] =	ssyncadd.s32 $0xFFFFC000  }
0x9e: {  	[spmem:s1] =	stream.indirect.scatter.add.f32 [tilespmem:s20], [sflag:$0x1], $0x80, s23, s17, $0xb8;
	[tilespmem:$0x10800] =	vst v63  }
0x9f: {  	_ =	swait.ge [sflag:s15], $0x4000  }
0xa0: {  	[sflag:s15] =	ssyncset.done $0x0  }
.Ltmp8:
0xa1: {  	_ = 	snop;
	(pc) =	sbr.rel .LBB2_10-.Ltmp8, $1  }
0xa2: {  	_ =	sdelay $0x3  }
.LBB2_12:
0xa3: {  	_ =	sfence.sel $0x180000  }
0xa4: {  	[bflag:$0x0] =	sbarrier.arrive $0xFFFF  }
0xa5: {  	p0 =	sne.s32 s2, $0x0;
	_ =	strace $0x90000050  }
0xa6: {  	s0 =	sadd.s32 @!p0 $0x100000, s0;
	[bflag:$0x2] =	sbarrier.arrive $0xFFFF  }
0xa7: {  	[sflag:s0] =	ssyncadd.tile.s32 @!p0 $0x1;
	_ =	shalt  }
.Lfunc_end2:
_tile_overlayer_lowered:
.L_overlay_start_2:
0xa8: {  	(tag) =	ssettag $0x2  }
0xa9: {  	s0 =	rddreg [dreg:$0x0];
	s2 =	stileid.u32  }
0xaa: {  	s1 =	rddreg [dreg:$0x1];
	p0 =	sne.s32 s2, $0x0  }
0xab: {  	s3 =	rddreg [dreg:$0x2];
	[bflag:$0x3] =	sbarrier.arrive $0xFFFF;
	s2 =	simm.s32 @!p0 $0x1C01  }
0xac: {  	[timem:s3], [sflag:s2] =	dma.local @!p0 [hbm:s0], s1  }
0xad: {  	s0 =	simm.s32 @!p0 $0x1  }
0xae: {  	_ =	swait.ge @!p0 [sflag:s0], s1  }
0xaf: {  	s1 =	ssub.s32 @!p0 $0x0, s1;
	[sflag:s0] =	ssyncset.done @!p0 $0x0  }
0xb0: {  	[sflag:s0] =	ssyncadd.s32 @!p0 s1  }
0xb1: {  	[bflag:$0x3] =	sbarrier.arrive $0xFFFF  }
0xb2: {  	_ =	shalt  }

</sc_bundles>
